<compile_context>
chip_gen: v7x
topology: tpu7x:2x2x1
jax: 0.10.2.dev20260603
libtpu: 0.0.44.dev20260713+nightly
codegen_flags: <defaults>
</compile_context>

<pallas_src>
import jax
import jax.numpy as jnp
from jax import lax
from jax.experimental import pallas as pl
from jax.experimental.pallas import tpu as pltpu
from jax.experimental.pallas import tpu_sc as plsc

N_NODES_P = 10240

NC = 2
NS = 16
NW = NC * NS
L = 16
CH = 128
B = 80


def _zero_vec_loop(ref, nwords):
    z = jnp.zeros((L,), jnp.float32)

    def body(i, _):
        ref[pl.ds(i * L, L)] = z
        return 0

    lax.fori_loop(0, nwords // L, body, 0)


def _zero_rows_loop(ref):
    z = jnp.zeros((L,), jnp.float32)

    def body(r, _):
        for g in range(CH // L):
            ref[r, pl.ds(g * L, L)] = z
        return 0

    lax.fori_loop(0, ref.shape[0], body, 0)


def _deg_body(col_hbm, out_hbm, colv, hist, tmp, acc, spbuf):
    cid = lax.axis_index("c")
    sid = lax.axis_index("s")
    wid = sid * NC + cid
    epw = col_hbm.shape[0] // NW
    per_tile = N_NODES_P // NS

    pltpu.sync_copy(col_hbm.at[pl.ds(wid * epw, epw)], colv)
    _zero_vec_loop(hist, N_NODES_P)

    ones16 = jnp.ones((L,), jnp.float32)

    def grp(j, _):
        idx = colv[pl.ds(j * L, L)]
        plsc.addupdate_scatter(hist, [idx], ones16)
        return 0

    lax.fori_loop(0, epw // L, grp, 0)

    pltpu.sync_copy(hist, spbuf.at[sid])
    plsc.subcore_barrier()

    _zero_vec_loop(acc, per_tile)
    for t in range(NS):
        pltpu.sync_copy(spbuf.at[t, pl.ds(sid * per_tile, per_tile)], tmp)

        def addv(i, _):
            acc[pl.ds(i * L, L)] = acc[pl.ds(i * L, L)] + tmp[pl.ds(i * L, L)]
            return 0

        lax.fori_loop(0, per_tile // L, addv, 0)
    pltpu.sync_copy(acc, out_hbm.at[cid, pl.ds(sid * per_tile, per_tile)])


def _degree(col):
    mesh = plsc.VectorSubcoreMesh(core_axis_name="c", subcore_axis_name="s")
    k = pl.kernel(
        _deg_body,
        out_type=jax.ShapeDtypeStruct((NC, N_NODES_P), jnp.float32),
        mesh=mesh,
        compiler_params=pltpu.CompilerParams(needs_layout_passes=False),
        scratch_types=[
            pltpu.VMEM((col.shape[0] // NW,), jnp.int32),
            pltpu.VMEM((N_NODES_P,), jnp.float32),
            pltpu.VMEM((N_NODES_P // NS,), jnp.float32),
            pltpu.VMEM((N_NODES_P // NS,), jnp.float32),
            pltpu.VMEM_SHARED((NS, N_NODES_P), jnp.float32),
        ],
    )
    return k(col)


def _mm_scaled_body(a_ref, w_ref, b_ref, d_ref, o_ref):
    o_ref[...] = (
        jnp.dot(a_ref[...], w_ref[...], preferred_element_type=jnp.float32)
        + b_ref[...]
    ) * d_ref[...]


def _linear_scaled(a, w, b, d, blk):
    m, kdim = a.shape
    n = w.shape[1]
    return pl.pallas_call(
        _mm_scaled_body,
        grid=(m // blk,),
        in_specs=[
            pl.BlockSpec((blk, kdim), lambda i: (i, 0)),
            pl.BlockSpec((kdim, n), lambda i: (0, 0)),
            pl.BlockSpec((1, n), lambda i: (0, 0)),
            pl.BlockSpec((blk, 1), lambda i: (i, 0)),
        ],
        out_specs=pl.BlockSpec((blk, n), lambda i: (i, 0)),
        out_shape=jax.ShapeDtypeStruct((m, n), jnp.float32),
    )(a, w, b.reshape(1, n), d.reshape(m, 1))


def _mm_body(a_ref, w_ref, b_ref, o_ref):
    o_ref[...] = (
        jnp.dot(a_ref[...], w_ref[...], preferred_element_type=jnp.float32)
        + b_ref[...]
    )


def _linear(a, w, b, blk):
    m, kdim = a.shape
    n = w.shape[1]
    return pl.pallas_call(
        _mm_body,
        grid=(m // blk,),
        in_specs=[
            pl.BlockSpec((blk, kdim), lambda i: (i, 0)),
            pl.BlockSpec((kdim, n), lambda i: (0, 0)),
            pl.BlockSpec((1, n), lambda i: (0, 0)),
        ],
        out_specs=pl.BlockSpec((blk, n), lambda i: (i, 0)),
        out_shape=jax.ShapeDtypeStruct((m, n), jnp.float32),
    )(a, w, b.reshape(1, n))


def _combine_body(p_ref, d_ref, o_ref):
    o_ref[...] = (p_ref[0] + p_ref[1]) * d_ref[...]


def _combine(parts, dinv_p, blk=1024):
    return pl.pallas_call(
        _combine_body,
        grid=(N_NODES_P // blk,),
        in_specs=[
            pl.BlockSpec((NC, blk, CH), lambda i: (0, i, 0)),
            pl.BlockSpec((blk, 1), lambda i: (i, 0)),
        ],
        out_specs=pl.BlockSpec((blk, CH), lambda i: (i, 0)),
        out_shape=jax.ShapeDtypeStruct((N_NODES_P, CH), jnp.float32),
    )(parts, dinv_p.reshape(N_NODES_P, 1))


def _msg_compute(xr, ef):

    def edge4(i, _):
        for u in range(4):
            e = 4 * i + u
            for g in range(CH // L):
                xr[e, pl.ds(g * L, L)] = (
                    xr[e, pl.ds(g * L, L)] * ef[e, pl.ds(g * L, L)])
        return 0

    lax.fori_loop(0, B // 4, edge4, 0)


def _msg_body(xl_hbm, ef_hbm, row_hbm, col_hbm, out_hbm,
              rb0, rb1, cb0, cb1, cb2, cb3, xr0, xr1, ef0, ef1,
              out_sh, data_sem, idx_sem, scat_sem):
    cid = lax.axis_index("c")
    sid = lax.axis_index("s")
    wid = sid * NC + cid
    epw = row_hbm.shape[0] // NW
    nchunks = epw // B
    per_tile = N_NODES_P // NS
    wbase = wid * epw

    rbs = (rb0, rb1)
    cbs = (cb0, cb1, cb2, cb3)
    xrs = (xr0, xr1)
    efs = (ef0, ef1)

    _zero_rows_loop(xr0)
    _zero_rows_loop(xr1)
    for j in range(per_tile // B):
        pltpu.sync_copy(xr0, out_sh.at[pl.ds(sid * per_tile + j * B, B)])
    plsc.subcore_barrier()

    pltpu.sync_copy(row_hbm.at[pl.ds(wbase, B)], rb0)
    pltpu.sync_copy(row_hbm.at[pl.ds(wbase + B, B)], rb1)
    pltpu.sync_copy(col_hbm.at[pl.ds(wbase, B)], cb0)
    pltpu.sync_copy(col_hbm.at[pl.ds(wbase + B, B)], cb1)
    pltpu.sync_copy(col_hbm.at[pl.ds(wbase + 2 * B, B)], cb2)
    pltpu.async_copy(xl_hbm.at[rb0], xr0, data_sem).wait()
    pltpu.sync_copy(ef_hbm.at[pl.ds(wbase, B)], ef0)
    pltpu.async_copy(xr1, out_sh.at[cb0], scat_sem, add=True)

    def outer(i, _):
        for k in range(4):
            c = 4 * i + k
            pltpu.make_async_copy(
                xrs[(k + 1) & 1], out_sh.at[cbs[(k + 3) % 4]],
                scat_sem).wait()
            dA = pltpu.async_copy(
                xl_hbm.at[rbs[(k + 1) & 1]], xrs[(k + 1) & 1], data_sem)
            dB = pltpu.async_copy(
                ef_hbm.at[pl.ds(wbase + (c + 1) * B, B)],
                efs[(k + 1) & 1], data_sem)
            r2 = jnp.minimum(c + 2, nchunks - 1)
            c3 = jnp.minimum(c + 3, nchunks - 1)
            dR = pltpu.async_copy(
                row_hbm.at[pl.ds(wbase + r2 * B, B)], rbs[k & 1], idx_sem)
            dC = pltpu.async_copy(
                col_hbm.at[pl.ds(wbase + c3 * B, B)],
                cbs[(k + 3) % 4], idx_sem)
            _msg_compute(xrs[k & 1], efs[k & 1])
            pltpu.async_copy(
                xrs[k & 1], out_sh.at[cbs[k % 4]], scat_sem, add=True)
            dA.wait()
            dB.wait()
            dR.wait()
            dC.wait()
        return 0

    lax.fori_loop(0, (nchunks - 1) // 4, outer, 0)

    pltpu.make_async_copy(xr1, out_sh.at[cb3], scat_sem).wait()
    _msg_compute(xr0, ef0)
    pltpu.async_copy(xr0, out_sh.at[cb0], scat_sem, add=True).wait()

    plsc.subcore_barrier()
    for j in range(per_tile // 128):
        r0 = sid * per_tile + j * 128
        pltpu.sync_copy(out_sh.at[pl.ds(r0, 128)],
                        out_hbm.at[cid, pl.ds(r0, 128)])


def _messages(xl, ef, row, col):
    mesh = plsc.VectorSubcoreMesh(core_axis_name="c", subcore_axis_name="s")
    k = pl.kernel(
        _msg_body,
        out_type=jax.ShapeDtypeStruct((NC, N_NODES_P, CH), jnp.float32),
        mesh=mesh,
        compiler_params=pltpu.CompilerParams(needs_layout_passes=False),
        scratch_types=[
            pltpu.VMEM((B,), jnp.int32),
            pltpu.VMEM((B,), jnp.int32),
            pltpu.VMEM((B,), jnp.int32),
            pltpu.VMEM((B,), jnp.int32),
            pltpu.VMEM((B,), jnp.int32),
            pltpu.VMEM((B,), jnp.int32),
            pltpu.VMEM((B, CH), jnp.float32),
            pltpu.VMEM((B, CH), jnp.float32),
            pltpu.VMEM((B, CH), jnp.float32),
            pltpu.VMEM((B, CH), jnp.float32),
            pltpu.VMEM_SHARED((N_NODES_P, CH), jnp.float32),
            pltpu.SemaphoreType.DMA,
            pltpu.SemaphoreType.DMA,
            pltpu.SemaphoreType.DMA,
        ],
    )
    return k(xl, ef, row, col)


def kernel(x, edge_index, edge_features, W_lin, b_lin, W_edge, b_edge):
    n = x.shape[0]
    e = edge_index.shape[1]
    row = edge_index[0].astype(jnp.int32)
    col = edge_index[1].astype(jnp.int32)

    deg_parts = _degree(col)
    deg = deg_parts.sum(axis=0)
    dinv_p = jnp.where(deg > 0.0, lax.rsqrt(jnp.maximum(deg, 1e-30)), 0.0)
    dinv = dinv_p[:n]

    xl = _linear_scaled(x, W_lin, b_lin, dinv, blk=1000)
    ef = _linear(edge_features, W_edge, b_edge, blk=16000)

    parts = _messages(xl, ef, row, col)
    out = _combine(parts, dinv_p)
    return out[:n]

# --- scband reference (transcript-rebuilt; emitter-appended) ---
"""Pipeline reference for scband-edge-gcnlayer-3453153706428 (READ-ONLY COPY).

The authoritative reference and input builder live on the scoring server;
editing this copy changes nothing except your own understanding.
"""

import jax, jax.numpy as jnp
import numpy as np

N_NODES = 10000
N_EDGES = 320000
IN_CH = 128
OUT_CH = 128
EDGE_DIM = 16


def setup_inputs(seed: int = 0) -> dict:
    key = jax.random.key(seed)
    k1, k2, k3, k4, k5, k6, k7 = jax.random.split(key, 7)
    x = jax.random.normal(k1, (N_NODES, IN_CH), dtype=jnp.float32)
    edge_index = jax.random.randint(k2, (2, N_EDGES), 0, N_NODES, dtype=jnp.int64)
    edge_features = jax.random.normal(k3, (N_EDGES, EDGE_DIM), dtype=jnp.float32)
    # learned params (torch nn.Linear equivalents, stored as [in, out])
    W_lin = jax.random.normal(k4, (IN_CH, OUT_CH), dtype=jnp.float32) * (1.0 / np.sqrt(IN_CH))
    b_lin = jax.random.normal(k5, (OUT_CH,), dtype=jnp.float32) * 0.01
    W_edge = jax.random.normal(k6, (EDGE_DIM, OUT_CH), dtype=jnp.float32) * (1.0 / np.sqrt(EDGE_DIM))
    b_edge = jax.random.normal(k7, (OUT_CH,), dtype=jnp.float32) * 0.01
    return {"x": x, "edge_index": edge_index, "edge_features": edge_features,
            "W_lin": W_lin, "b_lin": b_lin, "W_edge": W_edge, "b_edge": b_edge}


def reference(x, edge_index, edge_features, W_lin, b_lin, W_edge, b_edge):
    # x: [N, in_ch], edge_index: [2, E], edge_features: [E, edge_dim]
    xl = x @ W_lin + b_lin                      # lin(x) -> [N, out_ch]
    ef = edge_features @ W_edge + b_edge        # edge_transform -> [E, out_ch]
    row = edge_index[0]
    col = edge_index[1]
    num_nodes = x.shape[0]
    # degree(col, num_nodes)
    deg = jnp.zeros((num_nodes,), dtype=xl.dtype).at[col].add(1.0)
    deg_inv_sqrt = deg ** (-0.5)
    deg_inv_sqrt = jnp.where(jnp.isinf(deg_inv_sqrt), 0.0, deg_inv_sqrt)
    norm = deg_inv_sqrt[row] * deg_inv_sqrt[col]  # [E]
    messages = xl[row] * ef                       # gather + elementwise
    messages = norm[:, None] * messages           # [E, out_ch]
    out = jnp.zeros_like(xl).at[col].add(messages)  # scatter-add over dst nodes
    return out

if __name__ == "__main__":
    import jax
    _d = setup_inputs()
    print(jax.jit(kernel)(*tuple(_d.values())))

</pallas_src>

<mosaic_0001>
#map = affine_map<(d0, d1) -> (0, 0)>
#map1 = affine_map<(d0, d1) -> (0)>
#map2 = affine_map<(d0, d1) -> (0, 0, 0)>
module attributes {stable_mosaic.version = 14 : i64} {
  func.func @_msg_body(%arg0: i32, %arg1: i32, %arg2: memref<10000x128xf32, #tpu.memory_space<hbm>>, %arg3: memref<320000x128xf32, #tpu.memory_space<hbm>>, %arg4: memref<320000xi32, #tpu.memory_space<hbm>>, %arg5: memref<320000xi32, #tpu.memory_space<hbm>>, %arg6: memref<2x10240x128xf32, #tpu.memory_space<hbm>>, %arg7: memref<80xi32, #tpu.memory_space<vmem>>, %arg8: memref<80xi32, #tpu.memory_space<vmem>>, %arg9: memref<80xi32, #tpu.memory_space<vmem>>, %arg10: memref<80xi32, #tpu.memory_space<vmem>>, %arg11: memref<80xi32, #tpu.memory_space<vmem>>, %arg12: memref<80xi32, #tpu.memory_space<vmem>>, %arg13: memref<80x128xf32, #tpu.memory_space<vmem>>, %arg14: memref<80x128xf32, #tpu.memory_space<vmem>>, %arg15: memref<80x128xf32, #tpu.memory_space<vmem>>, %arg16: memref<80x128xf32, #tpu.memory_space<vmem>>, %arg17: memref<10240x128xf32, #tpu.memory_space<vmem_shared>>, %arg18: memref<!tpu.dma_semaphore, #tpu.memory_space<semaphore_mem>>, %arg19: memref<!tpu.dma_semaphore, #tpu.memory_space<semaphore_mem>>, %arg20: memref<!tpu.dma_semaphore, #tpu.memory_space<semaphore_mem>>) attributes {dimension_semantics = [#tpu.dimension_semantics<core_parallel>, #tpu.dimension_semantics<subcore_parallel>], iteration_bounds = array<i64: 2, 16>, scalar_prefetch = 0 : i64, scratch_operands = 14 : i64, tpu.core_type = #tpu.core_type<sc_vector_subcore>, window_params = [{transform_indices = #map}, {transform_indices = #map}, {transform_indices = #map1}, {transform_indices = #map1}, {transform_indices = #map2}]} {
    %mul3A = arith.constant 2 : i32
    %mul3A_0 = arith.muli %arg1, %mul3A : i32
    %add3A = arith.addi %mul3A_0, %arg0 : i32
    %mul3A_1 = arith.constant 10000 : i32
    %mul3A_2 = arith.muli %add3A, %mul3A_1 : i32
    %broadcast_in_dim3A = arith.constant 0.000000e+00 : f32
    %broadcast_in_dim3A_3 = vector.broadcast %broadcast_in_dim3A : f32 to vector<16xf32>
    %scan3A = arith.constant 0 : i32
    %scan3A_4 = arith.constant 0 : i32
    %scan3A_5 = arith.constant 80 : i32
    %scan3A_6 = arith.addi %scan3A_4, %scan3A_5 : i32
    %scan3A_7 = arith.constant 1 : i32
    %scan3A_8 = scf.for %scan3A_108 = %scan3A_4 to %scan3A_6 step %scan3A_7 iter_args(%scan3A_109 = %scan3A) -> (i32)  : i32 {
      %swap3A = arith.index_cast %scan3A_108 : i32 to index
      %swap3A_110 = arith.constant 0 : index
      %swap3A_111 = tpu.vector_load %arg13[%swap3A, %swap3A_110] {strides = array<i32>} : memref<80x128xf32, #tpu.memory_space<vmem>>, vector<16xf32>,
      tpu.vector_store %arg13[%swap3A, %swap3A_110], %broadcast_in_dim3A_3 {strides = array<i32>} : memref<80x128xf32, #tpu.memory_space<vmem>>, vector<16xf32>,
      %swap3A_112 = arith.index_cast %scan3A_108 : i32 to index
      %swap3A_113 = arith.constant 16 : index
      %swap3A_114 = tpu.vector_load %arg13[%swap3A_112, %swap3A_113] {strides = array<i32>} : memref<80x128xf32, #tpu.memory_space<vmem>>, vector<16xf32>,
      tpu.vector_store %arg13[%swap3A_112, %swap3A_113], %broadcast_in_dim3A_3 {strides = array<i32>} : memref<80x128xf32, #tpu.memory_space<vmem>>, vector<16xf32>,
      %swap3A_115 = arith.index_cast %scan3A_108 : i32 to index
      %swap3A_116 = arith.constant 32 : index
      %swap3A_117 = tpu.vector_load %arg13[%swap3A_115, %swap3A_116] {strides = array<i32>} : memref<80x128xf32, #tpu.memory_space<vmem>>, vector<16xf32>,
      tpu.vector_store %arg13[%swap3A_115, %swap3A_116], %broadcast_in_dim3A_3 {strides = array<i32>} : memref<80x128xf32, #tpu.memory_space<vmem>>, vector<16xf32>,
      %swap3A_118 = arith.index_cast %scan3A_108 : i32 to index
      %swap3A_119 = arith.constant 48 : index
      %swap3A_120 = tpu.vector_load %arg13[%swap3A_118, %swap3A_119] {strides = array<i32>} : memref<80x128xf32, #tpu.memory_space<vmem>>, vector<16xf32>,
      tpu.vector_store %arg13[%swap3A_118, %swap3A_119], %broadcast_in_dim3A_3 {strides = array<i32>} : memref<80x128xf32, #tpu.memory_space<vmem>>, vector<16xf32>,
      %swap3A_121 = arith.index_cast %scan3A_108 : i32 to index
      %swap3A_122 = arith.constant 64 : index
      %swap3A_123 = tpu.vector_load %arg13[%swap3A_121, %swap3A_122] {strides = array<i32>} : memref<80x128xf32, #tpu.memory_space<vmem>>, vector<16xf32>,
      tpu.vector_store %arg13[%swap3A_121, %swap3A_122], %broadcast_in_dim3A_3 {strides = array<i32>} : memref<80x128xf32, #tpu.memory_space<vmem>>, vector<16xf32>,
      %swap3A_124 = arith.index_cast %scan3A_108 : i32 to index
      %swap3A_125 = arith.constant 80 : index
      %swap3A_126 = tpu.vector_load %arg13[%swap3A_124, %swap3A_125] {strides = array<i32>} : memref<80x128xf32, #tpu.memory_space<vmem>>, vector<16xf32>,
      tpu.vector_store %arg13[%swap3A_124, %swap3A_125], %broadcast_in_dim3A_3 {strides = array<i32>} : memref<80x128xf32, #tpu.memory_space<vmem>>, vector<16xf32>,
      %swap3A_127 = arith.index_cast %scan3A_108 : i32 to index
      %swap3A_128 = arith.constant 96 : index
      %swap3A_129 = tpu.vector_load %arg13[%swap3A_127, %swap3A_128] {strides = array<i32>} : memref<80x128xf32, #tpu.memory_space<vmem>>, vector<16xf32>,
      tpu.vector_store %arg13[%swap3A_127, %swap3A_128], %broadcast_in_dim3A_3 {strides = array<i32>} : memref<80x128xf32, #tpu.memory_space<vmem>>, vector<16xf32>,
      %swap3A_130 = arith.index_cast %scan3A_108 : i32 to index
      %swap3A_131 = arith.constant 112 : index
      %swap3A_132 = tpu.vector_load %arg13[%swap3A_130, %swap3A_131] {strides = array<i32>} : memref<80x128xf32, #tpu.memory_space<vmem>>, vector<16xf32>,
      tpu.vector_store %arg13[%swap3A_130, %swap3A_131], %broadcast_in_dim3A_3 {strides = array<i32>} : memref<80x128xf32, #tpu.memory_space<vmem>>, vector<16xf32>,
      %scan3A_133 = arith.constant 0 : i32
      scf.yield %scan3A_133 : i32
    }
    %scan3A_9 = arith.constant 80 : i32
    %broadcast_in_dim3A_10 = arith.constant 0.000000e+00 : f32
    %broadcast_in_dim3A_11 = vector.broadcast %broadcast_in_dim3A_10 : f32 to vector<16xf32>
    %scan3A_12 = arith.constant 0 : i32
    %scan3A_13 = arith.constant 0 : i32
    %scan3A_14 = arith.constant 80 : i32
    %scan3A_15 = arith.addi %scan3A_13, %scan3A_14 : i32
    %scan3A_16 = arith.constant 1 : i32
    %scan3A_17 = scf.for %scan3A_108 = %scan3A_13 to %scan3A_15 step %scan3A_16 iter_args(%scan3A_109 = %scan3A_12) -> (i32)  : i32 {
      %swap3A = arith.index_cast %scan3A_108 : i32 to index
      %swap3A_110 = arith.constant 0 : index
      %swap3A_111 = tpu.vector_load %arg14[%swap3A, %swap3A_110] {strides = array<i32>} : memref<80x128xf32, #tpu.memory_space<vmem>>, vector<16xf32>,
      tpu.vector_store %arg14[%swap3A, %swap3A_110], %broadcast_in_dim3A_11 {strides = array<i32>} : memref<80x128xf32, #tpu.memory_space<vmem>>, vector<16xf32>,
      %swap3A_112 = arith.index_cast %scan3A_108 : i32 to index
      %swap3A_113 = arith.constant 16 : index
      %swap3A_114 = tpu.vector_load %arg14[%swap3A_112, %swap3A_113] {strides = array<i32>} : memref<80x128xf32, #tpu.memory_space<vmem>>, vector<16xf32>,
      tpu.vector_store %arg14[%swap3A_112, %swap3A_113], %broadcast_in_dim3A_11 {strides = array<i32>} : memref<80x128xf32, #tpu.memory_space<vmem>>, vector<16xf32>,
      %swap3A_115 = arith.index_cast %scan3A_108 : i32 to index
      %swap3A_116 = arith.constant 32 : index
      %swap3A_117 = tpu.vector_load %arg14[%swap3A_115, %swap3A_116] {strides = array<i32>} : memref<80x128xf32, #tpu.memory_space<vmem>>, vector<16xf32>,
      tpu.vector_store %arg14[%swap3A_115, %swap3A_116], %broadcast_in_dim3A_11 {strides = array<i32>} : memref<80x128xf32, #tpu.memory_space<vmem>>, vector<16xf32>,
      %swap3A_118 = arith.index_cast %scan3A_108 : i32 to index
      %swap3A_119 = arith.constant 48 : index
      %swap3A_120 = tpu.vector_load %arg14[%swap3A_118, %swap3A_119] {strides = array<i32>} : memref<80x128xf32, #tpu.memory_space<vmem>>, vector<16xf32>,
      tpu.vector_store %arg14[%swap3A_118, %swap3A_119], %broadcast_in_dim3A_11 {strides = array<i32>} : memref<80x128xf32, #tpu.memory_space<vmem>>, vector<16xf32>,
      %swap3A_121 = arith.index_cast %scan3A_108 : i32 to index
      %swap3A_122 = arith.constant 64 : index
      %swap3A_123 = tpu.vector_load %arg14[%swap3A_121, %swap3A_122] {strides = array<i32>} : memref<80x128xf32, #tpu.memory_space<vmem>>, vector<16xf32>,
      tpu.vector_store %arg14[%swap3A_121, %swap3A_122], %broadcast_in_dim3A_11 {strides = array<i32>} : memref<80x128xf32, #tpu.memory_space<vmem>>, vector<16xf32>,
      %swap3A_124 = arith.index_cast %scan3A_108 : i32 to index
      %swap3A_125 = arith.constant 80 : index
      %swap3A_126 = tpu.vector_load %arg14[%swap3A_124, %swap3A_125] {strides = array<i32>} : memref<80x128xf32, #tpu.memory_space<vmem>>, vector<16xf32>,
      tpu.vector_store %arg14[%swap3A_124, %swap3A_125], %broadcast_in_dim3A_11 {strides = array<i32>} : memref<80x128xf32, #tpu.memory_space<vmem>>, vector<16xf32>,
      %swap3A_127 = arith.index_cast %scan3A_108 : i32 to index
      %swap3A_128 = arith.constant 96 : index
      %swap3A_129 = tpu.vector_load %arg14[%swap3A_127, %swap3A_128] {strides = array<i32>} : memref<80x128xf32, #tpu.memory_space<vmem>>, vector<16xf32>,
      tpu.vector_store %arg14[%swap3A_127, %swap3A_128], %broadcast_in_dim3A_11 {strides = array<i32>} : memref<80x128xf32, #tpu.memory_space<vmem>>, vector<16xf32>,
      %swap3A_130 = arith.index_cast %scan3A_108 : i32 to index
      %swap3A_131 = arith.constant 112 : index
      %swap3A_132 = tpu.vector_load %arg14[%swap3A_130, %swap3A_131] {strides = array<i32>} : memref<80x128xf32, #tpu.memory_space<vmem>>, vector<16xf32>,
      tpu.vector_store %arg14[%swap3A_130, %swap3A_131], %broadcast_in_dim3A_11 {strides = array<i32>} : memref<80x128xf32, #tpu.memory_space<vmem>>, vector<16xf32>,
      %scan3A_133 = arith.constant 0 : i32
      scf.yield %scan3A_133 : i32
    }
    %scan3A_18 = arith.constant 80 : i32
    %mul3A_19 = arith.constant 640 : i32
    %mul3A_20 = arith.muli %arg1, %mul3A_19 : i32
    %add3A_21 = arith.constant 0 : i32
    %add3A_22 = arith.addi %mul3A_20, %add3A_21 : i32
    "tpu.region"() ({
      %run_scoped3A = tpu.sem_alloc : memref<!tpu.dma_semaphore, #tpu.memory_space<semaphore_mem>>
      %dma_start3A_108 = arith.constant 0 : i32
      %dma_start3A_109 = tpu.memref_slice %arg17[%add3A_22, %dma_start3A_108] : memref<10240x128xf32, #tpu.memory_space<vmem_shared>> -> memref<80x128xf32, #tpu.memory_space<vmem_shared>>
      %dma_start3A_110 = arith.constant 0 : i32
      %dma_start3A_111 = tpu.memref_slice %arg17[%add3A_22, %dma_start3A_110] : memref<10240x128xf32, #tpu.memory_space<vmem_shared>> -> memref<80x128xf32, #tpu.memory_space<vmem_shared>>
      tpu.enqueue_dma source(%arg13 : memref<80x128xf32, #tpu.memory_space<vmem>>) target(%dma_start3A_111 : memref<80x128xf32, #tpu.memory_space<vmem_shared>>) target_semaphore(%run_scoped3A : memref<!tpu.dma_semaphore, #tpu.memory_space<semaphore_mem>>)
      %dma_wait3A_112 = arith.constant 0 : i32
      %dma_wait3A_113 = tpu.memref_slice %arg17[%add3A_22, %dma_wait3A_112] : memref<10240x128xf32, #tpu.memory_space<vmem_shared>> -> memref<80x128xf32, #tpu.memory_space<vmem_shared>>
      %dma_wait3A_114 = arith.constant 0 : i32
      %dma_wait3A_115 = tpu.memref_slice %arg17[%add3A_22, %dma_wait3A_114] : memref<10240x128xf32, #tpu.memory_space<vmem_shared>> -> memref<80x128xf32, #tpu.memory_space<vmem_shared>>
      tpu.wait_dma2 semaphore(%run_scoped3A : memref<!tpu.dma_semaphore, #tpu.memory_space<semaphore_mem>>) src(%arg13 : memref<80x128xf32, #tpu.memory_space<vmem>>) dst(%dma_wait3A_115 : memref<80x128xf32, #tpu.memory_space<vmem_shared>>)
      tpu.yield
    }) : () -> ()
    %mul3A_23 = arith.constant 640 : i32
    %mul3A_24 = arith.muli %arg1, %mul3A_23 : i32
    %add3A_25 = arith.constant 80 : i32
    %add3A_26 = arith.addi %mul3A_24, %add3A_25 : i32
    "tpu.region"() ({
      %run_scoped3A = tpu.sem_alloc : memref<!tpu.dma_semaphore, #tpu.memory_space<semaphore_mem>>
      %dma_start3A_108 = arith.constant 0 : i32
      %dma_start3A_109 = tpu.memref_slice %arg17[%add3A_26, %dma_start3A_108] : memref<10240x128xf32, #tpu.memory_space<vmem_shared>> -> memref<80x128xf32, #tpu.memory_space<vmem_shared>>
      %dma_start3A_110 = arith.constant 0 : i32
      %dma_start3A_111 = tpu.memref_slice %arg17[%add3A_26, %dma_start3A_110] : memref<10240x128xf32, #tpu.memory_space<vmem_shared>> -> memref<80x128xf32, #tpu.memory_space<vmem_shared>>
      tpu.enqueue_dma source(%arg13 : memref<80x128xf32, #tpu.memory_space<vmem>>) target(%dma_start3A_111 : memref<80x128xf32, #tpu.memory_space<vmem_shared>>) target_semaphore(%run_scoped3A : memref<!tpu.dma_semaphore, #tpu.memory_space<semaphore_mem>>)
      %dma_wait3A_112 = arith.constant 0 : i32
      %dma_wait3A_113 = tpu.memref_slice %arg17[%add3A_26, %dma_wait3A_112] : memref<10240x128xf32, #tpu.memory_space<vmem_shared>> -> memref<80x128xf32, #tpu.memory_space<vmem_shared>>
      %dma_wait3A_114 = arith.constant 0 : i32
      %dma_wait3A_115 = tpu.memref_slice %arg17[%add3A_26, %dma_wait3A_114] : memref<10240x128xf32, #tpu.memory_space<vmem_shared>> -> memref<80x128xf32, #tpu.memory_space<vmem_shared>>
      tpu.wait_dma2 semaphore(%run_scoped3A : memref<!tpu.dma_semaphore, #tpu.memory_space<semaphore_mem>>) src(%arg13 : memref<80x128xf32, #tpu.memory_space<vmem>>) dst(%dma_wait3A_115 : memref<80x128xf32, #tpu.memory_space<vmem_shared>>)
      tpu.yield
    }) : () -> ()
    %mul3A_27 = arith.constant 640 : i32
    %mul3A_28 = arith.muli %arg1, %mul3A_27 : i32
    %add3A_29 = arith.constant 160 : i32
    %add3A_30 = arith.addi %mul3A_28, %add3A_29 : i32
    "tpu.region"() ({
      %run_scoped3A = tpu.sem_alloc : memref<!tpu.dma_semaphore, #tpu.memory_space<semaphore_mem>>
      %dma_start3A_108 = arith.constant 0 : i32
      %dma_start3A_109 = tpu.memref_slice %arg17[%add3A_30, %dma_start3A_108] : memref<10240x128xf32, #tpu.memory_space<vmem_shared>> -> memref<80x128xf32, #tpu.memory_space<vmem_shared>>
      %dma_start3A_110 = arith.constant 0 : i32
      %dma_start3A_111 = tpu.memref_slice %arg17[%add3A_30, %dma_start3A_110] : memref<10240x128xf32, #tpu.memory_space<vmem_shared>> -> memref<80x128xf32, #tpu.memory_space<vmem_shared>>
      tpu.enqueue_dma source(%arg13 : memref<80x128xf32, #tpu.memory_space<vmem>>) target(%dma_start3A_111 : memref<80x128xf32, #tpu.memory_space<vmem_shared>>) target_semaphore(%run_scoped3A : memref<!tpu.dma_semaphore, #tpu.memory_space<semaphore_mem>>)
      %dma_wait3A_112 = arith.constant 0 : i32
      %dma_wait3A_113 = tpu.memref_slice %arg17[%add3A_30, %dma_wait3A_112] : memref<10240x128xf32, #tpu.memory_space<vmem_shared>> -> memref<80x128xf32, #tpu.memory_space<vmem_shared>>
      %dma_wait3A_114 = arith.constant 0 : i32
      %dma_wait3A_115 = tpu.memref_slice %arg17[%add3A_30, %dma_wait3A_114] : memref<10240x128xf32, #tpu.memory_space<vmem_shared>> -> memref<80x128xf32, #tpu.memory_space<vmem_shared>>
      tpu.wait_dma2 semaphore(%run_scoped3A : memref<!tpu.dma_semaphore, #tpu.memory_space<semaphore_mem>>) src(%arg13 : memref<80x128xf32, #tpu.memory_space<vmem>>) dst(%dma_wait3A_115 : memref<80x128xf32, #tpu.memory_space<vmem_shared>>)
      tpu.yield
    }) : () -> ()
    %mul3A_31 = arith.constant 640 : i32
    %mul3A_32 = arith.muli %arg1, %mul3A_31 : i32
    %add3A_33 = arith.constant 240 : i32
    %add3A_34 = arith.addi %mul3A_32, %add3A_33 : i32
    "tpu.region"() ({
      %run_scoped3A = tpu.sem_alloc : memref<!tpu.dma_semaphore, #tpu.memory_space<semaphore_mem>>
      %dma_start3A_108 = arith.constant 0 : i32
      %dma_start3A_109 = tpu.memref_slice %arg17[%add3A_34, %dma_start3A_108] : memref<10240x128xf32, #tpu.memory_space<vmem_shared>> -> memref<80x128xf32, #tpu.memory_space<vmem_shared>>
      %dma_start3A_110 = arith.constant 0 : i32
      %dma_start3A_111 = tpu.memref_slice %arg17[%add3A_34, %dma_start3A_110] : memref<10240x128xf32, #tpu.memory_space<vmem_shared>> -> memref<80x128xf32, #tpu.memory_space<vmem_shared>>
      tpu.enqueue_dma source(%arg13 : memref<80x128xf32, #tpu.memory_space<vmem>>) target(%dma_start3A_111 : memref<80x128xf32, #tpu.memory_space<vmem_shared>>) target_semaphore(%run_scoped3A : memref<!tpu.dma_semaphore, #tpu.memory_space<semaphore_mem>>)
      %dma_wait3A_112 = arith.constant 0 : i32
      %dma_wait3A_113 = tpu.memref_slice %arg17[%add3A_34, %dma_wait3A_112] : memref<10240x128xf32, #tpu.memory_space<vmem_shared>> -> memref<80x128xf32, #tpu.memory_space<vmem_shared>>
      %dma_wait3A_114 = arith.constant 0 : i32
      %dma_wait3A_115 = tpu.memref_slice %arg17[%add3A_34, %dma_wait3A_114] : memref<10240x128xf32, #tpu.memory_space<vmem_shared>> -> memref<80x128xf32, #tpu.memory_space<vmem_shared>>
      tpu.wait_dma2 semaphore(%run_scoped3A : memref<!tpu.dma_semaphore, #tpu.memory_space<semaphore_mem>>) src(%arg13 : memref<80x128xf32, #tpu.memory_space<vmem>>) dst(%dma_wait3A_115 : memref<80x128xf32, #tpu.memory_space<vmem_shared>>)
      tpu.yield
    }) : () -> ()
    %mul3A_35 = arith.constant 640 : i32
    %mul3A_36 = arith.muli %arg1, %mul3A_35 : i32
    %add3A_37 = arith.constant 320 : i32
    %add3A_38 = arith.addi %mul3A_36, %add3A_37 : i32
    "tpu.region"() ({
      %run_scoped3A = tpu.sem_alloc : memref<!tpu.dma_semaphore, #tpu.memory_space<semaphore_mem>>
      %dma_start3A_108 = arith.constant 0 : i32
      %dma_start3A_109 = tpu.memref_slice %arg17[%add3A_38, %dma_start3A_108] : memref<10240x128xf32, #tpu.memory_space<vmem_shared>> -> memref<80x128xf32, #tpu.memory_space<vmem_shared>>
      %dma_start3A_110 = arith.constant 0 : i32
      %dma_start3A_111 = tpu.memref_slice %arg17[%add3A_38, %dma_start3A_110] : memref<10240x128xf32, #tpu.memory_space<vmem_shared>> -> memref<80x128xf32, #tpu.memory_space<vmem_shared>>
      tpu.enqueue_dma source(%arg13 : memref<80x128xf32, #tpu.memory_space<vmem>>) target(%dma_start3A_111 : memref<80x128xf32, #tpu.memory_space<vmem_shared>>) target_semaphore(%run_scoped3A : memref<!tpu.dma_semaphore, #tpu.memory_space<semaphore_mem>>)
      %dma_wait3A_112 = arith.constant 0 : i32
      %dma_wait3A_113 = tpu.memref_slice %arg17[%add3A_38, %dma_wait3A_112] : memref<10240x128xf32, #tpu.memory_space<vmem_shared>> -> memref<80x128xf32, #tpu.memory_space<vmem_shared>>
      %dma_wait3A_114 = arith.constant 0 : i32
      %dma_wait3A_115 = tpu.memref_slice %arg17[%add3A_38, %dma_wait3A_114] : memref<10240x128xf32, #tpu.memory_space<vmem_shared>> -> memref<80x128xf32, #tpu.memory_space<vmem_shared>>
      tpu.wait_dma2 semaphore(%run_scoped3A : memref<!tpu.dma_semaphore, #tpu.memory_space<semaphore_mem>>) src(%arg13 : memref<80x128xf32, #tpu.memory_space<vmem>>) dst(%dma_wait3A_115 : memref<80x128xf32, #tpu.memory_space<vmem_shared>>)
      tpu.yield
    }) : () -> ()
    %mul3A_39 = arith.constant 640 : i32
    %mul3A_40 = arith.muli %arg1, %mul3A_39 : i32
    %add3A_41 = arith.constant 400 : i32
    %add3A_42 = arith.addi %mul3A_40, %add3A_41 : i32
    "tpu.region"() ({
      %run_scoped3A = tpu.sem_alloc : memref<!tpu.dma_semaphore, #tpu.memory_space<semaphore_mem>>
      %dma_start3A_108 = arith.constant 0 : i32
      %dma_start3A_109 = tpu.memref_slice %arg17[%add3A_42, %dma_start3A_108] : memref<10240x128xf32, #tpu.memory_space<vmem_shared>> -> memref<80x128xf32, #tpu.memory_space<vmem_shared>>
      %dma_start3A_110 = arith.constant 0 : i32
      %dma_start3A_111 = tpu.memref_slice %arg17[%add3A_42, %dma_start3A_110] : memref<10240x128xf32, #tpu.memory_space<vmem_shared>> -> memref<80x128xf32, #tpu.memory_space<vmem_shared>>
      tpu.enqueue_dma source(%arg13 : memref<80x128xf32, #tpu.memory_space<vmem>>) target(%dma_start3A_111 : memref<80x128xf32, #tpu.memory_space<vmem_shared>>) target_semaphore(%run_scoped3A : memref<!tpu.dma_semaphore, #tpu.memory_space<semaphore_mem>>)
      %dma_wait3A_112 = arith.constant 0 : i32
      %dma_wait3A_113 = tpu.memref_slice %arg17[%add3A_42, %dma_wait3A_112] : memref<10240x128xf32, #tpu.memory_space<vmem_shared>> -> memref<80x128xf32, #tpu.memory_space<vmem_shared>>
      %dma_wait3A_114 = arith.constant 0 : i32
      %dma_wait3A_115 = tpu.memref_slice %arg17[%add3A_42, %dma_wait3A_114] : memref<10240x128xf32, #tpu.memory_space<vmem_shared>> -> memref<80x128xf32, #tpu.memory_space<vmem_shared>>
      tpu.wait_dma2 semaphore(%run_scoped3A : memref<!tpu.dma_semaphore, #tpu.memory_space<semaphore_mem>>) src(%arg13 : memref<80x128xf32, #tpu.memory_space<vmem>>) dst(%dma_wait3A_115 : memref<80x128xf32, #tpu.memory_space<vmem_shared>>)
      tpu.yield
    }) : () -> ()
    %mul3A_43 = arith.constant 640 : i32
    %mul3A_44 = arith.muli %arg1, %mul3A_43 : i32
    %add3A_45 = arith.constant 480 : i32
    %add3A_46 = arith.addi %mul3A_44, %add3A_45 : i32
    "tpu.region"() ({
      %run_scoped3A = tpu.sem_alloc : memref<!tpu.dma_semaphore, #tpu.memory_space<semaphore_mem>>
      %dma_start3A_108 = arith.constant 0 : i32
      %dma_start3A_109 = tpu.memref_slice %arg17[%add3A_46, %dma_start3A_108] : memref<10240x128xf32, #tpu.memory_space<vmem_shared>> -> memref<80x128xf32, #tpu.memory_space<vmem_shared>>
      %dma_start3A_110 = arith.constant 0 : i32
      %dma_start3A_111 = tpu.memref_slice %arg17[%add3A_46, %dma_start3A_110] : memref<10240x128xf32, #tpu.memory_space<vmem_shared>> -> memref<80x128xf32, #tpu.memory_space<vmem_shared>>
      tpu.enqueue_dma source(%arg13 : memref<80x128xf32, #tpu.memory_space<vmem>>) target(%dma_start3A_111 : memref<80x128xf32, #tpu.memory_space<vmem_shared>>) target_semaphore(%run_scoped3A : memref<!tpu.dma_semaphore, #tpu.memory_space<semaphore_mem>>)
      %dma_wait3A_112 = arith.constant 0 : i32
      %dma_wait3A_113 = tpu.memref_slice %arg17[%add3A_46, %dma_wait3A_112] : memref<10240x128xf32, #tpu.memory_space<vmem_shared>> -> memref<80x128xf32, #tpu.memory_space<vmem_shared>>
      %dma_wait3A_114 = arith.constant 0 : i32
      %dma_wait3A_115 = tpu.memref_slice %arg17[%add3A_46, %dma_wait3A_114] : memref<10240x128xf32, #tpu.memory_space<vmem_shared>> -> memref<80x128xf32, #tpu.memory_space<vmem_shared>>
      tpu.wait_dma2 semaphore(%run_scoped3A : memref<!tpu.dma_semaphore, #tpu.memory_space<semaphore_mem>>) src(%arg13 : memref<80x128xf32, #tpu.memory_space<vmem>>) dst(%dma_wait3A_115 : memref<80x128xf32, #tpu.memory_space<vmem_shared>>)
      tpu.yield
    }) : () -> ()
    %mul3A_47 = arith.constant 640 : i32
    %mul3A_48 = arith.muli %arg1, %mul3A_47 : i32
    %add3A_49 = arith.constant 560 : i32
    %add3A_50 = arith.addi %mul3A_48, %add3A_49 : i32
    "tpu.region"() ({
      %run_scoped3A = tpu.sem_alloc : memref<!tpu.dma_semaphore, #tpu.memory_space<semaphore_mem>>
      %dma_start3A_108 = arith.constant 0 : i32
      %dma_start3A_109 = tpu.memref_slice %arg17[%add3A_50, %dma_start3A_108] : memref<10240x128xf32, #tpu.memory_space<vmem_shared>> -> memref<80x128xf32, #tpu.memory_space<vmem_shared>>
      %dma_start3A_110 = arith.constant 0 : i32
      %dma_start3A_111 = tpu.memref_slice %arg17[%add3A_50, %dma_start3A_110] : memref<10240x128xf32, #tpu.memory_space<vmem_shared>> -> memref<80x128xf32, #tpu.memory_space<vmem_shared>>
      tpu.enqueue_dma source(%arg13 : memref<80x128xf32, #tpu.memory_space<vmem>>) target(%dma_start3A_111 : memref<80x128xf32, #tpu.memory_space<vmem_shared>>) target_semaphore(%run_scoped3A : memref<!tpu.dma_semaphore, #tpu.memory_space<semaphore_mem>>)
      %dma_wait3A_112 = arith.constant 0 : i32
      %dma_wait3A_113 = tpu.memref_slice %arg17[%add3A_50, %dma_wait3A_112] : memref<10240x128xf32, #tpu.memory_space<vmem_shared>> -> memref<80x128xf32, #tpu.memory_space<vmem_shared>>
      %dma_wait3A_114 = arith.constant 0 : i32
      %dma_wait3A_115 = tpu.memref_slice %arg17[%add3A_50, %dma_wait3A_114] : memref<10240x128xf32, #tpu.memory_space<vmem_shared>> -> memref<80x128xf32, #tpu.memory_space<vmem_shared>>
      tpu.wait_dma2 semaphore(%run_scoped3A : memref<!tpu.dma_semaphore, #tpu.memory_space<semaphore_mem>>) src(%arg13 : memref<80x128xf32, #tpu.memory_space<vmem>>) dst(%dma_wait3A_115 : memref<80x128xf32, #tpu.memory_space<vmem_shared>>)
      tpu.yield
    }) : () -> ()
    %barrier3A = arith.constant 0 : index
    tpu.barrier barrier_id(%barrier3A)
    "tpu.region"() ({
      %run_scoped3A = tpu.sem_alloc : memref<!tpu.dma_semaphore, #tpu.memory_space<semaphore_mem>>
      %dma_start3A_108 = tpu.memref_slice %arg4[%mul3A_2] : memref<320000xi32, #tpu.memory_space<hbm>> -> memref<80xi32, #tpu.memory_space<hbm>>
      %dma_start3A_109 = tpu.memref_slice %arg4[%mul3A_2] : memref<320000xi32, #tpu.memory_space<hbm>> -> memref<80xi32, #tpu.memory_space<hbm>>
      tpu.enqueue_dma source(%dma_start3A_109 : memref<80xi32, #tpu.memory_space<hbm>>) target(%arg7 : memref<80xi32, #tpu.memory_space<vmem>>) target_semaphore(%run_scoped3A : memref<!tpu.dma_semaphore, #tpu.memory_space<semaphore_mem>>)
      %dma_wait3A_110 = tpu.memref_slice %arg4[%mul3A_2] : memref<320000xi32, #tpu.memory_space<hbm>> -> memref<80xi32, #tpu.memory_space<hbm>>
      %dma_wait3A_111 = tpu.memref_slice %arg4[%mul3A_2] : memref<320000xi32, #tpu.memory_space<hbm>> -> memref<80xi32, #tpu.memory_space<hbm>>
      tpu.wait_dma2 semaphore(%run_scoped3A : memref<!tpu.dma_semaphore, #tpu.memory_space<semaphore_mem>>) src(%dma_wait3A_111 : memref<80xi32, #tpu.memory_space<hbm>>) dst(%arg7 : memref<80xi32, #tpu.memory_space<vmem>>)
      tpu.yield
    }) : () -> ()
    %add3A_51 = arith.constant 80 : i32
    %add3A_52 = arith.addi %mul3A_2, %add3A_51 : i32
    "tpu.region"() ({
      %run_scoped3A = tpu.sem_alloc : memref<!tpu.dma_semaphore, #tpu.memory_space<semaphore_mem>>
      %dma_start3A_108 = tpu.memref_slice %arg4[%add3A_52] : memref<320000xi32, #tpu.memory_space<hbm>> -> memref<80xi32, #tpu.memory_space<hbm>>
      %dma_start3A_109 = tpu.memref_slice %arg4[%add3A_52] : memref<320000xi32, #tpu.memory_space<hbm>> -> memref<80xi32, #tpu.memory_space<hbm>>
      tpu.enqueue_dma source(%dma_start3A_109 : memref<80xi32, #tpu.memory_space<hbm>>) target(%arg8 : memref<80xi32, #tpu.memory_space<vmem>>) target_semaphore(%run_scoped3A : memref<!tpu.dma_semaphore, #tpu.memory_space<semaphore_mem>>)
      %dma_wait3A_110 = tpu.memref_slice %arg4[%add3A_52] : memref<320000xi32, #tpu.memory_space<hbm>> -> memref<80xi32, #tpu.memory_space<hbm>>
      %dma_wait3A_111 = tpu.memref_slice %arg4[%add3A_52] : memref<320000xi32, #tpu.memory_space<hbm>> -> memref<80xi32, #tpu.memory_space<hbm>>
      tpu.wait_dma2 semaphore(%run_scoped3A : memref<!tpu.dma_semaphore, #tpu.memory_space<semaphore_mem>>) src(%dma_wait3A_111 : memref<80xi32, #tpu.memory_space<hbm>>) dst(%arg8 : memref<80xi32, #tpu.memory_space<vmem>>)
      tpu.yield
    }) : () -> ()
    "tpu.region"() ({
      %run_scoped3A = tpu.sem_alloc : memref<!tpu.dma_semaphore, #tpu.memory_space<semaphore_mem>>
      %dma_start3A_108 = tpu.memref_slice %arg5[%mul3A_2] : memref<320000xi32, #tpu.memory_space<hbm>> -> memref<80xi32, #tpu.memory_space<hbm>>
      %dma_start3A_109 = tpu.memref_slice %arg5[%mul3A_2] : memref<320000xi32, #tpu.memory_space<hbm>> -> memref<80xi32, #tpu.memory_space<hbm>>
      tpu.enqueue_dma source(%dma_start3A_109 : memref<80xi32, #tpu.memory_space<hbm>>) target(%arg9 : memref<80xi32, #tpu.memory_space<vmem>>) target_semaphore(%run_scoped3A : memref<!tpu.dma_semaphore, #tpu.memory_space<semaphore_mem>>)
      %dma_wait3A_110 = tpu.memref_slice %arg5[%mul3A_2] : memref<320000xi32, #tpu.memory_space<hbm>> -> memref<80xi32, #tpu.memory_space<hbm>>
      %dma_wait3A_111 = tpu.memref_slice %arg5[%mul3A_2] : memref<320000xi32, #tpu.memory_space<hbm>> -> memref<80xi32, #tpu.memory_space<hbm>>
      tpu.wait_dma2 semaphore(%run_scoped3A : memref<!tpu.dma_semaphore, #tpu.memory_space<semaphore_mem>>) src(%dma_wait3A_111 : memref<80xi32, #tpu.memory_space<hbm>>) dst(%arg9 : memref<80xi32, #tpu.memory_space<vmem>>)
      tpu.yield
    }) : () -> ()
    %add3A_53 = arith.constant 80 : i32
    %add3A_54 = arith.addi %mul3A_2, %add3A_53 : i32
    "tpu.region"() ({
      %run_scoped3A = tpu.sem_alloc : memref<!tpu.dma_semaphore, #tpu.memory_space<semaphore_mem>>
      %dma_start3A_108 = tpu.memref_slice %arg5[%add3A_54] : memref<320000xi32, #tpu.memory_space<hbm>> -> memref<80xi32, #tpu.memory_space<hbm>>
      %dma_start3A_109 = tpu.memref_slice %arg5[%add3A_54] : memref<320000xi32, #tpu.memory_space<hbm>> -> memref<80xi32, #tpu.memory_space<hbm>>
      tpu.enqueue_dma source(%dma_start3A_109 : memref<80xi32, #tpu.memory_space<hbm>>) target(%arg10 : memref<80xi32, #tpu.memory_space<vmem>>) target_semaphore(%run_scoped3A : memref<!tpu.dma_semaphore, #tpu.memory_space<semaphore_mem>>)
      %dma_wait3A_110 = tpu.memref_slice %arg5[%add3A_54] : memref<320000xi32, #tpu.memory_space<hbm>> -> memref<80xi32, #tpu.memory_space<hbm>>
      %dma_wait3A_111 = tpu.memref_slice %arg5[%add3A_54] : memref<320000xi32, #tpu.memory_space<hbm>> -> memref<80xi32, #tpu.memory_space<hbm>>
      tpu.wait_dma2 semaphore(%run_scoped3A : memref<!tpu.dma_semaphore, #tpu.memory_space<semaphore_mem>>) src(%dma_wait3A_111 : memref<80xi32, #tpu.memory_space<hbm>>) dst(%arg10 : memref<80xi32, #tpu.memory_space<vmem>>)
      tpu.yield
    }) : () -> ()
    %add3A_55 = arith.constant 160 : i32
    %add3A_56 = arith.addi %mul3A_2, %add3A_55 : i32
    "tpu.region"() ({
      %run_scoped3A = tpu.sem_alloc : memref<!tpu.dma_semaphore, #tpu.memory_space<semaphore_mem>>
      %dma_start3A_108 = tpu.memref_slice %arg5[%add3A_56] : memref<320000xi32, #tpu.memory_space<hbm>> -> memref<80xi32, #tpu.memory_space<hbm>>
      %dma_start3A_109 = tpu.memref_slice %arg5[%add3A_56] : memref<320000xi32, #tpu.memory_space<hbm>> -> memref<80xi32, #tpu.memory_space<hbm>>
      tpu.enqueue_dma source(%dma_start3A_109 : memref<80xi32, #tpu.memory_space<hbm>>) target(%arg11 : memref<80xi32, #tpu.memory_space<vmem>>) target_semaphore(%run_scoped3A : memref<!tpu.dma_semaphore, #tpu.memory_space<semaphore_mem>>)
      %dma_wait3A_110 = tpu.memref_slice %arg5[%add3A_56] : memref<320000xi32, #tpu.memory_space<hbm>> -> memref<80xi32, #tpu.memory_space<hbm>>
      %dma_wait3A_111 = tpu.memref_slice %arg5[%add3A_56] : memref<320000xi32, #tpu.memory_space<hbm>> -> memref<80xi32, #tpu.memory_space<hbm>>
      tpu.wait_dma2 semaphore(%run_scoped3A : memref<!tpu.dma_semaphore, #tpu.memory_space<semaphore_mem>>) src(%dma_wait3A_111 : memref<80xi32, #tpu.memory_space<hbm>>) dst(%arg11 : memref<80xi32, #tpu.memory_space<vmem>>)
      tpu.yield
    }) : () -> ()
    %dma_start3A = arith.constant 0 : i32
    %dma_start3A_57 = arith.constant 0 : i32
    %dma_start3A_58 = tpu.memref_slice %arg2[%dma_start3A, %dma_start3A_57] : memref<10000x128xf32, #tpu.memory_space<hbm>> -> memref<10000x128xf32, #tpu.memory_space<hbm>>
    tpu.enqueue_indirect_dma source(%dma_start3A_58 : memref<10000x128xf32, #tpu.memory_space<hbm>>) target(%arg13 : memref<80x128xf32, #tpu.memory_space<vmem>>) offsets(%arg7 : memref<80xi32, #tpu.memory_space<vmem>>) semaphore(%arg18 : memref<!tpu.dma_semaphore, #tpu.memory_space<semaphore_mem>>)
    %dma_wait3A = arith.constant 0 : i32
    %dma_wait3A_59 = arith.constant 0 : i32
    %dma_wait3A_60 = tpu.memref_slice %arg2[%dma_wait3A, %dma_wait3A_59] : memref<10000x128xf32, #tpu.memory_space<hbm>> -> memref<10000x128xf32, #tpu.memory_space<hbm>>
    tpu.wait_indirect_dma semaphore(%arg18 : memref<!tpu.dma_semaphore, #tpu.memory_space<semaphore_mem>>) src(%dma_wait3A_60 : memref<10000x128xf32, #tpu.memory_space<hbm>>) dst(%arg13 : memref<80x128xf32, #tpu.memory_space<vmem>>)
    "tpu.region"() ({
      %run_scoped3A = tpu.sem_alloc : memref<!tpu.dma_semaphore, #tpu.memory_space<semaphore_mem>>
      %dma_start3A_108 = arith.constant 0 : i32
      %dma_start3A_109 = tpu.memref_slice %arg3[%mul3A_2, %dma_start3A_108] : memref<320000x128xf32, #tpu.memory_space<hbm>> -> memref<80x128xf32, #tpu.memory_space<hbm>>
      %dma_start3A_110 = arith.constant 0 : i32
      %dma_start3A_111 = tpu.memref_slice %arg3[%mul3A_2, %dma_start3A_110] : memref<320000x128xf32, #tpu.memory_space<hbm>> -> memref<80x128xf32, #tpu.memory_space<hbm>>
      tpu.enqueue_dma source(%dma_start3A_111 : memref<80x128xf32, #tpu.memory_space<hbm>>) target(%arg15 : memref<80x128xf32, #tpu.memory_space<vmem>>) target_semaphore(%run_scoped3A : memref<!tpu.dma_semaphore, #tpu.memory_space<semaphore_mem>>)
      %dma_wait3A_112 = arith.constant 0 : i32
      %dma_wait3A_113 = tpu.memref_slice %arg3[%mul3A_2, %dma_wait3A_112] : memref<320000x128xf32, #tpu.memory_space<hbm>> -> memref<80x128xf32, #tpu.memory_space<hbm>>
      %dma_wait3A_114 = arith.constant 0 : i32
      %dma_wait3A_115 = tpu.memref_slice %arg3[%mul3A_2, %dma_wait3A_114] : memref<320000x128xf32, #tpu.memory_space<hbm>> -> memref<80x128xf32, #tpu.memory_space<hbm>>
      tpu.wait_dma2 semaphore(%run_scoped3A : memref<!tpu.dma_semaphore, #tpu.memory_space<semaphore_mem>>) src(%dma_wait3A_115 : memref<80x128xf32, #tpu.memory_space<hbm>>) dst(%arg15 : memref<80x128xf32, #tpu.memory_space<vmem>>)
      tpu.yield
    }) : () -> ()
    %dma_start3A_61 = arith.constant 0 : i32
    %dma_start3A_62 = arith.constant 0 : i32
    %dma_start3A_63 = tpu.memref_slice %arg17[%dma_start3A_61, %dma_start3A_62] : memref<10240x128xf32, #tpu.memory_space<vmem_shared>> -> memref<10240x128xf32, #tpu.memory_space<vmem_shared>>
    tpu.enqueue_indirect_dma source(%arg14 : memref<80x128xf32, #tpu.memory_space<vmem>>) target(%dma_start3A_63 : memref<10240x128xf32, #tpu.memory_space<vmem_shared>>) offsets(%arg9 : memref<80xi32, #tpu.memory_space<vmem>>) semaphore(%arg20 : memref<!tpu.dma_semaphore, #tpu.memory_space<semaphore_mem>>) {add = true}
    %scan3A_64 = arith.constant 0 : i32
    %scan3A_65 = arith.constant 0 : i32
    %scan3A_66 = arith.constant 31 : i32
    %scan3A_67 = arith.addi %scan3A_65, %scan3A_66 : i32
    %scan3A_68 = arith.constant 1 : i32
    %scan3A_69 = scf.for %scan3A_108 = %scan3A_65 to %scan3A_67 step %scan3A_68 iter_args(%scan3A_109 = %scan3A_64) -> (i32)  : i32 {
      %mul3A_110 = arith.constant 4 : i32
      %mul3A_111 = arith.muli %mul3A_110, %scan3A_108 : i32
      %add3A_112 = arith.constant 0 : i32
      %add3A_113 = arith.addi %mul3A_111, %add3A_112 : i32
      %dma_wait3A_114 = arith.constant 0 : i32
      %dma_wait3A_115 = arith.constant 0 : i32
      %dma_wait3A_116 = tpu.memref_slice %arg17[%dma_wait3A_114, %dma_wait3A_115] : memref<10240x128xf32, #tpu.memory_space<vmem_shared>> -> memref<10240x128xf32, #tpu.memory_space<vmem_shared>>
      tpu.wait_indirect_dma semaphore(%arg20 : memref<!tpu.dma_semaphore, #tpu.memory_space<semaphore_mem>>) src(%arg14 : memref<80x128xf32, #tpu.memory_space<vmem>>) dst(%dma_wait3A_116 : memref<10240x128xf32, #tpu.memory_space<vmem_shared>>)
      %dma_start3A_117 = arith.constant 0 : i32
      %dma_start3A_118 = arith.constant 0 : i32
      %dma_start3A_119 = tpu.memref_slice %arg2[%dma_start3A_117, %dma_start3A_118] : memref<10000x128xf32, #tpu.memory_space<hbm>> -> memref<10000x128xf32, #tpu.memory_space<hbm>>
      tpu.enqueue_indirect_dma source(%dma_start3A_119 : memref<10000x128xf32, #tpu.memory_space<hbm>>) target(%arg14 : memref<80x128xf32, #tpu.memory_space<vmem>>) offsets(%arg8 : memref<80xi32, #tpu.memory_space<vmem>>) semaphore(%arg18 : memref<!tpu.dma_semaphore, #tpu.memory_space<semaphore_mem>>)
      %add3A_120 = arith.constant 1 : i32
      %add3A_121 = arith.addi %add3A_113, %add3A_120 : i32
      %mul3A_122 = arith.constant 80 : i32
      %mul3A_123 = arith.muli %add3A_121, %mul3A_122 : i32
      %add3A_124 = arith.addi %mul3A_2, %mul3A_123 : i32
      %dma_start3A_125 = arith.constant 0 : i32
      %dma_start3A_126 = tpu.memref_slice %arg3[%add3A_124, %dma_start3A_125] : memref<320000x128xf32, #tpu.memory_space<hbm>> -> memref<80x128xf32, #tpu.memory_space<hbm>>
      %dma_start3A_127 = arith.constant 0 : i32
      %dma_start3A_128 = tpu.memref_slice %arg3[%add3A_124, %dma_start3A_127] : memref<320000x128xf32, #tpu.memory_space<hbm>> -> memref<80x128xf32, #tpu.memory_space<hbm>>
      tpu.enqueue_dma source(%dma_start3A_128 : memref<80x128xf32, #tpu.memory_space<hbm>>) target(%arg16 : memref<80x128xf32, #tpu.memory_space<vmem>>) target_semaphore(%arg18 : memref<!tpu.dma_semaphore, #tpu.memory_space<semaphore_mem>>)
      %add3A_129 = arith.constant 2 : i32
      %add3A_130 = arith.addi %add3A_113, %add3A_129 : i32
      %min3A = arith.constant 124 : i32
      %min3A_131 = arith.minsi %add3A_130, %min3A : i32
      %add3A_132 = arith.constant 3 : i32
      %add3A_133 = arith.addi %add3A_113, %add3A_132 : i32
      %min3A_134 = arith.constant 124 : i32
      %min3A_135 = arith.minsi %add3A_133, %min3A_134 : i32
      %mul3A_136 = arith.constant 80 : i32
      %mul3A_137 = arith.muli %min3A_131, %mul3A_136 : i32
      %add3A_138 = arith.addi %mul3A_2, %mul3A_137 : i32
      %dma_start3A_139 = tpu.memref_slice %arg4[%add3A_138] : memref<320000xi32, #tpu.memory_space<hbm>> -> memref<80xi32, #tpu.memory_space<hbm>>
      %dma_start3A_140 = tpu.memref_slice %arg4[%add3A_138] : memref<320000xi32, #tpu.memory_space<hbm>> -> memref<80xi32, #tpu.memory_space<hbm>>
      tpu.enqueue_dma source(%dma_start3A_140 : memref<80xi32, #tpu.memory_space<hbm>>) target(%arg7 : memref<80xi32, #tpu.memory_space<vmem>>) target_semaphore(%arg19 : memref<!tpu.dma_semaphore, #tpu.memory_space<semaphore_mem>>)
      %mul3A_141 = arith.constant 80 : i32
      %mul3A_142 = arith.muli %min3A_135, %mul3A_141 : i32
      %add3A_143 = arith.addi %mul3A_2, %mul3A_142 : i32
      %dma_start3A_144 = tpu.memref_slice %arg5[%add3A_143] : memref<320000xi32, #tpu.memory_space<hbm>> -> memref<80xi32, #tpu.memory_space<hbm>>
      %dma_start3A_145 = tpu.memref_slice %arg5[%add3A_143] : memref<320000xi32, #tpu.memory_space<hbm>> -> memref<80xi32, #tpu.memory_space<hbm>>
      tpu.enqueue_dma source(%dma_start3A_145 : memref<80xi32, #tpu.memory_space<hbm>>) target(%arg12 : memref<80xi32, #tpu.memory_space<vmem>>) target_semaphore(%arg19 : memref<!tpu.dma_semaphore, #tpu.memory_space<semaphore_mem>>)
      %scan3A_146 = arith.constant 0 : i32
      %scan3A_147 = arith.constant 0 : i32
      %scan3A_148 = arith.constant 20 : i32
      %scan3A_149 = arith.addi %scan3A_147, %scan3A_148 : i32
      %scan3A_150 = arith.constant 1 : i32
      %scan3A_151 = scf.for %scan3A_342 = %scan3A_147 to %scan3A_149 step %scan3A_150 iter_args(%scan3A_343 = %scan3A_146) -> (i32)  : i32 {
        %mul3A_344 = arith.constant 4 : i32
        %mul3A_345 = arith.muli %mul3A_344, %scan3A_342 : i32
        %add3A_346 = arith.constant 0 : i32
        %add3A_347 = arith.addi %mul3A_345, %add3A_346 : i32
        %get3A = arith.index_cast %add3A_347 : i32 to index
        %get3A_348 = arith.constant 0 : index
        %get3A_349 = tpu.vector_load %arg13[%get3A, %get3A_348] {strides = array<i32>} : memref<80x128xf32, #tpu.memory_space<vmem>>, vector<16xf32>,
        %get3A_350 = arith.index_cast %add3A_347 : i32 to index
        %get3A_351 = arith.constant 0 : index
        %get3A_352 = tpu.vector_load %arg15[%get3A_350, %get3A_351] {strides = array<i32>} : memref<80x128xf32, #tpu.memory_space<vmem>>, vector<16xf32>,
        %mul3A_353 = arith.mulf %get3A_349, %get3A_352 : vector<16xf32>
        %swap3A = arith.index_cast %add3A_347 : i32 to index
        %swap3A_354 = arith.constant 0 : index
        %swap3A_355 = tpu.vector_load %arg13[%swap3A, %swap3A_354] {strides = array<i32>} : memref<80x128xf32, #tpu.memory_space<vmem>>, vector<16xf32>,
        tpu.vector_store %arg13[%swap3A, %swap3A_354], %mul3A_353 {strides = array<i32>} : memref<80x128xf32, #tpu.memory_space<vmem>>, vector<16xf32>,
        %get3A_356 = arith.index_cast %add3A_347 : i32 to index
        %get3A_357 = arith.constant 16 : index
        %get3A_358 = tpu.vector_load %arg13[%get3A_356, %get3A_357] {strides = array<i32>} : memref<80x128xf32, #tpu.memory_space<vmem>>, vector<16xf32>,
        %get3A_359 = arith.index_cast %add3A_347 : i32 to index
        %get3A_360 = arith.constant 16 : index
        %get3A_361 = tpu.vector_load %arg15[%get3A_359, %get3A_360] {strides = array<i32>} : memref<80x128xf32, #tpu.memory_space<vmem>>, vector<16xf32>,
        %mul3A_362 = arith.mulf %get3A_358, %get3A_361 : vector<16xf32>
        %swap3A_363 = arith.index_cast %add3A_347 : i32 to index
        %swap3A_364 = arith.constant 16 : index
        %swap3A_365 = tpu.vector_load %arg13[%swap3A_363, %swap3A_364] {strides = array<i32>} : memref<80x128xf32, #tpu.memory_space<vmem>>, vector<16xf32>,
        tpu.vector_store %arg13[%swap3A_363, %swap3A_364], %mul3A_362 {strides = array<i32>} : memref<80x128xf32, #tpu.memory_space<vmem>>, vector<16xf32>,
        %get3A_366 = arith.index_cast %add3A_347 : i32 to index
        %get3A_367 = arith.constant 32 : index
        %get3A_368 = tpu.vector_load %arg13[%get3A_366, %get3A_367] {strides = array<i32>} : memref<80x128xf32, #tpu.memory_space<vmem>>, vector<16xf32>,
        %get3A_369 = arith.index_cast %add3A_347 : i32 to index
        %get3A_370 = arith.constant 32 : index
        %get3A_371 = tpu.vector_load %arg15[%get3A_369, %get3A_370] {strides = array<i32>} : memref<80x128xf32, #tpu.memory_space<vmem>>, vector<16xf32>,
        %mul3A_372 = arith.mulf %get3A_368, %get3A_371 : vector<16xf32>
        %swap3A_373 = arith.index_cast %add3A_347 : i32 to index
        %swap3A_374 = arith.constant 32 : index
        %swap3A_375 = tpu.vector_load %arg13[%swap3A_373, %swap3A_374] {strides = array<i32>} : memref<80x128xf32, #tpu.memory_space<vmem>>, vector<16xf32>,
        tpu.vector_store %arg13[%swap3A_373, %swap3A_374], %mul3A_372 {strides = array<i32>} : memref<80x128xf32, #tpu.memory_space<vmem>>, vector<16xf32>,
        %get3A_376 = arith.index_cast %add3A_347 : i32 to index
        %get3A_377 = arith.constant 48 : index
        %get3A_378 = tpu.vector_load %arg13[%get3A_376, %get3A_377] {strides = array<i32>} : memref<80x128xf32, #tpu.memory_space<vmem>>, vector<16xf32>,
        %get3A_379 = arith.index_cast %add3A_347 : i32 to index
        %get3A_380 = arith.constant 48 : index
        %get3A_381 = tpu.vector_load %arg15[%get3A_379, %get3A_380] {strides = array<i32>} : memref<80x128xf32, #tpu.memory_space<vmem>>, vector<16xf32>,
        %mul3A_382 = arith.mulf %get3A_378, %get3A_381 : vector<16xf32>
        %swap3A_383 = arith.index_cast %add3A_347 : i32 to index
        %swap3A_384 = arith.constant 48 : index
        %swap3A_385 = tpu.vector_load %arg13[%swap3A_383, %swap3A_384] {strides = array<i32>} : memref<80x128xf32, #tpu.memory_space<vmem>>, vector<16xf32>,
        tpu.vector_store %arg13[%swap3A_383, %swap3A_384], %mul3A_382 {strides = array<i32>} : memref<80x128xf32, #tpu.memory_space<vmem>>, vector<16xf32>,
        %get3A_386 = arith.index_cast %add3A_347 : i32 to index
        %get3A_387 = arith.constant 64 : index
        %get3A_388 = tpu.vector_load %arg13[%get3A_386, %get3A_387] {strides = array<i32>} : memref<80x128xf32, #tpu.memory_space<vmem>>, vector<16xf32>,
        %get3A_389 = arith.index_cast %add3A_347 : i32 to index
        %get3A_390 = arith.constant 64 : index
        %get3A_391 = tpu.vector_load %arg15[%get3A_389, %get3A_390] {strides = array<i32>} : memref<80x128xf32, #tpu.memory_space<vmem>>, vector<16xf32>,
        %mul3A_392 = arith.mulf %get3A_388, %get3A_391 : vector<16xf32>
        %swap3A_393 = arith.index_cast %add3A_347 : i32 to index
        %swap3A_394 = arith.constant 64 : index
        %swap3A_395 = tpu.vector_load %arg13[%swap3A_393, %swap3A_394] {strides = array<i32>} : memref<80x128xf32, #tpu.memory_space<vmem>>, vector<16xf32>,
        tpu.vector_store %arg13[%swap3A_393, %swap3A_394], %mul3A_392 {strides = array<i32>} : memref<80x128xf32, #tpu.memory_space<vmem>>, vector<16xf32>,
        %get3A_396 = arith.index_cast %add3A_347 : i32 to index
        %get3A_397 = arith.constant 80 : index
        %get3A_398 = tpu.vector_load %arg13[%get3A_396, %get3A_397] {strides = array<i32>} : memref<80x128xf32, #tpu.memory_space<vmem>>, vector<16xf32>,
        %get3A_399 = arith.index_cast %add3A_347 : i32 to index
        %get3A_400 = arith.constant 80 : index
        %get3A_401 = tpu.vector_load %arg15[%get3A_399, %get3A_400] {strides = array<i32>} : memref<80x128xf32, #tpu.memory_space<vmem>>, vector<16xf32>,
        %mul3A_402 = arith.mulf %get3A_398, %get3A_401 : vector<16xf32>
        %swap3A_403 = arith.index_cast %add3A_347 : i32 to index
        %swap3A_404 = arith.constant 80 : index
        %swap3A_405 = tpu.vector_load %arg13[%swap3A_403, %swap3A_404] {strides = array<i32>} : memref<80x128xf32, #tpu.memory_space<vmem>>, vector<16xf32>,
        tpu.vector_store %arg13[%swap3A_403, %swap3A_404], %mul3A_402 {strides = array<i32>} : memref<80x128xf32, #tpu.memory_space<vmem>>, vector<16xf32>,
        %get3A_406 = arith.index_cast %add3A_347 : i32 to index
        %get3A_407 = arith.constant 96 : index
        %get3A_408 = tpu.vector_load %arg13[%get3A_406, %get3A_407] {strides = array<i32>} : memref<80x128xf32, #tpu.memory_space<vmem>>, vector<16xf32>,
        %get3A_409 = arith.index_cast %add3A_347 : i32 to index
        %get3A_410 = arith.constant 96 : index
        %get3A_411 = tpu.vector_load %arg15[%get3A_409, %get3A_410] {strides = array<i32>} : memref<80x128xf32, #tpu.memory_space<vmem>>, vector<16xf32>,
        %mul3A_412 = arith.mulf %get3A_408, %get3A_411 : vector<16xf32>
        %swap3A_413 = arith.index_cast %add3A_347 : i32 to index
        %swap3A_414 = arith.constant 96 : index
        %swap3A_415 = tpu.vector_load %arg13[%swap3A_413, %swap3A_414] {strides = array<i32>} : memref<80x128xf32, #tpu.memory_space<vmem>>, vector<16xf32>,
        tpu.vector_store %arg13[%swap3A_413, %swap3A_414], %mul3A_412 {strides = array<i32>} : memref<80x128xf32, #tpu.memory_space<vmem>>, vector<16xf32>,
        %get3A_416 = arith.index_cast %add3A_347 : i32 to index
        %get3A_417 = arith.constant 112 : index
        %get3A_418 = tpu.vector_load %arg13[%get3A_416, %get3A_417] {strides = array<i32>} : memref<80x128xf32, #tpu.memory_space<vmem>>, vector<16xf32>,
        %get3A_419 = arith.index_cast %add3A_347 : i32 to index
        %get3A_420 = arith.constant 112 : index
        %get3A_421 = tpu.vector_load %arg15[%get3A_419, %get3A_420] {strides = array<i32>} : memref<80x128xf32, #tpu.memory_space<vmem>>, vector<16xf32>,
        %mul3A_422 = arith.mulf %get3A_418, %get3A_421 : vector<16xf32>
        %swap3A_423 = arith.index_cast %add3A_347 : i32 to index
        %swap3A_424 = arith.constant 112 : index
        %swap3A_425 = tpu.vector_load %arg13[%swap3A_423, %swap3A_424] {strides = array<i32>} : memref<80x128xf32, #tpu.memory_space<vmem>>, vector<16xf32>,
        tpu.vector_store %arg13[%swap3A_423, %swap3A_424], %mul3A_422 {strides = array<i32>} : memref<80x128xf32, #tpu.memory_space<vmem>>, vector<16xf32>,
        %mul3A_426 = arith.constant 4 : i32
        %mul3A_427 = arith.muli %mul3A_426, %scan3A_342 : i32
        %add3A_428 = arith.constant 1 : i32
        %add3A_429 = arith.addi %mul3A_427, %add3A_428 : i32
        %get3A_430 = arith.index_cast %add3A_429 : i32 to index
        %get3A_431 = arith.constant 0 : index
        %get3A_432 = tpu.vector_load %arg13[%get3A_430, %get3A_431] {strides = array<i32>} : memref<80x128xf32, #tpu.memory_space<vmem>>, vector<16xf32>,
        %get3A_433 = arith.index_cast %add3A_429 : i32 to index
        %get3A_434 = arith.constant 0 : index
        %get3A_435 = tpu.vector_load %arg15[%get3A_433, %get3A_434] {strides = array<i32>} : memref<80x128xf32, #tpu.memory_space<vmem>>, vector<16xf32>,
        %mul3A_436 = arith.mulf %get3A_432, %get3A_435 : vector<16xf32>
        %swap3A_437 = arith.index_cast %add3A_429 : i32 to index
        %swap3A_438 = arith.constant 0 : index
        %swap3A_439 = tpu.vector_load %arg13[%swap3A_437, %swap3A_438] {strides = array<i32>} : memref<80x128xf32, #tpu.memory_space<vmem>>, vector<16xf32>,
        tpu.vector_store %arg13[%swap3A_437, %swap3A_438], %mul3A_436 {strides = array<i32>} : memref<80x128xf32, #tpu.memory_space<vmem>>, vector<16xf32>,
        %get3A_440 = arith.index_cast %add3A_429 : i32 to index
        %get3A_441 = arith.constant 16 : index
        %get3A_442 = tpu.vector_load %arg13[%get3A_440, %get3A_441] {strides = array<i32>} : memref<80x128xf32, #tpu.memory_space<vmem>>, vector<16xf32>,
        %get3A_443 = arith.index_cast %add3A_429 : i32 to index
        %get3A_444 = arith.constant 16 : index
        %get3A_445 = tpu.vector_load %arg15[%get3A_443, %get3A_444] {strides = array<i32>} : memref<80x128xf32, #tpu.memory_space<vmem>>, vector<16xf32>,
        %mul3A_446 = arith.mulf %get3A_442, %get3A_445 : vector<16xf32>
        %swap3A_447 = arith.index_cast %add3A_429 : i32 to index
        %swap3A_448 = arith.constant 16 : index
        %swap3A_449 = tpu.vector_load %arg13[%swap3A_447, %swap3A_448] {strides = array<i32>} : memref<80x128xf32, #tpu.memory_space<vmem>>, vector<16xf32>,
        tpu.vector_store %arg13[%swap3A_447, %swap3A_448], %mul3A_446 {strides = array<i32>} : memref<80x128xf32, #tpu.memory_space<vmem>>, vector<16xf32>,
        %get3A_450 = arith.index_cast %add3A_429 : i32 to index
        %get3A_451 = arith.constant 32 : index
        %get3A_452 = tpu.vector_load %arg13[%get3A_450, %get3A_451] {strides = array<i32>} : memref<80x128xf32, #tpu.memory_space<vmem>>, vector<16xf32>,
        %get3A_453 = arith.index_cast %add3A_429 : i32 to index
        %get3A_454 = arith.constant 32 : index
        %get3A_455 = tpu.vector_load %arg15[%get3A_453, %get3A_454] {strides = array<i32>} : memref<80x128xf32, #tpu.memory_space<vmem>>, vector<16xf32>,
        %mul3A_456 = arith.mulf %get3A_452, %get3A_455 : vector<16xf32>
        %swap3A_457 = arith.index_cast %add3A_429 : i32 to index
        %swap3A_458 = arith.constant 32 : index
        %swap3A_459 = tpu.vector_load %arg13[%swap3A_457, %swap3A_458] {strides = array<i32>} : memref<80x128xf32, #tpu.memory_space<vmem>>, vector<16xf32>,
        tpu.vector_store %arg13[%swap3A_457, %swap3A_458], %mul3A_456 {strides = array<i32>} : memref<80x128xf32, #tpu.memory_space<vmem>>, vector<16xf32>,
        %get3A_460 = arith.index_cast %add3A_429 : i32 to index
        %get3A_461 = arith.constant 48 : index
        %get3A_462 = tpu.vector_load %arg13[%get3A_460, %get3A_461] {strides = array<i32>} : memref<80x128xf32, #tpu.memory_space<vmem>>, vector<16xf32>,
        %get3A_463 = arith.index_cast %add3A_429 : i32 to index
        %get3A_464 = arith.constant 48 : index
        %get3A_465 = tpu.vector_load %arg15[%get3A_463, %get3A_464] {strides = array<i32>} : memref<80x128xf32, #tpu.memory_space<vmem>>, vector<16xf32>,
        %mul3A_466 = arith.mulf %get3A_462, %get3A_465 : vector<16xf32>
        %swap3A_467 = arith.index_cast %add3A_429 : i32 to index
        %swap3A_468 = arith.constant 48 : index
        %swap3A_469 = tpu.vector_load %arg13[%swap3A_467, %swap3A_468] {strides = array<i32>} : memref<80x128xf32, #tpu.memory_space<vmem>>, vector<16xf32>,
        tpu.vector_store %arg13[%swap3A_467, %swap3A_468], %mul3A_466 {strides = array<i32>} : memref<80x128xf32, #tpu.memory_space<vmem>>, vector<16xf32>,
        %get3A_470 = arith.index_cast %add3A_429 : i32 to index
        %get3A_471 = arith.constant 64 : index
        %get3A_472 = tpu.vector_load %arg13[%get3A_470, %get3A_471] {strides = array<i32>} : memref<80x128xf32, #tpu.memory_space<vmem>>, vector<16xf32>,
        %get3A_473 = arith.index_cast %add3A_429 : i32 to index
        %get3A_474 = arith.constant 64 : index
        %get3A_475 = tpu.vector_load %arg15[%get3A_473, %get3A_474] {strides = array<i32>} : memref<80x128xf32, #tpu.memory_space<vmem>>, vector<16xf32>,
        %mul3A_476 = arith.mulf %get3A_472, %get3A_475 : vector<16xf32>
        %swap3A_477 = arith.index_cast %add3A_429 : i32 to index
        %swap3A_478 = arith.constant 64 : index
        %swap3A_479 = tpu.vector_load %arg13[%swap3A_477, %swap3A_478] {strides = array<i32>} : memref<80x128xf32, #tpu.memory_space<vmem>>, vector<16xf32>,
        tpu.vector_store %arg13[%swap3A_477, %swap3A_478], %mul3A_476 {strides = array<i32>} : memref<80x128xf32, #tpu.memory_space<vmem>>, vector<16xf32>,
        %get3A_480 = arith.index_cast %add3A_429 : i32 to index
        %get3A_481 = arith.constant 80 : index
        %get3A_482 = tpu.vector_load %arg13[%get3A_480, %get3A_481] {strides = array<i32>} : memref<80x128xf32, #tpu.memory_space<vmem>>, vector<16xf32>,
        %get3A_483 = arith.index_cast %add3A_429 : i32 to index
        %get3A_484 = arith.constant 80 : index
        %get3A_485 = tpu.vector_load %arg15[%get3A_483, %get3A_484] {strides = array<i32>} : memref<80x128xf32, #tpu.memory_space<vmem>>, vector<16xf32>,
        %mul3A_486 = arith.mulf %get3A_482, %get3A_485 : vector<16xf32>
        %swap3A_487 = arith.index_cast %add3A_429 : i32 to index
        %swap3A_488 = arith.constant 80 : index
        %swap3A_489 = tpu.vector_load %arg13[%swap3A_487, %swap3A_488] {strides = array<i32>} : memref<80x128xf32, #tpu.memory_space<vmem>>, vector<16xf32>,
        tpu.vector_store %arg13[%swap3A_487, %swap3A_488], %mul3A_486 {strides = array<i32>} : memref<80x128xf32, #tpu.memory_space<vmem>>, vector<16xf32>,
        %get3A_490 = arith.index_cast %add3A_429 : i32 to index
        %get3A_491 = arith.constant 96 : index
        %get3A_492 = tpu.vector_load %arg13[%get3A_490, %get3A_491] {strides = array<i32>} : memref<80x128xf32, #tpu.memory_space<vmem>>, vector<16xf32>,
        %get3A_493 = arith.index_cast %add3A_429 : i32 to index
        %get3A_494 = arith.constant 96 : index
        %get3A_495 = tpu.vector_load %arg15[%get3A_493, %get3A_494] {strides = array<i32>} : memref<80x128xf32, #tpu.memory_space<vmem>>, vector<16xf32>,
        %mul3A_496 = arith.mulf %get3A_492, %get3A_495 : vector<16xf32>
        %swap3A_497 = arith.index_cast %add3A_429 : i32 to index
        %swap3A_498 = arith.constant 96 : index
        %swap3A_499 = tpu.vector_load %arg13[%swap3A_497, %swap3A_498] {strides = array<i32>} : memref<80x128xf32, #tpu.memory_space<vmem>>, vector<16xf32>,
        tpu.vector_store %arg13[%swap3A_497, %swap3A_498], %mul3A_496 {strides = array<i32>} : memref<80x128xf32, #tpu.memory_space<vmem>>, vector<16xf32>,
        %get3A_500 = arith.index_cast %add3A_429 : i32 to index
        %get3A_501 = arith.constant 112 : index
        %get3A_502 = tpu.vector_load %arg13[%get3A_500, %get3A_501] {strides = array<i32>} : memref<80x128xf32, #tpu.memory_space<vmem>>, vector<16xf32>,
        %get3A_503 = arith.index_cast %add3A_429 : i32 to index
        %get3A_504 = arith.constant 112 : index
        %get3A_505 = tpu.vector_load %arg15[%get3A_503, %get3A_504] {strides = array<i32>} : memref<80x128xf32, #tpu.memory_space<vmem>>, vector<16xf32>,
        %mul3A_506 = arith.mulf %get3A_502, %get3A_505 : vector<16xf32>
        %swap3A_507 = arith.index_cast %add3A_429 : i32 to index
        %swap3A_508 = arith.constant 112 : index
        %swap3A_509 = tpu.vector_load %arg13[%swap3A_507, %swap3A_508] {strides = array<i32>} : memref<80x128xf32, #tpu.memory_space<vmem>>, vector<16xf32>,
        tpu.vector_store %arg13[%swap3A_507, %swap3A_508], %mul3A_506 {strides = array<i32>} : memref<80x128xf32, #tpu.memory_space<vmem>>, vector<16xf32>,
        %mul3A_510 = arith.constant 4 : i32
        %mul3A_511 = arith.muli %mul3A_510, %scan3A_342 : i32
        %add3A_512 = arith.constant 2 : i32
        %add3A_513 = arith.addi %mul3A_511, %add3A_512 : i32
        %get3A_514 = arith.index_cast %add3A_513 : i32 to index
        %get3A_515 = arith.constant 0 : index
        %get3A_516 = tpu.vector_load %arg13[%get3A_514, %get3A_515] {strides = array<i32>} : memref<80x128xf32, #tpu.memory_space<vmem>>, vector<16xf32>,
        %get3A_517 = arith.index_cast %add3A_513 : i32 to index
        %get3A_518 = arith.constant 0 : index
        %get3A_519 = tpu.vector_load %arg15[%get3A_517, %get3A_518] {strides = array<i32>} : memref<80x128xf32, #tpu.memory_space<vmem>>, vector<16xf32>,
        %mul3A_520 = arith.mulf %get3A_516, %get3A_519 : vector<16xf32>
        %swap3A_521 = arith.index_cast %add3A_513 : i32 to index
        %swap3A_522 = arith.constant 0 : index
        %swap3A_523 = tpu.vector_load %arg13[%swap3A_521, %swap3A_522] {strides = array<i32>} : memref<80x128xf32, #tpu.memory_space<vmem>>, vector<16xf32>,
        tpu.vector_store %arg13[%swap3A_521, %swap3A_522], %mul3A_520 {strides = array<i32>} : memref<80x128xf32, #tpu.memory_space<vmem>>, vector<16xf32>,
        %get3A_524 = arith.index_cast %add3A_513 : i32 to index
        %get3A_525 = arith.constant 16 : index
        %get3A_526 = tpu.vector_load %arg13[%get3A_524, %get3A_525] {strides = array<i32>} : memref<80x128xf32, #tpu.memory_space<vmem>>, vector<16xf32>,
        %get3A_527 = arith.index_cast %add3A_513 : i32 to index
        %get3A_528 = arith.constant 16 : index
        %get3A_529 = tpu.vector_load %arg15[%get3A_527, %get3A_528] {strides = array<i32>} : memref<80x128xf32, #tpu.memory_space<vmem>>, vector<16xf32>,
        %mul3A_530 = arith.mulf %get3A_526, %get3A_529 : vector<16xf32>
        %swap3A_531 = arith.index_cast %add3A_513 : i32 to index
        %swap3A_532 = arith.constant 16 : index
        %swap3A_533 = tpu.vector_load %arg13[%swap3A_531, %swap3A_532] {strides = array<i32>} : memref<80x128xf32, #tpu.memory_space<vmem>>, vector<16xf32>,
        tpu.vector_store %arg13[%swap3A_531, %swap3A_532], %mul3A_530 {strides = array<i32>} : memref<80x128xf32, #tpu.memory_space<vmem>>, vector<16xf32>,
        %get3A_534 = arith.index_cast %add3A_513 : i32 to index
        %get3A_535 = arith.constant 32 : index
        %get3A_536 = tpu.vector_load %arg13[%get3A_534, %get3A_535] {strides = array<i32>} : memref<80x128xf32, #tpu.memory_space<vmem>>, vector<16xf32>,
        %get3A_537 = arith.index_cast %add3A_513 : i32 to index
        %get3A_538 = arith.constant 32 : index
        %get3A_539 = tpu.vector_load %arg15[%get3A_537, %get3A_538] {strides = array<i32>} : memref<80x128xf32, #tpu.memory_space<vmem>>, vector<16xf32>,
        %mul3A_540 = arith.mulf %get3A_536, %get3A_539 : vector<16xf32>
        %swap3A_541 = arith.index_cast %add3A_513 : i32 to index
        %swap3A_542 = arith.constant 32 : index
        %swap3A_543 = tpu.vector_load %arg13[%swap3A_541, %swap3A_542] {strides = array<i32>} : memref<80x128xf32, #tpu.memory_space<vmem>>, vector<16xf32>,
        tpu.vector_store %arg13[%swap3A_541, %swap3A_542], %mul3A_540 {strides = array<i32>} : memref<80x128xf32, #tpu.memory_space<vmem>>, vector<16xf32>,
        %get3A_544 = arith.index_cast %add3A_513 : i32 to index
        %get3A_545 = arith.constant 48 : index
        %get3A_546 = tpu.vector_load %arg13[%get3A_544, %get3A_545] {strides = array<i32>} : memref<80x128xf32, #tpu.memory_space<vmem>>, vector<16xf32>,
        %get3A_547 = arith.index_cast %add3A_513 : i32 to index
        %get3A_548 = arith.constant 48 : index
        %get3A_549 = tpu.vector_load %arg15[%get3A_547, %get3A_548] {strides = array<i32>} : memref<80x128xf32, #tpu.memory_space<vmem>>, vector<16xf32>,
        %mul3A_550 = arith.mulf %get3A_546, %get3A_549 : vector<16xf32>
        %swap3A_551 = arith.index_cast %add3A_513 : i32 to index
        %swap3A_552 = arith.constant 48 : index
        %swap3A_553 = tpu.vector_load %arg13[%swap3A_551, %swap3A_552] {strides = array<i32>} : memref<80x128xf32, #tpu.memory_space<vmem>>, vector<16xf32>,
        tpu.vector_store %arg13[%swap3A_551, %swap3A_552], %mul3A_550 {strides = array<i32>} : memref<80x128xf32, #tpu.memory_space<vmem>>, vector<16xf32>,
        %get3A_554 = arith.index_cast %add3A_513 : i32 to index
        %get3A_555 = arith.constant 64 : index
        %get3A_556 = tpu.vector_load %arg13[%get3A_554, %get3A_555] {strides = array<i32>} : memref<80x128xf32, #tpu.memory_space<vmem>>, vector<16xf32>,
        %get3A_557 = arith.index_cast %add3A_513 : i32 to index
        %get3A_558 = arith.constant 64 : index
        %get3A_559 = tpu.vector_load %arg15[%get3A_557, %get3A_558] {strides = array<i32>} : memref<80x128xf32, #tpu.memory_space<vmem>>, vector<16xf32>,
        %mul3A_560 = arith.mulf %get3A_556, %get3A_559 : vector<16xf32>
        %swap3A_561 = arith.index_cast %add3A_513 : i32 to index
        %swap3A_562 = arith.constant 64 : index
        %swap3A_563 = tpu.vector_load %arg13[%swap3A_561, %swap3A_562] {strides = array<i32>} : memref<80x128xf32, #tpu.memory_space<vmem>>, vector<16xf32>,
        tpu.vector_store %arg13[%swap3A_561, %swap3A_562], %mul3A_560 {strides = array<i32>} : memref<80x128xf32, #tpu.memory_space<vmem>>, vector<16xf32>,
        %get3A_564 = arith.index_cast %add3A_513 : i32 to index
        %get3A_565 = arith.constant 80 : index
        %get3A_566 = tpu.vector_load %arg13[%get3A_564, %get3A_565] {strides = array<i32>} : memref<80x128xf32, #tpu.memory_space<vmem>>, vector<16xf32>,
        %get3A_567 = arith.index_cast %add3A_513 : i32 to index
        %get3A_568 = arith.constant 80 : index
        %get3A_569 = tpu.vector_load %arg15[%get3A_567, %get3A_568] {strides = array<i32>} : memref<80x128xf32, #tpu.memory_space<vmem>>, vector<16xf32>,
        %mul3A_570 = arith.mulf %get3A_566, %get3A_569 : vector<16xf32>
        %swap3A_571 = arith.index_cast %add3A_513 : i32 to index
        %swap3A_572 = arith.constant 80 : index
        %swap3A_573 = tpu.vector_load %arg13[%swap3A_571, %swap3A_572] {strides = array<i32>} : memref<80x128xf32, #tpu.memory_space<vmem>>, vector<16xf32>,
        tpu.vector_store %arg13[%swap3A_571, %swap3A_572], %mul3A_570 {strides = array<i32>} : memref<80x128xf32, #tpu.memory_space<vmem>>, vector<16xf32>,
        %get3A_574 = arith.index_cast %add3A_513 : i32 to index
        %get3A_575 = arith.constant 96 : index
        %get3A_576 = tpu.vector_load %arg13[%get3A_574, %get3A_575] {strides = array<i32>} : memref<80x128xf32, #tpu.memory_space<vmem>>, vector<16xf32>,
        %get3A_577 = arith.index_cast %add3A_513 : i32 to index
        %get3A_578 = arith.constant 96 : index
        %get3A_579 = tpu.vector_load %arg15[%get3A_577, %get3A_578] {strides = array<i32>} : memref<80x128xf32, #tpu.memory_space<vmem>>, vector<16xf32>,
        %mul3A_580 = arith.mulf %get3A_576, %get3A_579 : vector<16xf32>
        %swap3A_581 = arith.index_cast %add3A_513 : i32 to index
        %swap3A_582 = arith.constant 96 : index
        %swap3A_583 = tpu.vector_load %arg13[%swap3A_581, %swap3A_582] {strides = array<i32>} : memref<80x128xf32, #tpu.memory_space<vmem>>, vector<16xf32>,
        tpu.vector_store %arg13[%swap3A_581, %swap3A_582], %mul3A_580 {strides = array<i32>} : memref<80x128xf32, #tpu.memory_space<vmem>>, vector<16xf32>,
        %get3A_584 = arith.index_cast %add3A_513 : i32 to index
        %get3A_585 = arith.constant 112 : index
        %get3A_586 = tpu.vector_load %arg13[%get3A_584, %get3A_585] {strides = array<i32>} : memref<80x128xf32, #tpu.memory_space<vmem>>, vector<16xf32>,
        %get3A_587 = arith.index_cast %add3A_513 : i32 to index
        %get3A_588 = arith.constant 112 : index
        %get3A_589 = tpu.vector_load %arg15[%get3A_587, %get3A_588] {strides = array<i32>} : memref<80x128xf32, #tpu.memory_space<vmem>>, vector<16xf32>,
        %mul3A_590 = arith.mulf %get3A_586, %get3A_589 : vector<16xf32>
        %swap3A_591 = arith.index_cast %add3A_513 : i32 to index
        %swap3A_592 = arith.constant 112 : index
        %swap3A_593 = tpu.vector_load %arg13[%swap3A_591, %swap3A_592] {strides = array<i32>} : memref<80x128xf32, #tpu.memory_space<vmem>>, vector<16xf32>,
        tpu.vector_store %arg13[%swap3A_591, %swap3A_592], %mul3A_590 {strides = array<i32>} : memref<80x128xf32, #tpu.memory_space<vmem>>, vector<16xf32>,
        %mul3A_594 = arith.constant 4 : i32
        %mul3A_595 = arith.muli %mul3A_594, %scan3A_342 : i32
        %add3A_596 = arith.constant 3 : i32
        %add3A_597 = arith.addi %mul3A_595, %add3A_596 : i32
        %get3A_598 = arith.index_cast %add3A_597 : i32 to index
        %get3A_599 = arith.constant 0 : index
        %get3A_600 = tpu.vector_load %arg13[%get3A_598, %get3A_599] {strides = array<i32>} : memref<80x128xf32, #tpu.memory_space<vmem>>, vector<16xf32>,
        %get3A_601 = arith.index_cast %add3A_597 : i32 to index
        %get3A_602 = arith.constant 0 : index
        %get3A_603 = tpu.vector_load %arg15[%get3A_601, %get3A_602] {strides = array<i32>} : memref<80x128xf32, #tpu.memory_space<vmem>>, vector<16xf32>,
        %mul3A_604 = arith.mulf %get3A_600, %get3A_603 : vector<16xf32>
        %swap3A_605 = arith.index_cast %add3A_597 : i32 to index
        %swap3A_606 = arith.constant 0 : index
        %swap3A_607 = tpu.vector_load %arg13[%swap3A_605, %swap3A_606] {strides = array<i32>} : memref<80x128xf32, #tpu.memory_space<vmem>>, vector<16xf32>,
        tpu.vector_store %arg13[%swap3A_605, %swap3A_606], %mul3A_604 {strides = array<i32>} : memref<80x128xf32, #tpu.memory_space<vmem>>, vector<16xf32>,
        %get3A_608 = arith.index_cast %add3A_597 : i32 to index
        %get3A_609 = arith.constant 16 : index
        %get3A_610 = tpu.vector_load %arg13[%get3A_608, %get3A_609] {strides = array<i32>} : memref<80x128xf32, #tpu.memory_space<vmem>>, vector<16xf32>,
        %get3A_611 = arith.index_cast %add3A_597 : i32 to index
        %get3A_612 = arith.constant 16 : index
        %get3A_613 = tpu.vector_load %arg15[%get3A_611, %get3A_612] {strides = array<i32>} : memref<80x128xf32, #tpu.memory_space<vmem>>, vector<16xf32>,
        %mul3A_614 = arith.mulf %get3A_610, %get3A_613 : vector<16xf32>
        %swap3A_615 = arith.index_cast %add3A_597 : i32 to index
        %swap3A_616 = arith.constant 16 : index
        %swap3A_617 = tpu.vector_load %arg13[%swap3A_615, %swap3A_616] {strides = array<i32>} : memref<80x128xf32, #tpu.memory_space<vmem>>, vector<16xf32>,
        tpu.vector_store %arg13[%swap3A_615, %swap3A_616], %mul3A_614 {strides = array<i32>} : memref<80x128xf32, #tpu.memory_space<vmem>>, vector<16xf32>,
        %get3A_618 = arith.index_cast %add3A_597 : i32 to index
        %get3A_619 = arith.constant 32 : index
        %get3A_620 = tpu.vector_load %arg13[%get3A_618, %get3A_619] {strides = array<i32>} : memref<80x128xf32, #tpu.memory_space<vmem>>, vector<16xf32>,
        %get3A_621 = arith.index_cast %add3A_597 : i32 to index
        %get3A_622 = arith.constant 32 : index
        %get3A_623 = tpu.vector_load %arg15[%get3A_621, %get3A_622] {strides = array<i32>} : memref<80x128xf32, #tpu.memory_space<vmem>>, vector<16xf32>,
        %mul3A_624 = arith.mulf %get3A_620, %get3A_623 : vector<16xf32>
        %swap3A_625 = arith.index_cast %add3A_597 : i32 to index
        %swap3A_626 = arith.constant 32 : index
        %swap3A_627 = tpu.vector_load %arg13[%swap3A_625, %swap3A_626] {strides = array<i32>} : memref<80x128xf32, #tpu.memory_space<vmem>>, vector<16xf32>,
        tpu.vector_store %arg13[%swap3A_625, %swap3A_626], %mul3A_624 {strides = array<i32>} : memref<80x128xf32, #tpu.memory_space<vmem>>, vector<16xf32>,
        %get3A_628 = arith.index_cast %add3A_597 : i32 to index
        %get3A_629 = arith.constant 48 : index
        %get3A_630 = tpu.vector_load %arg13[%get3A_628, %get3A_629] {strides = array<i32>} : memref<80x128xf32, #tpu.memory_space<vmem>>, vector<16xf32>,
        %get3A_631 = arith.index_cast %add3A_597 : i32 to index
        %get3A_632 = arith.constant 48 : index
        %get3A_633 = tpu.vector_load %arg15[%get3A_631, %get3A_632] {strides = array<i32>} : memref<80x128xf32, #tpu.memory_space<vmem>>, vector<16xf32>,
        %mul3A_634 = arith.mulf %get3A_630, %get3A_633 : vector<16xf32>
        %swap3A_635 = arith.index_cast %add3A_597 : i32 to index
        %swap3A_636 = arith.constant 48 : index
        %swap3A_637 = tpu.vector_load %arg13[%swap3A_635, %swap3A_636] {strides = array<i32>} : memref<80x128xf32, #tpu.memory_space<vmem>>, vector<16xf32>,
        tpu.vector_store %arg13[%swap3A_635, %swap3A_636], %mul3A_634 {strides = array<i32>} : memref<80x128xf32, #tpu.memory_space<vmem>>, vector<16xf32>,
        %get3A_638 = arith.index_cast %add3A_597 : i32 to index
        %get3A_639 = arith.constant 64 : index
        %get3A_640 = tpu.vector_load %arg13[%get3A_638, %get3A_639] {strides = array<i32>} : memref<80x128xf32, #tpu.memory_space<vmem>>, vector<16xf32>,
        %get3A_641 = arith.index_cast %add3A_597 : i32 to index
        %get3A_642 = arith.constant 64 : index
        %get3A_643 = tpu.vector_load %arg15[%get3A_641, %get3A_642] {strides = array<i32>} : memref<80x128xf32, #tpu.memory_space<vmem>>, vector<16xf32>,
        %mul3A_644 = arith.mulf %get3A_640, %get3A_643 : vector<16xf32>
        %swap3A_645 = arith.index_cast %add3A_597 : i32 to index
        %swap3A_646 = arith.constant 64 : index
        %swap3A_647 = tpu.vector_load %arg13[%swap3A_645, %swap3A_646] {strides = array<i32>} : memref<80x128xf32, #tpu.memory_space<vmem>>, vector<16xf32>,
        tpu.vector_store %arg13[%swap3A_645, %swap3A_646], %mul3A_644 {strides = array<i32>} : memref<80x128xf32, #tpu.memory_space<vmem>>, vector<16xf32>,
        %get3A_648 = arith.index_cast %add3A_597 : i32 to index
        %get3A_649 = arith.constant 80 : index
        %get3A_650 = tpu.vector_load %arg13[%get3A_648, %get3A_649] {strides = array<i32>} : memref<80x128xf32, #tpu.memory_space<vmem>>, vector<16xf32>,
        %get3A_651 = arith.index_cast %add3A_597 : i32 to index
        %get3A_652 = arith.constant 80 : index
        %get3A_653 = tpu.vector_load %arg15[%get3A_651, %get3A_652] {strides = array<i32>} : memref<80x128xf32, #tpu.memory_space<vmem>>, vector<16xf32>,
        %mul3A_654 = arith.mulf %get3A_650, %get3A_653 : vector<16xf32>
        %swap3A_655 = arith.index_cast %add3A_597 : i32 to index
        %swap3A_656 = arith.constant 80 : index
        %swap3A_657 = tpu.vector_load %arg13[%swap3A_655, %swap3A_656] {strides = array<i32>} : memref<80x128xf32, #tpu.memory_space<vmem>>, vector<16xf32>,
        tpu.vector_store %arg13[%swap3A_655, %swap3A_656], %mul3A_654 {strides = array<i32>} : memref<80x128xf32, #tpu.memory_space<vmem>>, vector<16xf32>,
        %get3A_658 = arith.index_cast %add3A_597 : i32 to index
        %get3A_659 = arith.constant 96 : index
        %get3A_660 = tpu.vector_load %arg13[%get3A_658, %get3A_659] {strides = array<i32>} : memref<80x128xf32, #tpu.memory_space<vmem>>, vector<16xf32>,
        %get3A_661 = arith.index_cast %add3A_597 : i32 to index
        %get3A_662 = arith.constant 96 : index
        %get3A_663 = tpu.vector_load %arg15[%get3A_661, %get3A_662] {strides = array<i32>} : memref<80x128xf32, #tpu.memory_space<vmem>>, vector<16xf32>,
        %mul3A_664 = arith.mulf %get3A_660, %get3A_663 : vector<16xf32>
        %swap3A_665 = arith.index_cast %add3A_597 : i32 to index
        %swap3A_666 = arith.constant 96 : index
        %swap3A_667 = tpu.vector_load %arg13[%swap3A_665, %swap3A_666] {strides = array<i32>} : memref<80x128xf32, #tpu.memory_space<vmem>>, vector<16xf32>,
        tpu.vector_store %arg13[%swap3A_665, %swap3A_666], %mul3A_664 {strides = array<i32>} : memref<80x128xf32, #tpu.memory_space<vmem>>, vector<16xf32>,
        %get3A_668 = arith.index_cast %add3A_597 : i32 to index
        %get3A_669 = arith.constant 112 : index
        %get3A_670 = tpu.vector_load %arg13[%get3A_668, %get3A_669] {strides = array<i32>} : memref<80x128xf32, #tpu.memory_space<vmem>>, vector<16xf32>,
        %get3A_671 = arith.index_cast %add3A_597 : i32 to index
        %get3A_672 = arith.constant 112 : index
        %get3A_673 = tpu.vector_load %arg15[%get3A_671, %get3A_672] {strides = array<i32>} : memref<80x128xf32, #tpu.memory_space<vmem>>, vector<16xf32>,
        %mul3A_674 = arith.mulf %get3A_670, %get3A_673 : vector<16xf32>
        %swap3A_675 = arith.index_cast %add3A_597 : i32 to index
        %swap3A_676 = arith.constant 112 : index
        %swap3A_677 = tpu.vector_load %arg13[%swap3A_675, %swap3A_676] {strides = array<i32>} : memref<80x128xf32, #tpu.memory_space<vmem>>, vector<16xf32>,
        tpu.vector_store %arg13[%swap3A_675, %swap3A_676], %mul3A_674 {strides = array<i32>} : memref<80x128xf32, #tpu.memory_space<vmem>>, vector<16xf32>,
        %scan3A_678 = arith.constant 0 : i32
        scf.yield %scan3A_678 : i32
      }
      %scan3A_152 = arith.constant 20 : i32
      %dma_start3A_153 = arith.constant 0 : i32
      %dma_start3A_154 = arith.constant 0 : i32
      %dma_start3A_155 = tpu.memref_slice %arg17[%dma_start3A_153, %dma_start3A_154] : memref<10240x128xf32, #tpu.memory_space<vmem_shared>> -> memref<10240x128xf32, #tpu.memory_space<vmem_shared>>
      tpu.enqueue_indirect_dma source(%arg13 : memref<80x128xf32, #tpu.memory_space<vmem>>) target(%dma_start3A_155 : memref<10240x128xf32, #tpu.memory_space<vmem_shared>>) offsets(%arg9 : memref<80xi32, #tpu.memory_space<vmem>>) semaphore(%arg20 : memref<!tpu.dma_semaphore, #tpu.memory_space<semaphore_mem>>) {add = true}
      %dma_wait3A_156 = arith.constant 0 : i32
      %dma_wait3A_157 = arith.constant 0 : i32
      %dma_wait3A_158 = tpu.memref_slice %arg2[%dma_wait3A_156, %dma_wait3A_157] : memref<10000x128xf32, #tpu.memory_space<hbm>> -> memref<10000x128xf32, #tpu.memory_space<hbm>>
      tpu.wait_indirect_dma semaphore(%arg18 : memref<!tpu.dma_semaphore, #tpu.memory_space<semaphore_mem>>) src(%dma_wait3A_158 : memref<10000x128xf32, #tpu.memory_space<hbm>>) dst(%arg14 : memref<80x128xf32, #tpu.memory_space<vmem>>)
      %dma_wait3A_159 = arith.constant 0 : i32
      %dma_wait3A_160 = tpu.memref_slice %arg3[%add3A_124, %dma_wait3A_159] : memref<320000x128xf32, #tpu.memory_space<hbm>> -> memref<80x128xf32, #tpu.memory_space<hbm>>
      %dma_wait3A_161 = arith.constant 0 : i32
      %dma_wait3A_162 = tpu.memref_slice %arg3[%add3A_124, %dma_wait3A_161] : memref<320000x128xf32, #tpu.memory_space<hbm>> -> memref<80x128xf32, #tpu.memory_space<hbm>>
      tpu.wait_dma2 semaphore(%arg18 : memref<!tpu.dma_semaphore, #tpu.memory_space<semaphore_mem>>) src(%dma_wait3A_162 : memref<80x128xf32, #tpu.memory_space<hbm>>) dst(%arg16 : memref<80x128xf32, #tpu.memory_space<vmem>>)
      %dma_wait3A_163 = tpu.memref_slice %arg4[%add3A_138] : memref<320000xi32, #tpu.memory_space<hbm>> -> memref<80xi32, #tpu.memory_space<hbm>>
      %dma_wait3A_164 = tpu.memref_slice %arg4[%add3A_138] : memref<320000xi32, #tpu.memory_space<hbm>> -> memref<80xi32, #tpu.memory_space<hbm>>
      tpu.wait_dma2 semaphore(%arg19 : memref<!tpu.dma_semaphore, #tpu.memory_space<semaphore_mem>>) src(%dma_wait3A_164 : memref<80xi32, #tpu.memory_space<hbm>>) dst(%arg7 : memref<80xi32, #tpu.memory_space<vmem>>)
      %dma_wait3A_165 = tpu.memref_slice %arg5[%add3A_143] : memref<320000xi32, #tpu.memory_space<hbm>> -> memref<80xi32, #tpu.memory_space<hbm>>
      %dma_wait3A_166 = tpu.memref_slice %arg5[%add3A_143] : memref<320000xi32, #tpu.memory_space<hbm>> -> memref<80xi32, #tpu.memory_space<hbm>>
      tpu.wait_dma2 semaphore(%arg19 : memref<!tpu.dma_semaphore, #tpu.memory_space<semaphore_mem>>) src(%dma_wait3A_166 : memref<80xi32, #tpu.memory_space<hbm>>) dst(%arg12 : memref<80xi32, #tpu.memory_space<vmem>>)
      %mul3A_167 = arith.constant 4 : i32
      %mul3A_168 = arith.muli %mul3A_167, %scan3A_108 : i32
      %add3A_169 = arith.constant 1 : i32
      %add3A_170 = arith.addi %mul3A_168, %add3A_169 : i32
      %dma_wait3A_171 = arith.constant 0 : i32
      %dma_wait3A_172 = arith.constant 0 : i32
      %dma_wait3A_173 = tpu.memref_slice %arg17[%dma_wait3A_171, %dma_wait3A_172] : memref<10240x128xf32, #tpu.memory_space<vmem_shared>> -> memref<10240x128xf32, #tpu.memory_space<vmem_shared>>
      tpu.wait_indirect_dma semaphore(%arg20 : memref<!tpu.dma_semaphore, #tpu.memory_space<semaphore_mem>>) src(%arg13 : memref<80x128xf32, #tpu.memory_space<vmem>>) dst(%dma_wait3A_173 : memref<10240x128xf32, #tpu.memory_space<vmem_shared>>)
      %dma_start3A_174 = arith.constant 0 : i32
      %dma_start3A_175 = arith.constant 0 : i32
      %dma_start3A_176 = tpu.memref_slice %arg2[%dma_start3A_174, %dma_start3A_175] : memref<10000x128xf32, #tpu.memory_space<hbm>> -> memref<10000x128xf32, #tpu.memory_space<hbm>>
      tpu.enqueue_indirect_dma source(%dma_start3A_176 : memref<10000x128xf32, #tpu.memory_space<hbm>>) target(%arg13 : memref<80x128xf32, #tpu.memory_space<vmem>>) offsets(%arg7 : memref<80xi32, #tpu.memory_space<vmem>>) semaphore(%arg18 : memref<!tpu.dma_semaphore, #tpu.memory_space<semaphore_mem>>)
      %add3A_177 = arith.constant 1 : i32
      %add3A_178 = arith.addi %add3A_170, %add3A_177 : i32
      %mul3A_179 = arith.constant 80 : i32
      %mul3A_180 = arith.muli %add3A_178, %mul3A_179 : i32
      %add3A_181 = arith.addi %mul3A_2, %mul3A_180 : i32
      %dma_start3A_182 = arith.constant 0 : i32
      %dma_start3A_183 = tpu.memref_slice %arg3[%add3A_181, %dma_start3A_182] : memref<320000x128xf32, #tpu.memory_space<hbm>> -> memref<80x128xf32, #tpu.memory_space<hbm>>
      %dma_start3A_184 = arith.constant 0 : i32
      %dma_start3A_185 = tpu.memref_slice %arg3[%add3A_181, %dma_start3A_184] : memref<320000x128xf32, #tpu.memory_space<hbm>> -> memref<80x128xf32, #tpu.memory_space<hbm>>
      tpu.enqueue_dma source(%dma_start3A_185 : memref<80x128xf32, #tpu.memory_space<hbm>>) target(%arg15 : memref<80x128xf32, #tpu.memory_space<vmem>>) target_semaphore(%arg18 : memref<!tpu.dma_semaphore, #tpu.memory_space<semaphore_mem>>)
      %add3A_186 = arith.constant 2 : i32
      %add3A_187 = arith.addi %add3A_170, %add3A_186 : i32
      %min3A_188 = arith.constant 124 : i32
      %min3A_189 = arith.minsi %add3A_187, %min3A_188 : i32
      %add3A_190 = arith.constant 3 : i32
      %add3A_191 = arith.addi %add3A_170, %add3A_190 : i32
      %min3A_192 = arith.constant 124 : i32
      %min3A_193 = arith.minsi %add3A_191, %min3A_192 : i32
      %mul3A_194 = arith.constant 80 : i32
      %mul3A_195 = arith.muli %min3A_189, %mul3A_194 : i32
      %add3A_196 = arith.addi %mul3A_2, %mul3A_195 : i32
      %dma_start3A_197 = tpu.memref_slice %arg4[%add3A_196] : memref<320000xi32, #tpu.memory_space<hbm>> -> memref<80xi32, #tpu.memory_space<hbm>>
      %dma_start3A_198 = tpu.memref_slice %arg4[%add3A_196] : memref<320000xi32, #tpu.memory_space<hbm>> -> memref<80xi32, #tpu.memory_space<hbm>>
      tpu.enqueue_dma source(%dma_start3A_198 : memref<80xi32, #tpu.memory_space<hbm>>) target(%arg8 : memref<80xi32, #tpu.memory_space<vmem>>) target_semaphore(%arg19 : memref<!tpu.dma_semaphore, #tpu.memory_space<semaphore_mem>>)
      %mul3A_199 = arith.constant 80 : i32
      %mul3A_200 = arith.muli %min3A_193, %mul3A_199 : i32
      %add3A_201 = arith.addi %mul3A_2, %mul3A_200 : i32
      %dma_start3A_202 = tpu.memref_slice %arg5[%add3A_201] : memref<320000xi32, #tpu.memory_space<hbm>> -> memref<80xi32, #tpu.memory_space<hbm>>
      %dma_start3A_203 = tpu.memref_slice %arg5[%add3A_201] : memref<320000xi32, #tpu.memory_space<hbm>> -> memref<80xi32, #tpu.memory_space<hbm>>
      tpu.enqueue_dma source(%dma_start3A_203 : memref<80xi32, #tpu.memory_space<hbm>>) target(%arg9 : memref<80xi32, #tpu.memory_space<vmem>>) target_semaphore(%arg19 : memref<!tpu.dma_semaphore, #tpu.memory_space<semaphore_mem>>)
      %scan3A_204 = arith.constant 0 : i32
      %scan3A_205 = arith.constant 0 : i32
      %scan3A_206 = arith.constant 20 : i32
      %scan3A_207 = arith.addi %scan3A_205, %scan3A_206 : i32
      %scan3A_208 = arith.constant 1 : i32
      %scan3A_209 = scf.for %scan3A_342 = %scan3A_205 to %scan3A_207 step %scan3A_208 iter_args(%scan3A_343 = %scan3A_204) -> (i32)  : i32 {
        %mul3A_344 = arith.constant 4 : i32
        %mul3A_345 = arith.muli %mul3A_344, %scan3A_342 : i32
        %add3A_346 = arith.constant 0 : i32
        %add3A_347 = arith.addi %mul3A_345, %add3A_346 : i32
        %get3A = arith.index_cast %add3A_347 : i32 to index
        %get3A_348 = arith.constant 0 : index
        %get3A_349 = tpu.vector_load %arg14[%get3A, %get3A_348] {strides = array<i32>} : memref<80x128xf32, #tpu.memory_space<vmem>>, vector<16xf32>,
        %get3A_350 = arith.index_cast %add3A_347 : i32 to index
        %get3A_351 = arith.constant 0 : index
        %get3A_352 = tpu.vector_load %arg16[%get3A_350, %get3A_351] {strides = array<i32>} : memref<80x128xf32, #tpu.memory_space<vmem>>, vector<16xf32>,
        %mul3A_353 = arith.mulf %get3A_349, %get3A_352 : vector<16xf32>
        %swap3A = arith.index_cast %add3A_347 : i32 to index
        %swap3A_354 = arith.constant 0 : index
        %swap3A_355 = tpu.vector_load %arg14[%swap3A, %swap3A_354] {strides = array<i32>} : memref<80x128xf32, #tpu.memory_space<vmem>>, vector<16xf32>,
        tpu.vector_store %arg14[%swap3A, %swap3A_354], %mul3A_353 {strides = array<i32>} : memref<80x128xf32, #tpu.memory_space<vmem>>, vector<16xf32>,
        %get3A_356 = arith.index_cast %add3A_347 : i32 to index
        %get3A_357 = arith.constant 16 : index
        %get3A_358 = tpu.vector_load %arg14[%get3A_356, %get3A_357] {strides = array<i32>} : memref<80x128xf32, #tpu.memory_space<vmem>>, vector<16xf32>,
        %get3A_359 = arith.index_cast %add3A_347 : i32 to index
        %get3A_360 = arith.constant 16 : index
        %get3A_361 = tpu.vector_load %arg16[%get3A_359, %get3A_360] {strides = array<i32>} : memref<80x128xf32, #tpu.memory_space<vmem>>, vector<16xf32>,
        %mul3A_362 = arith.mulf %get3A_358, %get3A_361 : vector<16xf32>
        %swap3A_363 = arith.index_cast %add3A_347 : i32 to index
        %swap3A_364 = arith.constant 16 : index
        %swap3A_365 = tpu.vector_load %arg14[%swap3A_363, %swap3A_364] {strides = array<i32>} : memref<80x128xf32, #tpu.memory_space<vmem>>, vector<16xf32>,
        tpu.vector_store %arg14[%swap3A_363, %swap3A_364], %mul3A_362 {strides = array<i32>} : memref<80x128xf32, #tpu.memory_space<vmem>>, vector<16xf32>,
        %get3A_366 = arith.index_cast %add3A_347 : i32 to index
        %get3A_367 = arith.constant 32 : index
        %get3A_368 = tpu.vector_load %arg14[%get3A_366, %get3A_367] {strides = array<i32>} : memref<80x128xf32, #tpu.memory_space<vmem>>, vector<16xf32>,
        %get3A_369 = arith.index_cast %add3A_347 : i32 to index
        %get3A_370 = arith.constant 32 : index
        %get3A_371 = tpu.vector_load %arg16[%get3A_369, %get3A_370] {strides = array<i32>} : memref<80x128xf32, #tpu.memory_space<vmem>>, vector<16xf32>,
        %mul3A_372 = arith.mulf %get3A_368, %get3A_371 : vector<16xf32>
        %swap3A_373 = arith.index_cast %add3A_347 : i32 to index
        %swap3A_374 = arith.constant 32 : index
        %swap3A_375 = tpu.vector_load %arg14[%swap3A_373, %swap3A_374] {strides = array<i32>} : memref<80x128xf32, #tpu.memory_space<vmem>>, vector<16xf32>,
        tpu.vector_store %arg14[%swap3A_373, %swap3A_374], %mul3A_372 {strides = array<i32>} : memref<80x128xf32, #tpu.memory_space<vmem>>, vector<16xf32>,
        %get3A_376 = arith.index_cast %add3A_347 : i32 to index
        %get3A_377 = arith.constant 48 : index
        %get3A_378 = tpu.vector_load %arg14[%get3A_376, %get3A_377] {strides = array<i32>} : memref<80x128xf32, #tpu.memory_space<vmem>>, vector<16xf32>,
        %get3A_379 = arith.index_cast %add3A_347 : i32 to index
        %get3A_380 = arith.constant 48 : index
        %get3A_381 = tpu.vector_load %arg16[%get3A_379, %get3A_380] {strides = array<i32>} : memref<80x128xf32, #tpu.memory_space<vmem>>, vector<16xf32>,
        %mul3A_382 = arith.mulf %get3A_378, %get3A_381 : vector<16xf32>
        %swap3A_383 = arith.index_cast %add3A_347 : i32 to index
        %swap3A_384 = arith.constant 48 : index
        %swap3A_385 = tpu.vector_load %arg14[%swap3A_383, %swap3A_384] {strides = array<i32>} : memref<80x128xf32, #tpu.memory_space<vmem>>, vector<16xf32>,
        tpu.vector_store %arg14[%swap3A_383, %swap3A_384], %mul3A_382 {strides = array<i32>} : memref<80x128xf32, #tpu.memory_space<vmem>>, vector<16xf32>,
        %get3A_386 = arith.index_cast %add3A_347 : i32 to index
        %get3A_387 = arith.constant 64 : index
        %get3A_388 = tpu.vector_load %arg14[%get3A_386, %get3A_387] {strides = array<i32>} : memref<80x128xf32, #tpu.memory_space<vmem>>, vector<16xf32>,
        %get3A_389 = arith.index_cast %add3A_347 : i32 to index
        %get3A_390 = arith.constant 64 : index
        %get3A_391 = tpu.vector_load %arg16[%get3A_389, %get3A_390] {strides = array<i32>} : memref<80x128xf32, #tpu.memory_space<vmem>>, vector<16xf32>,
        %mul3A_392 = arith.mulf %get3A_388, %get3A_391 : vector<16xf32>
        %swap3A_393 = arith.index_cast %add3A_347 : i32 to index
        %swap3A_394 = arith.constant 64 : index
        %swap3A_395 = tpu.vector_load %arg14[%swap3A_393, %swap3A_394] {strides = array<i32>} : memref<80x128xf32, #tpu.memory_space<vmem>>, vector<16xf32>,
        tpu.vector_store %arg14[%swap3A_393, %swap3A_394], %mul3A_392 {strides = array<i32>} : memref<80x128xf32, #tpu.memory_space<vmem>>, vector<16xf32>,
        %get3A_396 = arith.index_cast %add3A_347 : i32 to index
        %get3A_397 = arith.constant 80 : index
        %get3A_398 = tpu.vector_load %arg14[%get3A_396, %get3A_397] {strides = array<i32>} : memref<80x128xf32, #tpu.memory_space<vmem>>, vector<16xf32>,
        %get3A_399 = arith.index_cast %add3A_347 : i32 to index
        %get3A_400 = arith.constant 80 : index
        %get3A_401 = tpu.vector_load %arg16[%get3A_399, %get3A_400] {strides = array<i32>} : memref<80x128xf32, #tpu.memory_space<vmem>>, vector<16xf32>,
        %mul3A_402 = arith.mulf %get3A_398, %get3A_401 : vector<16xf32>
        %swap3A_403 = arith.index_cast %add3A_347 : i32 to index
        %swap3A_404 = arith.constant 80 : index
        %swap3A_405 = tpu.vector_load %arg14[%swap3A_403, %swap3A_404] {strides = array<i32>} : memref<80x128xf32, #tpu.memory_space<vmem>>, vector<16xf32>,
        tpu.vector_store %arg14[%swap3A_403, %swap3A_404], %mul3A_402 {strides = array<i32>} : memref<80x128xf32, #tpu.memory_space<vmem>>, vector<16xf32>,
        %get3A_406 = arith.index_cast %add3A_347 : i32 to index
        %get3A_407 = arith.constant 96 : index
        %get3A_408 = tpu.vector_load %arg14[%get3A_406, %get3A_407] {strides = array<i32>} : memref<80x128xf32, #tpu.memory_space<vmem>>, vector<16xf32>,
        %get3A_409 = arith.index_cast %add3A_347 : i32 to index
        %get3A_410 = arith.constant 96 : index
        %get3A_411 = tpu.vector_load %arg16[%get3A_409, %get3A_410] {strides = array<i32>} : memref<80x128xf32, #tpu.memory_space<vmem>>, vector<16xf32>,
        %mul3A_412 = arith.mulf %get3A_408, %get3A_411 : vector<16xf32>
        %swap3A_413 = arith.index_cast %add3A_347 : i32 to index
        %swap3A_414 = arith.constant 96 : index
        %swap3A_415 = tpu.vector_load %arg14[%swap3A_413, %swap3A_414] {strides = array<i32>} : memref<80x128xf32, #tpu.memory_space<vmem>>, vector<16xf32>,
        tpu.vector_store %arg14[%swap3A_413, %swap3A_414], %mul3A_412 {strides = array<i32>} : memref<80x128xf32, #tpu.memory_space<vmem>>, vector<16xf32>,
        %get3A_416 = arith.index_cast %add3A_347 : i32 to index
        %get3A_417 = arith.constant 112 : index
        %get3A_418 = tpu.vector_load %arg14[%get3A_416, %get3A_417] {strides = array<i32>} : memref<80x128xf32, #tpu.memory_space<vmem>>, vector<16xf32>,
        %get3A_419 = arith.index_cast %add3A_347 : i32 to index
        %get3A_420 = arith.constant 112 : index
        %get3A_421 = tpu.vector_load %arg16[%get3A_419, %get3A_420] {strides = array<i32>} : memref<80x128xf32, #tpu.memory_space<vmem>>, vector<16xf32>,
        %mul3A_422 = arith.mulf %get3A_418, %get3A_421 : vector<16xf32>
        %swap3A_423 = arith.index_cast %add3A_347 : i32 to index
        %swap3A_424 = arith.constant 112 : index
        %swap3A_425 = tpu.vector_load %arg14[%swap3A_423, %swap3A_424] {strides = array<i32>} : memref<80x128xf32, #tpu.memory_space<vmem>>, vector<16xf32>,
        tpu.vector_store %arg14[%swap3A_423, %swap3A_424], %mul3A_422 {strides = array<i32>} : memref<80x128xf32, #tpu.memory_space<vmem>>, vector<16xf32>,
        %mul3A_426 = arith.constant 4 : i32
        %mul3A_427 = arith.muli %mul3A_426, %scan3A_342 : i32
        %add3A_428 = arith.constant 1 : i32
        %add3A_429 = arith.addi %mul3A_427, %add3A_428 : i32
        %get3A_430 = arith.index_cast %add3A_429 : i32 to index
        %get3A_431 = arith.constant 0 : index
        %get3A_432 = tpu.vector_load %arg14[%get3A_430, %get3A_431] {strides = array<i32>} : memref<80x128xf32, #tpu.memory_space<vmem>>, vector<16xf32>,
        %get3A_433 = arith.index_cast %add3A_429 : i32 to index
        %get3A_434 = arith.constant 0 : index
        %get3A_435 = tpu.vector_load %arg16[%get3A_433, %get3A_434] {strides = array<i32>} : memref<80x128xf32, #tpu.memory_space<vmem>>, vector<16xf32>,
        %mul3A_436 = arith.mulf %get3A_432, %get3A_435 : vector<16xf32>
        %swap3A_437 = arith.index_cast %add3A_429 : i32 to index
        %swap3A_438 = arith.constant 0 : index
        %swap3A_439 = tpu.vector_load %arg14[%swap3A_437, %swap3A_438] {strides = array<i32>} : memref<80x128xf32, #tpu.memory_space<vmem>>, vector<16xf32>,
        tpu.vector_store %arg14[%swap3A_437, %swap3A_438], %mul3A_436 {strides = array<i32>} : memref<80x128xf32, #tpu.memory_space<vmem>>, vector<16xf32>,
        %get3A_440 = arith.index_cast %add3A_429 : i32 to index
        %get3A_441 = arith.constant 16 : index
        %get3A_442 = tpu.vector_load %arg14[%get3A_440, %get3A_441] {strides = array<i32>} : memref<80x128xf32, #tpu.memory_space<vmem>>, vector<16xf32>,
        %get3A_443 = arith.index_cast %add3A_429 : i32 to index
        %get3A_444 = arith.constant 16 : index
        %get3A_445 = tpu.vector_load %arg16[%get3A_443, %get3A_444] {strides = array<i32>} : memref<80x128xf32, #tpu.memory_space<vmem>>, vector<16xf32>,
        %mul3A_446 = arith.mulf %get3A_442, %get3A_445 : vector<16xf32>
        %swap3A_447 = arith.index_cast %add3A_429 : i32 to index
        %swap3A_448 = arith.constant 16 : index
        %swap3A_449 = tpu.vector_load %arg14[%swap3A_447, %swap3A_448] {strides = array<i32>} : memref<80x128xf32, #tpu.memory_space<vmem>>, vector<16xf32>,
        tpu.vector_store %arg14[%swap3A_447, %swap3A_448], %mul3A_446 {strides = array<i32>} : memref<80x128xf32, #tpu.memory_space<vmem>>, vector<16xf32>,
        %get3A_450 = arith.index_cast %add3A_429 : i32 to index
        %get3A_451 = arith.constant 32 : index
        %get3A_452 = tpu.vector_load %arg14[%get3A_450, %get3A_451] {strides = array<i32>} : memref<80x128xf32, #tpu.memory_space<vmem>>, vector<16xf32>,
        %get3A_453 = arith.index_cast %add3A_429 : i32 to index
        %get3A_454 = arith.constant 32 : index
        %get3A_455 = tpu.vector_load %arg16[%get3A_453, %get3A_454] {strides = array<i32>} : memref<80x128xf32, #tpu.memory_space<vmem>>, vector<16xf32>,
        %mul3A_456 = arith.mulf %get3A_452, %get3A_455 : vector<16xf32>
        %swap3A_457 = arith.index_cast %add3A_429 : i32 to index
        %swap3A_458 = arith.constant 32 : index
        %swap3A_459 = tpu.vector_load %arg14[%swap3A_457, %swap3A_458] {strides = array<i32>} : memref<80x128xf32, #tpu.memory_space<vmem>>, vector<16xf32>,
        tpu.vector_store %arg14[%swap3A_457, %swap3A_458], %mul3A_456 {strides = array<i32>} : memref<80x128xf32, #tpu.memory_space<vmem>>, vector<16xf32>,
        %get3A_460 = arith.index_cast %add3A_429 : i32 to index
        %get3A_461 = arith.constant 48 : index
        %get3A_462 = tpu.vector_load %arg14[%get3A_460, %get3A_461] {strides = array<i32>} : memref<80x128xf32, #tpu.memory_space<vmem>>, vector<16xf32>,
        %get3A_463 = arith.index_cast %add3A_429 : i32 to index
        %get3A_464 = arith.constant 48 : index
        %get3A_465 = tpu.vector_load %arg16[%get3A_463, %get3A_464] {strides = array<i32>} : memref<80x128xf32, #tpu.memory_space<vmem>>, vector<16xf32>,
        %mul3A_466 = arith.mulf %get3A_462, %get3A_465 : vector<16xf32>
        %swap3A_467 = arith.index_cast %add3A_429 : i32 to index
        %swap3A_468 = arith.constant 48 : index
        %swap3A_469 = tpu.vector_load %arg14[%swap3A_467, %swap3A_468] {strides = array<i32>} : memref<80x128xf32, #tpu.memory_space<vmem>>, vector<16xf32>,
        tpu.vector_store %arg14[%swap3A_467, %swap3A_468], %mul3A_466 {strides = array<i32>} : memref<80x128xf32, #tpu.memory_space<vmem>>, vector<16xf32>,
        %get3A_470 = arith.index_cast %add3A_429 : i32 to index
        %get3A_471 = arith.constant 64 : index
        %get3A_472 = tpu.vector_load %arg14[%get3A_470, %get3A_471] {strides = array<i32>} : memref<80x128xf32, #tpu.memory_space<vmem>>, vector<16xf32>,
        %get3A_473 = arith.index_cast %add3A_429 : i32 to index
        %get3A_474 = arith.constant 64 : index
        %get3A_475 = tpu.vector_load %arg16[%get3A_473, %get3A_474] {strides = array<i32>} : memref<80x128xf32, #tpu.memory_space<vmem>>, vector<16xf32>,
        %mul3A_476 = arith.mulf %get3A_472, %get3A_475 : vector<16xf32>
        %swap3A_477 = arith.index_cast %add3A_429 : i32 to index
        %swap3A_478 = arith.constant 64 : index
        %swap3A_479 = tpu.vector_load %arg14[%swap3A_477, %swap3A_478] {strides = array<i32>} : memref<80x128xf32, #tpu.memory_space<vmem>>, vector<16xf32>,
        tpu.vector_store %arg14[%swap3A_477, %swap3A_478], %mul3A_476 {strides = array<i32>} : memref<80x128xf32, #tpu.memory_space<vmem>>, vector<16xf32>,
        %get3A_480 = arith.index_cast %add3A_429 : i32 to index
        %get3A_481 = arith.constant 80 : index
        %get3A_482 = tpu.vector_load %arg14[%get3A_480, %get3A_481] {strides = array<i32>} : memref<80x128xf32, #tpu.memory_space<vmem>>, vector<16xf32>,
        %get3A_483 = arith.index_cast %add3A_429 : i32 to index
        %get3A_484 = arith.constant 80 : index
        %get3A_485 = tpu.vector_load %arg16[%get3A_483, %get3A_484] {strides = array<i32>} : memref<80x128xf32, #tpu.memory_space<vmem>>, vector<16xf32>,
        %mul3A_486 = arith.mulf %get3A_482, %get3A_485 : vector<16xf32>
        %swap3A_487 = arith.index_cast %add3A_429 : i32 to index
        %swap3A_488 = arith.constant 80 : index
        %swap3A_489 = tpu.vector_load %arg14[%swap3A_487, %swap3A_488] {strides = array<i32>} : memref<80x128xf32, #tpu.memory_space<vmem>>, vector<16xf32>,
        tpu.vector_store %arg14[%swap3A_487, %swap3A_488], %mul3A_486 {strides = array<i32>} : memref<80x128xf32, #tpu.memory_space<vmem>>, vector<16xf32>,
        %get3A_490 = arith.index_cast %add3A_429 : i32 to index
        %get3A_491 = arith.constant 96 : index
        %get3A_492 = tpu.vector_load %arg14[%get3A_490, %get3A_491] {strides = array<i32>} : memref<80x128xf32, #tpu.memory_space<vmem>>, vector<16xf32>,
        %get3A_493 = arith.index_cast %add3A_429 : i32 to index
        %get3A_494 = arith.constant 96 : index
        %get3A_495 = tpu.vector_load %arg16[%get3A_493, %get3A_494] {strides = array<i32>} : memref<80x128xf32, #tpu.memory_space<vmem>>, vector<16xf32>,
        %mul3A_496 = arith.mulf %get3A_492, %get3A_495 : vector<16xf32>
        %swap3A_497 = arith.index_cast %add3A_429 : i32 to index
        %swap3A_498 = arith.constant 96 : index
        %swap3A_499 = tpu.vector_load %arg14[%swap3A_497, %swap3A_498] {strides = array<i32>} : memref<80x128xf32, #tpu.memory_space<vmem>>, vector<16xf32>,
        tpu.vector_store %arg14[%swap3A_497, %swap3A_498], %mul3A_496 {strides = array<i32>} : memref<80x128xf32, #tpu.memory_space<vmem>>, vector<16xf32>,
        %get3A_500 = arith.index_cast %add3A_429 : i32 to index
        %get3A_501 = arith.constant 112 : index
        %get3A_502 = tpu.vector_load %arg14[%get3A_500, %get3A_501] {strides = array<i32>} : memref<80x128xf32, #tpu.memory_space<vmem>>, vector<16xf32>,
        %get3A_503 = arith.index_cast %add3A_429 : i32 to index
        %get3A_504 = arith.constant 112 : index
        %get3A_505 = tpu.vector_load %arg16[%get3A_503, %get3A_504] {strides = array<i32>} : memref<80x128xf32, #tpu.memory_space<vmem>>, vector<16xf32>,
        %mul3A_506 = arith.mulf %get3A_502, %get3A_505 : vector<16xf32>
        %swap3A_507 = arith.index_cast %add3A_429 : i32 to index
        %swap3A_508 = arith.constant 112 : index
        %swap3A_509 = tpu.vector_load %arg14[%swap3A_507, %swap3A_508] {strides = array<i32>} : memref<80x128xf32, #tpu.memory_space<vmem>>, vector<16xf32>,
        tpu.vector_store %arg14[%swap3A_507, %swap3A_508], %mul3A_506 {strides = array<i32>} : memref<80x128xf32, #tpu.memory_space<vmem>>, vector<16xf32>,
        %mul3A_510 = arith.constant 4 : i32
        %mul3A_511 = arith.muli %mul3A_510, %scan3A_342 : i32
        %add3A_512 = arith.constant 2 : i32
        %add3A_513 = arith.addi %mul3A_511, %add3A_512 : i32
        %get3A_514 = arith.index_cast %add3A_513 : i32 to index
        %get3A_515 = arith.constant 0 : index
        %get3A_516 = tpu.vector_load %arg14[%get3A_514, %get3A_515] {strides = array<i32>} : memref<80x128xf32, #tpu.memory_space<vmem>>, vector<16xf32>,
        %get3A_517 = arith.index_cast %add3A_513 : i32 to index
        %get3A_518 = arith.constant 0 : index
        %get3A_519 = tpu.vector_load %arg16[%get3A_517, %get3A_518] {strides = array<i32>} : memref<80x128xf32, #tpu.memory_space<vmem>>, vector<16xf32>,
        %mul3A_520 = arith.mulf %get3A_516, %get3A_519 : vector<16xf32>
        %swap3A_521 = arith.index_cast %add3A_513 : i32 to index
        %swap3A_522 = arith.constant 0 : index
        %swap3A_523 = tpu.vector_load %arg14[%swap3A_521, %swap3A_522] {strides = array<i32>} : memref<80x128xf32, #tpu.memory_space<vmem>>, vector<16xf32>,
        tpu.vector_store %arg14[%swap3A_521, %swap3A_522], %mul3A_520 {strides = array<i32>} : memref<80x128xf32, #tpu.memory_space<vmem>>, vector<16xf32>,
        %get3A_524 = arith.index_cast %add3A_513 : i32 to index
        %get3A_525 = arith.constant 16 : index
        %get3A_526 = tpu.vector_load %arg14[%get3A_524, %get3A_525] {strides = array<i32>} : memref<80x128xf32, #tpu.memory_space<vmem>>, vector<16xf32>,
        %get3A_527 = arith.index_cast %add3A_513 : i32 to index
        %get3A_528 = arith.constant 16 : index
        %get3A_529 = tpu.vector_load %arg16[%get3A_527, %get3A_528] {strides = array<i32>} : memref<80x128xf32, #tpu.memory_space<vmem>>, vector<16xf32>,
        %mul3A_530 = arith.mulf %get3A_526, %get3A_529 : vector<16xf32>
        %swap3A_531 = arith.index_cast %add3A_513 : i32 to index
        %swap3A_532 = arith.constant 16 : index
        %swap3A_533 = tpu.vector_load %arg14[%swap3A_531, %swap3A_532] {strides = array<i32>} : memref<80x128xf32, #tpu.memory_space<vmem>>, vector<16xf32>,
        tpu.vector_store %arg14[%swap3A_531, %swap3A_532], %mul3A_530 {strides = array<i32>} : memref<80x128xf32, #tpu.memory_space<vmem>>, vector<16xf32>,
        %get3A_534 = arith.index_cast %add3A_513 : i32 to index
        %get3A_535 = arith.constant 32 : index
        %get3A_536 = tpu.vector_load %arg14[%get3A_534, %get3A_535] {strides = array<i32>} : memref<80x128xf32, #tpu.memory_space<vmem>>, vector<16xf32>,
        %get3A_537 = arith.index_cast %add3A_513 : i32 to index
        %get3A_538 = arith.constant 32 : index
        %get3A_539 = tpu.vector_load %arg16[%get3A_537, %get3A_538] {strides = array<i32>} : memref<80x128xf32, #tpu.memory_space<vmem>>, vector<16xf32>,
        %mul3A_540 = arith.mulf %get3A_536, %get3A_539 : vector<16xf32>
        %swap3A_541 = arith.index_cast %add3A_513 : i32 to index
        %swap3A_542 = arith.constant 32 : index
        %swap3A_543 = tpu.vector_load %arg14[%swap3A_541, %swap3A_542] {strides = array<i32>} : memref<80x128xf32, #tpu.memory_space<vmem>>, vector<16xf32>,
        tpu.vector_store %arg14[%swap3A_541, %swap3A_542], %mul3A_540 {strides = array<i32>} : memref<80x128xf32, #tpu.memory_space<vmem>>, vector<16xf32>,
        %get3A_544 = arith.index_cast %add3A_513 : i32 to index
        %get3A_545 = arith.constant 48 : index
        %get3A_546 = tpu.vector_load %arg14[%get3A_544, %get3A_545] {strides = array<i32>} : memref<80x128xf32, #tpu.memory_space<vmem>>, vector<16xf32>,
        %get3A_547 = arith.index_cast %add3A_513 : i32 to index
        %get3A_548 = arith.constant 48 : index
        %get3A_549 = tpu.vector_load %arg16[%get3A_547, %get3A_548] {strides = array<i32>} : memref<80x128xf32, #tpu.memory_space<vmem>>, vector<16xf32>,
        %mul3A_550 = arith.mulf %get3A_546, %get3A_549 : vector<16xf32>
        %swap3A_551 = arith.index_cast %add3A_513 : i32 to index
        %swap3A_552 = arith.constant 48 : index
        %swap3A_553 = tpu.vector_load %arg14[%swap3A_551, %swap3A_552] {strides = array<i32>} : memref<80x128xf32, #tpu.memory_space<vmem>>, vector<16xf32>,
        tpu.vector_store %arg14[%swap3A_551, %swap3A_552], %mul3A_550 {strides = array<i32>} : memref<80x128xf32, #tpu.memory_space<vmem>>, vector<16xf32>,
        %get3A_554 = arith.index_cast %add3A_513 : i32 to index
        %get3A_555 = arith.constant 64 : index
        %get3A_556 = tpu.vector_load %arg14[%get3A_554, %get3A_555] {strides = array<i32>} : memref<80x128xf32, #tpu.memory_space<vmem>>, vector<16xf32>,
        %get3A_557 = arith.index_cast %add3A_513 : i32 to index
        %get3A_558 = arith.constant 64 : index
        %get3A_559 = tpu.vector_load %arg16[%get3A_557, %get3A_558] {strides = array<i32>} : memref<80x128xf32, #tpu.memory_space<vmem>>, vector<16xf32>,
        %mul3A_560 = arith.mulf %get3A_556, %get3A_559 : vector<16xf32>
        %swap3A_561 = arith.index_cast %add3A_513 : i32 to index
        %swap3A_562 = arith.constant 64 : index
        %swap3A_563 = tpu.vector_load %arg14[%swap3A_561, %swap3A_562] {strides = array<i32>} : memref<80x128xf32, #tpu.memory_space<vmem>>, vector<16xf32>,
        tpu.vector_store %arg14[%swap3A_561, %swap3A_562], %mul3A_560 {strides = array<i32>} : memref<80x128xf32, #tpu.memory_space<vmem>>, vector<16xf32>,
        %get3A_564 = arith.index_cast %add3A_513 : i32 to index
        %get3A_565 = arith.constant 80 : index
        %get3A_566 = tpu.vector_load %arg14[%get3A_564, %get3A_565] {strides = array<i32>} : memref<80x128xf32, #tpu.memory_space<vmem>>, vector<16xf32>,
        %get3A_567 = arith.index_cast %add3A_513 : i32 to index
        %get3A_568 = arith.constant 80 : index
        %get3A_569 = tpu.vector_load %arg16[%get3A_567, %get3A_568] {strides = array<i32>} : memref<80x128xf32, #tpu.memory_space<vmem>>, vector<16xf32>,
        %mul3A_570 = arith.mulf %get3A_566, %get3A_569 : vector<16xf32>
        %swap3A_571 = arith.index_cast %add3A_513 : i32 to index
        %swap3A_572 = arith.constant 80 : index
        %swap3A_573 = tpu.vector_load %arg14[%swap3A_571, %swap3A_572] {strides = array<i32>} : memref<80x128xf32, #tpu.memory_space<vmem>>, vector<16xf32>,
        tpu.vector_store %arg14[%swap3A_571, %swap3A_572], %mul3A_570 {strides = array<i32>} : memref<80x128xf32, #tpu.memory_space<vmem>>, vector<16xf32>,
        %get3A_574 = arith.index_cast %add3A_513 : i32 to index
        %get3A_575 = arith.constant 96 : index
        %get3A_576 = tpu.vector_load %arg14[%get3A_574, %get3A_575] {strides = array<i32>} : memref<80x128xf32, #tpu.memory_space<vmem>>, vector<16xf32>,
        %get3A_577 = arith.index_cast %add3A_513 : i32 to index
        %get3A_578 = arith.constant 96 : index
        %get3A_579 = tpu.vector_load %arg16[%get3A_577, %get3A_578] {strides = array<i32>} : memref<80x128xf32, #tpu.memory_space<vmem>>, vector<16xf32>,
        %mul3A_580 = arith.mulf %get3A_576, %get3A_579 : vector<16xf32>
        %swap3A_581 = arith.index_cast %add3A_513 : i32 to index
        %swap3A_582 = arith.constant 96 : index
        %swap3A_583 = tpu.vector_load %arg14[%swap3A_581, %swap3A_582] {strides = array<i32>} : memref<80x128xf32, #tpu.memory_space<vmem>>, vector<16xf32>,
        tpu.vector_store %arg14[%swap3A_581, %swap3A_582], %mul3A_580 {strides = array<i32>} : memref<80x128xf32, #tpu.memory_space<vmem>>, vector<16xf32>,
        %get3A_584 = arith.index_cast %add3A_513 : i32 to index
        %get3A_585 = arith.constant 112 : index
        %get3A_586 = tpu.vector_load %arg14[%get3A_584, %get3A_585] {strides = array<i32>} : memref<80x128xf32, #tpu.memory_space<vmem>>, vector<16xf32>,
        %get3A_587 = arith.index_cast %add3A_513 : i32 to index
        %get3A_588 = arith.constant 112 : index
        %get3A_589 = tpu.vector_load %arg16[%get3A_587, %get3A_588] {strides = array<i32>} : memref<80x128xf32, #tpu.memory_space<vmem>>, vector<16xf32>,
        %mul3A_590 = arith.mulf %get3A_586, %get3A_589 : vector<16xf32>
        %swap3A_591 = arith.index_cast %add3A_513 : i32 to index
        %swap3A_592 = arith.constant 112 : index
        %swap3A_593 = tpu.vector_load %arg14[%swap3A_591, %swap3A_592] {strides = array<i32>} : memref<80x128xf32, #tpu.memory_space<vmem>>, vector<16xf32>,
        tpu.vector_store %arg14[%swap3A_591, %swap3A_592], %mul3A_590 {strides = array<i32>} : memref<80x128xf32, #tpu.memory_space<vmem>>, vector<16xf32>,
        %mul3A_594 = arith.constant 4 : i32
        %mul3A_595 = arith.muli %mul3A_594, %scan3A_342 : i32
        %add3A_596 = arith.constant 3 : i32
        %add3A_597 = arith.addi %mul3A_595, %add3A_596 : i32
        %get3A_598 = arith.index_cast %add3A_597 : i32 to index
        %get3A_599 = arith.constant 0 : index
        %get3A_600 = tpu.vector_load %arg14[%get3A_598, %get3A_599] {strides = array<i32>} : memref<80x128xf32, #tpu.memory_space<vmem>>, vector<16xf32>,
        %get3A_601 = arith.index_cast %add3A_597 : i32 to index
        %get3A_602 = arith.constant 0 : index
        %get3A_603 = tpu.vector_load %arg16[%get3A_601, %get3A_602] {strides = array<i32>} : memref<80x128xf32, #tpu.memory_space<vmem>>, vector<16xf32>,
        %mul3A_604 = arith.mulf %get3A_600, %get3A_603 : vector<16xf32>
        %swap3A_605 = arith.index_cast %add3A_597 : i32 to index
        %swap3A_606 = arith.constant 0 : index
        %swap3A_607 = tpu.vector_load %arg14[%swap3A_605, %swap3A_606] {strides = array<i32>} : memref<80x128xf32, #tpu.memory_space<vmem>>, vector<16xf32>,
        tpu.vector_store %arg14[%swap3A_605, %swap3A_606], %mul3A_604 {strides = array<i32>} : memref<80x128xf32, #tpu.memory_space<vmem>>, vector<16xf32>,
        %get3A_608 = arith.index_cast %add3A_597 : i32 to index
        %get3A_609 = arith.constant 16 : index
        %get3A_610 = tpu.vector_load %arg14[%get3A_608, %get3A_609] {strides = array<i32>} : memref<80x128xf32, #tpu.memory_space<vmem>>, vector<16xf32>,
        %get3A_611 = arith.index_cast %add3A_597 : i32 to index
        %get3A_612 = arith.constant 16 : index
        %get3A_613 = tpu.vector_load %arg16[%get3A_611, %get3A_612] {strides = array<i32>} : memref<80x128xf32, #tpu.memory_space<vmem>>, vector<16xf32>,
        %mul3A_614 = arith.mulf %get3A_610, %get3A_613 : vector<16xf32>
        %swap3A_615 = arith.index_cast %add3A_597 : i32 to index
        %swap3A_616 = arith.constant 16 : index
        %swap3A_617 = tpu.vector_load %arg14[%swap3A_615, %swap3A_616] {strides = array<i32>} : memref<80x128xf32, #tpu.memory_space<vmem>>, vector<16xf32>,
        tpu.vector_store %arg14[%swap3A_615, %swap3A_616], %mul3A_614 {strides = array<i32>} : memref<80x128xf32, #tpu.memory_space<vmem>>, vector<16xf32>,
        %get3A_618 = arith.index_cast %add3A_597 : i32 to index
        %get3A_619 = arith.constant 32 : index
        %get3A_620 = tpu.vector_load %arg14[%get3A_618, %get3A_619] {strides = array<i32>} : memref<80x128xf32, #tpu.memory_space<vmem>>, vector<16xf32>,
        %get3A_621 = arith.index_cast %add3A_597 : i32 to index
        %get3A_622 = arith.constant 32 : index
        %get3A_623 = tpu.vector_load %arg16[%get3A_621, %get3A_622] {strides = array<i32>} : memref<80x128xf32, #tpu.memory_space<vmem>>, vector<16xf32>,
        %mul3A_624 = arith.mulf %get3A_620, %get3A_623 : vector<16xf32>
        %swap3A_625 = arith.index_cast %add3A_597 : i32 to index
        %swap3A_626 = arith.constant 32 : index
        %swap3A_627 = tpu.vector_load %arg14[%swap3A_625, %swap3A_626] {strides = array<i32>} : memref<80x128xf32, #tpu.memory_space<vmem>>, vector<16xf32>,
        tpu.vector_store %arg14[%swap3A_625, %swap3A_626], %mul3A_624 {strides = array<i32>} : memref<80x128xf32, #tpu.memory_space<vmem>>, vector<16xf32>,
        %get3A_628 = arith.index_cast %add3A_597 : i32 to index
        %get3A_629 = arith.constant 48 : index
        %get3A_630 = tpu.vector_load %arg14[%get3A_628, %get3A_629] {strides = array<i32>} : memref<80x128xf32, #tpu.memory_space<vmem>>, vector<16xf32>,
        %get3A_631 = arith.index_cast %add3A_597 : i32 to index
        %get3A_632 = arith.constant 48 : index
        %get3A_633 = tpu.vector_load %arg16[%get3A_631, %get3A_632] {strides = array<i32>} : memref<80x128xf32, #tpu.memory_space<vmem>>, vector<16xf32>,
        %mul3A_634 = arith.mulf %get3A_630, %get3A_633 : vector<16xf32>
        %swap3A_635 = arith.index_cast %add3A_597 : i32 to index
        %swap3A_636 = arith.constant 48 : index
        %swap3A_637 = tpu.vector_load %arg14[%swap3A_635, %swap3A_636] {strides = array<i32>} : memref<80x128xf32, #tpu.memory_space<vmem>>, vector<16xf32>,
        tpu.vector_store %arg14[%swap3A_635, %swap3A_636], %mul3A_634 {strides = array<i32>} : memref<80x128xf32, #tpu.memory_space<vmem>>, vector<16xf32>,
        %get3A_638 = arith.index_cast %add3A_597 : i32 to index
        %get3A_639 = arith.constant 64 : index
        %get3A_640 = tpu.vector_load %arg14[%get3A_638, %get3A_639] {strides = array<i32>} : memref<80x128xf32, #tpu.memory_space<vmem>>, vector<16xf32>,
        %get3A_641 = arith.index_cast %add3A_597 : i32 to index
        %get3A_642 = arith.constant 64 : index
        %get3A_643 = tpu.vector_load %arg16[%get3A_641, %get3A_642] {strides = array<i32>} : memref<80x128xf32, #tpu.memory_space<vmem>>, vector<16xf32>,
        %mul3A_644 = arith.mulf %get3A_640, %get3A_643 : vector<16xf32>
        %swap3A_645 = arith.index_cast %add3A_597 : i32 to index
        %swap3A_646 = arith.constant 64 : index
        %swap3A_647 = tpu.vector_load %arg14[%swap3A_645, %swap3A_646] {strides = array<i32>} : memref<80x128xf32, #tpu.memory_space<vmem>>, vector<16xf32>,
        tpu.vector_store %arg14[%swap3A_645, %swap3A_646], %mul3A_644 {strides = array<i32>} : memref<80x128xf32, #tpu.memory_space<vmem>>, vector<16xf32>,
        %get3A_648 = arith.index_cast %add3A_597 : i32 to index
        %get3A_649 = arith.constant 80 : index
        %get3A_650 = tpu.vector_load %arg14[%get3A_648, %get3A_649] {strides = array<i32>} : memref<80x128xf32, #tpu.memory_space<vmem>>, vector<16xf32>,
        %get3A_651 = arith.index_cast %add3A_597 : i32 to index
        %get3A_652 = arith.constant 80 : index
        %get3A_653 = tpu.vector_load %arg16[%get3A_651, %get3A_652] {strides = array<i32>} : memref<80x128xf32, #tpu.memory_space<vmem>>, vector<16xf32>,
        %mul3A_654 = arith.mulf %get3A_650, %get3A_653 : vector<16xf32>
        %swap3A_655 = arith.index_cast %add3A_597 : i32 to index
        %swap3A_656 = arith.constant 80 : index
        %swap3A_657 = tpu.vector_load %arg14[%swap3A_655, %swap3A_656] {strides = array<i32>} : memref<80x128xf32, #tpu.memory_space<vmem>>, vector<16xf32>,
        tpu.vector_store %arg14[%swap3A_655, %swap3A_656], %mul3A_654 {strides = array<i32>} : memref<80x128xf32, #tpu.memory_space<vmem>>, vector<16xf32>,
        %get3A_658 = arith.index_cast %add3A_597 : i32 to index
        %get3A_659 = arith.constant 96 : index
        %get3A_660 = tpu.vector_load %arg14[%get3A_658, %get3A_659] {strides = array<i32>} : memref<80x128xf32, #tpu.memory_space<vmem>>, vector<16xf32>,
        %get3A_661 = arith.index_cast %add3A_597 : i32 to index
        %get3A_662 = arith.constant 96 : index
        %get3A_663 = tpu.vector_load %arg16[%get3A_661, %get3A_662] {strides = array<i32>} : memref<80x128xf32, #tpu.memory_space<vmem>>, vector<16xf32>,
        %mul3A_664 = arith.mulf %get3A_660, %get3A_663 : vector<16xf32>
        %swap3A_665 = arith.index_cast %add3A_597 : i32 to index
        %swap3A_666 = arith.constant 96 : index
        %swap3A_667 = tpu.vector_load %arg14[%swap3A_665, %swap3A_666] {strides = array<i32>} : memref<80x128xf32, #tpu.memory_space<vmem>>, vector<16xf32>,
        tpu.vector_store %arg14[%swap3A_665, %swap3A_666], %mul3A_664 {strides = array<i32>} : memref<80x128xf32, #tpu.memory_space<vmem>>, vector<16xf32>,
        %get3A_668 = arith.index_cast %add3A_597 : i32 to index
        %get3A_669 = arith.constant 112 : index
        %get3A_670 = tpu.vector_load %arg14[%get3A_668, %get3A_669] {strides = array<i32>} : memref<80x128xf32, #tpu.memory_space<vmem>>, vector<16xf32>,
        %get3A_671 = arith.index_cast %add3A_597 : i32 to index
        %get3A_672 = arith.constant 112 : index
        %get3A_673 = tpu.vector_load %arg16[%get3A_671, %get3A_672] {strides = array<i32>} : memref<80x128xf32, #tpu.memory_space<vmem>>, vector<16xf32>,
        %mul3A_674 = arith.mulf %get3A_670, %get3A_673 : vector<16xf32>
        %swap3A_675 = arith.index_cast %add3A_597 : i32 to index
        %swap3A_676 = arith.constant 112 : index
        %swap3A_677 = tpu.vector_load %arg14[%swap3A_675, %swap3A_676] {strides = array<i32>} : memref<80x128xf32, #tpu.memory_space<vmem>>, vector<16xf32>,
        tpu.vector_store %arg14[%swap3A_675, %swap3A_676], %mul3A_674 {strides = array<i32>} : memref<80x128xf32, #tpu.memory_space<vmem>>, vector<16xf32>,
        %scan3A_678 = arith.constant 0 : i32
        scf.yield %scan3A_678 : i32
      }
      %scan3A_210 = arith.constant 20 : i32
      %dma_start3A_211 = arith.constant 0 : i32
      %dma_start3A_212 = arith.constant 0 : i32
      %dma_start3A_213 = tpu.memref_slice %arg17[%dma_start3A_211, %dma_start3A_212] : memref<10240x128xf32, #tpu.memory_space<vmem_shared>> -> memref<10240x128xf32, #tpu.memory_space<vmem_shared>>
      tpu.enqueue_indirect_dma source(%arg14 : memref<80x128xf32, #tpu.memory_space<vmem>>) target(%dma_start3A_213 : memref<10240x128xf32, #tpu.memory_space<vmem_shared>>) offsets(%arg10 : memref<80xi32, #tpu.memory_space<vmem>>) semaphore(%arg20 : memref<!tpu.dma_semaphore, #tpu.memory_space<semaphore_mem>>) {add = true}
      %dma_wait3A_214 = arith.constant 0 : i32
      %dma_wait3A_215 = arith.constant 0 : i32
      %dma_wait3A_216 = tpu.memref_slice %arg2[%dma_wait3A_214, %dma_wait3A_215] : memref<10000x128xf32, #tpu.memory_space<hbm>> -> memref<10000x128xf32, #tpu.memory_space<hbm>>
      tpu.wait_indirect_dma semaphore(%arg18 : memref<!tpu.dma_semaphore, #tpu.memory_space<semaphore_mem>>) src(%dma_wait3A_216 : memref<10000x128xf32, #tpu.memory_space<hbm>>) dst(%arg13 : memref<80x128xf32, #tpu.memory_space<vmem>>)
      %dma_wait3A_217 = arith.constant 0 : i32
      %dma_wait3A_218 = tpu.memref_slice %arg3[%add3A_181, %dma_wait3A_217] : memref<320000x128xf32, #tpu.memory_space<hbm>> -> memref<80x128xf32, #tpu.memory_space<hbm>>
      %dma_wait3A_219 = arith.constant 0 : i32
      %dma_wait3A_220 = tpu.memref_slice %arg3[%add3A_181, %dma_wait3A_219] : memref<320000x128xf32, #tpu.memory_space<hbm>> -> memref<80x128xf32, #tpu.memory_space<hbm>>
      tpu.wait_dma2 semaphore(%arg18 : memref<!tpu.dma_semaphore, #tpu.memory_space<semaphore_mem>>) src(%dma_wait3A_220 : memref<80x128xf32, #tpu.memory_space<hbm>>) dst(%arg15 : memref<80x128xf32, #tpu.memory_space<vmem>>)
      %dma_wait3A_221 = tpu.memref_slice %arg4[%add3A_196] : memref<320000xi32, #tpu.memory_space<hbm>> -> memref<80xi32, #tpu.memory_space<hbm>>
      %dma_wait3A_222 = tpu.memref_slice %arg4[%add3A_196] : memref<320000xi32, #tpu.memory_space<hbm>> -> memref<80xi32, #tpu.memory_space<hbm>>
      tpu.wait_dma2 semaphore(%arg19 : memref<!tpu.dma_semaphore, #tpu.memory_space<semaphore_mem>>) src(%dma_wait3A_222 : memref<80xi32, #tpu.memory_space<hbm>>) dst(%arg8 : memref<80xi32, #tpu.memory_space<vmem>>)
      %dma_wait3A_223 = tpu.memref_slice %arg5[%add3A_201] : memref<320000xi32, #tpu.memory_space<hbm>> -> memref<80xi32, #tpu.memory_space<hbm>>
      %dma_wait3A_224 = tpu.memref_slice %arg5[%add3A_201] : memref<320000xi32, #tpu.memory_space<hbm>> -> memref<80xi32, #tpu.memory_space<hbm>>
      tpu.wait_dma2 semaphore(%arg19 : memref<!tpu.dma_semaphore, #tpu.memory_space<semaphore_mem>>) src(%dma_wait3A_224 : memref<80xi32, #tpu.memory_space<hbm>>) dst(%arg9 : memref<80xi32, #tpu.memory_space<vmem>>)
      %mul3A_225 = arith.constant 4 : i32
      %mul3A_226 = arith.muli %mul3A_225, %scan3A_108 : i32
      %add3A_227 = arith.constant 2 : i32
      %add3A_228 = arith.addi %mul3A_226, %add3A_227 : i32
      %dma_wait3A_229 = arith.constant 0 : i32
      %dma_wait3A_230 = arith.constant 0 : i32
      %dma_wait3A_231 = tpu.memref_slice %arg17[%dma_wait3A_229, %dma_wait3A_230] : memref<10240x128xf32, #tpu.memory_space<vmem_shared>> -> memref<10240x128xf32, #tpu.memory_space<vmem_shared>>
      tpu.wait_indirect_dma semaphore(%arg20 : memref<!tpu.dma_semaphore, #tpu.memory_space<semaphore_mem>>) src(%arg14 : memref<80x128xf32, #tpu.memory_space<vmem>>) dst(%dma_wait3A_231 : memref<10240x128xf32, #tpu.memory_space<vmem_shared>>)
      %dma_start3A_232 = arith.constant 0 : i32
      %dma_start3A_233 = arith.constant 0 : i32
      %dma_start3A_234 = tpu.memref_slice %arg2[%dma_start3A_232, %dma_start3A_233] : memref<10000x128xf32, #tpu.memory_space<hbm>> -> memref<10000x128xf32, #tpu.memory_space<hbm>>
      tpu.enqueue_indirect_dma source(%dma_start3A_234 : memref<10000x128xf32, #tpu.memory_space<hbm>>) target(%arg14 : memref<80x128xf32, #tpu.memory_space<vmem>>) offsets(%arg8 : memref<80xi32, #tpu.memory_space<vmem>>) semaphore(%arg18 : memref<!tpu.dma_semaphore, #tpu.memory_space<semaphore_mem>>)
      %add3A_235 = arith.constant 1 : i32
      %add3A_236 = arith.addi %add3A_228, %add3A_235 : i32
      %mul3A_237 = arith.constant 80 : i32
      %mul3A_238 = arith.muli %add3A_236, %mul3A_237 : i32
      %add3A_239 = arith.addi %mul3A_2, %mul3A_238 : i32
      %dma_start3A_240 = arith.constant 0 : i32
      %dma_start3A_241 = tpu.memref_slice %arg3[%add3A_239, %dma_start3A_240] : memref<320000x128xf32, #tpu.memory_space<hbm>> -> memref<80x128xf32, #tpu.memory_space<hbm>>
      %dma_start3A_242 = arith.constant 0 : i32
      %dma_start3A_243 = tpu.memref_slice %arg3[%add3A_239, %dma_start3A_242] : memref<320000x128xf32, #tpu.memory_space<hbm>> -> memref<80x128xf32, #tpu.memory_space<hbm>>
      tpu.enqueue_dma source(%dma_start3A_243 : memref<80x128xf32, #tpu.memory_space<hbm>>) target(%arg16 : memref<80x128xf32, #tpu.memory_space<vmem>>) target_semaphore(%arg18 : memref<!tpu.dma_semaphore, #tpu.memory_space<semaphore_mem>>)
      %add3A_244 = arith.constant 2 : i32
      %add3A_245 = arith.addi %add3A_228, %add3A_244 : i32
      %min3A_246 = arith.constant 124 : i32
      %min3A_247 = arith.minsi %add3A_245, %min3A_246 : i32
      %add3A_248 = arith.constant 3 : i32
      %add3A_249 = arith.addi %add3A_228, %add3A_248 : i32
      %min3A_250 = arith.constant 124 : i32
      %min3A_251 = arith.minsi %add3A_249, %min3A_250 : i32
      %mul3A_252 = arith.constant 80 : i32
      %mul3A_253 = arith.muli %min3A_247, %mul3A_252 : i32
      %add3A_254 = arith.addi %mul3A_2, %mul3A_253 : i32
      %dma_start3A_255 = tpu.memref_slice %arg4[%add3A_254] : memref<320000xi32, #tpu.memory_space<hbm>> -> memref<80xi32, #tpu.memory_space<hbm>>
      %dma_start3A_256 = tpu.memref_slice %arg4[%add3A_254] : memref<320000xi32, #tpu.memory_space<hbm>> -> memref<80xi32, #tpu.memory_space<hbm>>
      tpu.enqueue_dma source(%dma_start3A_256 : memref<80xi32, #tpu.memory_space<hbm>>) target(%arg7 : memref<80xi32, #tpu.memory_space<vmem>>) target_semaphore(%arg19 : memref<!tpu.dma_semaphore, #tpu.memory_space<semaphore_mem>>)
      %mul3A_257 = arith.constant 80 : i32
      %mul3A_258 = arith.muli %min3A_251, %mul3A_257 : i32
      %add3A_259 = arith.addi %mul3A_2, %mul3A_258 : i32
      %dma_start3A_260 = tpu.memref_slice %arg5[%add3A_259] : memref<320000xi32, #tpu.memory_space<hbm>> -> memref<80xi32, #tpu.memory_space<hbm>>
      %dma_start3A_261 = tpu.memref_slice %arg5[%add3A_259] : memref<320000xi32, #tpu.memory_space<hbm>> -> memref<80xi32, #tpu.memory_space<hbm>>
      tpu.enqueue_dma source(%dma_start3A_261 : memref<80xi32, #tpu.memory_space<hbm>>) target(%arg10 : memref<80xi32, #tpu.memory_space<vmem>>) target_semaphore(%arg19 : memref<!tpu.dma_semaphore, #tpu.memory_space<semaphore_mem>>)
      %scan3A_262 = arith.constant 0 : i32
      %scan3A_263 = arith.constant 0 : i32
      %scan3A_264 = arith.constant 20 : i32
      %scan3A_265 = arith.addi %scan3A_263, %scan3A_264 : i32
      %scan3A_266 = arith.constant 1 : i32
      %scan3A_267 = scf.for %scan3A_342 = %scan3A_263 to %scan3A_265 step %scan3A_266 iter_args(%scan3A_343 = %scan3A_262) -> (i32)  : i32 {
        %mul3A_344 = arith.constant 4 : i32
        %mul3A_345 = arith.muli %mul3A_344, %scan3A_342 : i32
        %add3A_346 = arith.constant 0 : i32
        %add3A_347 = arith.addi %mul3A_345, %add3A_346 : i32
        %get3A = arith.index_cast %add3A_347 : i32 to index
        %get3A_348 = arith.constant 0 : index
        %get3A_349 = tpu.vector_load %arg13[%get3A, %get3A_348] {strides = array<i32>} : memref<80x128xf32, #tpu.memory_space<vmem>>, vector<16xf32>,
        %get3A_350 = arith.index_cast %add3A_347 : i32 to index
        %get3A_351 = arith.constant 0 : index
        %get3A_352 = tpu.vector_load %arg15[%get3A_350, %get3A_351] {strides = array<i32>} : memref<80x128xf32, #tpu.memory_space<vmem>>, vector<16xf32>,
        %mul3A_353 = arith.mulf %get3A_349, %get3A_352 : vector<16xf32>
        %swap3A = arith.index_cast %add3A_347 : i32 to index
        %swap3A_354 = arith.constant 0 : index
        %swap3A_355 = tpu.vector_load %arg13[%swap3A, %swap3A_354] {strides = array<i32>} : memref<80x128xf32, #tpu.memory_space<vmem>>, vector<16xf32>,
        tpu.vector_store %arg13[%swap3A, %swap3A_354], %mul3A_353 {strides = array<i32>} : memref<80x128xf32, #tpu.memory_space<vmem>>, vector<16xf32>,
        %get3A_356 = arith.index_cast %add3A_347 : i32 to index
        %get3A_357 = arith.constant 16 : index
        %get3A_358 = tpu.vector_load %arg13[%get3A_356, %get3A_357] {strides = array<i32>} : memref<80x128xf32, #tpu.memory_space<vmem>>, vector<16xf32>,
        %get3A_359 = arith.index_cast %add3A_347 : i32 to index
        %get3A_360 = arith.constant 16 : index
        %get3A_361 = tpu.vector_load %arg15[%get3A_359, %get3A_360] {strides = array<i32>} : memref<80x128xf32, #tpu.memory_space<vmem>>, vector<16xf32>,
        %mul3A_362 = arith.mulf %get3A_358, %get3A_361 : vector<16xf32>
        %swap3A_363 = arith.index_cast %add3A_347 : i32 to index
        %swap3A_364 = arith.constant 16 : index
        %swap3A_365 = tpu.vector_load %arg13[%swap3A_363, %swap3A_364] {strides = array<i32>} : memref<80x128xf32, #tpu.memory_space<vmem>>, vector<16xf32>,
        tpu.vector_store %arg13[%swap3A_363, %swap3A_364], %mul3A_362 {strides = array<i32>} : memref<80x128xf32, #tpu.memory_space<vmem>>, vector<16xf32>,
        %get3A_366 = arith.index_cast %add3A_347 : i32 to index
        %get3A_367 = arith.constant 32 : index
        %get3A_368 = tpu.vector_load %arg13[%get3A_366, %get3A_367] {strides = array<i32>} : memref<80x128xf32, #tpu.memory_space<vmem>>, vector<16xf32>,
        %get3A_369 = arith.index_cast %add3A_347 : i32 to index
        %get3A_370 = arith.constant 32 : index
        %get3A_371 = tpu.vector_load %arg15[%get3A_369, %get3A_370] {strides = array<i32>} : memref<80x128xf32, #tpu.memory_space<vmem>>, vector<16xf32>,
        %mul3A_372 = arith.mulf %get3A_368, %get3A_371 : vector<16xf32>
        %swap3A_373 = arith.index_cast %add3A_347 : i32 to index
        %swap3A_374 = arith.constant 32 : index
        %swap3A_375 = tpu.vector_load %arg13[%swap3A_373, %swap3A_374] {strides = array<i32>} : memref<80x128xf32, #tpu.memory_space<vmem>>, vector<16xf32>,
        tpu.vector_store %arg13[%swap3A_373, %swap3A_374], %mul3A_372 {strides = array<i32>} : memref<80x128xf32, #tpu.memory_space<vmem>>, vector<16xf32>,
        %get3A_376 = arith.index_cast %add3A_347 : i32 to index
        %get3A_377 = arith.constant 48 : index
        %get3A_378 = tpu.vector_load %arg13[%get3A_376, %get3A_377] {strides = array<i32>} : memref<80x128xf32, #tpu.memory_space<vmem>>, vector<16xf32>,
        %get3A_379 = arith.index_cast %add3A_347 : i32 to index
        %get3A_380 = arith.constant 48 : index
        %get3A_381 = tpu.vector_load %arg15[%get3A_379, %get3A_380] {strides = array<i32>} : memref<80x128xf32, #tpu.memory_space<vmem>>, vector<16xf32>,
        %mul3A_382 = arith.mulf %get3A_378, %get3A_381 : vector<16xf32>
        %swap3A_383 = arith.index_cast %add3A_347 : i32 to index
        %swap3A_384 = arith.constant 48 : index
        %swap3A_385 = tpu.vector_load %arg13[%swap3A_383, %swap3A_384] {strides = array<i32>} : memref<80x128xf32, #tpu.memory_space<vmem>>, vector<16xf32>,
        tpu.vector_store %arg13[%swap3A_383, %swap3A_384], %mul3A_382 {strides = array<i32>} : memref<80x128xf32, #tpu.memory_space<vmem>>, vector<16xf32>,
        %get3A_386 = arith.index_cast %add3A_347 : i32 to index
        %get3A_387 = arith.constant 64 : index
        %get3A_388 = tpu.vector_load %arg13[%get3A_386, %get3A_387] {strides = array<i32>} : memref<80x128xf32, #tpu.memory_space<vmem>>, vector<16xf32>,
        %get3A_389 = arith.index_cast %add3A_347 : i32 to index
        %get3A_390 = arith.constant 64 : index
        %get3A_391 = tpu.vector_load %arg15[%get3A_389, %get3A_390] {strides = array<i32>} : memref<80x128xf32, #tpu.memory_space<vmem>>, vector<16xf32>,
        %mul3A_392 = arith.mulf %get3A_388, %get3A_391 : vector<16xf32>
        %swap3A_393 = arith.index_cast %add3A_347 : i32 to index
        %swap3A_394 = arith.constant 64 : index
        %swap3A_395 = tpu.vector_load %arg13[%swap3A_393, %swap3A_394] {strides = array<i32>} : memref<80x128xf32, #tpu.memory_space<vmem>>, vector<16xf32>,
        tpu.vector_store %arg13[%swap3A_393, %swap3A_394], %mul3A_392 {strides = array<i32>} : memref<80x128xf32, #tpu.memory_space<vmem>>, vector<16xf32>,
        %get3A_396 = arith.index_cast %add3A_347 : i32 to index
        %get3A_397 = arith.constant 80 : index
        %get3A_398 = tpu.vector_load %arg13[%get3A_396, %get3A_397] {strides = array<i32>} : memref<80x128xf32, #tpu.memory_space<vmem>>, vector<16xf32>,
        %get3A_399 = arith.index_cast %add3A_347 : i32 to index
        %get3A_400 = arith.constant 80 : index
        %get3A_401 = tpu.vector_load %arg15[%get3A_399, %get3A_400] {strides = array<i32>} : memref<80x128xf32, #tpu.memory_space<vmem>>, vector<16xf32>,
        %mul3A_402 = arith.mulf %get3A_398, %get3A_401 : vector<16xf32>
        %swap3A_403 = arith.index_cast %add3A_347 : i32 to index
        %swap3A_404 = arith.constant 80 : index
        %swap3A_405 = tpu.vector_load %arg13[%swap3A_403, %swap3A_404] {strides = array<i32>} : memref<80x128xf32, #tpu.memory_space<vmem>>, vector<16xf32>,
        tpu.vector_store %arg13[%swap3A_403, %swap3A_404], %mul3A_402 {strides = array<i32>} : memref<80x128xf32, #tpu.memory_space<vmem>>, vector<16xf32>,
        %get3A_406 = arith.index_cast %add3A_347 : i32 to index
        %get3A_407 = arith.constant 96 : index
        %get3A_408 = tpu.vector_load %arg13[%get3A_406, %get3A_407] {strides = array<i32>} : memref<80x128xf32, #tpu.memory_space<vmem>>, vector<16xf32>,
        %get3A_409 = arith.index_cast %add3A_347 : i32 to index
        %get3A_410 = arith.constant 96 : index
        %get3A_411 = tpu.vector_load %arg15[%get3A_409, %get3A_410] {strides = array<i32>} : memref<80x128xf32, #tpu.memory_space<vmem>>, vector<16xf32>,
        %mul3A_412 = arith.mulf %get3A_408, %get3A_411 : vector<16xf32>
        %swap3A_413 = arith.index_cast %add3A_347 : i32 to index
        %swap3A_414 = arith.constant 96 : index
        %swap3A_415 = tpu.vector_load %arg13[%swap3A_413, %swap3A_414] {strides = array<i32>} : memref<80x128xf32, #tpu.memory_space<vmem>>, vector<16xf32>,
        tpu.vector_store %arg13[%swap3A_413, %swap3A_414], %mul3A_412 {strides = array<i32>} : memref<80x128xf32, #tpu.memory_space<vmem>>, vector<16xf32>,
        %get3A_416 = arith.index_cast %add3A_347 : i32 to index
        %get3A_417 = arith.constant 112 : index
        %get3A_418 = tpu.vector_load %arg13[%get3A_416, %get3A_417] {strides = array<i32>} : memref<80x128xf32, #tpu.memory_space<vmem>>, vector<16xf32>,
        %get3A_419 = arith.index_cast %add3A_347 : i32 to index
        %get3A_420 = arith.constant 112 : index
        %get3A_421 = tpu.vector_load %arg15[%get3A_419, %get3A_420] {strides = array<i32>} : memref<80x128xf32, #tpu.memory_space<vmem>>, vector<16xf32>,
        %mul3A_422 = arith.mulf %get3A_418, %get3A_421 : vector<16xf32>
        %swap3A_423 = arith.index_cast %add3A_347 : i32 to index
        %swap3A_424 = arith.constant 112 : index
        %swap3A_425 = tpu.vector_load %arg13[%swap3A_423, %swap3A_424] {strides = array<i32>} : memref<80x128xf32, #tpu.memory_space<vmem>>, vector<16xf32>,
        tpu.vector_store %arg13[%swap3A_423, %swap3A_424], %mul3A_422 {strides = array<i32>} : memref<80x128xf32, #tpu.memory_space<vmem>>, vector<16xf32>,
        %mul3A_426 = arith.constant 4 : i32
        %mul3A_427 = arith.muli %mul3A_426, %scan3A_342 : i32
        %add3A_428 = arith.constant 1 : i32
        %add3A_429 = arith.addi %mul3A_427, %add3A_428 : i32
        %get3A_430 = arith.index_cast %add3A_429 : i32 to index
        %get3A_431 = arith.constant 0 : index
        %get3A_432 = tpu.vector_load %arg13[%get3A_430, %get3A_431] {strides = array<i32>} : memref<80x128xf32, #tpu.memory_space<vmem>>, vector<16xf32>,
        %get3A_433 = arith.index_cast %add3A_429 : i32 to index
        %get3A_434 = arith.constant 0 : index
        %get3A_435 = tpu.vector_load %arg15[%get3A_433, %get3A_434] {strides = array<i32>} : memref<80x128xf32, #tpu.memory_space<vmem>>, vector<16xf32>,
        %mul3A_436 = arith.mulf %get3A_432, %get3A_435 : vector<16xf32>
        %swap3A_437 = arith.index_cast %add3A_429 : i32 to index
        %swap3A_438 = arith.constant 0 : index
        %swap3A_439 = tpu.vector_load %arg13[%swap3A_437, %swap3A_438] {strides = array<i32>} : memref<80x128xf32, #tpu.memory_space<vmem>>, vector<16xf32>,
        tpu.vector_store %arg13[%swap3A_437, %swap3A_438], %mul3A_436 {strides = array<i32>} : memref<80x128xf32, #tpu.memory_space<vmem>>, vector<16xf32>,
        %get3A_440 = arith.index_cast %add3A_429 : i32 to index
        %get3A_441 = arith.constant 16 : index
        %get3A_442 = tpu.vector_load %arg13[%get3A_440, %get3A_441] {strides = array<i32>} : memref<80x128xf32, #tpu.memory_space<vmem>>, vector<16xf32>,
        %get3A_443 = arith.index_cast %add3A_429 : i32 to index
        %get3A_444 = arith.constant 16 : index
        %get3A_445 = tpu.vector_load %arg15[%get3A_443, %get3A_444] {strides = array<i32>} : memref<80x128xf32, #tpu.memory_space<vmem>>, vector<16xf32>,
        %mul3A_446 = arith.mulf %get3A_442, %get3A_445 : vector<16xf32>
        %swap3A_447 = arith.index_cast %add3A_429 : i32 to index
        %swap3A_448 = arith.constant 16 : index
        %swap3A_449 = tpu.vector_load %arg13[%swap3A_447, %swap3A_448] {strides = array<i32>} : memref<80x128xf32, #tpu.memory_space<vmem>>, vector<16xf32>,
        tpu.vector_store %arg13[%swap3A_447, %swap3A_448], %mul3A_446 {strides = array<i32>} : memref<80x128xf32, #tpu.memory_space<vmem>>, vector<16xf32>,
        %get3A_450 = arith.index_cast %add3A_429 : i32 to index
        %get3A_451 = arith.constant 32 : index
        %get3A_452 = tpu.vector_load %arg13[%get3A_450, %get3A_451] {strides = array<i32>} : memref<80x128xf32, #tpu.memory_space<vmem>>, vector<16xf32>,
        %get3A_453 = arith.index_cast %add3A_429 : i32 to index
        %get3A_454 = arith.constant 32 : index
        %get3A_455 = tpu.vector_load %arg15[%get3A_453, %get3A_454] {strides = array<i32>} : memref<80x128xf32, #tpu.memory_space<vmem>>, vector<16xf32>,
        %mul3A_456 = arith.mulf %get3A_452, %get3A_455 : vector<16xf32>
        %swap3A_457 = arith.index_cast %add3A_429 : i32 to index
        %swap3A_458 = arith.constant 32 : index
        %swap3A_459 = tpu.vector_load %arg13[%swap3A_457, %swap3A_458] {strides = array<i32>} : memref<80x128xf32, #tpu.memory_space<vmem>>, vector<16xf32>,
        tpu.vector_store %arg13[%swap3A_457, %swap3A_458], %mul3A_456 {strides = array<i32>} : memref<80x128xf32, #tpu.memory_space<vmem>>, vector<16xf32>,
        %get3A_460 = arith.index_cast %add3A_429 : i32 to index
        %get3A_461 = arith.constant 48 : index
        %get3A_462 = tpu.vector_load %arg13[%get3A_460, %get3A_461] {strides = array<i32>} : memref<80x128xf32, #tpu.memory_space<vmem>>, vector<16xf32>,
        %get3A_463 = arith.index_cast %add3A_429 : i32 to index
        %get3A_464 = arith.constant 48 : index
        %get3A_465 = tpu.vector_load %arg15[%get3A_463, %get3A_464] {strides = array<i32>} : memref<80x128xf32, #tpu.memory_space<vmem>>, vector<16xf32>,
        %mul3A_466 = arith.mulf %get3A_462, %get3A_465 : vector<16xf32>
        %swap3A_467 = arith.index_cast %add3A_429 : i32 to index
        %swap3A_468 = arith.constant 48 : index
        %swap3A_469 = tpu.vector_load %arg13[%swap3A_467, %swap3A_468] {strides = array<i32>} : memref<80x128xf32, #tpu.memory_space<vmem>>, vector<16xf32>,
        tpu.vector_store %arg13[%swap3A_467, %swap3A_468], %mul3A_466 {strides = array<i32>} : memref<80x128xf32, #tpu.memory_space<vmem>>, vector<16xf32>,
        %get3A_470 = arith.index_cast %add3A_429 : i32 to index
        %get3A_471 = arith.constant 64 : index
        %get3A_472 = tpu.vector_load %arg13[%get3A_470, %get3A_471] {strides = array<i32>} : memref<80x128xf32, #tpu.memory_space<vmem>>, vector<16xf32>,
        %get3A_473 = arith.index_cast %add3A_429 : i32 to index
        %get3A_474 = arith.constant 64 : index
        %get3A_475 = tpu.vector_load %arg15[%get3A_473, %get3A_474] {strides = array<i32>} : memref<80x128xf32, #tpu.memory_space<vmem>>, vector<16xf32>,
        %mul3A_476 = arith.mulf %get3A_472, %get3A_475 : vector<16xf32>
        %swap3A_477 = arith.index_cast %add3A_429 : i32 to index
        %swap3A_478 = arith.constant 64 : index
        %swap3A_479 = tpu.vector_load %arg13[%swap3A_477, %swap3A_478] {strides = array<i32>} : memref<80x128xf32, #tpu.memory_space<vmem>>, vector<16xf32>,
        tpu.vector_store %arg13[%swap3A_477, %swap3A_478], %mul3A_476 {strides = array<i32>} : memref<80x128xf32, #tpu.memory_space<vmem>>, vector<16xf32>,
        %get3A_480 = arith.index_cast %add3A_429 : i32 to index
        %get3A_481 = arith.constant 80 : index
        %get3A_482 = tpu.vector_load %arg13[%get3A_480, %get3A_481] {strides = array<i32>} : memref<80x128xf32, #tpu.memory_space<vmem>>, vector<16xf32>,
        %get3A_483 = arith.index_cast %add3A_429 : i32 to index
        %get3A_484 = arith.constant 80 : index
        %get3A_485 = tpu.vector_load %arg15[%get3A_483, %get3A_484] {strides = array<i32>} : memref<80x128xf32, #tpu.memory_space<vmem>>, vector<16xf32>,
        %mul3A_486 = arith.mulf %get3A_482, %get3A_485 : vector<16xf32>
        %swap3A_487 = arith.index_cast %add3A_429 : i32 to index
        %swap3A_488 = arith.constant 80 : index
        %swap3A_489 = tpu.vector_load %arg13[%swap3A_487, %swap3A_488] {strides = array<i32>} : memref<80x128xf32, #tpu.memory_space<vmem>>, vector<16xf32>,
        tpu.vector_store %arg13[%swap3A_487, %swap3A_488], %mul3A_486 {strides = array<i32>} : memref<80x128xf32, #tpu.memory_space<vmem>>, vector<16xf32>,
        %get3A_490 = arith.index_cast %add3A_429 : i32 to index
        %get3A_491 = arith.constant 96 : index
        %get3A_492 = tpu.vector_load %arg13[%get3A_490, %get3A_491] {strides = array<i32>} : memref<80x128xf32, #tpu.memory_space<vmem>>, vector<16xf32>,
        %get3A_493 = arith.index_cast %add3A_429 : i32 to index
        %get3A_494 = arith.constant 96 : index
        %get3A_495 = tpu.vector_load %arg15[%get3A_493, %get3A_494] {strides = array<i32>} : memref<80x128xf32, #tpu.memory_space<vmem>>, vector<16xf32>,
        %mul3A_496 = arith.mulf %get3A_492, %get3A_495 : vector<16xf32>
        %swap3A_497 = arith.index_cast %add3A_429 : i32 to index
        %swap3A_498 = arith.constant 96 : index
        %swap3A_499 = tpu.vector_load %arg13[%swap3A_497, %swap3A_498] {strides = array<i32>} : memref<80x128xf32, #tpu.memory_space<vmem>>, vector<16xf32>,
        tpu.vector_store %arg13[%swap3A_497, %swap3A_498], %mul3A_496 {strides = array<i32>} : memref<80x128xf32, #tpu.memory_space<vmem>>, vector<16xf32>,
        %get3A_500 = arith.index_cast %add3A_429 : i32 to index
        %get3A_501 = arith.constant 112 : index
        %get3A_502 = tpu.vector_load %arg13[%get3A_500, %get3A_501] {strides = array<i32>} : memref<80x128xf32, #tpu.memory_space<vmem>>, vector<16xf32>,
        %get3A_503 = arith.index_cast %add3A_429 : i32 to index
        %get3A_504 = arith.constant 112 : index
        %get3A_505 = tpu.vector_load %arg15[%get3A_503, %get3A_504] {strides = array<i32>} : memref<80x128xf32, #tpu.memory_space<vmem>>, vector<16xf32>,
        %mul3A_506 = arith.mulf %get3A_502, %get3A_505 : vector<16xf32>
        %swap3A_507 = arith.index_cast %add3A_429 : i32 to index
        %swap3A_508 = arith.constant 112 : index
        %swap3A_509 = tpu.vector_load %arg13[%swap3A_507, %swap3A_508] {strides = array<i32>} : memref<80x128xf32, #tpu.memory_space<vmem>>, vector<16xf32>,
        tpu.vector_store %arg13[%swap3A_507, %swap3A_508], %mul3A_506 {strides = array<i32>} : memref<80x128xf32, #tpu.memory_space<vmem>>, vector<16xf32>,
        %mul3A_510 = arith.constant 4 : i32
        %mul3A_511 = arith.muli %mul3A_510, %scan3A_342 : i32
        %add3A_512 = arith.constant 2 : i32
        %add3A_513 = arith.addi %mul3A_511, %add3A_512 : i32
        %get3A_514 = arith.index_cast %add3A_513 : i32 to index
        %get3A_515 = arith.constant 0 : index
        %get3A_516 = tpu.vector_load %arg13[%get3A_514, %get3A_515] {strides = array<i32>} : memref<80x128xf32, #tpu.memory_space<vmem>>, vector<16xf32>,
        %get3A_517 = arith.index_cast %add3A_513 : i32 to index
        %get3A_518 = arith.constant 0 : index
        %get3A_519 = tpu.vector_load %arg15[%get3A_517, %get3A_518] {strides = array<i32>} : memref<80x128xf32, #tpu.memory_space<vmem>>, vector<16xf32>,
        %mul3A_520 = arith.mulf %get3A_516, %get3A_519 : vector<16xf32>
        %swap3A_521 = arith.index_cast %add3A_513 : i32 to index
        %swap3A_522 = arith.constant 0 : index
        %swap3A_523 = tpu.vector_load %arg13[%swap3A_521, %swap3A_522] {strides = array<i32>} : memref<80x128xf32, #tpu.memory_space<vmem>>, vector<16xf32>,
        tpu.vector_store %arg13[%swap3A_521, %swap3A_522], %mul3A_520 {strides = array<i32>} : memref<80x128xf32, #tpu.memory_space<vmem>>, vector<16xf32>,
        %get3A_524 = arith.index_cast %add3A_513 : i32 to index
        %get3A_525 = arith.constant 16 : index
        %get3A_526 = tpu.vector_load %arg13[%get3A_524, %get3A_525] {strides = array<i32>} : memref<80x128xf32, #tpu.memory_space<vmem>>, vector<16xf32>,
        %get3A_527 = arith.index_cast %add3A_513 : i32 to index
        %get3A_528 = arith.constant 16 : index
        %get3A_529 = tpu.vector_load %arg15[%get3A_527, %get3A_528] {strides = array<i32>} : memref<80x128xf32, #tpu.memory_space<vmem>>, vector<16xf32>,
        %mul3A_530 = arith.mulf %get3A_526, %get3A_529 : vector<16xf32>
        %swap3A_531 = arith.index_cast %add3A_513 : i32 to index
        %swap3A_532 = arith.constant 16 : index
        %swap3A_533 = tpu.vector_load %arg13[%swap3A_531, %swap3A_532] {strides = array<i32>} : memref<80x128xf32, #tpu.memory_space<vmem>>, vector<16xf32>,
        tpu.vector_store %arg13[%swap3A_531, %swap3A_532], %mul3A_530 {strides = array<i32>} : memref<80x128xf32, #tpu.memory_space<vmem>>, vector<16xf32>,
        %get3A_534 = arith.index_cast %add3A_513 : i32 to index
        %get3A_535 = arith.constant 32 : index
        %get3A_536 = tpu.vector_load %arg13[%get3A_534, %get3A_535] {strides = array<i32>} : memref<80x128xf32, #tpu.memory_space<vmem>>, vector<16xf32>,
        %get3A_537 = arith.index_cast %add3A_513 : i32 to index
        %get3A_538 = arith.constant 32 : index
        %get3A_539 = tpu.vector_load %arg15[%get3A_537, %get3A_538] {strides = array<i32>} : memref<80x128xf32, #tpu.memory_space<vmem>>, vector<16xf32>,
        %mul3A_540 = arith.mulf %get3A_536, %get3A_539 : vector<16xf32>
        %swap3A_541 = arith.index_cast %add3A_513 : i32 to index
        %swap3A_542 = arith.constant 32 : index
        %swap3A_543 = tpu.vector_load %arg13[%swap3A_541, %swap3A_542] {strides = array<i32>} : memref<80x128xf32, #tpu.memory_space<vmem>>, vector<16xf32>,
        tpu.vector_store %arg13[%swap3A_541, %swap3A_542], %mul3A_540 {strides = array<i32>} : memref<80x128xf32, #tpu.memory_space<vmem>>, vector<16xf32>,
        %get3A_544 = arith.index_cast %add3A_513 : i32 to index
        %get3A_545 = arith.constant 48 : index
        %get3A_546 = tpu.vector_load %arg13[%get3A_544, %get3A_545] {strides = array<i32>} : memref<80x128xf32, #tpu.memory_space<vmem>>, vector<16xf32>,
        %get3A_547 = arith.index_cast %add3A_513 : i32 to index
        %get3A_548 = arith.constant 48 : index
        %get3A_549 = tpu.vector_load %arg15[%get3A_547, %get3A_548] {strides = array<i32>} : memref<80x128xf32, #tpu.memory_space<vmem>>, vector<16xf32>,
        %mul3A_550 = arith.mulf %get3A_546, %get3A_549 : vector<16xf32>
        %swap3A_551 = arith.index_cast %add3A_513 : i32 to index
        %swap3A_552 = arith.constant 48 : index
        %swap3A_553 = tpu.vector_load %arg13[%swap3A_551, %swap3A_552] {strides = array<i32>} : memref<80x128xf32, #tpu.memory_space<vmem>>, vector<16xf32>,
        tpu.vector_store %arg13[%swap3A_551, %swap3A_552], %mul3A_550 {strides = array<i32>} : memref<80x128xf32, #tpu.memory_space<vmem>>, vector<16xf32>,
        %get3A_554 = arith.index_cast %add3A_513 : i32 to index
        %get3A_555 = arith.constant 64 : index
        %get3A_556 = tpu.vector_load %arg13[%get3A_554, %get3A_555] {strides = array<i32>} : memref<80x128xf32, #tpu.memory_space<vmem>>, vector<16xf32>,
        %get3A_557 = arith.index_cast %add3A_513 : i32 to index
        %get3A_558 = arith.constant 64 : index
        %get3A_559 = tpu.vector_load %arg15[%get3A_557, %get3A_558] {strides = array<i32>} : memref<80x128xf32, #tpu.memory_space<vmem>>, vector<16xf32>,
        %mul3A_560 = arith.mulf %get3A_556, %get3A_559 : vector<16xf32>
        %swap3A_561 = arith.index_cast %add3A_513 : i32 to index
        %swap3A_562 = arith.constant 64 : index
        %swap3A_563 = tpu.vector_load %arg13[%swap3A_561, %swap3A_562] {strides = array<i32>} : memref<80x128xf32, #tpu.memory_space<vmem>>, vector<16xf32>,
        tpu.vector_store %arg13[%swap3A_561, %swap3A_562], %mul3A_560 {strides = array<i32>} : memref<80x128xf32, #tpu.memory_space<vmem>>, vector<16xf32>,
        %get3A_564 = arith.index_cast %add3A_513 : i32 to index
        %get3A_565 = arith.constant 80 : index
        %get3A_566 = tpu.vector_load %arg13[%get3A_564, %get3A_565] {strides = array<i32>} : memref<80x128xf32, #tpu.memory_space<vmem>>, vector<16xf32>,
        %get3A_567 = arith.index_cast %add3A_513 : i32 to index
        %get3A_568 = arith.constant 80 : index
        %get3A_569 = tpu.vector_load %arg15[%get3A_567, %get3A_568] {strides = array<i32>} : memref<80x128xf32, #tpu.memory_space<vmem>>, vector<16xf32>,
        %mul3A_570 = arith.mulf %get3A_566, %get3A_569 : vector<16xf32>
        %swap3A_571 = arith.index_cast %add3A_513 : i32 to index
        %swap3A_572 = arith.constant 80 : index
        %swap3A_573 = tpu.vector_load %arg13[%swap3A_571, %swap3A_572] {strides = array<i32>} : memref<80x128xf32, #tpu.memory_space<vmem>>, vector<16xf32>,
        tpu.vector_store %arg13[%swap3A_571, %swap3A_572], %mul3A_570 {strides = array<i32>} : memref<80x128xf32, #tpu.memory_space<vmem>>, vector<16xf32>,
        %get3A_574 = arith.index_cast %add3A_513 : i32 to index
        %get3A_575 = arith.constant 96 : index
        %get3A_576 = tpu.vector_load %arg13[%get3A_574, %get3A_575] {strides = array<i32>} : memref<80x128xf32, #tpu.memory_space<vmem>>, vector<16xf32>,
        %get3A_577 = arith.index_cast %add3A_513 : i32 to index
        %get3A_578 = arith.constant 96 : index
        %get3A_579 = tpu.vector_load %arg15[%get3A_577, %get3A_578] {strides = array<i32>} : memref<80x128xf32, #tpu.memory_space<vmem>>, vector<16xf32>,
        %mul3A_580 = arith.mulf %get3A_576, %get3A_579 : vector<16xf32>
        %swap3A_581 = arith.index_cast %add3A_513 : i32 to index
        %swap3A_582 = arith.constant 96 : index
        %swap3A_583 = tpu.vector_load %arg13[%swap3A_581, %swap3A_582] {strides = array<i32>} : memref<80x128xf32, #tpu.memory_space<vmem>>, vector<16xf32>,
        tpu.vector_store %arg13[%swap3A_581, %swap3A_582], %mul3A_580 {strides = array<i32>} : memref<80x128xf32, #tpu.memory_space<vmem>>, vector<16xf32>,
        %get3A_584 = arith.index_cast %add3A_513 : i32 to index
        %get3A_585 = arith.constant 112 : index
        %get3A_586 = tpu.vector_load %arg13[%get3A_584, %get3A_585] {strides = array<i32>} : memref<80x128xf32, #tpu.memory_space<vmem>>, vector<16xf32>,
        %get3A_587 = arith.index_cast %add3A_513 : i32 to index
        %get3A_588 = arith.constant 112 : index
        %get3A_589 = tpu.vector_load %arg15[%get3A_587, %get3A_588] {strides = array<i32>} : memref<80x128xf32, #tpu.memory_space<vmem>>, vector<16xf32>,
        %mul3A_590 = arith.mulf %get3A_586, %get3A_589 : vector<16xf32>
        %swap3A_591 = arith.index_cast %add3A_513 : i32 to index
        %swap3A_592 = arith.constant 112 : index
        %swap3A_593 = tpu.vector_load %arg13[%swap3A_591, %swap3A_592] {strides = array<i32>} : memref<80x128xf32, #tpu.memory_space<vmem>>, vector<16xf32>,
        tpu.vector_store %arg13[%swap3A_591, %swap3A_592], %mul3A_590 {strides = array<i32>} : memref<80x128xf32, #tpu.memory_space<vmem>>, vector<16xf32>,
        %mul3A_594 = arith.constant 4 : i32
        %mul3A_595 = arith.muli %mul3A_594, %scan3A_342 : i32
        %add3A_596 = arith.constant 3 : i32
        %add3A_597 = arith.addi %mul3A_595, %add3A_596 : i32
        %get3A_598 = arith.index_cast %add3A_597 : i32 to index
        %get3A_599 = arith.constant 0 : index
        %get3A_600 = tpu.vector_load %arg13[%get3A_598, %get3A_599] {strides = array<i32>} : memref<80x128xf32, #tpu.memory_space<vmem>>, vector<16xf32>,
        %get3A_601 = arith.index_cast %add3A_597 : i32 to index
        %get3A_602 = arith.constant 0 : index
        %get3A_603 = tpu.vector_load %arg15[%get3A_601, %get3A_602] {strides = array<i32>} : memref<80x128xf32, #tpu.memory_space<vmem>>, vector<16xf32>,
        %mul3A_604 = arith.mulf %get3A_600, %get3A_603 : vector<16xf32>
        %swap3A_605 = arith.index_cast %add3A_597 : i32 to index
        %swap3A_606 = arith.constant 0 : index
        %swap3A_607 = tpu.vector_load %arg13[%swap3A_605, %swap3A_606] {strides = array<i32>} : memref<80x128xf32, #tpu.memory_space<vmem>>, vector<16xf32>,
        tpu.vector_store %arg13[%swap3A_605, %swap3A_606], %mul3A_604 {strides = array<i32>} : memref<80x128xf32, #tpu.memory_space<vmem>>, vector<16xf32>,
        %get3A_608 = arith.index_cast %add3A_597 : i32 to index
        %get3A_609 = arith.constant 16 : index
        %get3A_610 = tpu.vector_load %arg13[%get3A_608, %get3A_609] {strides = array<i32>} : memref<80x128xf32, #tpu.memory_space<vmem>>, vector<16xf32>,
        %get3A_611 = arith.index_cast %add3A_597 : i32 to index
        %get3A_612 = arith.constant 16 : index
        %get3A_613 = tpu.vector_load %arg15[%get3A_611, %get3A_612] {strides = array<i32>} : memref<80x128xf32, #tpu.memory_space<vmem>>, vector<16xf32>,
        %mul3A_614 = arith.mulf %get3A_610, %get3A_613 : vector<16xf32>
        %swap3A_615 = arith.index_cast %add3A_597 : i32 to index
        %swap3A_616 = arith.constant 16 : index
        %swap3A_617 = tpu.vector_load %arg13[%swap3A_615, %swap3A_616] {strides = array<i32>} : memref<80x128xf32, #tpu.memory_space<vmem>>, vector<16xf32>,
        tpu.vector_store %arg13[%swap3A_615, %swap3A_616], %mul3A_614 {strides = array<i32>} : memref<80x128xf32, #tpu.memory_space<vmem>>, vector<16xf32>,
        %get3A_618 = arith.index_cast %add3A_597 : i32 to index
        %get3A_619 = arith.constant 32 : index
        %get3A_620 = tpu.vector_load %arg13[%get3A_618, %get3A_619] {strides = array<i32>} : memref<80x128xf32, #tpu.memory_space<vmem>>, vector<16xf32>,
        %get3A_621 = arith.index_cast %add3A_597 : i32 to index
        %get3A_622 = arith.constant 32 : index
        %get3A_623 = tpu.vector_load %arg15[%get3A_621, %get3A_622] {strides = array<i32>} : memref<80x128xf32, #tpu.memory_space<vmem>>, vector<16xf32>,
        %mul3A_624 = arith.mulf %get3A_620, %get3A_623 : vector<16xf32>
        %swap3A_625 = arith.index_cast %add3A_597 : i32 to index
        %swap3A_626 = arith.constant 32 : index
        %swap3A_627 = tpu.vector_load %arg13[%swap3A_625, %swap3A_626] {strides = array<i32>} : memref<80x128xf32, #tpu.memory_space<vmem>>, vector<16xf32>,
        tpu.vector_store %arg13[%swap3A_625, %swap3A_626], %mul3A_624 {strides = array<i32>} : memref<80x128xf32, #tpu.memory_space<vmem>>, vector<16xf32>,
        %get3A_628 = arith.index_cast %add3A_597 : i32 to index
        %get3A_629 = arith.constant 48 : index
        %get3A_630 = tpu.vector_load %arg13[%get3A_628, %get3A_629] {strides = array<i32>} : memref<80x128xf32, #tpu.memory_space<vmem>>, vector<16xf32>,
        %get3A_631 = arith.index_cast %add3A_597 : i32 to index
        %get3A_632 = arith.constant 48 : index
        %get3A_633 = tpu.vector_load %arg15[%get3A_631, %get3A_632] {strides = array<i32>} : memref<80x128xf32, #tpu.memory_space<vmem>>, vector<16xf32>,
        %mul3A_634 = arith.mulf %get3A_630, %get3A_633 : vector<16xf32>
        %swap3A_635 = arith.index_cast %add3A_597 : i32 to index
        %swap3A_636 = arith.constant 48 : index
        %swap3A_637 = tpu.vector_load %arg13[%swap3A_635, %swap3A_636] {strides = array<i32>} : memref<80x128xf32, #tpu.memory_space<vmem>>, vector<16xf32>,
        tpu.vector_store %arg13[%swap3A_635, %swap3A_636], %mul3A_634 {strides = array<i32>} : memref<80x128xf32, #tpu.memory_space<vmem>>, vector<16xf32>,
        %get3A_638 = arith.index_cast %add3A_597 : i32 to index
        %get3A_639 = arith.constant 64 : index
        %get3A_640 = tpu.vector_load %arg13[%get3A_638, %get3A_639] {strides = array<i32>} : memref<80x128xf32, #tpu.memory_space<vmem>>, vector<16xf32>,
        %get3A_641 = arith.index_cast %add3A_597 : i32 to index
        %get3A_642 = arith.constant 64 : index
        %get3A_643 = tpu.vector_load %arg15[%get3A_641, %get3A_642] {strides = array<i32>} : memref<80x128xf32, #tpu.memory_space<vmem>>, vector<16xf32>,
        %mul3A_644 = arith.mulf %get3A_640, %get3A_643 : vector<16xf32>
        %swap3A_645 = arith.index_cast %add3A_597 : i32 to index
        %swap3A_646 = arith.constant 64 : index
        %swap3A_647 = tpu.vector_load %arg13[%swap3A_645, %swap3A_646] {strides = array<i32>} : memref<80x128xf32, #tpu.memory_space<vmem>>, vector<16xf32>,
        tpu.vector_store %arg13[%swap3A_645, %swap3A_646], %mul3A_644 {strides = array<i32>} : memref<80x128xf32, #tpu.memory_space<vmem>>, vector<16xf32>,
        %get3A_648 = arith.index_cast %add3A_597 : i32 to index
        %get3A_649 = arith.constant 80 : index
        %get3A_650 = tpu.vector_load %arg13[%get3A_648, %get3A_649] {strides = array<i32>} : memref<80x128xf32, #tpu.memory_space<vmem>>, vector<16xf32>,
        %get3A_651 = arith.index_cast %add3A_597 : i32 to index
        %get3A_652 = arith.constant 80 : index
        %get3A_653 = tpu.vector_load %arg15[%get3A_651, %get3A_652] {strides = array<i32>} : memref<80x128xf32, #tpu.memory_space<vmem>>, vector<16xf32>,
        %mul3A_654 = arith.mulf %get3A_650, %get3A_653 : vector<16xf32>
        %swap3A_655 = arith.index_cast %add3A_597 : i32 to index
        %swap3A_656 = arith.constant 80 : index
        %swap3A_657 = tpu.vector_load %arg13[%swap3A_655, %swap3A_656] {strides = array<i32>} : memref<80x128xf32, #tpu.memory_space<vmem>>, vector<16xf32>,
        tpu.vector_store %arg13[%swap3A_655, %swap3A_656], %mul3A_654 {strides = array<i32>} : memref<80x128xf32, #tpu.memory_space<vmem>>, vector<16xf32>,
        %get3A_658 = arith.index_cast %add3A_597 : i32 to index
        %get3A_659 = arith.constant 96 : index
        %get3A_660 = tpu.vector_load %arg13[%get3A_658, %get3A_659] {strides = array<i32>} : memref<80x128xf32, #tpu.memory_space<vmem>>, vector<16xf32>,
        %get3A_661 = arith.index_cast %add3A_597 : i32 to index
        %get3A_662 = arith.constant 96 : index
        %get3A_663 = tpu.vector_load %arg15[%get3A_661, %get3A_662] {strides = array<i32>} : memref<80x128xf32, #tpu.memory_space<vmem>>, vector<16xf32>,
        %mul3A_664 = arith.mulf %get3A_660, %get3A_663 : vector<16xf32>
        %swap3A_665 = arith.index_cast %add3A_597 : i32 to index
        %swap3A_666 = arith.constant 96 : index
        %swap3A_667 = tpu.vector_load %arg13[%swap3A_665, %swap3A_666] {strides = array<i32>} : memref<80x128xf32, #tpu.memory_space<vmem>>, vector<16xf32>,
        tpu.vector_store %arg13[%swap3A_665, %swap3A_666], %mul3A_664 {strides = array<i32>} : memref<80x128xf32, #tpu.memory_space<vmem>>, vector<16xf32>,
        %get3A_668 = arith.index_cast %add3A_597 : i32 to index
        %get3A_669 = arith.constant 112 : index
        %get3A_670 = tpu.vector_load %arg13[%get3A_668, %get3A_669] {strides = array<i32>} : memref<80x128xf32, #tpu.memory_space<vmem>>, vector<16xf32>,
        %get3A_671 = arith.index_cast %add3A_597 : i32 to index
        %get3A_672 = arith.constant 112 : index
        %get3A_673 = tpu.vector_load %arg15[%get3A_671, %get3A_672] {strides = array<i32>} : memref<80x128xf32, #tpu.memory_space<vmem>>, vector<16xf32>,
        %mul3A_674 = arith.mulf %get3A_670, %get3A_673 : vector<16xf32>
        %swap3A_675 = arith.index_cast %add3A_597 : i32 to index
        %swap3A_676 = arith.constant 112 : index
        %swap3A_677 = tpu.vector_load %arg13[%swap3A_675, %swap3A_676] {strides = array<i32>} : memref<80x128xf32, #tpu.memory_space<vmem>>, vector<16xf32>,
        tpu.vector_store %arg13[%swap3A_675, %swap3A_676], %mul3A_674 {strides = array<i32>} : memref<80x128xf32, #tpu.memory_space<vmem>>, vector<16xf32>,
        %scan3A_678 = arith.constant 0 : i32
        scf.yield %scan3A_678 : i32
      }
      %scan3A_268 = arith.constant 20 : i32
      %dma_start3A_269 = arith.constant 0 : i32
      %dma_start3A_270 = arith.constant 0 : i32
      %dma_start3A_271 = tpu.memref_slice %arg17[%dma_start3A_269, %dma_start3A_270] : memref<10240x128xf32, #tpu.memory_space<vmem_shared>> -> memref<10240x128xf32, #tpu.memory_space<vmem_shared>>
      tpu.enqueue_indirect_dma source(%arg13 : memref<80x128xf32, #tpu.memory_space<vmem>>) target(%dma_start3A_271 : memref<10240x128xf32, #tpu.memory_space<vmem_shared>>) offsets(%arg11 : memref<80xi32, #tpu.memory_space<vmem>>) semaphore(%arg20 : memref<!tpu.dma_semaphore, #tpu.memory_space<semaphore_mem>>) {add = true}
      %dma_wait3A_272 = arith.constant 0 : i32
      %dma_wait3A_273 = arith.constant 0 : i32
      %dma_wait3A_274 = tpu.memref_slice %arg2[%dma_wait3A_272, %dma_wait3A_273] : memref<10000x128xf32, #tpu.memory_space<hbm>> -> memref<10000x128xf32, #tpu.memory_space<hbm>>
      tpu.wait_indirect_dma semaphore(%arg18 : memref<!tpu.dma_semaphore, #tpu.memory_space<semaphore_mem>>) src(%dma_wait3A_274 : memref<10000x128xf32, #tpu.memory_space<hbm>>) dst(%arg14 : memref<80x128xf32, #tpu.memory_space<vmem>>)
      %dma_wait3A_275 = arith.constant 0 : i32
      %dma_wait3A_276 = tpu.memref_slice %arg3[%add3A_239, %dma_wait3A_275] : memref<320000x128xf32, #tpu.memory_space<hbm>> -> memref<80x128xf32, #tpu.memory_space<hbm>>
      %dma_wait3A_277 = arith.constant 0 : i32
      %dma_wait3A_278 = tpu.memref_slice %arg3[%add3A_239, %dma_wait3A_277] : memref<320000x128xf32, #tpu.memory_space<hbm>> -> memref<80x128xf32, #tpu.memory_space<hbm>>
      tpu.wait_dma2 semaphore(%arg18 : memref<!tpu.dma_semaphore, #tpu.memory_space<semaphore_mem>>) src(%dma_wait3A_278 : memref<80x128xf32, #tpu.memory_space<hbm>>) dst(%arg16 : memref<80x128xf32, #tpu.memory_space<vmem>>)
      %dma_wait3A_279 = tpu.memref_slice %arg4[%add3A_254] : memref<320000xi32, #tpu.memory_space<hbm>> -> memref<80xi32, #tpu.memory_space<hbm>>
      %dma_wait3A_280 = tpu.memref_slice %arg4[%add3A_254] : memref<320000xi32, #tpu.memory_space<hbm>> -> memref<80xi32, #tpu.memory_space<hbm>>
      tpu.wait_dma2 semaphore(%arg19 : memref<!tpu.dma_semaphore, #tpu.memory_space<semaphore_mem>>) src(%dma_wait3A_280 : memref<80xi32, #tpu.memory_space<hbm>>) dst(%arg7 : memref<80xi32, #tpu.memory_space<vmem>>)
      %dma_wait3A_281 = tpu.memref_slice %arg5[%add3A_259] : memref<320000xi32, #tpu.memory_space<hbm>> -> memref<80xi32, #tpu.memory_space<hbm>>
      %dma_wait3A_282 = tpu.memref_slice %arg5[%add3A_259] : memref<320000xi32, #tpu.memory_space<hbm>> -> memref<80xi32, #tpu.memory_space<hbm>>
      tpu.wait_dma2 semaphore(%arg19 : memref<!tpu.dma_semaphore, #tpu.memory_space<semaphore_mem>>) src(%dma_wait3A_282 : memref<80xi32, #tpu.memory_space<hbm>>) dst(%arg10 : memref<80xi32, #tpu.memory_space<vmem>>)
      %mul3A_283 = arith.constant 4 : i32
      %mul3A_284 = arith.muli %mul3A_283, %scan3A_108 : i32
      %add3A_285 = arith.constant 3 : i32
      %add3A_286 = arith.addi %mul3A_284, %add3A_285 : i32
      %dma_wait3A_287 = arith.constant 0 : i32
      %dma_wait3A_288 = arith.constant 0 : i32
      %dma_wait3A_289 = tpu.memref_slice %arg17[%dma_wait3A_287, %dma_wait3A_288] : memref<10240x128xf32, #tpu.memory_space<vmem_shared>> -> memref<10240x128xf32, #tpu.memory_space<vmem_shared>>
      tpu.wait_indirect_dma semaphore(%arg20 : memref<!tpu.dma_semaphore, #tpu.memory_space<semaphore_mem>>) src(%arg13 : memref<80x128xf32, #tpu.memory_space<vmem>>) dst(%dma_wait3A_289 : memref<10240x128xf32, #tpu.memory_space<vmem_shared>>)
      %dma_start3A_290 = arith.constant 0 : i32
      %dma_start3A_291 = arith.constant 0 : i32
      %dma_start3A_292 = tpu.memref_slice %arg2[%dma_start3A_290, %dma_start3A_291] : memref<10000x128xf32, #tpu.memory_space<hbm>> -> memref<10000x128xf32, #tpu.memory_space<hbm>>
      tpu.enqueue_indirect_dma source(%dma_start3A_292 : memref<10000x128xf32, #tpu.memory_space<hbm>>) target(%arg13 : memref<80x128xf32, #tpu.memory_space<vmem>>) offsets(%arg7 : memref<80xi32, #tpu.memory_space<vmem>>) semaphore(%arg18 : memref<!tpu.dma_semaphore, #tpu.memory_space<semaphore_mem>>)
      %add3A_293 = arith.constant 1 : i32
      %add3A_294 = arith.addi %add3A_286, %add3A_293 : i32
      %mul3A_295 = arith.constant 80 : i32
      %mul3A_296 = arith.muli %add3A_294, %mul3A_295 : i32
      %add3A_297 = arith.addi %mul3A_2, %mul3A_296 : i32
      %dma_start3A_298 = arith.constant 0 : i32
      %dma_start3A_299 = tpu.memref_slice %arg3[%add3A_297, %dma_start3A_298] : memref<320000x128xf32, #tpu.memory_space<hbm>> -> memref<80x128xf32, #tpu.memory_space<hbm>>
      %dma_start3A_300 = arith.constant 0 : i32
      %dma_start3A_301 = tpu.memref_slice %arg3[%add3A_297, %dma_start3A_300] : memref<320000x128xf32, #tpu.memory_space<hbm>> -> memref<80x128xf32, #tpu.memory_space<hbm>>
      tpu.enqueue_dma source(%dma_start3A_301 : memref<80x128xf32, #tpu.memory_space<hbm>>) target(%arg15 : memref<80x128xf32, #tpu.memory_space<vmem>>) target_semaphore(%arg18 : memref<!tpu.dma_semaphore, #tpu.memory_space<semaphore_mem>>)
      %add3A_302 = arith.constant 2 : i32
      %add3A_303 = arith.addi %add3A_286, %add3A_302 : i32
      %min3A_304 = arith.constant 124 : i32
      %min3A_305 = arith.minsi %add3A_303, %min3A_304 : i32
      %add3A_306 = arith.constant 3 : i32
      %add3A_307 = arith.addi %add3A_286, %add3A_306 : i32
      %min3A_308 = arith.constant 124 : i32
      %min3A_309 = arith.minsi %add3A_307, %min3A_308 : i32
      %mul3A_310 = arith.constant 80 : i32
      %mul3A_311 = arith.muli %min3A_305, %mul3A_310 : i32
      %add3A_312 = arith.addi %mul3A_2, %mul3A_311 : i32
      %dma_start3A_313 = tpu.memref_slice %arg4[%add3A_312] : memref<320000xi32, #tpu.memory_space<hbm>> -> memref<80xi32, #tpu.memory_space<hbm>>
      %dma_start3A_314 = tpu.memref_slice %arg4[%add3A_312] : memref<320000xi32, #tpu.memory_space<hbm>> -> memref<80xi32, #tpu.memory_space<hbm>>
      tpu.enqueue_dma source(%dma_start3A_314 : memref<80xi32, #tpu.memory_space<hbm>>) target(%arg8 : memref<80xi32, #tpu.memory_space<vmem>>) target_semaphore(%arg19 : memref<!tpu.dma_semaphore, #tpu.memory_space<semaphore_mem>>)
      %mul3A_315 = arith.constant 80 : i32
      %mul3A_316 = arith.muli %min3A_309, %mul3A_315 : i32
      %add3A_317 = arith.addi %mul3A_2, %mul3A_316 : i32
      %dma_start3A_318 = tpu.memref_slice %arg5[%add3A_317] : memref<320000xi32, #tpu.memory_space<hbm>> -> memref<80xi32, #tpu.memory_space<hbm>>
      %dma_start3A_319 = tpu.memref_slice %arg5[%add3A_317] : memref<320000xi32, #tpu.memory_space<hbm>> -> memref<80xi32, #tpu.memory_space<hbm>>
      tpu.enqueue_dma source(%dma_start3A_319 : memref<80xi32, #tpu.memory_space<hbm>>) target(%arg11 : memref<80xi32, #tpu.memory_space<vmem>>) target_semaphore(%arg19 : memref<!tpu.dma_semaphore, #tpu.memory_space<semaphore_mem>>)
      %scan3A_320 = arith.constant 0 : i32
      %scan3A_321 = arith.constant 0 : i32
      %scan3A_322 = arith.constant 20 : i32
      %scan3A_323 = arith.addi %scan3A_321, %scan3A_322 : i32
      %scan3A_324 = arith.constant 1 : i32
      %scan3A_325 = scf.for %scan3A_342 = %scan3A_321 to %scan3A_323 step %scan3A_324 iter_args(%scan3A_343 = %scan3A_320) -> (i32)  : i32 {
        %mul3A_344 = arith.constant 4 : i32
        %mul3A_345 = arith.muli %mul3A_344, %scan3A_342 : i32
        %add3A_346 = arith.constant 0 : i32
        %add3A_347 = arith.addi %mul3A_345, %add3A_346 : i32
        %get3A = arith.index_cast %add3A_347 : i32 to index
        %get3A_348 = arith.constant 0 : index
        %get3A_349 = tpu.vector_load %arg14[%get3A, %get3A_348] {strides = array<i32>} : memref<80x128xf32, #tpu.memory_space<vmem>>, vector<16xf32>,
        %get3A_350 = arith.index_cast %add3A_347 : i32 to index
        %get3A_351 = arith.constant 0 : index
        %get3A_352 = tpu.vector_load %arg16[%get3A_350, %get3A_351] {strides = array<i32>} : memref<80x128xf32, #tpu.memory_space<vmem>>, vector<16xf32>,
        %mul3A_353 = arith.mulf %get3A_349, %get3A_352 : vector<16xf32>
        %swap3A = arith.index_cast %add3A_347 : i32 to index
        %swap3A_354 = arith.constant 0 : index
        %swap3A_355 = tpu.vector_load %arg14[%swap3A, %swap3A_354] {strides = array<i32>} : memref<80x128xf32, #tpu.memory_space<vmem>>, vector<16xf32>,
        tpu.vector_store %arg14[%swap3A, %swap3A_354], %mul3A_353 {strides = array<i32>} : memref<80x128xf32, #tpu.memory_space<vmem>>, vector<16xf32>,
        %get3A_356 = arith.index_cast %add3A_347 : i32 to index
        %get3A_357 = arith.constant 16 : index
        %get3A_358 = tpu.vector_load %arg14[%get3A_356, %get3A_357] {strides = array<i32>} : memref<80x128xf32, #tpu.memory_space<vmem>>, vector<16xf32>,
        %get3A_359 = arith.index_cast %add3A_347 : i32 to index
        %get3A_360 = arith.constant 16 : index
        %get3A_361 = tpu.vector_load %arg16[%get3A_359, %get3A_360] {strides = array<i32>} : memref<80x128xf32, #tpu.memory_space<vmem>>, vector<16xf32>,
        %mul3A_362 = arith.mulf %get3A_358, %get3A_361 : vector<16xf32>
        %swap3A_363 = arith.index_cast %add3A_347 : i32 to index
        %swap3A_364 = arith.constant 16 : index
        %swap3A_365 = tpu.vector_load %arg14[%swap3A_363, %swap3A_364] {strides = array<i32>} : memref<80x128xf32, #tpu.memory_space<vmem>>, vector<16xf32>,
        tpu.vector_store %arg14[%swap3A_363, %swap3A_364], %mul3A_362 {strides = array<i32>} : memref<80x128xf32, #tpu.memory_space<vmem>>, vector<16xf32>,
        %get3A_366 = arith.index_cast %add3A_347 : i32 to index
        %get3A_367 = arith.constant 32 : index
        %get3A_368 = tpu.vector_load %arg14[%get3A_366, %get3A_367] {strides = array<i32>} : memref<80x128xf32, #tpu.memory_space<vmem>>, vector<16xf32>,
        %get3A_369 = arith.index_cast %add3A_347 : i32 to index
        %get3A_370 = arith.constant 32 : index
        %get3A_371 = tpu.vector_load %arg16[%get3A_369, %get3A_370] {strides = array<i32>} : memref<80x128xf32, #tpu.memory_space<vmem>>, vector<16xf32>,
        %mul3A_372 = arith.mulf %get3A_368, %get3A_371 : vector<16xf32>
        %swap3A_373 = arith.index_cast %add3A_347 : i32 to index
        %swap3A_374 = arith.constant 32 : index
        %swap3A_375 = tpu.vector_load %arg14[%swap3A_373, %swap3A_374] {strides = array<i32>} : memref<80x128xf32, #tpu.memory_space<vmem>>, vector<16xf32>,
        tpu.vector_store %arg14[%swap3A_373, %swap3A_374], %mul3A_372 {strides = array<i32>} : memref<80x128xf32, #tpu.memory_space<vmem>>, vector<16xf32>,
        %get3A_376 = arith.index_cast %add3A_347 : i32 to index
        %get3A_377 = arith.constant 48 : index
        %get3A_378 = tpu.vector_load %arg14[%get3A_376, %get3A_377] {strides = array<i32>} : memref<80x128xf32, #tpu.memory_space<vmem>>, vector<16xf32>,
        %get3A_379 = arith.index_cast %add3A_347 : i32 to index
        %get3A_380 = arith.constant 48 : index
        %get3A_381 = tpu.vector_load %arg16[%get3A_379, %get3A_380] {strides = array<i32>} : memref<80x128xf32, #tpu.memory_space<vmem>>, vector<16xf32>,
        %mul3A_382 = arith.mulf %get3A_378, %get3A_381 : vector<16xf32>
        %swap3A_383 = arith.index_cast %add3A_347 : i32 to index
        %swap3A_384 = arith.constant 48 : index
        %swap3A_385 = tpu.vector_load %arg14[%swap3A_383, %swap3A_384] {strides = array<i32>} : memref<80x128xf32, #tpu.memory_space<vmem>>, vector<16xf32>,
        tpu.vector_store %arg14[%swap3A_383, %swap3A_384], %mul3A_382 {strides = array<i32>} : memref<80x128xf32, #tpu.memory_space<vmem>>, vector<16xf32>,
        %get3A_386 = arith.index_cast %add3A_347 : i32 to index
        %get3A_387 = arith.constant 64 : index
        %get3A_388 = tpu.vector_load %arg14[%get3A_386, %get3A_387] {strides = array<i32>} : memref<80x128xf32, #tpu.memory_space<vmem>>, vector<16xf32>,
        %get3A_389 = arith.index_cast %add3A_347 : i32 to index
        %get3A_390 = arith.constant 64 : index
        %get3A_391 = tpu.vector_load %arg16[%get3A_389, %get3A_390] {strides = array<i32>} : memref<80x128xf32, #tpu.memory_space<vmem>>, vector<16xf32>,
        %mul3A_392 = arith.mulf %get3A_388, %get3A_391 : vector<16xf32>
        %swap3A_393 = arith.index_cast %add3A_347 : i32 to index
        %swap3A_394 = arith.constant 64 : index
        %swap3A_395 = tpu.vector_load %arg14[%swap3A_393, %swap3A_394] {strides = array<i32>} : memref<80x128xf32, #tpu.memory_space<vmem>>, vector<16xf32>,
        tpu.vector_store %arg14[%swap3A_393, %swap3A_394], %mul3A_392 {strides = array<i32>} : memref<80x128xf32, #tpu.memory_space<vmem>>, vector<16xf32>,
        %get3A_396 = arith.index_cast %add3A_347 : i32 to index
        %get3A_397 = arith.constant 80 : index
        %get3A_398 = tpu.vector_load %arg14[%get3A_396, %get3A_397] {strides = array<i32>} : memref<80x128xf32, #tpu.memory_space<vmem>>, vector<16xf32>,
        %get3A_399 = arith.index_cast %add3A_347 : i32 to index
        %get3A_400 = arith.constant 80 : index
        %get3A_401 = tpu.vector_load %arg16[%get3A_399, %get3A_400] {strides = array<i32>} : memref<80x128xf32, #tpu.memory_space<vmem>>, vector<16xf32>,
        %mul3A_402 = arith.mulf %get3A_398, %get3A_401 : vector<16xf32>
        %swap3A_403 = arith.index_cast %add3A_347 : i32 to index
        %swap3A_404 = arith.constant 80 : index
        %swap3A_405 = tpu.vector_load %arg14[%swap3A_403, %swap3A_404] {strides = array<i32>} : memref<80x128xf32, #tpu.memory_space<vmem>>, vector<16xf32>,
        tpu.vector_store %arg14[%swap3A_403, %swap3A_404], %mul3A_402 {strides = array<i32>} : memref<80x128xf32, #tpu.memory_space<vmem>>, vector<16xf32>,
        %get3A_406 = arith.index_cast %add3A_347 : i32 to index
        %get3A_407 = arith.constant 96 : index
        %get3A_408 = tpu.vector_load %arg14[%get3A_406, %get3A_407] {strides = array<i32>} : memref<80x128xf32, #tpu.memory_space<vmem>>, vector<16xf32>,
        %get3A_409 = arith.index_cast %add3A_347 : i32 to index
        %get3A_410 = arith.constant 96 : index
        %get3A_411 = tpu.vector_load %arg16[%get3A_409, %get3A_410] {strides = array<i32>} : memref<80x128xf32, #tpu.memory_space<vmem>>, vector<16xf32>,
        %mul3A_412 = arith.mulf %get3A_408, %get3A_411 : vector<16xf32>
        %swap3A_413 = arith.index_cast %add3A_347 : i32 to index
        %swap3A_414 = arith.constant 96 : index
        %swap3A_415 = tpu.vector_load %arg14[%swap3A_413, %swap3A_414] {strides = array<i32>} : memref<80x128xf32, #tpu.memory_space<vmem>>, vector<16xf32>,
        tpu.vector_store %arg14[%swap3A_413, %swap3A_414], %mul3A_412 {strides = array<i32>} : memref<80x128xf32, #tpu.memory_space<vmem>>, vector<16xf32>,
        %get3A_416 = arith.index_cast %add3A_347 : i32 to index
        %get3A_417 = arith.constant 112 : index
        %get3A_418 = tpu.vector_load %arg14[%get3A_416, %get3A_417] {strides = array<i32>} : memref<80x128xf32, #tpu.memory_space<vmem>>, vector<16xf32>,
        %get3A_419 = arith.index_cast %add3A_347 : i32 to index
        %get3A_420 = arith.constant 112 : index
        %get3A_421 = tpu.vector_load %arg16[%get3A_419, %get3A_420] {strides = array<i32>} : memref<80x128xf32, #tpu.memory_space<vmem>>, vector<16xf32>,
        %mul3A_422 = arith.mulf %get3A_418, %get3A_421 : vector<16xf32>
        %swap3A_423 = arith.index_cast %add3A_347 : i32 to index
        %swap3A_424 = arith.constant 112 : index
        %swap3A_425 = tpu.vector_load %arg14[%swap3A_423, %swap3A_424] {strides = array<i32>} : memref<80x128xf32, #tpu.memory_space<vmem>>, vector<16xf32>,
        tpu.vector_store %arg14[%swap3A_423, %swap3A_424], %mul3A_422 {strides = array<i32>} : memref<80x128xf32, #tpu.memory_space<vmem>>, vector<16xf32>,
        %mul3A_426 = arith.constant 4 : i32
        %mul3A_427 = arith.muli %mul3A_426, %scan3A_342 : i32
        %add3A_428 = arith.constant 1 : i32
        %add3A_429 = arith.addi %mul3A_427, %add3A_428 : i32
        %get3A_430 = arith.index_cast %add3A_429 : i32 to index
        %get3A_431 = arith.constant 0 : index
        %get3A_432 = tpu.vector_load %arg14[%get3A_430, %get3A_431] {strides = array<i32>} : memref<80x128xf32, #tpu.memory_space<vmem>>, vector<16xf32>,
        %get3A_433 = arith.index_cast %add3A_429 : i32 to index
        %get3A_434 = arith.constant 0 : index
        %get3A_435 = tpu.vector_load %arg16[%get3A_433, %get3A_434] {strides = array<i32>} : memref<80x128xf32, #tpu.memory_space<vmem>>, vector<16xf32>,
        %mul3A_436 = arith.mulf %get3A_432, %get3A_435 : vector<16xf32>
        %swap3A_437 = arith.index_cast %add3A_429 : i32 to index
        %swap3A_438 = arith.constant 0 : index
        %swap3A_439 = tpu.vector_load %arg14[%swap3A_437, %swap3A_438] {strides = array<i32>} : memref<80x128xf32, #tpu.memory_space<vmem>>, vector<16xf32>,
        tpu.vector_store %arg14[%swap3A_437, %swap3A_438], %mul3A_436 {strides = array<i32>} : memref<80x128xf32, #tpu.memory_space<vmem>>, vector<16xf32>,
        %get3A_440 = arith.index_cast %add3A_429 : i32 to index
        %get3A_441 = arith.constant 16 : index
        %get3A_442 = tpu.vector_load %arg14[%get3A_440, %get3A_441] {strides = array<i32>} : memref<80x128xf32, #tpu.memory_space<vmem>>, vector<16xf32>,
        %get3A_443 = arith.index_cast %add3A_429 : i32 to index
        %get3A_444 = arith.constant 16 : index
        %get3A_445 = tpu.vector_load %arg16[%get3A_443, %get3A_444] {strides = array<i32>} : memref<80x128xf32, #tpu.memory_space<vmem>>, vector<16xf32>,
        %mul3A_446 = arith.mulf %get3A_442, %get3A_445 : vector<16xf32>
        %swap3A_447 = arith.index_cast %add3A_429 : i32 to index
        %swap3A_448 = arith.constant 16 : index
        %swap3A_449 = tpu.vector_load %arg14[%swap3A_447, %swap3A_448] {strides = array<i32>} : memref<80x128xf32, #tpu.memory_space<vmem>>, vector<16xf32>,
        tpu.vector_store %arg14[%swap3A_447, %swap3A_448], %mul3A_446 {strides = array<i32>} : memref<80x128xf32, #tpu.memory_space<vmem>>, vector<16xf32>,
        %get3A_450 = arith.index_cast %add3A_429 : i32 to index
        %get3A_451 = arith.constant 32 : index
        %get3A_452 = tpu.vector_load %arg14[%get3A_450, %get3A_451] {strides = array<i32>} : memref<80x128xf32, #tpu.memory_space<vmem>>, vector<16xf32>,
        %get3A_453 = arith.index_cast %add3A_429 : i32 to index
        %get3A_454 = arith.constant 32 : index
        %get3A_455 = tpu.vector_load %arg16[%get3A_453, %get3A_454] {strides = array<i32>} : memref<80x128xf32, #tpu.memory_space<vmem>>, vector<16xf32>,
        %mul3A_456 = arith.mulf %get3A_452, %get3A_455 : vector<16xf32>
        %swap3A_457 = arith.index_cast %add3A_429 : i32 to index
        %swap3A_458 = arith.constant 32 : index
        %swap3A_459 = tpu.vector_load %arg14[%swap3A_457, %swap3A_458] {strides = array<i32>} : memref<80x128xf32, #tpu.memory_space<vmem>>, vector<16xf32>,
        tpu.vector_store %arg14[%swap3A_457, %swap3A_458], %mul3A_456 {strides = array<i32>} : memref<80x128xf32, #tpu.memory_space<vmem>>, vector<16xf32>,
        %get3A_460 = arith.index_cast %add3A_429 : i32 to index
        %get3A_461 = arith.constant 48 : index
        %get3A_462 = tpu.vector_load %arg14[%get3A_460, %get3A_461] {strides = array<i32>} : memref<80x128xf32, #tpu.memory_space<vmem>>, vector<16xf32>,
        %get3A_463 = arith.index_cast %add3A_429 : i32 to index
        %get3A_464 = arith.constant 48 : index
        %get3A_465 = tpu.vector_load %arg16[%get3A_463, %get3A_464] {strides = array<i32>} : memref<80x128xf32, #tpu.memory_space<vmem>>, vector<16xf32>,
        %mul3A_466 = arith.mulf %get3A_462, %get3A_465 : vector<16xf32>
        %swap3A_467 = arith.index_cast %add3A_429 : i32 to index
        %swap3A_468 = arith.constant 48 : index
        %swap3A_469 = tpu.vector_load %arg14[%swap3A_467, %swap3A_468] {strides = array<i32>} : memref<80x128xf32, #tpu.memory_space<vmem>>, vector<16xf32>,
        tpu.vector_store %arg14[%swap3A_467, %swap3A_468], %mul3A_466 {strides = array<i32>} : memref<80x128xf32, #tpu.memory_space<vmem>>, vector<16xf32>,
        %get3A_470 = arith.index_cast %add3A_429 : i32 to index
        %get3A_471 = arith.constant 64 : index
        %get3A_472 = tpu.vector_load %arg14[%get3A_470, %get3A_471] {strides = array<i32>} : memref<80x128xf32, #tpu.memory_space<vmem>>, vector<16xf32>,
        %get3A_473 = arith.index_cast %add3A_429 : i32 to index
        %get3A_474 = arith.constant 64 : index
        %get3A_475 = tpu.vector_load %arg16[%get3A_473, %get3A_474] {strides = array<i32>} : memref<80x128xf32, #tpu.memory_space<vmem>>, vector<16xf32>,
        %mul3A_476 = arith.mulf %get3A_472, %get3A_475 : vector<16xf32>
        %swap3A_477 = arith.index_cast %add3A_429 : i32 to index
        %swap3A_478 = arith.constant 64 : index
        %swap3A_479 = tpu.vector_load %arg14[%swap3A_477, %swap3A_478] {strides = array<i32>} : memref<80x128xf32, #tpu.memory_space<vmem>>, vector<16xf32>,
        tpu.vector_store %arg14[%swap3A_477, %swap3A_478], %mul3A_476 {strides = array<i32>} : memref<80x128xf32, #tpu.memory_space<vmem>>, vector<16xf32>,
        %get3A_480 = arith.index_cast %add3A_429 : i32 to index
        %get3A_481 = arith.constant 80 : index
        %get3A_482 = tpu.vector_load %arg14[%get3A_480, %get3A_481] {strides = array<i32>} : memref<80x128xf32, #tpu.memory_space<vmem>>, vector<16xf32>,
        %get3A_483 = arith.index_cast %add3A_429 : i32 to index
        %get3A_484 = arith.constant 80 : index
        %get3A_485 = tpu.vector_load %arg16[%get3A_483, %get3A_484] {strides = array<i32>} : memref<80x128xf32, #tpu.memory_space<vmem>>, vector<16xf32>,
        %mul3A_486 = arith.mulf %get3A_482, %get3A_485 : vector<16xf32>
        %swap3A_487 = arith.index_cast %add3A_429 : i32 to index
        %swap3A_488 = arith.constant 80 : index
        %swap3A_489 = tpu.vector_load %arg14[%swap3A_487, %swap3A_488] {strides = array<i32>} : memref<80x128xf32, #tpu.memory_space<vmem>>, vector<16xf32>,
        tpu.vector_store %arg14[%swap3A_487, %swap3A_488], %mul3A_486 {strides = array<i32>} : memref<80x128xf32, #tpu.memory_space<vmem>>, vector<16xf32>,
        %get3A_490 = arith.index_cast %add3A_429 : i32 to index
        %get3A_491 = arith.constant 96 : index
        %get3A_492 = tpu.vector_load %arg14[%get3A_490, %get3A_491] {strides = array<i32>} : memref<80x128xf32, #tpu.memory_space<vmem>>, vector<16xf32>,
        %get3A_493 = arith.index_cast %add3A_429 : i32 to index
        %get3A_494 = arith.constant 96 : index
        %get3A_495 = tpu.vector_load %arg16[%get3A_493, %get3A_494] {strides = array<i32>} : memref<80x128xf32, #tpu.memory_space<vmem>>, vector<16xf32>,
        %mul3A_496 = arith.mulf %get3A_492, %get3A_495 : vector<16xf32>
        %swap3A_497 = arith.index_cast %add3A_429 : i32 to index
        %swap3A_498 = arith.constant 96 : index
        %swap3A_499 = tpu.vector_load %arg14[%swap3A_497, %swap3A_498] {strides = array<i32>} : memref<80x128xf32, #tpu.memory_space<vmem>>, vector<16xf32>,
        tpu.vector_store %arg14[%swap3A_497, %swap3A_498], %mul3A_496 {strides = array<i32>} : memref<80x128xf32, #tpu.memory_space<vmem>>, vector<16xf32>,
        %get3A_500 = arith.index_cast %add3A_429 : i32 to index
        %get3A_501 = arith.constant 112 : index
        %get3A_502 = tpu.vector_load %arg14[%get3A_500, %get3A_501] {strides = array<i32>} : memref<80x128xf32, #tpu.memory_space<vmem>>, vector<16xf32>,
        %get3A_503 = arith.index_cast %add3A_429 : i32 to index
        %get3A_504 = arith.constant 112 : index
        %get3A_505 = tpu.vector_load %arg16[%get3A_503, %get3A_504] {strides = array<i32>} : memref<80x128xf32, #tpu.memory_space<vmem>>, vector<16xf32>,
        %mul3A_506 = arith.mulf %get3A_502, %get3A_505 : vector<16xf32>
        %swap3A_507 = arith.index_cast %add3A_429 : i32 to index
        %swap3A_508 = arith.constant 112 : index
        %swap3A_509 = tpu.vector_load %arg14[%swap3A_507, %swap3A_508] {strides = array<i32>} : memref<80x128xf32, #tpu.memory_space<vmem>>, vector<16xf32>,
        tpu.vector_store %arg14[%swap3A_507, %swap3A_508], %mul3A_506 {strides = array<i32>} : memref<80x128xf32, #tpu.memory_space<vmem>>, vector<16xf32>,
        %mul3A_510 = arith.constant 4 : i32
        %mul3A_511 = arith.muli %mul3A_510, %scan3A_342 : i32
        %add3A_512 = arith.constant 2 : i32
        %add3A_513 = arith.addi %mul3A_511, %add3A_512 : i32
        %get3A_514 = arith.index_cast %add3A_513 : i32 to index
        %get3A_515 = arith.constant 0 : index
        %get3A_516 = tpu.vector_load %arg14[%get3A_514, %get3A_515] {strides = array<i32>} : memref<80x128xf32, #tpu.memory_space<vmem>>, vector<16xf32>,
        %get3A_517 = arith.index_cast %add3A_513 : i32 to index
        %get3A_518 = arith.constant 0 : index
        %get3A_519 = tpu.vector_load %arg16[%get3A_517, %get3A_518] {strides = array<i32>} : memref<80x128xf32, #tpu.memory_space<vmem>>, vector<16xf32>,
        %mul3A_520 = arith.mulf %get3A_516, %get3A_519 : vector<16xf32>
        %swap3A_521 = arith.index_cast %add3A_513 : i32 to index
        %swap3A_522 = arith.constant 0 : index
        %swap3A_523 = tpu.vector_load %arg14[%swap3A_521, %swap3A_522] {strides = array<i32>} : memref<80x128xf32, #tpu.memory_space<vmem>>, vector<16xf32>,
        tpu.vector_store %arg14[%swap3A_521, %swap3A_522], %mul3A_520 {strides = array<i32>} : memref<80x128xf32, #tpu.memory_space<vmem>>, vector<16xf32>,
        %get3A_524 = arith.index_cast %add3A_513 : i32 to index
        %get3A_525 = arith.constant 16 : index
        %get3A_526 = tpu.vector_load %arg14[%get3A_524, %get3A_525] {strides = array<i32>} : memref<80x128xf32, #tpu.memory_space<vmem>>, vector<16xf32>,
        %get3A_527 = arith.index_cast %add3A_513 : i32 to index
        %get3A_528 = arith.constant 16 : index
        %get3A_529 = tpu.vector_load %arg16[%get3A_527, %get3A_528] {strides = array<i32>} : memref<80x128xf32, #tpu.memory_space<vmem>>, vector<16xf32>,
        %mul3A_530 = arith.mulf %get3A_526, %get3A_529 : vector<16xf32>
        %swap3A_531 = arith.index_cast %add3A_513 : i32 to index
        %swap3A_532 = arith.constant 16 : index
        %swap3A_533 = tpu.vector_load %arg14[%swap3A_531, %swap3A_532] {strides = array<i32>} : memref<80x128xf32, #tpu.memory_space<vmem>>, vector<16xf32>,
        tpu.vector_store %arg14[%swap3A_531, %swap3A_532], %mul3A_530 {strides = array<i32>} : memref<80x128xf32, #tpu.memory_space<vmem>>, vector<16xf32>,
        %get3A_534 = arith.index_cast %add3A_513 : i32 to index
        %get3A_535 = arith.constant 32 : index
        %get3A_536 = tpu.vector_load %arg14[%get3A_534, %get3A_535] {strides = array<i32>} : memref<80x128xf32, #tpu.memory_space<vmem>>, vector<16xf32>,
        %get3A_537 = arith.index_cast %add3A_513 : i32 to index
        %get3A_538 = arith.constant 32 : index
        %get3A_539 = tpu.vector_load %arg16[%get3A_537, %get3A_538] {strides = array<i32>} : memref<80x128xf32, #tpu.memory_space<vmem>>, vector<16xf32>,
        %mul3A_540 = arith.mulf %get3A_536, %get3A_539 : vector<16xf32>
        %swap3A_541 = arith.index_cast %add3A_513 : i32 to index
        %swap3A_542 = arith.constant 32 : index
        %swap3A_543 = tpu.vector_load %arg14[%swap3A_541, %swap3A_542] {strides = array<i32>} : memref<80x128xf32, #tpu.memory_space<vmem>>, vector<16xf32>,
        tpu.vector_store %arg14[%swap3A_541, %swap3A_542], %mul3A_540 {strides = array<i32>} : memref<80x128xf32, #tpu.memory_space<vmem>>, vector<16xf32>,
        %get3A_544 = arith.index_cast %add3A_513 : i32 to index
        %get3A_545 = arith.constant 48 : index
        %get3A_546 = tpu.vector_load %arg14[%get3A_544, %get3A_545] {strides = array<i32>} : memref<80x128xf32, #tpu.memory_space<vmem>>, vector<16xf32>,
        %get3A_547 = arith.index_cast %add3A_513 : i32 to index
        %get3A_548 = arith.constant 48 : index
        %get3A_549 = tpu.vector_load %arg16[%get3A_547, %get3A_548] {strides = array<i32>} : memref<80x128xf32, #tpu.memory_space<vmem>>, vector<16xf32>,
        %mul3A_550 = arith.mulf %get3A_546, %get3A_549 : vector<16xf32>
        %swap3A_551 = arith.index_cast %add3A_513 : i32 to index
        %swap3A_552 = arith.constant 48 : index
        %swap3A_553 = tpu.vector_load %arg14[%swap3A_551, %swap3A_552] {strides = array<i32>} : memref<80x128xf32, #tpu.memory_space<vmem>>, vector<16xf32>,
        tpu.vector_store %arg14[%swap3A_551, %swap3A_552], %mul3A_550 {strides = array<i32>} : memref<80x128xf32, #tpu.memory_space<vmem>>, vector<16xf32>,
        %get3A_554 = arith.index_cast %add3A_513 : i32 to index
        %get3A_555 = arith.constant 64 : index
        %get3A_556 = tpu.vector_load %arg14[%get3A_554, %get3A_555] {strides = array<i32>} : memref<80x128xf32, #tpu.memory_space<vmem>>, vector<16xf32>,
        %get3A_557 = arith.index_cast %add3A_513 : i32 to index
        %get3A_558 = arith.constant 64 : index
        %get3A_559 = tpu.vector_load %arg16[%get3A_557, %get3A_558] {strides = array<i32>} : memref<80x128xf32, #tpu.memory_space<vmem>>, vector<16xf32>,
        %mul3A_560 = arith.mulf %get3A_556, %get3A_559 : vector<16xf32>
        %swap3A_561 = arith.index_cast %add3A_513 : i32 to index
        %swap3A_562 = arith.constant 64 : index
        %swap3A_563 = tpu.vector_load %arg14[%swap3A_561, %swap3A_562] {strides = array<i32>} : memref<80x128xf32, #tpu.memory_space<vmem>>, vector<16xf32>,
        tpu.vector_store %arg14[%swap3A_561, %swap3A_562], %mul3A_560 {strides = array<i32>} : memref<80x128xf32, #tpu.memory_space<vmem>>, vector<16xf32>,
        %get3A_564 = arith.index_cast %add3A_513 : i32 to index
        %get3A_565 = arith.constant 80 : index
        %get3A_566 = tpu.vector_load %arg14[%get3A_564, %get3A_565] {strides = array<i32>} : memref<80x128xf32, #tpu.memory_space<vmem>>, vector<16xf32>,
        %get3A_567 = arith.index_cast %add3A_513 : i32 to index
        %get3A_568 = arith.constant 80 : index
        %get3A_569 = tpu.vector_load %arg16[%get3A_567, %get3A_568] {strides = array<i32>} : memref<80x128xf32, #tpu.memory_space<vmem>>, vector<16xf32>,
        %mul3A_570 = arith.mulf %get3A_566, %get3A_569 : vector<16xf32>
        %swap3A_571 = arith.index_cast %add3A_513 : i32 to index
        %swap3A_572 = arith.constant 80 : index
        %swap3A_573 = tpu.vector_load %arg14[%swap3A_571, %swap3A_572] {strides = array<i32>} : memref<80x128xf32, #tpu.memory_space<vmem>>, vector<16xf32>,
        tpu.vector_store %arg14[%swap3A_571, %swap3A_572], %mul3A_570 {strides = array<i32>} : memref<80x128xf32, #tpu.memory_space<vmem>>, vector<16xf32>,
        %get3A_574 = arith.index_cast %add3A_513 : i32 to index
        %get3A_575 = arith.constant 96 : index
        %get3A_576 = tpu.vector_load %arg14[%get3A_574, %get3A_575] {strides = array<i32>} : memref<80x128xf32, #tpu.memory_space<vmem>>, vector<16xf32>,
        %get3A_577 = arith.index_cast %add3A_513 : i32 to index
        %get3A_578 = arith.constant 96 : index
        %get3A_579 = tpu.vector_load %arg16[%get3A_577, %get3A_578] {strides = array<i32>} : memref<80x128xf32, #tpu.memory_space<vmem>>, vector<16xf32>,
        %mul3A_580 = arith.mulf %get3A_576, %get3A_579 : vector<16xf32>
        %swap3A_581 = arith.index_cast %add3A_513 : i32 to index
        %swap3A_582 = arith.constant 96 : index
        %swap3A_583 = tpu.vector_load %arg14[%swap3A_581, %swap3A_582] {strides = array<i32>} : memref<80x128xf32, #tpu.memory_space<vmem>>, vector<16xf32>,
        tpu.vector_store %arg14[%swap3A_581, %swap3A_582], %mul3A_580 {strides = array<i32>} : memref<80x128xf32, #tpu.memory_space<vmem>>, vector<16xf32>,
        %get3A_584 = arith.index_cast %add3A_513 : i32 to index
        %get3A_585 = arith.constant 112 : index
        %get3A_586 = tpu.vector_load %arg14[%get3A_584, %get3A_585] {strides = array<i32>} : memref<80x128xf32, #tpu.memory_space<vmem>>, vector<16xf32>,
        %get3A_587 = arith.index_cast %add3A_513 : i32 to index
        %get3A_588 = arith.constant 112 : index
        %get3A_589 = tpu.vector_load %arg16[%get3A_587, %get3A_588] {strides = array<i32>} : memref<80x128xf32, #tpu.memory_space<vmem>>, vector<16xf32>,
        %mul3A_590 = arith.mulf %get3A_586, %get3A_589 : vector<16xf32>
        %swap3A_591 = arith.index_cast %add3A_513 : i32 to index
        %swap3A_592 = arith.constant 112 : index
        %swap3A_593 = tpu.vector_load %arg14[%swap3A_591, %swap3A_592] {strides = array<i32>} : memref<80x128xf32, #tpu.memory_space<vmem>>, vector<16xf32>,
        tpu.vector_store %arg14[%swap3A_591, %swap3A_592], %mul3A_590 {strides = array<i32>} : memref<80x128xf32, #tpu.memory_space<vmem>>, vector<16xf32>,
        %mul3A_594 = arith.constant 4 : i32
        %mul3A_595 = arith.muli %mul3A_594, %scan3A_342 : i32
        %add3A_596 = arith.constant 3 : i32
        %add3A_597 = arith.addi %mul3A_595, %add3A_596 : i32
        %get3A_598 = arith.index_cast %add3A_597 : i32 to index
        %get3A_599 = arith.constant 0 : index
        %get3A_600 = tpu.vector_load %arg14[%get3A_598, %get3A_599] {strides = array<i32>} : memref<80x128xf32, #tpu.memory_space<vmem>>, vector<16xf32>,
        %get3A_601 = arith.index_cast %add3A_597 : i32 to index
        %get3A_602 = arith.constant 0 : index
        %get3A_603 = tpu.vector_load %arg16[%get3A_601, %get3A_602] {strides = array<i32>} : memref<80x128xf32, #tpu.memory_space<vmem>>, vector<16xf32>,
        %mul3A_604 = arith.mulf %get3A_600, %get3A_603 : vector<16xf32>
        %swap3A_605 = arith.index_cast %add3A_597 : i32 to index
        %swap3A_606 = arith.constant 0 : index
        %swap3A_607 = tpu.vector_load %arg14[%swap3A_605, %swap3A_606] {strides = array<i32>} : memref<80x128xf32, #tpu.memory_space<vmem>>, vector<16xf32>,
        tpu.vector_store %arg14[%swap3A_605, %swap3A_606], %mul3A_604 {strides = array<i32>} : memref<80x128xf32, #tpu.memory_space<vmem>>, vector<16xf32>,
        %get3A_608 = arith.index_cast %add3A_597 : i32 to index
        %get3A_609 = arith.constant 16 : index
        %get3A_610 = tpu.vector_load %arg14[%get3A_608, %get3A_609] {strides = array<i32>} : memref<80x128xf32, #tpu.memory_space<vmem>>, vector<16xf32>,
        %get3A_611 = arith.index_cast %add3A_597 : i32 to index
        %get3A_612 = arith.constant 16 : index
        %get3A_613 = tpu.vector_load %arg16[%get3A_611, %get3A_612] {strides = array<i32>} : memref<80x128xf32, #tpu.memory_space<vmem>>, vector<16xf32>,
        %mul3A_614 = arith.mulf %get3A_610, %get3A_613 : vector<16xf32>
        %swap3A_615 = arith.index_cast %add3A_597 : i32 to index
        %swap3A_616 = arith.constant 16 : index
        %swap3A_617 = tpu.vector_load %arg14[%swap3A_615, %swap3A_616] {strides = array<i32>} : memref<80x128xf32, #tpu.memory_space<vmem>>, vector<16xf32>,
        tpu.vector_store %arg14[%swap3A_615, %swap3A_616], %mul3A_614 {strides = array<i32>} : memref<80x128xf32, #tpu.memory_space<vmem>>, vector<16xf32>,
        %get3A_618 = arith.index_cast %add3A_597 : i32 to index
        %get3A_619 = arith.constant 32 : index
        %get3A_620 = tpu.vector_load %arg14[%get3A_618, %get3A_619] {strides = array<i32>} : memref<80x128xf32, #tpu.memory_space<vmem>>, vector<16xf32>,
        %get3A_621 = arith.index_cast %add3A_597 : i32 to index
        %get3A_622 = arith.constant 32 : index
        %get3A_623 = tpu.vector_load %arg16[%get3A_621, %get3A_622] {strides = array<i32>} : memref<80x128xf32, #tpu.memory_space<vmem>>, vector<16xf32>,
        %mul3A_624 = arith.mulf %get3A_620, %get3A_623 : vector<16xf32>
        %swap3A_625 = arith.index_cast %add3A_597 : i32 to index
        %swap3A_626 = arith.constant 32 : index
        %swap3A_627 = tpu.vector_load %arg14[%swap3A_625, %swap3A_626] {strides = array<i32>} : memref<80x128xf32, #tpu.memory_space<vmem>>, vector<16xf32>,
        tpu.vector_store %arg14[%swap3A_625, %swap3A_626], %mul3A_624 {strides = array<i32>} : memref<80x128xf32, #tpu.memory_space<vmem>>, vector<16xf32>,
        %get3A_628 = arith.index_cast %add3A_597 : i32 to index
        %get3A_629 = arith.constant 48 : index
        %get3A_630 = tpu.vector_load %arg14[%get3A_628, %get3A_629] {strides = array<i32>} : memref<80x128xf32, #tpu.memory_space<vmem>>, vector<16xf32>,
        %get3A_631 = arith.index_cast %add3A_597 : i32 to index
        %get3A_632 = arith.constant 48 : index
        %get3A_633 = tpu.vector_load %arg16[%get3A_631, %get3A_632] {strides = array<i32>} : memref<80x128xf32, #tpu.memory_space<vmem>>, vector<16xf32>,
        %mul3A_634 = arith.mulf %get3A_630, %get3A_633 : vector<16xf32>
        %swap3A_635 = arith.index_cast %add3A_597 : i32 to index
        %swap3A_636 = arith.constant 48 : index
        %swap3A_637 = tpu.vector_load %arg14[%swap3A_635, %swap3A_636] {strides = array<i32>} : memref<80x128xf32, #tpu.memory_space<vmem>>, vector<16xf32>,
        tpu.vector_store %arg14[%swap3A_635, %swap3A_636], %mul3A_634 {strides = array<i32>} : memref<80x128xf32, #tpu.memory_space<vmem>>, vector<16xf32>,
        %get3A_638 = arith.index_cast %add3A_597 : i32 to index
        %get3A_639 = arith.constant 64 : index
        %get3A_640 = tpu.vector_load %arg14[%get3A_638, %get3A_639] {strides = array<i32>} : memref<80x128xf32, #tpu.memory_space<vmem>>, vector<16xf32>,
        %get3A_641 = arith.index_cast %add3A_597 : i32 to index
        %get3A_642 = arith.constant 64 : index
        %get3A_643 = tpu.vector_load %arg16[%get3A_641, %get3A_642] {strides = array<i32>} : memref<80x128xf32, #tpu.memory_space<vmem>>, vector<16xf32>,
        %mul3A_644 = arith.mulf %get3A_640, %get3A_643 : vector<16xf32>
        %swap3A_645 = arith.index_cast %add3A_597 : i32 to index
        %swap3A_646 = arith.constant 64 : index
        %swap3A_647 = tpu.vector_load %arg14[%swap3A_645, %swap3A_646] {strides = array<i32>} : memref<80x128xf32, #tpu.memory_space<vmem>>, vector<16xf32>,
        tpu.vector_store %arg14[%swap3A_645, %swap3A_646], %mul3A_644 {strides = array<i32>} : memref<80x128xf32, #tpu.memory_space<vmem>>, vector<16xf32>,
        %get3A_648 = arith.index_cast %add3A_597 : i32 to index
        %get3A_649 = arith.constant 80 : index
        %get3A_650 = tpu.vector_load %arg14[%get3A_648, %get3A_649] {strides = array<i32>} : memref<80x128xf32, #tpu.memory_space<vmem>>, vector<16xf32>,
        %get3A_651 = arith.index_cast %add3A_597 : i32 to index
        %get3A_652 = arith.constant 80 : index
        %get3A_653 = tpu.vector_load %arg16[%get3A_651, %get3A_652] {strides = array<i32>} : memref<80x128xf32, #tpu.memory_space<vmem>>, vector<16xf32>,
        %mul3A_654 = arith.mulf %get3A_650, %get3A_653 : vector<16xf32>
        %swap3A_655 = arith.index_cast %add3A_597 : i32 to index
        %swap3A_656 = arith.constant 80 : index
        %swap3A_657 = tpu.vector_load %arg14[%swap3A_655, %swap3A_656] {strides = array<i32>} : memref<80x128xf32, #tpu.memory_space<vmem>>, vector<16xf32>,
        tpu.vector_store %arg14[%swap3A_655, %swap3A_656], %mul3A_654 {strides = array<i32>} : memref<80x128xf32, #tpu.memory_space<vmem>>, vector<16xf32>,
        %get3A_658 = arith.index_cast %add3A_597 : i32 to index
        %get3A_659 = arith.constant 96 : index
        %get3A_660 = tpu.vector_load %arg14[%get3A_658, %get3A_659] {strides = array<i32>} : memref<80x128xf32, #tpu.memory_space<vmem>>, vector<16xf32>,
        %get3A_661 = arith.index_cast %add3A_597 : i32 to index
        %get3A_662 = arith.constant 96 : index
        %get3A_663 = tpu.vector_load %arg16[%get3A_661, %get3A_662] {strides = array<i32>} : memref<80x128xf32, #tpu.memory_space<vmem>>, vector<16xf32>,
        %mul3A_664 = arith.mulf %get3A_660, %get3A_663 : vector<16xf32>
        %swap3A_665 = arith.index_cast %add3A_597 : i32 to index
        %swap3A_666 = arith.constant 96 : index
        %swap3A_667 = tpu.vector_load %arg14[%swap3A_665, %swap3A_666] {strides = array<i32>} : memref<80x128xf32, #tpu.memory_space<vmem>>, vector<16xf32>,
        tpu.vector_store %arg14[%swap3A_665, %swap3A_666], %mul3A_664 {strides = array<i32>} : memref<80x128xf32, #tpu.memory_space<vmem>>, vector<16xf32>,
        %get3A_668 = arith.index_cast %add3A_597 : i32 to index
        %get3A_669 = arith.constant 112 : index
        %get3A_670 = tpu.vector_load %arg14[%get3A_668, %get3A_669] {strides = array<i32>} : memref<80x128xf32, #tpu.memory_space<vmem>>, vector<16xf32>,
        %get3A_671 = arith.index_cast %add3A_597 : i32 to index
        %get3A_672 = arith.constant 112 : index
        %get3A_673 = tpu.vector_load %arg16[%get3A_671, %get3A_672] {strides = array<i32>} : memref<80x128xf32, #tpu.memory_space<vmem>>, vector<16xf32>,
        %mul3A_674 = arith.mulf %get3A_670, %get3A_673 : vector<16xf32>
        %swap3A_675 = arith.index_cast %add3A_597 : i32 to index
        %swap3A_676 = arith.constant 112 : index
        %swap3A_677 = tpu.vector_load %arg14[%swap3A_675, %swap3A_676] {strides = array<i32>} : memref<80x128xf32, #tpu.memory_space<vmem>>, vector<16xf32>,
        tpu.vector_store %arg14[%swap3A_675, %swap3A_676], %mul3A_674 {strides = array<i32>} : memref<80x128xf32, #tpu.memory_space<vmem>>, vector<16xf32>,
        %scan3A_678 = arith.constant 0 : i32
        scf.yield %scan3A_678 : i32
      }
      %scan3A_326 = arith.constant 20 : i32
      %dma_start3A_327 = arith.constant 0 : i32
      %dma_start3A_328 = arith.constant 0 : i32
      %dma_start3A_329 = tpu.memref_slice %arg17[%dma_start3A_327, %dma_start3A_328] : memref<10240x128xf32, #tpu.memory_space<vmem_shared>> -> memref<10240x128xf32, #tpu.memory_space<vmem_shared>>
      tpu.enqueue_indirect_dma source(%arg14 : memref<80x128xf32, #tpu.memory_space<vmem>>) target(%dma_start3A_329 : memref<10240x128xf32, #tpu.memory_space<vmem_shared>>) offsets(%arg12 : memref<80xi32, #tpu.memory_space<vmem>>) semaphore(%arg20 : memref<!tpu.dma_semaphore, #tpu.memory_space<semaphore_mem>>) {add = true}
      %dma_wait3A_330 = arith.constant 0 : i32
      %dma_wait3A_331 = arith.constant 0 : i32
      %dma_wait3A_332 = tpu.memref_slice %arg2[%dma_wait3A_330, %dma_wait3A_331] : memref<10000x128xf32, #tpu.memory_space<hbm>> -> memref<10000x128xf32, #tpu.memory_space<hbm>>
      tpu.wait_indirect_dma semaphore(%arg18 : memref<!tpu.dma_semaphore, #tpu.memory_space<semaphore_mem>>) src(%dma_wait3A_332 : memref<10000x128xf32, #tpu.memory_space<hbm>>) dst(%arg13 : memref<80x128xf32, #tpu.memory_space<vmem>>)
      %dma_wait3A_333 = arith.constant 0 : i32
      %dma_wait3A_334 = tpu.memref_slice %arg3[%add3A_297, %dma_wait3A_333] : memref<320000x128xf32, #tpu.memory_space<hbm>> -> memref<80x128xf32, #tpu.memory_space<hbm>>
      %dma_wait3A_335 = arith.constant 0 : i32
      %dma_wait3A_336 = tpu.memref_slice %arg3[%add3A_297, %dma_wait3A_335] : memref<320000x128xf32, #tpu.memory_space<hbm>> -> memref<80x128xf32, #tpu.memory_space<hbm>>
      tpu.wait_dma2 semaphore(%arg18 : memref<!tpu.dma_semaphore, #tpu.memory_space<semaphore_mem>>) src(%dma_wait3A_336 : memref<80x128xf32, #tpu.memory_space<hbm>>) dst(%arg15 : memref<80x128xf32, #tpu.memory_space<vmem>>)
      %dma_wait3A_337 = tpu.memref_slice %arg4[%add3A_312] : memref<320000xi32, #tpu.memory_space<hbm>> -> memref<80xi32, #tpu.memory_space<hbm>>
      %dma_wait3A_338 = tpu.memref_slice %arg4[%add3A_312] : memref<320000xi32, #tpu.memory_space<hbm>> -> memref<80xi32, #tpu.memory_space<hbm>>
      tpu.wait_dma2 semaphore(%arg19 : memref<!tpu.dma_semaphore, #tpu.memory_space<semaphore_mem>>) src(%dma_wait3A_338 : memref<80xi32, #tpu.memory_space<hbm>>) dst(%arg8 : memref<80xi32, #tpu.memory_space<vmem>>)
      %dma_wait3A_339 = tpu.memref_slice %arg5[%add3A_317] : memref<320000xi32, #tpu.memory_space<hbm>> -> memref<80xi32, #tpu.memory_space<hbm>>
      %dma_wait3A_340 = tpu.memref_slice %arg5[%add3A_317] : memref<320000xi32, #tpu.memory_space<hbm>> -> memref<80xi32, #tpu.memory_space<hbm>>
      tpu.wait_dma2 semaphore(%arg19 : memref<!tpu.dma_semaphore, #tpu.memory_space<semaphore_mem>>) src(%dma_wait3A_340 : memref<80xi32, #tpu.memory_space<hbm>>) dst(%arg11 : memref<80xi32, #tpu.memory_space<vmem>>)
      %scan3A_341 = arith.constant 0 : i32
      scf.yield %scan3A_341 : i32
    }
    %scan3A_70 = arith.constant 31 : i32
    %dma_wait3A_71 = arith.constant 0 : i32
    %dma_wait3A_72 = arith.constant 0 : i32
    %dma_wait3A_73 = tpu.memref_slice %arg17[%dma_wait3A_71, %dma_wait3A_72] : memref<10240x128xf32, #tpu.memory_space<vmem_shared>> -> memref<10240x128xf32, #tpu.memory_space<vmem_shared>>
    tpu.wait_indirect_dma semaphore(%arg20 : memref<!tpu.dma_semaphore, #tpu.memory_space<semaphore_mem>>) src(%arg14 : memref<80x128xf32, #tpu.memory_space<vmem>>) dst(%dma_wait3A_73 : memref<10240x128xf32, #tpu.memory_space<vmem_shared>>)
    %scan3A_74 = arith.constant 0 : i32
    %scan3A_75 = arith.constant 0 : i32
    %scan3A_76 = arith.constant 20 : i32
    %scan3A_77 = arith.addi %scan3A_75, %scan3A_76 : i32
    %scan3A_78 = arith.constant 1 : i32
    %scan3A_79 = scf.for %scan3A_108 = %scan3A_75 to %scan3A_77 step %scan3A_78 iter_args(%scan3A_109 = %scan3A_74) -> (i32)  : i32 {
      %mul3A_110 = arith.constant 4 : i32
      %mul3A_111 = arith.muli %mul3A_110, %scan3A_108 : i32
      %add3A_112 = arith.constant 0 : i32
      %add3A_113 = arith.addi %mul3A_111, %add3A_112 : i32
      %get3A = arith.index_cast %add3A_113 : i32 to index
      %get3A_114 = arith.constant 0 : index
      %get3A_115 = tpu.vector_load %arg13[%get3A, %get3A_114] {strides = array<i32>} : memref<80x128xf32, #tpu.memory_space<vmem>>, vector<16xf32>,
      %get3A_116 = arith.index_cast %add3A_113 : i32 to index
      %get3A_117 = arith.constant 0 : index
      %get3A_118 = tpu.vector_load %arg15[%get3A_116, %get3A_117] {strides = array<i32>} : memref<80x128xf32, #tpu.memory_space<vmem>>, vector<16xf32>,
      %mul3A_119 = arith.mulf %get3A_115, %get3A_118 : vector<16xf32>
      %swap3A = arith.index_cast %add3A_113 : i32 to index
      %swap3A_120 = arith.constant 0 : index
      %swap3A_121 = tpu.vector_load %arg13[%swap3A, %swap3A_120] {strides = array<i32>} : memref<80x128xf32, #tpu.memory_space<vmem>>, vector<16xf32>,
      tpu.vector_store %arg13[%swap3A, %swap3A_120], %mul3A_119 {strides = array<i32>} : memref<80x128xf32, #tpu.memory_space<vmem>>, vector<16xf32>,
      %get3A_122 = arith.index_cast %add3A_113 : i32 to index
      %get3A_123 = arith.constant 16 : index
      %get3A_124 = tpu.vector_load %arg13[%get3A_122, %get3A_123] {strides = array<i32>} : memref<80x128xf32, #tpu.memory_space<vmem>>, vector<16xf32>,
      %get3A_125 = arith.index_cast %add3A_113 : i32 to index
      %get3A_126 = arith.constant 16 : index
      %get3A_127 = tpu.vector_load %arg15[%get3A_125, %get3A_126] {strides = array<i32>} : memref<80x128xf32, #tpu.memory_space<vmem>>, vector<16xf32>,
      %mul3A_128 = arith.mulf %get3A_124, %get3A_127 : vector<16xf32>
      %swap3A_129 = arith.index_cast %add3A_113 : i32 to index
      %swap3A_130 = arith.constant 16 : index
      %swap3A_131 = tpu.vector_load %arg13[%swap3A_129, %swap3A_130] {strides = array<i32>} : memref<80x128xf32, #tpu.memory_space<vmem>>, vector<16xf32>,
      tpu.vector_store %arg13[%swap3A_129, %swap3A_130], %mul3A_128 {strides = array<i32>} : memref<80x128xf32, #tpu.memory_space<vmem>>, vector<16xf32>,
      %get3A_132 = arith.index_cast %add3A_113 : i32 to index
      %get3A_133 = arith.constant 32 : index
      %get3A_134 = tpu.vector_load %arg13[%get3A_132, %get3A_133] {strides = array<i32>} : memref<80x128xf32, #tpu.memory_space<vmem>>, vector<16xf32>,
      %get3A_135 = arith.index_cast %add3A_113 : i32 to index
      %get3A_136 = arith.constant 32 : index
      %get3A_137 = tpu.vector_load %arg15[%get3A_135, %get3A_136] {strides = array<i32>} : memref<80x128xf32, #tpu.memory_space<vmem>>, vector<16xf32>,
      %mul3A_138 = arith.mulf %get3A_134, %get3A_137 : vector<16xf32>
      %swap3A_139 = arith.index_cast %add3A_113 : i32 to index
      %swap3A_140 = arith.constant 32 : index
      %swap3A_141 = tpu.vector_load %arg13[%swap3A_139, %swap3A_140] {strides = array<i32>} : memref<80x128xf32, #tpu.memory_space<vmem>>, vector<16xf32>,
      tpu.vector_store %arg13[%swap3A_139, %swap3A_140], %mul3A_138 {strides = array<i32>} : memref<80x128xf32, #tpu.memory_space<vmem>>, vector<16xf32>,
      %get3A_142 = arith.index_cast %add3A_113 : i32 to index
      %get3A_143 = arith.constant 48 : index
      %get3A_144 = tpu.vector_load %arg13[%get3A_142, %get3A_143] {strides = array<i32>} : memref<80x128xf32, #tpu.memory_space<vmem>>, vector<16xf32>,
      %get3A_145 = arith.index_cast %add3A_113 : i32 to index
      %get3A_146 = arith.constant 48 : index
      %get3A_147 = tpu.vector_load %arg15[%get3A_145, %get3A_146] {strides = array<i32>} : memref<80x128xf32, #tpu.memory_space<vmem>>, vector<16xf32>,
      %mul3A_148 = arith.mulf %get3A_144, %get3A_147 : vector<16xf32>
      %swap3A_149 = arith.index_cast %add3A_113 : i32 to index
      %swap3A_150 = arith.constant 48 : index
      %swap3A_151 = tpu.vector_load %arg13[%swap3A_149, %swap3A_150] {strides = array<i32>} : memref<80x128xf32, #tpu.memory_space<vmem>>, vector<16xf32>,
      tpu.vector_store %arg13[%swap3A_149, %swap3A_150], %mul3A_148 {strides = array<i32>} : memref<80x128xf32, #tpu.memory_space<vmem>>, vector<16xf32>,
      %get3A_152 = arith.index_cast %add3A_113 : i32 to index
      %get3A_153 = arith.constant 64 : index
      %get3A_154 = tpu.vector_load %arg13[%get3A_152, %get3A_153] {strides = array<i32>} : memref<80x128xf32, #tpu.memory_space<vmem>>, vector<16xf32>,
      %get3A_155 = arith.index_cast %add3A_113 : i32 to index
      %get3A_156 = arith.constant 64 : index
      %get3A_157 = tpu.vector_load %arg15[%get3A_155, %get3A_156] {strides = array<i32>} : memref<80x128xf32, #tpu.memory_space<vmem>>, vector<16xf32>,
      %mul3A_158 = arith.mulf %get3A_154, %get3A_157 : vector<16xf32>
      %swap3A_159 = arith.index_cast %add3A_113 : i32 to index
      %swap3A_160 = arith.constant 64 : index
      %swap3A_161 = tpu.vector_load %arg13[%swap3A_159, %swap3A_160] {strides = array<i32>} : memref<80x128xf32, #tpu.memory_space<vmem>>, vector<16xf32>,
      tpu.vector_store %arg13[%swap3A_159, %swap3A_160], %mul3A_158 {strides = array<i32>} : memref<80x128xf32, #tpu.memory_space<vmem>>, vector<16xf32>,
      %get3A_162 = arith.index_cast %add3A_113 : i32 to index
      %get3A_163 = arith.constant 80 : index
      %get3A_164 = tpu.vector_load %arg13[%get3A_162, %get3A_163] {strides = array<i32>} : memref<80x128xf32, #tpu.memory_space<vmem>>, vector<16xf32>,
      %get3A_165 = arith.index_cast %add3A_113 : i32 to index
      %get3A_166 = arith.constant 80 : index
      %get3A_167 = tpu.vector_load %arg15[%get3A_165, %get3A_166] {strides = array<i32>} : memref<80x128xf32, #tpu.memory_space<vmem>>, vector<16xf32>,
      %mul3A_168 = arith.mulf %get3A_164, %get3A_167 : vector<16xf32>
      %swap3A_169 = arith.index_cast %add3A_113 : i32 to index
      %swap3A_170 = arith.constant 80 : index
      %swap3A_171 = tpu.vector_load %arg13[%swap3A_169, %swap3A_170] {strides = array<i32>} : memref<80x128xf32, #tpu.memory_space<vmem>>, vector<16xf32>,
      tpu.vector_store %arg13[%swap3A_169, %swap3A_170], %mul3A_168 {strides = array<i32>} : memref<80x128xf32, #tpu.memory_space<vmem>>, vector<16xf32>,
      %get3A_172 = arith.index_cast %add3A_113 : i32 to index
      %get3A_173 = arith.constant 96 : index
      %get3A_174 = tpu.vector_load %arg13[%get3A_172, %get3A_173] {strides = array<i32>} : memref<80x128xf32, #tpu.memory_space<vmem>>, vector<16xf32>,
      %get3A_175 = arith.index_cast %add3A_113 : i32 to index
      %get3A_176 = arith.constant 96 : index
      %get3A_177 = tpu.vector_load %arg15[%get3A_175, %get3A_176] {strides = array<i32>} : memref<80x128xf32, #tpu.memory_space<vmem>>, vector<16xf32>,
      %mul3A_178 = arith.mulf %get3A_174, %get3A_177 : vector<16xf32>
      %swap3A_179 = arith.index_cast %add3A_113 : i32 to index
      %swap3A_180 = arith.constant 96 : index
      %swap3A_181 = tpu.vector_load %arg13[%swap3A_179, %swap3A_180] {strides = array<i32>} : memref<80x128xf32, #tpu.memory_space<vmem>>, vector<16xf32>,
      tpu.vector_store %arg13[%swap3A_179, %swap3A_180], %mul3A_178 {strides = array<i32>} : memref<80x128xf32, #tpu.memory_space<vmem>>, vector<16xf32>,
      %get3A_182 = arith.index_cast %add3A_113 : i32 to index
      %get3A_183 = arith.constant 112 : index
      %get3A_184 = tpu.vector_load %arg13[%get3A_182, %get3A_183] {strides = array<i32>} : memref<80x128xf32, #tpu.memory_space<vmem>>, vector<16xf32>,
      %get3A_185 = arith.index_cast %add3A_113 : i32 to index
      %get3A_186 = arith.constant 112 : index
      %get3A_187 = tpu.vector_load %arg15[%get3A_185, %get3A_186] {strides = array<i32>} : memref<80x128xf32, #tpu.memory_space<vmem>>, vector<16xf32>,
      %mul3A_188 = arith.mulf %get3A_184, %get3A_187 : vector<16xf32>
      %swap3A_189 = arith.index_cast %add3A_113 : i32 to index
      %swap3A_190 = arith.constant 112 : index
      %swap3A_191 = tpu.vector_load %arg13[%swap3A_189, %swap3A_190] {strides = array<i32>} : memref<80x128xf32, #tpu.memory_space<vmem>>, vector<16xf32>,
      tpu.vector_store %arg13[%swap3A_189, %swap3A_190], %mul3A_188 {strides = array<i32>} : memref<80x128xf32, #tpu.memory_space<vmem>>, vector<16xf32>,
      %mul3A_192 = arith.constant 4 : i32
      %mul3A_193 = arith.muli %mul3A_192, %scan3A_108 : i32
      %add3A_194 = arith.constant 1 : i32
      %add3A_195 = arith.addi %mul3A_193, %add3A_194 : i32
      %get3A_196 = arith.index_cast %add3A_195 : i32 to index
      %get3A_197 = arith.constant 0 : index
      %get3A_198 = tpu.vector_load %arg13[%get3A_196, %get3A_197] {strides = array<i32>} : memref<80x128xf32, #tpu.memory_space<vmem>>, vector<16xf32>,
      %get3A_199 = arith.index_cast %add3A_195 : i32 to index
      %get3A_200 = arith.constant 0 : index
      %get3A_201 = tpu.vector_load %arg15[%get3A_199, %get3A_200] {strides = array<i32>} : memref<80x128xf32, #tpu.memory_space<vmem>>, vector<16xf32>,
      %mul3A_202 = arith.mulf %get3A_198, %get3A_201 : vector<16xf32>
      %swap3A_203 = arith.index_cast %add3A_195 : i32 to index
      %swap3A_204 = arith.constant 0 : index
      %swap3A_205 = tpu.vector_load %arg13[%swap3A_203, %swap3A_204] {strides = array<i32>} : memref<80x128xf32, #tpu.memory_space<vmem>>, vector<16xf32>,
      tpu.vector_store %arg13[%swap3A_203, %swap3A_204], %mul3A_202 {strides = array<i32>} : memref<80x128xf32, #tpu.memory_space<vmem>>, vector<16xf32>,
      %get3A_206 = arith.index_cast %add3A_195 : i32 to index
      %get3A_207 = arith.constant 16 : index
      %get3A_208 = tpu.vector_load %arg13[%get3A_206, %get3A_207] {strides = array<i32>} : memref<80x128xf32, #tpu.memory_space<vmem>>, vector<16xf32>,
      %get3A_209 = arith.index_cast %add3A_195 : i32 to index
      %get3A_210 = arith.constant 16 : index
      %get3A_211 = tpu.vector_load %arg15[%get3A_209, %get3A_210] {strides = array<i32>} : memref<80x128xf32, #tpu.memory_space<vmem>>, vector<16xf32>,
      %mul3A_212 = arith.mulf %get3A_208, %get3A_211 : vector<16xf32>
      %swap3A_213 = arith.index_cast %add3A_195 : i32 to index
      %swap3A_214 = arith.constant 16 : index
      %swap3A_215 = tpu.vector_load %arg13[%swap3A_213, %swap3A_214] {strides = array<i32>} : memref<80x128xf32, #tpu.memory_space<vmem>>, vector<16xf32>,
      tpu.vector_store %arg13[%swap3A_213, %swap3A_214], %mul3A_212 {strides = array<i32>} : memref<80x128xf32, #tpu.memory_space<vmem>>, vector<16xf32>,
      %get3A_216 = arith.index_cast %add3A_195 : i32 to index
      %get3A_217 = arith.constant 32 : index
      %get3A_218 = tpu.vector_load %arg13[%get3A_216, %get3A_217] {strides = array<i32>} : memref<80x128xf32, #tpu.memory_space<vmem>>, vector<16xf32>,
      %get3A_219 = arith.index_cast %add3A_195 : i32 to index
      %get3A_220 = arith.constant 32 : index
      %get3A_221 = tpu.vector_load %arg15[%get3A_219, %get3A_220] {strides = array<i32>} : memref<80x128xf32, #tpu.memory_space<vmem>>, vector<16xf32>,
      %mul3A_222 = arith.mulf %get3A_218, %get3A_221 : vector<16xf32>
      %swap3A_223 = arith.index_cast %add3A_195 : i32 to index
      %swap3A_224 = arith.constant 32 : index
      %swap3A_225 = tpu.vector_load %arg13[%swap3A_223, %swap3A_224] {strides = array<i32>} : memref<80x128xf32, #tpu.memory_space<vmem>>, vector<16xf32>,
      tpu.vector_store %arg13[%swap3A_223, %swap3A_224], %mul3A_222 {strides = array<i32>} : memref<80x128xf32, #tpu.memory_space<vmem>>, vector<16xf32>,
      %get3A_226 = arith.index_cast %add3A_195 : i32 to index
      %get3A_227 = arith.constant 48 : index
      %get3A_228 = tpu.vector_load %arg13[%get3A_226, %get3A_227] {strides = array<i32>} : memref<80x128xf32, #tpu.memory_space<vmem>>, vector<16xf32>,
      %get3A_229 = arith.index_cast %add3A_195 : i32 to index
      %get3A_230 = arith.constant 48 : index
      %get3A_231 = tpu.vector_load %arg15[%get3A_229, %get3A_230] {strides = array<i32>} : memref<80x128xf32, #tpu.memory_space<vmem>>, vector<16xf32>,
      %mul3A_232 = arith.mulf %get3A_228, %get3A_231 : vector<16xf32>
      %swap3A_233 = arith.index_cast %add3A_195 : i32 to index
      %swap3A_234 = arith.constant 48 : index
      %swap3A_235 = tpu.vector_load %arg13[%swap3A_233, %swap3A_234] {strides = array<i32>} : memref<80x128xf32, #tpu.memory_space<vmem>>, vector<16xf32>,
      tpu.vector_store %arg13[%swap3A_233, %swap3A_234], %mul3A_232 {strides = array<i32>} : memref<80x128xf32, #tpu.memory_space<vmem>>, vector<16xf32>,
      %get3A_236 = arith.index_cast %add3A_195 : i32 to index
      %get3A_237 = arith.constant 64 : index
      %get3A_238 = tpu.vector_load %arg13[%get3A_236, %get3A_237] {strides = array<i32>} : memref<80x128xf32, #tpu.memory_space<vmem>>, vector<16xf32>,
      %get3A_239 = arith.index_cast %add3A_195 : i32 to index
      %get3A_240 = arith.constant 64 : index
      %get3A_241 = tpu.vector_load %arg15[%get3A_239, %get3A_240] {strides = array<i32>} : memref<80x128xf32, #tpu.memory_space<vmem>>, vector<16xf32>,
      %mul3A_242 = arith.mulf %get3A_238, %get3A_241 : vector<16xf32>
      %swap3A_243 = arith.index_cast %add3A_195 : i32 to index
      %swap3A_244 = arith.constant 64 : index
      %swap3A_245 = tpu.vector_load %arg13[%swap3A_243, %swap3A_244] {strides = array<i32>} : memref<80x128xf32, #tpu.memory_space<vmem>>, vector<16xf32>,
      tpu.vector_store %arg13[%swap3A_243, %swap3A_244], %mul3A_242 {strides = array<i32>} : memref<80x128xf32, #tpu.memory_space<vmem>>, vector<16xf32>,
      %get3A_246 = arith.index_cast %add3A_195 : i32 to index
      %get3A_247 = arith.constant 80 : index
      %get3A_248 = tpu.vector_load %arg13[%get3A_246, %get3A_247] {strides = array<i32>} : memref<80x128xf32, #tpu.memory_space<vmem>>, vector<16xf32>,
      %get3A_249 = arith.index_cast %add3A_195 : i32 to index
      %get3A_250 = arith.constant 80 : index
      %get3A_251 = tpu.vector_load %arg15[%get3A_249, %get3A_250] {strides = array<i32>} : memref<80x128xf32, #tpu.memory_space<vmem>>, vector<16xf32>,
      %mul3A_252 = arith.mulf %get3A_248, %get3A_251 : vector<16xf32>
      %swap3A_253 = arith.index_cast %add3A_195 : i32 to index
      %swap3A_254 = arith.constant 80 : index
      %swap3A_255 = tpu.vector_load %arg13[%swap3A_253, %swap3A_254] {strides = array<i32>} : memref<80x128xf32, #tpu.memory_space<vmem>>, vector<16xf32>,
      tpu.vector_store %arg13[%swap3A_253, %swap3A_254], %mul3A_252 {strides = array<i32>} : memref<80x128xf32, #tpu.memory_space<vmem>>, vector<16xf32>,
      %get3A_256 = arith.index_cast %add3A_195 : i32 to index
      %get3A_257 = arith.constant 96 : index
      %get3A_258 = tpu.vector_load %arg13[%get3A_256, %get3A_257] {strides = array<i32>} : memref<80x128xf32, #tpu.memory_space<vmem>>, vector<16xf32>,
      %get3A_259 = arith.index_cast %add3A_195 : i32 to index
      %get3A_260 = arith.constant 96 : index
      %get3A_261 = tpu.vector_load %arg15[%get3A_259, %get3A_260] {strides = array<i32>} : memref<80x128xf32, #tpu.memory_space<vmem>>, vector<16xf32>,
      %mul3A_262 = arith.mulf %get3A_258, %get3A_261 : vector<16xf32>
      %swap3A_263 = arith.index_cast %add3A_195 : i32 to index
      %swap3A_264 = arith.constant 96 : index
      %swap3A_265 = tpu.vector_load %arg13[%swap3A_263, %swap3A_264] {strides = array<i32>} : memref<80x128xf32, #tpu.memory_space<vmem>>, vector<16xf32>,
      tpu.vector_store %arg13[%swap3A_263, %swap3A_264], %mul3A_262 {strides = array<i32>} : memref<80x128xf32, #tpu.memory_space<vmem>>, vector<16xf32>,
      %get3A_266 = arith.index_cast %add3A_195 : i32 to index
      %get3A_267 = arith.constant 112 : index
      %get3A_268 = tpu.vector_load %arg13[%get3A_266, %get3A_267] {strides = array<i32>} : memref<80x128xf32, #tpu.memory_space<vmem>>, vector<16xf32>,
      %get3A_269 = arith.index_cast %add3A_195 : i32 to index
      %get3A_270 = arith.constant 112 : index
      %get3A_271 = tpu.vector_load %arg15[%get3A_269, %get3A_270] {strides = array<i32>} : memref<80x128xf32, #tpu.memory_space<vmem>>, vector<16xf32>,
      %mul3A_272 = arith.mulf %get3A_268, %get3A_271 : vector<16xf32>
      %swap3A_273 = arith.index_cast %add3A_195 : i32 to index
      %swap3A_274 = arith.constant 112 : index
      %swap3A_275 = tpu.vector_load %arg13[%swap3A_273, %swap3A_274] {strides = array<i32>} : memref<80x128xf32, #tpu.memory_space<vmem>>, vector<16xf32>,
      tpu.vector_store %arg13[%swap3A_273, %swap3A_274], %mul3A_272 {strides = array<i32>} : memref<80x128xf32, #tpu.memory_space<vmem>>, vector<16xf32>,
      %mul3A_276 = arith.constant 4 : i32
      %mul3A_277 = arith.muli %mul3A_276, %scan3A_108 : i32
      %add3A_278 = arith.constant 2 : i32
      %add3A_279 = arith.addi %mul3A_277, %add3A_278 : i32
      %get3A_280 = arith.index_cast %add3A_279 : i32 to index
      %get3A_281 = arith.constant 0 : index
      %get3A_282 = tpu.vector_load %arg13[%get3A_280, %get3A_281] {strides = array<i32>} : memref<80x128xf32, #tpu.memory_space<vmem>>, vector<16xf32>,
      %get3A_283 = arith.index_cast %add3A_279 : i32 to index
      %get3A_284 = arith.constant 0 : index
      %get3A_285 = tpu.vector_load %arg15[%get3A_283, %get3A_284] {strides = array<i32>} : memref<80x128xf32, #tpu.memory_space<vmem>>, vector<16xf32>,
      %mul3A_286 = arith.mulf %get3A_282, %get3A_285 : vector<16xf32>
      %swap3A_287 = arith.index_cast %add3A_279 : i32 to index
      %swap3A_288 = arith.constant 0 : index
      %swap3A_289 = tpu.vector_load %arg13[%swap3A_287, %swap3A_288] {strides = array<i32>} : memref<80x128xf32, #tpu.memory_space<vmem>>, vector<16xf32>,
      tpu.vector_store %arg13[%swap3A_287, %swap3A_288], %mul3A_286 {strides = array<i32>} : memref<80x128xf32, #tpu.memory_space<vmem>>, vector<16xf32>,
      %get3A_290 = arith.index_cast %add3A_279 : i32 to index
      %get3A_291 = arith.constant 16 : index
      %get3A_292 = tpu.vector_load %arg13[%get3A_290, %get3A_291] {strides = array<i32>} : memref<80x128xf32, #tpu.memory_space<vmem>>, vector<16xf32>,
      %get3A_293 = arith.index_cast %add3A_279 : i32 to index
      %get3A_294 = arith.constant 16 : index
      %get3A_295 = tpu.vector_load %arg15[%get3A_293, %get3A_294] {strides = array<i32>} : memref<80x128xf32, #tpu.memory_space<vmem>>, vector<16xf32>,
      %mul3A_296 = arith.mulf %get3A_292, %get3A_295 : vector<16xf32>
      %swap3A_297 = arith.index_cast %add3A_279 : i32 to index
      %swap3A_298 = arith.constant 16 : index
      %swap3A_299 = tpu.vector_load %arg13[%swap3A_297, %swap3A_298] {strides = array<i32>} : memref<80x128xf32, #tpu.memory_space<vmem>>, vector<16xf32>,
      tpu.vector_store %arg13[%swap3A_297, %swap3A_298], %mul3A_296 {strides = array<i32>} : memref<80x128xf32, #tpu.memory_space<vmem>>, vector<16xf32>,
      %get3A_300 = arith.index_cast %add3A_279 : i32 to index
      %get3A_301 = arith.constant 32 : index
      %get3A_302 = tpu.vector_load %arg13[%get3A_300, %get3A_301] {strides = array<i32>} : memref<80x128xf32, #tpu.memory_space<vmem>>, vector<16xf32>,
      %get3A_303 = arith.index_cast %add3A_279 : i32 to index
      %get3A_304 = arith.constant 32 : index
      %get3A_305 = tpu.vector_load %arg15[%get3A_303, %get3A_304] {strides = array<i32>} : memref<80x128xf32, #tpu.memory_space<vmem>>, vector<16xf32>,
      %mul3A_306 = arith.mulf %get3A_302, %get3A_305 : vector<16xf32>
      %swap3A_307 = arith.index_cast %add3A_279 : i32 to index
      %swap3A_308 = arith.constant 32 : index
      %swap3A_309 = tpu.vector_load %arg13[%swap3A_307, %swap3A_308] {strides = array<i32>} : memref<80x128xf32, #tpu.memory_space<vmem>>, vector<16xf32>,
      tpu.vector_store %arg13[%swap3A_307, %swap3A_308], %mul3A_306 {strides = array<i32>} : memref<80x128xf32, #tpu.memory_space<vmem>>, vector<16xf32>,
      %get3A_310 = arith.index_cast %add3A_279 : i32 to index
      %get3A_311 = arith.constant 48 : index
      %get3A_312 = tpu.vector_load %arg13[%get3A_310, %get3A_311] {strides = array<i32>} : memref<80x128xf32, #tpu.memory_space<vmem>>, vector<16xf32>,
      %get3A_313 = arith.index_cast %add3A_279 : i32 to index
      %get3A_314 = arith.constant 48 : index
      %get3A_315 = tpu.vector_load %arg15[%get3A_313, %get3A_314] {strides = array<i32>} : memref<80x128xf32, #tpu.memory_space<vmem>>, vector<16xf32>,
      %mul3A_316 = arith.mulf %get3A_312, %get3A_315 : vector<16xf32>
      %swap3A_317 = arith.index_cast %add3A_279 : i32 to index
      %swap3A_318 = arith.constant 48 : index
      %swap3A_319 = tpu.vector_load %arg13[%swap3A_317, %swap3A_318] {strides = array<i32>} : memref<80x128xf32, #tpu.memory_space<vmem>>, vector<16xf32>,
      tpu.vector_store %arg13[%swap3A_317, %swap3A_318], %mul3A_316 {strides = array<i32>} : memref<80x128xf32, #tpu.memory_space<vmem>>, vector<16xf32>,
      %get3A_320 = arith.index_cast %add3A_279 : i32 to index
      %get3A_321 = arith.constant 64 : index
      %get3A_322 = tpu.vector_load %arg13[%get3A_320, %get3A_321] {strides = array<i32>} : memref<80x128xf32, #tpu.memory_space<vmem>>, vector<16xf32>,
      %get3A_323 = arith.index_cast %add3A_279 : i32 to index
      %get3A_324 = arith.constant 64 : index
      %get3A_325 = tpu.vector_load %arg15[%get3A_323, %get3A_324] {strides = array<i32>} : memref<80x128xf32, #tpu.memory_space<vmem>>, vector<16xf32>,
      %mul3A_326 = arith.mulf %get3A_322, %get3A_325 : vector<16xf32>
      %swap3A_327 = arith.index_cast %add3A_279 : i32 to index
      %swap3A_328 = arith.constant 64 : index
      %swap3A_329 = tpu.vector_load %arg13[%swap3A_327, %swap3A_328] {strides = array<i32>} : memref<80x128xf32, #tpu.memory_space<vmem>>, vector<16xf32>,
      tpu.vector_store %arg13[%swap3A_327, %swap3A_328], %mul3A_326 {strides = array<i32>} : memref<80x128xf32, #tpu.memory_space<vmem>>, vector<16xf32>,
      %get3A_330 = arith.index_cast %add3A_279 : i32 to index
      %get3A_331 = arith.constant 80 : index
      %get3A_332 = tpu.vector_load %arg13[%get3A_330, %get3A_331] {strides = array<i32>} : memref<80x128xf32, #tpu.memory_space<vmem>>, vector<16xf32>,
      %get3A_333 = arith.index_cast %add3A_279 : i32 to index
      %get3A_334 = arith.constant 80 : index
      %get3A_335 = tpu.vector_load %arg15[%get3A_333, %get3A_334] {strides = array<i32>} : memref<80x128xf32, #tpu.memory_space<vmem>>, vector<16xf32>,
      %mul3A_336 = arith.mulf %get3A_332, %get3A_335 : vector<16xf32>
      %swap3A_337 = arith.index_cast %add3A_279 : i32 to index
      %swap3A_338 = arith.constant 80 : index
      %swap3A_339 = tpu.vector_load %arg13[%swap3A_337, %swap3A_338] {strides = array<i32>} : memref<80x128xf32, #tpu.memory_space<vmem>>, vector<16xf32>,
      tpu.vector_store %arg13[%swap3A_337, %swap3A_338], %mul3A_336 {strides = array<i32>} : memref<80x128xf32, #tpu.memory_space<vmem>>, vector<16xf32>,
      %get3A_340 = arith.index_cast %add3A_279 : i32 to index
      %get3A_341 = arith.constant 96 : index
      %get3A_342 = tpu.vector_load %arg13[%get3A_340, %get3A_341] {strides = array<i32>} : memref<80x128xf32, #tpu.memory_space<vmem>>, vector<16xf32>,
      %get3A_343 = arith.index_cast %add3A_279 : i32 to index
      %get3A_344 = arith.constant 96 : index
      %get3A_345 = tpu.vector_load %arg15[%get3A_343, %get3A_344] {strides = array<i32>} : memref<80x128xf32, #tpu.memory_space<vmem>>, vector<16xf32>,
      %mul3A_346 = arith.mulf %get3A_342, %get3A_345 : vector<16xf32>
      %swap3A_347 = arith.index_cast %add3A_279 : i32 to index
      %swap3A_348 = arith.constant 96 : index
      %swap3A_349 = tpu.vector_load %arg13[%swap3A_347, %swap3A_348] {strides = array<i32>} : memref<80x128xf32, #tpu.memory_space<vmem>>, vector<16xf32>,
      tpu.vector_store %arg13[%swap3A_347, %swap3A_348], %mul3A_346 {strides = array<i32>} : memref<80x128xf32, #tpu.memory_space<vmem>>, vector<16xf32>,
      %get3A_350 = arith.index_cast %add3A_279 : i32 to index
      %get3A_351 = arith.constant 112 : index
      %get3A_352 = tpu.vector_load %arg13[%get3A_350, %get3A_351] {strides = array<i32>} : memref<80x128xf32, #tpu.memory_space<vmem>>, vector<16xf32>,
      %get3A_353 = arith.index_cast %add3A_279 : i32 to index
      %get3A_354 = arith.constant 112 : index
      %get3A_355 = tpu.vector_load %arg15[%get3A_353, %get3A_354] {strides = array<i32>} : memref<80x128xf32, #tpu.memory_space<vmem>>, vector<16xf32>,
      %mul3A_356 = arith.mulf %get3A_352, %get3A_355 : vector<16xf32>
      %swap3A_357 = arith.index_cast %add3A_279 : i32 to index
      %swap3A_358 = arith.constant 112 : index
      %swap3A_359 = tpu.vector_load %arg13[%swap3A_357, %swap3A_358] {strides = array<i32>} : memref<80x128xf32, #tpu.memory_space<vmem>>, vector<16xf32>,
      tpu.vector_store %arg13[%swap3A_357, %swap3A_358], %mul3A_356 {strides = array<i32>} : memref<80x128xf32, #tpu.memory_space<vmem>>, vector<16xf32>,
      %mul3A_360 = arith.constant 4 : i32
      %mul3A_361 = arith.muli %mul3A_360, %scan3A_108 : i32
      %add3A_362 = arith.constant 3 : i32
      %add3A_363 = arith.addi %mul3A_361, %add3A_362 : i32
      %get3A_364 = arith.index_cast %add3A_363 : i32 to index
      %get3A_365 = arith.constant 0 : index
      %get3A_366 = tpu.vector_load %arg13[%get3A_364, %get3A_365] {strides = array<i32>} : memref<80x128xf32, #tpu.memory_space<vmem>>, vector<16xf32>,
      %get3A_367 = arith.index_cast %add3A_363 : i32 to index
      %get3A_368 = arith.constant 0 : index
      %get3A_369 = tpu.vector_load %arg15[%get3A_367, %get3A_368] {strides = array<i32>} : memref<80x128xf32, #tpu.memory_space<vmem>>, vector<16xf32>,
      %mul3A_370 = arith.mulf %get3A_366, %get3A_369 : vector<16xf32>
      %swap3A_371 = arith.index_cast %add3A_363 : i32 to index
      %swap3A_372 = arith.constant 0 : index
      %swap3A_373 = tpu.vector_load %arg13[%swap3A_371, %swap3A_372] {strides = array<i32>} : memref<80x128xf32, #tpu.memory_space<vmem>>, vector<16xf32>,
      tpu.vector_store %arg13[%swap3A_371, %swap3A_372], %mul3A_370 {strides = array<i32>} : memref<80x128xf32, #tpu.memory_space<vmem>>, vector<16xf32>,
      %get3A_374 = arith.index_cast %add3A_363 : i32 to index
      %get3A_375 = arith.constant 16 : index
      %get3A_376 = tpu.vector_load %arg13[%get3A_374, %get3A_375] {strides = array<i32>} : memref<80x128xf32, #tpu.memory_space<vmem>>, vector<16xf32>,
      %get3A_377 = arith.index_cast %add3A_363 : i32 to index
      %get3A_378 = arith.constant 16 : index
      %get3A_379 = tpu.vector_load %arg15[%get3A_377, %get3A_378] {strides = array<i32>} : memref<80x128xf32, #tpu.memory_space<vmem>>, vector<16xf32>,
      %mul3A_380 = arith.mulf %get3A_376, %get3A_379 : vector<16xf32>
      %swap3A_381 = arith.index_cast %add3A_363 : i32 to index
      %swap3A_382 = arith.constant 16 : index
      %swap3A_383 = tpu.vector_load %arg13[%swap3A_381, %swap3A_382] {strides = array<i32>} : memref<80x128xf32, #tpu.memory_space<vmem>>, vector<16xf32>,
      tpu.vector_store %arg13[%swap3A_381, %swap3A_382], %mul3A_380 {strides = array<i32>} : memref<80x128xf32, #tpu.memory_space<vmem>>, vector<16xf32>,
      %get3A_384 = arith.index_cast %add3A_363 : i32 to index
      %get3A_385 = arith.constant 32 : index
      %get3A_386 = tpu.vector_load %arg13[%get3A_384, %get3A_385] {strides = array<i32>} : memref<80x128xf32, #tpu.memory_space<vmem>>, vector<16xf32>,
      %get3A_387 = arith.index_cast %add3A_363 : i32 to index
      %get3A_388 = arith.constant 32 : index
      %get3A_389 = tpu.vector_load %arg15[%get3A_387, %get3A_388] {strides = array<i32>} : memref<80x128xf32, #tpu.memory_space<vmem>>, vector<16xf32>,
      %mul3A_390 = arith.mulf %get3A_386, %get3A_389 : vector<16xf32>
      %swap3A_391 = arith.index_cast %add3A_363 : i32 to index
      %swap3A_392 = arith.constant 32 : index
      %swap3A_393 = tpu.vector_load %arg13[%swap3A_391, %swap3A_392] {strides = array<i32>} : memref<80x128xf32, #tpu.memory_space<vmem>>, vector<16xf32>,
      tpu.vector_store %arg13[%swap3A_391, %swap3A_392], %mul3A_390 {strides = array<i32>} : memref<80x128xf32, #tpu.memory_space<vmem>>, vector<16xf32>,
      %get3A_394 = arith.index_cast %add3A_363 : i32 to index
      %get3A_395 = arith.constant 48 : index
      %get3A_396 = tpu.vector_load %arg13[%get3A_394, %get3A_395] {strides = array<i32>} : memref<80x128xf32, #tpu.memory_space<vmem>>, vector<16xf32>,
      %get3A_397 = arith.index_cast %add3A_363 : i32 to index
      %get3A_398 = arith.constant 48 : index
      %get3A_399 = tpu.vector_load %arg15[%get3A_397, %get3A_398] {strides = array<i32>} : memref<80x128xf32, #tpu.memory_space<vmem>>, vector<16xf32>,
      %mul3A_400 = arith.mulf %get3A_396, %get3A_399 : vector<16xf32>
      %swap3A_401 = arith.index_cast %add3A_363 : i32 to index
      %swap3A_402 = arith.constant 48 : index
      %swap3A_403 = tpu.vector_load %arg13[%swap3A_401, %swap3A_402] {strides = array<i32>} : memref<80x128xf32, #tpu.memory_space<vmem>>, vector<16xf32>,
      tpu.vector_store %arg13[%swap3A_401, %swap3A_402], %mul3A_400 {strides = array<i32>} : memref<80x128xf32, #tpu.memory_space<vmem>>, vector<16xf32>,
      %get3A_404 = arith.index_cast %add3A_363 : i32 to index
      %get3A_405 = arith.constant 64 : index
      %get3A_406 = tpu.vector_load %arg13[%get3A_404, %get3A_405] {strides = array<i32>} : memref<80x128xf32, #tpu.memory_space<vmem>>, vector<16xf32>,
      %get3A_407 = arith.index_cast %add3A_363 : i32 to index
      %get3A_408 = arith.constant 64 : index
      %get3A_409 = tpu.vector_load %arg15[%get3A_407, %get3A_408] {strides = array<i32>} : memref<80x128xf32, #tpu.memory_space<vmem>>, vector<16xf32>,
      %mul3A_410 = arith.mulf %get3A_406, %get3A_409 : vector<16xf32>
      %swap3A_411 = arith.index_cast %add3A_363 : i32 to index
      %swap3A_412 = arith.constant 64 : index
      %swap3A_413 = tpu.vector_load %arg13[%swap3A_411, %swap3A_412] {strides = array<i32>} : memref<80x128xf32, #tpu.memory_space<vmem>>, vector<16xf32>,
      tpu.vector_store %arg13[%swap3A_411, %swap3A_412], %mul3A_410 {strides = array<i32>} : memref<80x128xf32, #tpu.memory_space<vmem>>, vector<16xf32>,
      %get3A_414 = arith.index_cast %add3A_363 : i32 to index
      %get3A_415 = arith.constant 80 : index
      %get3A_416 = tpu.vector_load %arg13[%get3A_414, %get3A_415] {strides = array<i32>} : memref<80x128xf32, #tpu.memory_space<vmem>>, vector<16xf32>,
      %get3A_417 = arith.index_cast %add3A_363 : i32 to index
      %get3A_418 = arith.constant 80 : index
      %get3A_419 = tpu.vector_load %arg15[%get3A_417, %get3A_418] {strides = array<i32>} : memref<80x128xf32, #tpu.memory_space<vmem>>, vector<16xf32>,
      %mul3A_420 = arith.mulf %get3A_416, %get3A_419 : vector<16xf32>
      %swap3A_421 = arith.index_cast %add3A_363 : i32 to index
      %swap3A_422 = arith.constant 80 : index
      %swap3A_423 = tpu.vector_load %arg13[%swap3A_421, %swap3A_422] {strides = array<i32>} : memref<80x128xf32, #tpu.memory_space<vmem>>, vector<16xf32>,
      tpu.vector_store %arg13[%swap3A_421, %swap3A_422], %mul3A_420 {strides = array<i32>} : memref<80x128xf32, #tpu.memory_space<vmem>>, vector<16xf32>,
      %get3A_424 = arith.index_cast %add3A_363 : i32 to index
      %get3A_425 = arith.constant 96 : index
      %get3A_426 = tpu.vector_load %arg13[%get3A_424, %get3A_425] {strides = array<i32>} : memref<80x128xf32, #tpu.memory_space<vmem>>, vector<16xf32>,
      %get3A_427 = arith.index_cast %add3A_363 : i32 to index
      %get3A_428 = arith.constant 96 : index
      %get3A_429 = tpu.vector_load %arg15[%get3A_427, %get3A_428] {strides = array<i32>} : memref<80x128xf32, #tpu.memory_space<vmem>>, vector<16xf32>,
      %mul3A_430 = arith.mulf %get3A_426, %get3A_429 : vector<16xf32>
      %swap3A_431 = arith.index_cast %add3A_363 : i32 to index
      %swap3A_432 = arith.constant 96 : index
      %swap3A_433 = tpu.vector_load %arg13[%swap3A_431, %swap3A_432] {strides = array<i32>} : memref<80x128xf32, #tpu.memory_space<vmem>>, vector<16xf32>,
      tpu.vector_store %arg13[%swap3A_431, %swap3A_432], %mul3A_430 {strides = array<i32>} : memref<80x128xf32, #tpu.memory_space<vmem>>, vector<16xf32>,
      %get3A_434 = arith.index_cast %add3A_363 : i32 to index
      %get3A_435 = arith.constant 112 : index
      %get3A_436 = tpu.vector_load %arg13[%get3A_434, %get3A_435] {strides = array<i32>} : memref<80x128xf32, #tpu.memory_space<vmem>>, vector<16xf32>,
      %get3A_437 = arith.index_cast %add3A_363 : i32 to index
      %get3A_438 = arith.constant 112 : index
      %get3A_439 = tpu.vector_load %arg15[%get3A_437, %get3A_438] {strides = array<i32>} : memref<80x128xf32, #tpu.memory_space<vmem>>, vector<16xf32>,
      %mul3A_440 = arith.mulf %get3A_436, %get3A_439 : vector<16xf32>
      %swap3A_441 = arith.index_cast %add3A_363 : i32 to index
      %swap3A_442 = arith.constant 112 : index
      %swap3A_443 = tpu.vector_load %arg13[%swap3A_441, %swap3A_442] {strides = array<i32>} : memref<80x128xf32, #tpu.memory_space<vmem>>, vector<16xf32>,
      tpu.vector_store %arg13[%swap3A_441, %swap3A_442], %mul3A_440 {strides = array<i32>} : memref<80x128xf32, #tpu.memory_space<vmem>>, vector<16xf32>,
      %scan3A_444 = arith.constant 0 : i32
      scf.yield %scan3A_444 : i32
    }
    %scan3A_80 = arith.constant 20 : i32
    %dma_start3A_81 = arith.constant 0 : i32
    %dma_start3A_82 = arith.constant 0 : i32
    %dma_start3A_83 = tpu.memref_slice %arg17[%dma_start3A_81, %dma_start3A_82] : memref<10240x128xf32, #tpu.memory_space<vmem_shared>> -> memref<10240x128xf32, #tpu.memory_space<vmem_shared>>
    tpu.enqueue_indirect_dma source(%arg13 : memref<80x128xf32, #tpu.memory_space<vmem>>) target(%dma_start3A_83 : memref<10240x128xf32, #tpu.memory_space<vmem_shared>>) offsets(%arg9 : memref<80xi32, #tpu.memory_space<vmem>>) semaphore(%arg20 : memref<!tpu.dma_semaphore, #tpu.memory_space<semaphore_mem>>) {add = true}
    %dma_wait3A_84 = arith.constant 0 : i32
    %dma_wait3A_85 = arith.constant 0 : i32
    %dma_wait3A_86 = tpu.memref_slice %arg17[%dma_wait3A_84, %dma_wait3A_85] : memref<10240x128xf32, #tpu.memory_space<vmem_shared>> -> memref<10240x128xf32, #tpu.memory_space<vmem_shared>>
    tpu.wait_indirect_dma semaphore(%arg20 : memref<!tpu.dma_semaphore, #tpu.memory_space<semaphore_mem>>) src(%arg13 : memref<80x128xf32, #tpu.memory_space<vmem>>) dst(%dma_wait3A_86 : memref<10240x128xf32, #tpu.memory_space<vmem_shared>>)
    %barrier3A_87 = arith.constant 0 : index
    tpu.barrier barrier_id(%barrier3A_87)
    %mul3A_88 = arith.constant 640 : i32
    %mul3A_89 = arith.muli %arg1, %mul3A_88 : i32
    %add3A_90 = arith.constant 0 : i32
    %add3A_91 = arith.addi %mul3A_89, %add3A_90 : i32
    "tpu.region"() ({
      %run_scoped3A = tpu.sem_alloc : memref<!tpu.dma_semaphore, #tpu.memory_space<semaphore_mem>>
      %dma_start3A_108 = arith.constant 0 : i32
      %dma_start3A_109 = tpu.memref_slice %arg6[%arg0, %add3A_91, %dma_start3A_108] : memref<2x10240x128xf32, #tpu.memory_space<hbm>> -> memref<1x128x128xf32, #tpu.memory_space<hbm>>
      %dma_start3A_110 = tpu.memref_squeeze %dma_start3A_109 : memref<1x128x128xf32, #tpu.memory_space<hbm>> -> memref<128x128xf32, #tpu.memory_space<hbm>>
      %dma_start3A_111 = arith.constant 0 : i32
      %dma_start3A_112 = tpu.memref_slice %arg17[%add3A_91, %dma_start3A_111] : memref<10240x128xf32, #tpu.memory_space<vmem_shared>> -> memref<128x128xf32, #tpu.memory_space<vmem_shared>>
      tpu.enqueue_dma source(%dma_start3A_112 : memref<128x128xf32, #tpu.memory_space<vmem_shared>>) target(%dma_start3A_110 : memref<128x128xf32, #tpu.memory_space<hbm>>) target_semaphore(%run_scoped3A : memref<!tpu.dma_semaphore, #tpu.memory_space<semaphore_mem>>)
      %dma_wait3A_113 = arith.constant 0 : i32
      %dma_wait3A_114 = tpu.memref_slice %arg6[%arg0, %add3A_91, %dma_wait3A_113] : memref<2x10240x128xf32, #tpu.memory_space<hbm>> -> memref<1x128x128xf32, #tpu.memory_space<hbm>>
      %dma_wait3A_115 = tpu.memref_squeeze %dma_wait3A_114 : memref<1x128x128xf32, #tpu.memory_space<hbm>> -> memref<128x128xf32, #tpu.memory_space<hbm>>
      %dma_wait3A_116 = arith.constant 0 : i32
      %dma_wait3A_117 = tpu.memref_slice %arg17[%add3A_91, %dma_wait3A_116] : memref<10240x128xf32, #tpu.memory_space<vmem_shared>> -> memref<128x128xf32, #tpu.memory_space<vmem_shared>>
      tpu.wait_dma2 semaphore(%run_scoped3A : memref<!tpu.dma_semaphore, #tpu.memory_space<semaphore_mem>>) src(%dma_wait3A_117 : memref<128x128xf32, #tpu.memory_space<vmem_shared>>) dst(%dma_wait3A_115 : memref<128x128xf32, #tpu.memory_space<hbm>>)
      tpu.yield
    }) : () -> ()
    %mul3A_92 = arith.constant 640 : i32
    %mul3A_93 = arith.muli %arg1, %mul3A_92 : i32
    %add3A_94 = arith.constant 128 : i32
    %add3A_95 = arith.addi %mul3A_93, %add3A_94 : i32
    "tpu.region"() ({
      %run_scoped3A = tpu.sem_alloc : memref<!tpu.dma_semaphore, #tpu.memory_space<semaphore_mem>>
      %dma_start3A_108 = arith.constant 0 : i32
      %dma_start3A_109 = tpu.memref_slice %arg6[%arg0, %add3A_95, %dma_start3A_108] : memref<2x10240x128xf32, #tpu.memory_space<hbm>> -> memref<1x128x128xf32, #tpu.memory_space<hbm>>
      %dma_start3A_110 = tpu.memref_squeeze %dma_start3A_109 : memref<1x128x128xf32, #tpu.memory_space<hbm>> -> memref<128x128xf32, #tpu.memory_space<hbm>>
      %dma_start3A_111 = arith.constant 0 : i32
      %dma_start3A_112 = tpu.memref_slice %arg17[%add3A_95, %dma_start3A_111] : memref<10240x128xf32, #tpu.memory_space<vmem_shared>> -> memref<128x128xf32, #tpu.memory_space<vmem_shared>>
      tpu.enqueue_dma source(%dma_start3A_112 : memref<128x128xf32, #tpu.memory_space<vmem_shared>>) target(%dma_start3A_110 : memref<128x128xf32, #tpu.memory_space<hbm>>) target_semaphore(%run_scoped3A : memref<!tpu.dma_semaphore, #tpu.memory_space<semaphore_mem>>)
      %dma_wait3A_113 = arith.constant 0 : i32
      %dma_wait3A_114 = tpu.memref_slice %arg6[%arg0, %add3A_95, %dma_wait3A_113] : memref<2x10240x128xf32, #tpu.memory_space<hbm>> -> memref<1x128x128xf32, #tpu.memory_space<hbm>>
      %dma_wait3A_115 = tpu.memref_squeeze %dma_wait3A_114 : memref<1x128x128xf32, #tpu.memory_space<hbm>> -> memref<128x128xf32, #tpu.memory_space<hbm>>
      %dma_wait3A_116 = arith.constant 0 : i32
      %dma_wait3A_117 = tpu.memref_slice %arg17[%add3A_95, %dma_wait3A_116] : memref<10240x128xf32, #tpu.memory_space<vmem_shared>> -> memref<128x128xf32, #tpu.memory_space<vmem_shared>>
      tpu.wait_dma2 semaphore(%run_scoped3A : memref<!tpu.dma_semaphore, #tpu.memory_space<semaphore_mem>>) src(%dma_wait3A_117 : memref<128x128xf32, #tpu.memory_space<vmem_shared>>) dst(%dma_wait3A_115 : memref<128x128xf32, #tpu.memory_space<hbm>>)
      tpu.yield
    }) : () -> ()
    %mul3A_96 = arith.constant 640 : i32
    %mul3A_97 = arith.muli %arg1, %mul3A_96 : i32
    %add3A_98 = arith.constant 256 : i32
    %add3A_99 = arith.addi %mul3A_97, %add3A_98 : i32
    "tpu.region"() ({
      %run_scoped3A = tpu.sem_alloc : memref<!tpu.dma_semaphore, #tpu.memory_space<semaphore_mem>>
      %dma_start3A_108 = arith.constant 0 : i32
      %dma_start3A_109 = tpu.memref_slice %arg6[%arg0, %add3A_99, %dma_start3A_108] : memref<2x10240x128xf32, #tpu.memory_space<hbm>> -> memref<1x128x128xf32, #tpu.memory_space<hbm>>
      %dma_start3A_110 = tpu.memref_squeeze %dma_start3A_109 : memref<1x128x128xf32, #tpu.memory_space<hbm>> -> memref<128x128xf32, #tpu.memory_space<hbm>>
      %dma_start3A_111 = arith.constant 0 : i32
      %dma_start3A_112 = tpu.memref_slice %arg17[%add3A_99, %dma_start3A_111] : memref<10240x128xf32, #tpu.memory_space<vmem_shared>> -> memref<128x128xf32, #tpu.memory_space<vmem_shared>>
      tpu.enqueue_dma source(%dma_start3A_112 : memref<128x128xf32, #tpu.memory_space<vmem_shared>>) target(%dma_start3A_110 : memref<128x128xf32, #tpu.memory_space<hbm>>) target_semaphore(%run_scoped3A : memref<!tpu.dma_semaphore, #tpu.memory_space<semaphore_mem>>)
      %dma_wait3A_113 = arith.constant 0 : i32
      %dma_wait3A_114 = tpu.memref_slice %arg6[%arg0, %add3A_99, %dma_wait3A_113] : memref<2x10240x128xf32, #tpu.memory_space<hbm>> -> memref<1x128x128xf32, #tpu.memory_space<hbm>>
      %dma_wait3A_115 = tpu.memref_squeeze %dma_wait3A_114 : memref<1x128x128xf32, #tpu.memory_space<hbm>> -> memref<128x128xf32, #tpu.memory_space<hbm>>
      %dma_wait3A_116 = arith.constant 0 : i32
      %dma_wait3A_117 = tpu.memref_slice %arg17[%add3A_99, %dma_wait3A_116] : memref<10240x128xf32, #tpu.memory_space<vmem_shared>> -> memref<128x128xf32, #tpu.memory_space<vmem_shared>>
      tpu.wait_dma2 semaphore(%run_scoped3A : memref<!tpu.dma_semaphore, #tpu.memory_space<semaphore_mem>>) src(%dma_wait3A_117 : memref<128x128xf32, #tpu.memory_space<vmem_shared>>) dst(%dma_wait3A_115 : memref<128x128xf32, #tpu.memory_space<hbm>>)
      tpu.yield
    }) : () -> ()
    %mul3A_100 = arith.constant 640 : i32
    %mul3A_101 = arith.muli %arg1, %mul3A_100 : i32
    %add3A_102 = arith.constant 384 : i32
    %add3A_103 = arith.addi %mul3A_101, %add3A_102 : i32
    "tpu.region"() ({
      %run_scoped3A = tpu.sem_alloc : memref<!tpu.dma_semaphore, #tpu.memory_space<semaphore_mem>>
      %dma_start3A_108 = arith.constant 0 : i32
      %dma_start3A_109 = tpu.memref_slice %arg6[%arg0, %add3A_103, %dma_start3A_108] : memref<2x10240x128xf32, #tpu.memory_space<hbm>> -> memref<1x128x128xf32, #tpu.memory_space<hbm>>
      %dma_start3A_110 = tpu.memref_squeeze %dma_start3A_109 : memref<1x128x128xf32, #tpu.memory_space<hbm>> -> memref<128x128xf32, #tpu.memory_space<hbm>>
      %dma_start3A_111 = arith.constant 0 : i32
      %dma_start3A_112 = tpu.memref_slice %arg17[%add3A_103, %dma_start3A_111] : memref<10240x128xf32, #tpu.memory_space<vmem_shared>> -> memref<128x128xf32, #tpu.memory_space<vmem_shared>>
      tpu.enqueue_dma source(%dma_start3A_112 : memref<128x128xf32, #tpu.memory_space<vmem_shared>>) target(%dma_start3A_110 : memref<128x128xf32, #tpu.memory_space<hbm>>) target_semaphore(%run_scoped3A : memref<!tpu.dma_semaphore, #tpu.memory_space<semaphore_mem>>)
      %dma_wait3A_113 = arith.constant 0 : i32
      %dma_wait3A_114 = tpu.memref_slice %arg6[%arg0, %add3A_103, %dma_wait3A_113] : memref<2x10240x128xf32, #tpu.memory_space<hbm>> -> memref<1x128x128xf32, #tpu.memory_space<hbm>>
      %dma_wait3A_115 = tpu.memref_squeeze %dma_wait3A_114 : memref<1x128x128xf32, #tpu.memory_space<hbm>> -> memref<128x128xf32, #tpu.memory_space<hbm>>
      %dma_wait3A_116 = arith.constant 0 : i32
      %dma_wait3A_117 = tpu.memref_slice %arg17[%add3A_103, %dma_wait3A_116] : memref<10240x128xf32, #tpu.memory_space<vmem_shared>> -> memref<128x128xf32, #tpu.memory_space<vmem_shared>>
      tpu.wait_dma2 semaphore(%run_scoped3A : memref<!tpu.dma_semaphore, #tpu.memory_space<semaphore_mem>>) src(%dma_wait3A_117 : memref<128x128xf32, #tpu.memory_space<vmem_shared>>) dst(%dma_wait3A_115 : memref<128x128xf32, #tpu.memory_space<hbm>>)
      tpu.yield
    }) : () -> ()
    %mul3A_104 = arith.constant 640 : i32
    %mul3A_105 = arith.muli %arg1, %mul3A_104 : i32
    %add3A_106 = arith.constant 512 : i32
    %add3A_107 = arith.addi %mul3A_105, %add3A_106 : i32
    "tpu.region"() ({
      %run_scoped3A = tpu.sem_alloc : memref<!tpu.dma_semaphore, #tpu.memory_space<semaphore_mem>>
      %dma_start3A_108 = arith.constant 0 : i32
      %dma_start3A_109 = tpu.memref_slice %arg6[%arg0, %add3A_107, %dma_start3A_108] : memref<2x10240x128xf32, #tpu.memory_space<hbm>> -> memref<1x128x128xf32, #tpu.memory_space<hbm>>
      %dma_start3A_110 = tpu.memref_squeeze %dma_start3A_109 : memref<1x128x128xf32, #tpu.memory_space<hbm>> -> memref<128x128xf32, #tpu.memory_space<hbm>>
      %dma_start3A_111 = arith.constant 0 : i32
      %dma_start3A_112 = tpu.memref_slice %arg17[%add3A_107, %dma_start3A_111] : memref<10240x128xf32, #tpu.memory_space<vmem_shared>> -> memref<128x128xf32, #tpu.memory_space<vmem_shared>>
      tpu.enqueue_dma source(%dma_start3A_112 : memref<128x128xf32, #tpu.memory_space<vmem_shared>>) target(%dma_start3A_110 : memref<128x128xf32, #tpu.memory_space<hbm>>) target_semaphore(%run_scoped3A : memref<!tpu.dma_semaphore, #tpu.memory_space<semaphore_mem>>)
      %dma_wait3A_113 = arith.constant 0 : i32
      %dma_wait3A_114 = tpu.memref_slice %arg6[%arg0, %add3A_107, %dma_wait3A_113] : memref<2x10240x128xf32, #tpu.memory_space<hbm>> -> memref<1x128x128xf32, #tpu.memory_space<hbm>>
      %dma_wait3A_115 = tpu.memref_squeeze %dma_wait3A_114 : memref<1x128x128xf32, #tpu.memory_space<hbm>> -> memref<128x128xf32, #tpu.memory_space<hbm>>
      %dma_wait3A_116 = arith.constant 0 : i32
      %dma_wait3A_117 = tpu.memref_slice %arg17[%add3A_107, %dma_wait3A_116] : memref<10240x128xf32, #tpu.memory_space<vmem_shared>> -> memref<128x128xf32, #tpu.memory_space<vmem_shared>>
      tpu.wait_dma2 semaphore(%run_scoped3A : memref<!tpu.dma_semaphore, #tpu.memory_space<semaphore_mem>>) src(%dma_wait3A_117 : memref<128x128xf32, #tpu.memory_space<vmem_shared>>) dst(%dma_wait3A_115 : memref<128x128xf32, #tpu.memory_space<hbm>>)
      tpu.yield
    }) : () -> ()
    return
  }
}

#map = affine_map<(d0, d1) -> (0)>
#map1 = affine_map<(d0, d1) -> (0, 0)>
module attributes {stable_mosaic.version = 14 : i64} {
  func.func @_deg_body(%arg0: i32, %arg1: i32, %arg2: memref<320000xi32, #tpu.memory_space<hbm>>, %arg3: memref<2x10240xf32, #tpu.memory_space<hbm>>, %arg4: memref<10000xi32, #tpu.memory_space<vmem>>, %arg5: memref<10240xf32, #tpu.memory_space<vmem>>, %arg6: memref<640xf32, #tpu.memory_space<vmem>>, %arg7: memref<640xf32, #tpu.memory_space<vmem>>, %arg8: memref<16x10240xf32, #tpu.memory_space<vmem_shared>>) attributes {dimension_semantics = [#tpu.dimension_semantics<core_parallel>, #tpu.dimension_semantics<subcore_parallel>], iteration_bounds = array<i64: 2, 16>, scalar_prefetch = 0 : i64, scratch_operands = 5 : i64, tpu.core_type = #tpu.core_type<sc_vector_subcore>, window_params = [{transform_indices = #map}, {transform_indices = #map1}]} {
    %mul3A = arith.constant 2 : i32
    %mul3A_0 = arith.muli %arg1, %mul3A : i32
    %add3A = arith.addi %mul3A_0, %arg0 : i32
    %mul3A_1 = arith.constant 10000 : i32
    %mul3A_2 = arith.muli %add3A, %mul3A_1 : i32
    "tpu.region"() ({
      %run_scoped3A_189 = tpu.sem_alloc : memref<!tpu.dma_semaphore, #tpu.memory_space<semaphore_mem>>
      %dma_start3A = tpu.memref_slice %arg2[%mul3A_2] : memref<320000xi32, #tpu.memory_space<hbm>> -> memref<10000xi32, #tpu.memory_space<hbm>>
      %dma_start3A_190 = tpu.memref_slice %arg2[%mul3A_2] : memref<320000xi32, #tpu.memory_space<hbm>> -> memref<10000xi32, #tpu.memory_space<hbm>>
      tpu.enqueue_dma source(%dma_start3A_190 : memref<10000xi32, #tpu.memory_space<hbm>>) target(%arg4 : memref<10000xi32, #tpu.memory_space<vmem>>) target_semaphore(%run_scoped3A_189 : memref<!tpu.dma_semaphore, #tpu.memory_space<semaphore_mem>>)
      %dma_wait3A = tpu.memref_slice %arg2[%mul3A_2] : memref<320000xi32, #tpu.memory_space<hbm>> -> memref<10000xi32, #tpu.memory_space<hbm>>
      %dma_wait3A_191 = tpu.memref_slice %arg2[%mul3A_2] : memref<320000xi32, #tpu.memory_space<hbm>> -> memref<10000xi32, #tpu.memory_space<hbm>>
      tpu.wait_dma2 semaphore(%run_scoped3A_189 : memref<!tpu.dma_semaphore, #tpu.memory_space<semaphore_mem>>) src(%dma_wait3A_191 : memref<10000xi32, #tpu.memory_space<hbm>>) dst(%arg4 : memref<10000xi32, #tpu.memory_space<vmem>>)
      tpu.yield
    }) : () -> ()
    %broadcast_in_dim3A = arith.constant 0.000000e+00 : f32
    %broadcast_in_dim3A_3 = vector.broadcast %broadcast_in_dim3A : f32 to vector<16xf32>
    %scan3A = arith.constant 0 : i32
    %scan3A_4 = arith.constant 0 : i32
    %scan3A_5 = arith.constant 640 : i32
    %scan3A_6 = arith.addi %scan3A_4, %scan3A_5 : i32
    %scan3A_7 = arith.constant 1 : i32
    %scan3A_8 = scf.for %scan3A_189 = %scan3A_4 to %scan3A_6 step %scan3A_7 iter_args(%scan3A_190 = %scan3A) -> (i32)  : i32 {
      %mul3A_191 = arith.constant 16 : i32
      %mul3A_192 = arith.muli %scan3A_189, %mul3A_191 : i32
      %swap3A = arith.index_cast %mul3A_192 : i32 to index
      %swap3A_193 = tpu.vector_load %arg5[%swap3A] {strides = array<i32>} : memref<10240xf32, #tpu.memory_space<vmem>>, vector<16xf32>,
      tpu.vector_store %arg5[%swap3A], %broadcast_in_dim3A_3 {strides = array<i32>} : memref<10240xf32, #tpu.memory_space<vmem>>, vector<16xf32>,
      %scan3A_194 = arith.constant 0 : i32
      scf.yield %scan3A_194 : i32
    }
    %scan3A_9 = arith.constant 640 : i32
    %broadcast_in_dim3A_10 = arith.constant 1.000000e+00 : f32
    %broadcast_in_dim3A_11 = vector.broadcast %broadcast_in_dim3A_10 : f32 to vector<16xf32>
    %scan3A_12 = arith.constant 0 : i32
    %scan3A_13 = arith.constant 0 : i32
    %scan3A_14 = arith.constant 625 : i32
    %scan3A_15 = arith.addi %scan3A_13, %scan3A_14 : i32
    %scan3A_16 = arith.constant 1 : i32
    %scan3A_17 = scf.for %scan3A_189 = %scan3A_13 to %scan3A_15 step %scan3A_16 iter_args(%scan3A_190 = %scan3A_12) -> (i32)  : i32 {
      %mul3A_191 = arith.constant 16 : i32
      %mul3A_192 = arith.muli %scan3A_189, %mul3A_191 : i32
      %get3A = arith.index_cast %mul3A_192 : i32 to index
      %get3A_193 = tpu.vector_load %arg4[%get3A] {strides = array<i32>} : memref<10000xi32, #tpu.memory_space<vmem>>, vector<16xi32>,
      tpu.vector_store_idx %arg5[%get3A_193], %broadcast_in_dim3A_11 {add = true} : memref<10240xf32, #tpu.memory_space<vmem>>[vector<16xi32>], vector<16xf32>,
      %scan3A_194 = arith.constant 0 : i32
      scf.yield %scan3A_194 : i32
    }
    %scan3A_18 = arith.constant 625 : i32
    "tpu.region"() ({
      %run_scoped3A_189 = tpu.sem_alloc : memref<!tpu.dma_semaphore, #tpu.memory_space<semaphore_mem>>
      %dma_start3A = arith.constant 0 : i32
      %dma_start3A_190 = tpu.memref_slice %arg8[%arg1, %dma_start3A] : memref<16x10240xf32, #tpu.memory_space<vmem_shared>> -> memref<1x10240xf32, #tpu.memory_space<vmem_shared>>
      %dma_start3A_191 = tpu.memref_squeeze %dma_start3A_190 : memref<1x10240xf32, #tpu.memory_space<vmem_shared>> -> memref<10240xf32, #tpu.memory_space<vmem_shared>>
      %dma_start3A_192 = arith.constant 0 : i32
      %dma_start3A_193 = tpu.memref_slice %arg8[%arg1, %dma_start3A_192] : memref<16x10240xf32, #tpu.memory_space<vmem_shared>> -> memref<1x10240xf32, #tpu.memory_space<vmem_shared>>
      %dma_start3A_194 = tpu.memref_squeeze %dma_start3A_193 : memref<1x10240xf32, #tpu.memory_space<vmem_shared>> -> memref<10240xf32, #tpu.memory_space<vmem_shared>>
      tpu.enqueue_dma source(%arg5 : memref<10240xf32, #tpu.memory_space<vmem>>) target(%dma_start3A_194 : memref<10240xf32, #tpu.memory_space<vmem_shared>>) target_semaphore(%run_scoped3A_189 : memref<!tpu.dma_semaphore, #tpu.memory_space<semaphore_mem>>)
      %dma_wait3A = arith.constant 0 : i32
      %dma_wait3A_195 = tpu.memref_slice %arg8[%arg1, %dma_wait3A] : memref<16x10240xf32, #tpu.memory_space<vmem_shared>> -> memref<1x10240xf32, #tpu.memory_space<vmem_shared>>
      %dma_wait3A_196 = tpu.memref_squeeze %dma_wait3A_195 : memref<1x10240xf32, #tpu.memory_space<vmem_shared>> -> memref<10240xf32, #tpu.memory_space<vmem_shared>>
      %dma_wait3A_197 = arith.constant 0 : i32
      %dma_wait3A_198 = tpu.memref_slice %arg8[%arg1, %dma_wait3A_197] : memref<16x10240xf32, #tpu.memory_space<vmem_shared>> -> memref<1x10240xf32, #tpu.memory_space<vmem_shared>>
      %dma_wait3A_199 = tpu.memref_squeeze %dma_wait3A_198 : memref<1x10240xf32, #tpu.memory_space<vmem_shared>> -> memref<10240xf32, #tpu.memory_space<vmem_shared>>
      tpu.wait_dma2 semaphore(%run_scoped3A_189 : memref<!tpu.dma_semaphore, #tpu.memory_space<semaphore_mem>>) src(%arg5 : memref<10240xf32, #tpu.memory_space<vmem>>) dst(%dma_wait3A_199 : memref<10240xf32, #tpu.memory_space<vmem_shared>>)
      tpu.yield
    }) : () -> ()
    %barrier3A = arith.constant 0 : index
    tpu.barrier barrier_id(%barrier3A)
    %broadcast_in_dim3A_19 = arith.constant 0.000000e+00 : f32
    %broadcast_in_dim3A_20 = vector.broadcast %broadcast_in_dim3A_19 : f32 to vector<16xf32>
    %scan3A_21 = arith.constant 0 : i32
    %scan3A_22 = arith.constant 0 : i32
    %scan3A_23 = arith.constant 40 : i32
    %scan3A_24 = arith.addi %scan3A_22, %scan3A_23 : i32
    %scan3A_25 = arith.constant 1 : i32
    %scan3A_26 = scf.for %scan3A_189 = %scan3A_22 to %scan3A_24 step %scan3A_25 iter_args(%scan3A_190 = %scan3A_21) -> (i32)  : i32 {
      %mul3A_191 = arith.constant 16 : i32
      %mul3A_192 = arith.muli %scan3A_189, %mul3A_191 : i32
      %swap3A = arith.index_cast %mul3A_192 : i32 to index
      %swap3A_193 = tpu.vector_load %arg7[%swap3A] {strides = array<i32>} : memref<640xf32, #tpu.memory_space<vmem>>, vector<16xf32>,
      tpu.vector_store %arg7[%swap3A], %broadcast_in_dim3A_20 {strides = array<i32>} : memref<640xf32, #tpu.memory_space<vmem>>, vector<16xf32>,
      %scan3A_194 = arith.constant 0 : i32
      scf.yield %scan3A_194 : i32
    }
    %scan3A_27 = arith.constant 40 : i32
    %mul3A_28 = arith.constant 640 : i32
    %mul3A_29 = arith.muli %arg1, %mul3A_28 : i32
    %run_scoped3A = arith.constant 0 : i32
    "tpu.region"() ({
      %run_scoped3A_189 = tpu.sem_alloc : memref<!tpu.dma_semaphore, #tpu.memory_space<semaphore_mem>>
      %dma_start3A = tpu.memref_slice %arg8[%run_scoped3A, %mul3A_29] : memref<16x10240xf32, #tpu.memory_space<vmem_shared>> -> memref<1x640xf32, #tpu.memory_space<vmem_shared>>
      %dma_start3A_190 = tpu.memref_squeeze %dma_start3A : memref<1x640xf32, #tpu.memory_space<vmem_shared>> -> memref<640xf32, #tpu.memory_space<vmem_shared>>
      %dma_start3A_191 = tpu.memref_slice %arg8[%run_scoped3A, %mul3A_29] : memref<16x10240xf32, #tpu.memory_space<vmem_shared>> -> memref<1x640xf32, #tpu.memory_space<vmem_shared>>
      %dma_start3A_192 = tpu.memref_squeeze %dma_start3A_191 : memref<1x640xf32, #tpu.memory_space<vmem_shared>> -> memref<640xf32, #tpu.memory_space<vmem_shared>>
      tpu.enqueue_dma source(%dma_start3A_192 : memref<640xf32, #tpu.memory_space<vmem_shared>>) target(%arg6 : memref<640xf32, #tpu.memory_space<vmem>>) target_semaphore(%run_scoped3A_189 : memref<!tpu.dma_semaphore, #tpu.memory_space<semaphore_mem>>)
      %dma_wait3A = tpu.memref_slice %arg8[%run_scoped3A, %mul3A_29] : memref<16x10240xf32, #tpu.memory_space<vmem_shared>> -> memref<1x640xf32, #tpu.memory_space<vmem_shared>>
      %dma_wait3A_193 = tpu.memref_squeeze %dma_wait3A : memref<1x640xf32, #tpu.memory_space<vmem_shared>> -> memref<640xf32, #tpu.memory_space<vmem_shared>>
      %dma_wait3A_194 = tpu.memref_slice %arg8[%run_scoped3A, %mul3A_29] : memref<16x10240xf32, #tpu.memory_space<vmem_shared>> -> memref<1x640xf32, #tpu.memory_space<vmem_shared>>
      %dma_wait3A_195 = tpu.memref_squeeze %dma_wait3A_194 : memref<1x640xf32, #tpu.memory_space<vmem_shared>> -> memref<640xf32, #tpu.memory_space<vmem_shared>>
      tpu.wait_dma2 semaphore(%run_scoped3A_189 : memref<!tpu.dma_semaphore, #tpu.memory_space<semaphore_mem>>) src(%dma_wait3A_195 : memref<640xf32, #tpu.memory_space<vmem_shared>>) dst(%arg6 : memref<640xf32, #tpu.memory_space<vmem>>)
      tpu.yield
    }) : () -> ()
    %scan3A_30 = arith.constant 0 : i32
    %scan3A_31 = arith.constant 0 : i32
    %scan3A_32 = arith.constant 40 : i32
    %scan3A_33 = arith.addi %scan3A_31, %scan3A_32 : i32
    %scan3A_34 = arith.constant 1 : i32
    %scan3A_35 = scf.for %scan3A_189 = %scan3A_31 to %scan3A_33 step %scan3A_34 iter_args(%scan3A_190 = %scan3A_30) -> (i32)  : i32 {
      %mul3A_191 = arith.constant 16 : i32
      %mul3A_192 = arith.muli %scan3A_189, %mul3A_191 : i32
      %get3A = arith.index_cast %mul3A_192 : i32 to index
      %get3A_193 = tpu.vector_load %arg7[%get3A] {strides = array<i32>} : memref<640xf32, #tpu.memory_space<vmem>>, vector<16xf32>,
      %mul3A_194 = arith.constant 16 : i32
      %mul3A_195 = arith.muli %scan3A_189, %mul3A_194 : i32
      %get3A_196 = arith.index_cast %mul3A_195 : i32 to index
      %get3A_197 = tpu.vector_load %arg6[%get3A_196] {strides = array<i32>} : memref<640xf32, #tpu.memory_space<vmem>>, vector<16xf32>,
      %add3A_198 = arith.addf %get3A_193, %get3A_197 : vector<16xf32>
      %mul3A_199 = arith.constant 16 : i32
      %mul3A_200 = arith.muli %scan3A_189, %mul3A_199 : i32
      %swap3A = arith.index_cast %mul3A_200 : i32 to index
      %swap3A_201 = tpu.vector_load %arg7[%swap3A] {strides = array<i32>} : memref<640xf32, #tpu.memory_space<vmem>>, vector<16xf32>,
      tpu.vector_store %arg7[%swap3A], %add3A_198 {strides = array<i32>} : memref<640xf32, #tpu.memory_space<vmem>>, vector<16xf32>,
      %scan3A_202 = arith.constant 0 : i32
      scf.yield %scan3A_202 : i32
    }
    %scan3A_36 = arith.constant 40 : i32
    %mul3A_37 = arith.constant 640 : i32
    %mul3A_38 = arith.muli %arg1, %mul3A_37 : i32
    %run_scoped3A_39 = arith.constant 1 : i32
    "tpu.region"() ({
      %run_scoped3A_189 = tpu.sem_alloc : memref<!tpu.dma_semaphore, #tpu.memory_space<semaphore_mem>>
      %dma_start3A = tpu.memref_slice %arg8[%run_scoped3A_39, %mul3A_38] : memref<16x10240xf32, #tpu.memory_space<vmem_shared>> -> memref<1x640xf32, #tpu.memory_space<vmem_shared>>
      %dma_start3A_190 = tpu.memref_squeeze %dma_start3A : memref<1x640xf32, #tpu.memory_space<vmem_shared>> -> memref<640xf32, #tpu.memory_space<vmem_shared>>
      %dma_start3A_191 = tpu.memref_slice %arg8[%run_scoped3A_39, %mul3A_38] : memref<16x10240xf32, #tpu.memory_space<vmem_shared>> -> memref<1x640xf32, #tpu.memory_space<vmem_shared>>
      %dma_start3A_192 = tpu.memref_squeeze %dma_start3A_191 : memref<1x640xf32, #tpu.memory_space<vmem_shared>> -> memref<640xf32, #tpu.memory_space<vmem_shared>>
      tpu.enqueue_dma source(%dma_start3A_192 : memref<640xf32, #tpu.memory_space<vmem_shared>>) target(%arg6 : memref<640xf32, #tpu.memory_space<vmem>>) target_semaphore(%run_scoped3A_189 : memref<!tpu.dma_semaphore, #tpu.memory_space<semaphore_mem>>)
      %dma_wait3A = tpu.memref_slice %arg8[%run_scoped3A_39, %mul3A_38] : memref<16x10240xf32, #tpu.memory_space<vmem_shared>> -> memref<1x640xf32, #tpu.memory_space<vmem_shared>>
      %dma_wait3A_193 = tpu.memref_squeeze %dma_wait3A : memref<1x640xf32, #tpu.memory_space<vmem_shared>> -> memref<640xf32, #tpu.memory_space<vmem_shared>>
      %dma_wait3A_194 = tpu.memref_slice %arg8[%run_scoped3A_39, %mul3A_38] : memref<16x10240xf32, #tpu.memory_space<vmem_shared>> -> memref<1x640xf32, #tpu.memory_space<vmem_shared>>
      %dma_wait3A_195 = tpu.memref_squeeze %dma_wait3A_194 : memref<1x640xf32, #tpu.memory_space<vmem_shared>> -> memref<640xf32, #tpu.memory_space<vmem_shared>>
      tpu.wait_dma2 semaphore(%run_scoped3A_189 : memref<!tpu.dma_semaphore, #tpu.memory_space<semaphore_mem>>) src(%dma_wait3A_195 : memref<640xf32, #tpu.memory_space<vmem_shared>>) dst(%arg6 : memref<640xf32, #tpu.memory_space<vmem>>)
      tpu.yield
    }) : () -> ()
    %scan3A_40 = arith.constant 0 : i32
    %scan3A_41 = arith.constant 0 : i32
    %scan3A_42 = arith.constant 40 : i32
    %scan3A_43 = arith.addi %scan3A_41, %scan3A_42 : i32
    %scan3A_44 = arith.constant 1 : i32
    %scan3A_45 = scf.for %scan3A_189 = %scan3A_41 to %scan3A_43 step %scan3A_44 iter_args(%scan3A_190 = %scan3A_40) -> (i32)  : i32 {
      %mul3A_191 = arith.constant 16 : i32
      %mul3A_192 = arith.muli %scan3A_189, %mul3A_191 : i32
      %get3A = arith.index_cast %mul3A_192 : i32 to index
      %get3A_193 = tpu.vector_load %arg7[%get3A] {strides = array<i32>} : memref<640xf32, #tpu.memory_space<vmem>>, vector<16xf32>,
      %mul3A_194 = arith.constant 16 : i32
      %mul3A_195 = arith.muli %scan3A_189, %mul3A_194 : i32
      %get3A_196 = arith.index_cast %mul3A_195 : i32 to index
      %get3A_197 = tpu.vector_load %arg6[%get3A_196] {strides = array<i32>} : memref<640xf32, #tpu.memory_space<vmem>>, vector<16xf32>,
      %add3A_198 = arith.addf %get3A_193, %get3A_197 : vector<16xf32>
      %mul3A_199 = arith.constant 16 : i32
      %mul3A_200 = arith.muli %scan3A_189, %mul3A_199 : i32
      %swap3A = arith.index_cast %mul3A_200 : i32 to index
      %swap3A_201 = tpu.vector_load %arg7[%swap3A] {strides = array<i32>} : memref<640xf32, #tpu.memory_space<vmem>>, vector<16xf32>,
      tpu.vector_store %arg7[%swap3A], %add3A_198 {strides = array<i32>} : memref<640xf32, #tpu.memory_space<vmem>>, vector<16xf32>,
      %scan3A_202 = arith.constant 0 : i32
      scf.yield %scan3A_202 : i32
    }
    %scan3A_46 = arith.constant 40 : i32
    %mul3A_47 = arith.constant 640 : i32
    %mul3A_48 = arith.muli %arg1, %mul3A_47 : i32
    %run_scoped3A_49 = arith.constant 2 : i32
    "tpu.region"() ({
      %run_scoped3A_189 = tpu.sem_alloc : memref<!tpu.dma_semaphore, #tpu.memory_space<semaphore_mem>>
      %dma_start3A = tpu.memref_slice %arg8[%run_scoped3A_49, %mul3A_48] : memref<16x10240xf32, #tpu.memory_space<vmem_shared>> -> memref<1x640xf32, #tpu.memory_space<vmem_shared>>
      %dma_start3A_190 = tpu.memref_squeeze %dma_start3A : memref<1x640xf32, #tpu.memory_space<vmem_shared>> -> memref<640xf32, #tpu.memory_space<vmem_shared>>
      %dma_start3A_191 = tpu.memref_slice %arg8[%run_scoped3A_49, %mul3A_48] : memref<16x10240xf32, #tpu.memory_space<vmem_shared>> -> memref<1x640xf32, #tpu.memory_space<vmem_shared>>
      %dma_start3A_192 = tpu.memref_squeeze %dma_start3A_191 : memref<1x640xf32, #tpu.memory_space<vmem_shared>> -> memref<640xf32, #tpu.memory_space<vmem_shared>>
      tpu.enqueue_dma source(%dma_start3A_192 : memref<640xf32, #tpu.memory_space<vmem_shared>>) target(%arg6 : memref<640xf32, #tpu.memory_space<vmem>>) target_semaphore(%run_scoped3A_189 : memref<!tpu.dma_semaphore, #tpu.memory_space<semaphore_mem>>)
      %dma_wait3A = tpu.memref_slice %arg8[%run_scoped3A_49, %mul3A_48] : memref<16x10240xf32, #tpu.memory_space<vmem_shared>> -> memref<1x640xf32, #tpu.memory_space<vmem_shared>>
      %dma_wait3A_193 = tpu.memref_squeeze %dma_wait3A : memref<1x640xf32, #tpu.memory_space<vmem_shared>> -> memref<640xf32, #tpu.memory_space<vmem_shared>>
      %dma_wait3A_194 = tpu.memref_slice %arg8[%run_scoped3A_49, %mul3A_48] : memref<16x10240xf32, #tpu.memory_space<vmem_shared>> -> memref<1x640xf32, #tpu.memory_space<vmem_shared>>
      %dma_wait3A_195 = tpu.memref_squeeze %dma_wait3A_194 : memref<1x640xf32, #tpu.memory_space<vmem_shared>> -> memref<640xf32, #tpu.memory_space<vmem_shared>>
      tpu.wait_dma2 semaphore(%run_scoped3A_189 : memref<!tpu.dma_semaphore, #tpu.memory_space<semaphore_mem>>) src(%dma_wait3A_195 : memref<640xf32, #tpu.memory_space<vmem_shared>>) dst(%arg6 : memref<640xf32, #tpu.memory_space<vmem>>)
      tpu.yield
    }) : () -> ()
    %scan3A_50 = arith.constant 0 : i32
    %scan3A_51 = arith.constant 0 : i32
    %scan3A_52 = arith.constant 40 : i32
    %scan3A_53 = arith.addi %scan3A_51, %scan3A_52 : i32
    %scan3A_54 = arith.constant 1 : i32
    %scan3A_55 = scf.for %scan3A_189 = %scan3A_51 to %scan3A_53 step %scan3A_54 iter_args(%scan3A_190 = %scan3A_50) -> (i32)  : i32 {
      %mul3A_191 = arith.constant 16 : i32
      %mul3A_192 = arith.muli %scan3A_189, %mul3A_191 : i32
      %get3A = arith.index_cast %mul3A_192 : i32 to index
      %get3A_193 = tpu.vector_load %arg7[%get3A] {strides = array<i32>} : memref<640xf32, #tpu.memory_space<vmem>>, vector<16xf32>,
      %mul3A_194 = arith.constant 16 : i32
      %mul3A_195 = arith.muli %scan3A_189, %mul3A_194 : i32
      %get3A_196 = arith.index_cast %mul3A_195 : i32 to index
      %get3A_197 = tpu.vector_load %arg6[%get3A_196] {strides = array<i32>} : memref<640xf32, #tpu.memory_space<vmem>>, vector<16xf32>,
      %add3A_198 = arith.addf %get3A_193, %get3A_197 : vector<16xf32>
      %mul3A_199 = arith.constant 16 : i32
      %mul3A_200 = arith.muli %scan3A_189, %mul3A_199 : i32
      %swap3A = arith.index_cast %mul3A_200 : i32 to index
      %swap3A_201 = tpu.vector_load %arg7[%swap3A] {strides = array<i32>} : memref<640xf32, #tpu.memory_space<vmem>>, vector<16xf32>,
      tpu.vector_store %arg7[%swap3A], %add3A_198 {strides = array<i32>} : memref<640xf32, #tpu.memory_space<vmem>>, vector<16xf32>,
      %scan3A_202 = arith.constant 0 : i32
      scf.yield %scan3A_202 : i32
    }
    %scan3A_56 = arith.constant 40 : i32
    %mul3A_57 = arith.constant 640 : i32
    %mul3A_58 = arith.muli %arg1, %mul3A_57 : i32
    %run_scoped3A_59 = arith.constant 3 : i32
    "tpu.region"() ({
      %run_scoped3A_189 = tpu.sem_alloc : memref<!tpu.dma_semaphore, #tpu.memory_space<semaphore_mem>>
      %dma_start3A = tpu.memref_slice %arg8[%run_scoped3A_59, %mul3A_58] : memref<16x10240xf32, #tpu.memory_space<vmem_shared>> -> memref<1x640xf32, #tpu.memory_space<vmem_shared>>
      %dma_start3A_190 = tpu.memref_squeeze %dma_start3A : memref<1x640xf32, #tpu.memory_space<vmem_shared>> -> memref<640xf32, #tpu.memory_space<vmem_shared>>
      %dma_start3A_191 = tpu.memref_slice %arg8[%run_scoped3A_59, %mul3A_58] : memref<16x10240xf32, #tpu.memory_space<vmem_shared>> -> memref<1x640xf32, #tpu.memory_space<vmem_shared>>
      %dma_start3A_192 = tpu.memref_squeeze %dma_start3A_191 : memref<1x640xf32, #tpu.memory_space<vmem_shared>> -> memref<640xf32, #tpu.memory_space<vmem_shared>>
      tpu.enqueue_dma source(%dma_start3A_192 : memref<640xf32, #tpu.memory_space<vmem_shared>>) target(%arg6 : memref<640xf32, #tpu.memory_space<vmem>>) target_semaphore(%run_scoped3A_189 : memref<!tpu.dma_semaphore, #tpu.memory_space<semaphore_mem>>)
      %dma_wait3A = tpu.memref_slice %arg8[%run_scoped3A_59, %mul3A_58] : memref<16x10240xf32, #tpu.memory_space<vmem_shared>> -> memref<1x640xf32, #tpu.memory_space<vmem_shared>>
      %dma_wait3A_193 = tpu.memref_squeeze %dma_wait3A : memref<1x640xf32, #tpu.memory_space<vmem_shared>> -> memref<640xf32, #tpu.memory_space<vmem_shared>>
      %dma_wait3A_194 = tpu.memref_slice %arg8[%run_scoped3A_59, %mul3A_58] : memref<16x10240xf32, #tpu.memory_space<vmem_shared>> -> memref<1x640xf32, #tpu.memory_space<vmem_shared>>
      %dma_wait3A_195 = tpu.memref_squeeze %dma_wait3A_194 : memref<1x640xf32, #tpu.memory_space<vmem_shared>> -> memref<640xf32, #tpu.memory_space<vmem_shared>>
      tpu.wait_dma2 semaphore(%run_scoped3A_189 : memref<!tpu.dma_semaphore, #tpu.memory_space<semaphore_mem>>) src(%dma_wait3A_195 : memref<640xf32, #tpu.memory_space<vmem_shared>>) dst(%arg6 : memref<640xf32, #tpu.memory_space<vmem>>)
      tpu.yield
    }) : () -> ()
    %scan3A_60 = arith.constant 0 : i32
    %scan3A_61 = arith.constant 0 : i32
    %scan3A_62 = arith.constant 40 : i32
    %scan3A_63 = arith.addi %scan3A_61, %scan3A_62 : i32
    %scan3A_64 = arith.constant 1 : i32
    %scan3A_65 = scf.for %scan3A_189 = %scan3A_61 to %scan3A_63 step %scan3A_64 iter_args(%scan3A_190 = %scan3A_60) -> (i32)  : i32 {
      %mul3A_191 = arith.constant 16 : i32
      %mul3A_192 = arith.muli %scan3A_189, %mul3A_191 : i32
      %get3A = arith.index_cast %mul3A_192 : i32 to index
      %get3A_193 = tpu.vector_load %arg7[%get3A] {strides = array<i32>} : memref<640xf32, #tpu.memory_space<vmem>>, vector<16xf32>,
      %mul3A_194 = arith.constant 16 : i32
      %mul3A_195 = arith.muli %scan3A_189, %mul3A_194 : i32
      %get3A_196 = arith.index_cast %mul3A_195 : i32 to index
      %get3A_197 = tpu.vector_load %arg6[%get3A_196] {strides = array<i32>} : memref<640xf32, #tpu.memory_space<vmem>>, vector<16xf32>,
      %add3A_198 = arith.addf %get3A_193, %get3A_197 : vector<16xf32>
      %mul3A_199 = arith.constant 16 : i32
      %mul3A_200 = arith.muli %scan3A_189, %mul3A_199 : i32
      %swap3A = arith.index_cast %mul3A_200 : i32 to index
      %swap3A_201 = tpu.vector_load %arg7[%swap3A] {strides = array<i32>} : memref<640xf32, #tpu.memory_space<vmem>>, vector<16xf32>,
      tpu.vector_store %arg7[%swap3A], %add3A_198 {strides = array<i32>} : memref<640xf32, #tpu.memory_space<vmem>>, vector<16xf32>,
      %scan3A_202 = arith.constant 0 : i32
      scf.yield %scan3A_202 : i32
    }
    %scan3A_66 = arith.constant 40 : i32
    %mul3A_67 = arith.constant 640 : i32
    %mul3A_68 = arith.muli %arg1, %mul3A_67 : i32
    %run_scoped3A_69 = arith.constant 4 : i32
    "tpu.region"() ({
      %run_scoped3A_189 = tpu.sem_alloc : memref<!tpu.dma_semaphore, #tpu.memory_space<semaphore_mem>>
      %dma_start3A = tpu.memref_slice %arg8[%run_scoped3A_69, %mul3A_68] : memref<16x10240xf32, #tpu.memory_space<vmem_shared>> -> memref<1x640xf32, #tpu.memory_space<vmem_shared>>
      %dma_start3A_190 = tpu.memref_squeeze %dma_start3A : memref<1x640xf32, #tpu.memory_space<vmem_shared>> -> memref<640xf32, #tpu.memory_space<vmem_shared>>
      %dma_start3A_191 = tpu.memref_slice %arg8[%run_scoped3A_69, %mul3A_68] : memref<16x10240xf32, #tpu.memory_space<vmem_shared>> -> memref<1x640xf32, #tpu.memory_space<vmem_shared>>
      %dma_start3A_192 = tpu.memref_squeeze %dma_start3A_191 : memref<1x640xf32, #tpu.memory_space<vmem_shared>> -> memref<640xf32, #tpu.memory_space<vmem_shared>>
      tpu.enqueue_dma source(%dma_start3A_192 : memref<640xf32, #tpu.memory_space<vmem_shared>>) target(%arg6 : memref<640xf32, #tpu.memory_space<vmem>>) target_semaphore(%run_scoped3A_189 : memref<!tpu.dma_semaphore, #tpu.memory_space<semaphore_mem>>)
      %dma_wait3A = tpu.memref_slice %arg8[%run_scoped3A_69, %mul3A_68] : memref<16x10240xf32, #tpu.memory_space<vmem_shared>> -> memref<1x640xf32, #tpu.memory_space<vmem_shared>>
      %dma_wait3A_193 = tpu.memref_squeeze %dma_wait3A : memref<1x640xf32, #tpu.memory_space<vmem_shared>> -> memref<640xf32, #tpu.memory_space<vmem_shared>>
      %dma_wait3A_194 = tpu.memref_slice %arg8[%run_scoped3A_69, %mul3A_68] : memref<16x10240xf32, #tpu.memory_space<vmem_shared>> -> memref<1x640xf32, #tpu.memory_space<vmem_shared>>
      %dma_wait3A_195 = tpu.memref_squeeze %dma_wait3A_194 : memref<1x640xf32, #tpu.memory_space<vmem_shared>> -> memref<640xf32, #tpu.memory_space<vmem_shared>>
      tpu.wait_dma2 semaphore(%run_scoped3A_189 : memref<!tpu.dma_semaphore, #tpu.memory_space<semaphore_mem>>) src(%dma_wait3A_195 : memref<640xf32, #tpu.memory_space<vmem_shared>>) dst(%arg6 : memref<640xf32, #tpu.memory_space<vmem>>)
      tpu.yield
    }) : () -> ()
    %scan3A_70 = arith.constant 0 : i32
    %scan3A_71 = arith.constant 0 : i32
    %scan3A_72 = arith.constant 40 : i32
    %scan3A_73 = arith.addi %scan3A_71, %scan3A_72 : i32
    %scan3A_74 = arith.constant 1 : i32
    %scan3A_75 = scf.for %scan3A_189 = %scan3A_71 to %scan3A_73 step %scan3A_74 iter_args(%scan3A_190 = %scan3A_70) -> (i32)  : i32 {
      %mul3A_191 = arith.constant 16 : i32
      %mul3A_192 = arith.muli %scan3A_189, %mul3A_191 : i32
      %get3A = arith.index_cast %mul3A_192 : i32 to index
      %get3A_193 = tpu.vector_load %arg7[%get3A] {strides = array<i32>} : memref<640xf32, #tpu.memory_space<vmem>>, vector<16xf32>,
      %mul3A_194 = arith.constant 16 : i32
      %mul3A_195 = arith.muli %scan3A_189, %mul3A_194 : i32
      %get3A_196 = arith.index_cast %mul3A_195 : i32 to index
      %get3A_197 = tpu.vector_load %arg6[%get3A_196] {strides = array<i32>} : memref<640xf32, #tpu.memory_space<vmem>>, vector<16xf32>,
      %add3A_198 = arith.addf %get3A_193, %get3A_197 : vector<16xf32>
      %mul3A_199 = arith.constant 16 : i32
      %mul3A_200 = arith.muli %scan3A_189, %mul3A_199 : i32
      %swap3A = arith.index_cast %mul3A_200 : i32 to index
      %swap3A_201 = tpu.vector_load %arg7[%swap3A] {strides = array<i32>} : memref<640xf32, #tpu.memory_space<vmem>>, vector<16xf32>,
      tpu.vector_store %arg7[%swap3A], %add3A_198 {strides = array<i32>} : memref<640xf32, #tpu.memory_space<vmem>>, vector<16xf32>,
      %scan3A_202 = arith.constant 0 : i32
      scf.yield %scan3A_202 : i32
    }
    %scan3A_76 = arith.constant 40 : i32
    %mul3A_77 = arith.constant 640 : i32
    %mul3A_78 = arith.muli %arg1, %mul3A_77 : i32
    %run_scoped3A_79 = arith.constant 5 : i32
    "tpu.region"() ({
      %run_scoped3A_189 = tpu.sem_alloc : memref<!tpu.dma_semaphore, #tpu.memory_space<semaphore_mem>>
      %dma_start3A = tpu.memref_slice %arg8[%run_scoped3A_79, %mul3A_78] : memref<16x10240xf32, #tpu.memory_space<vmem_shared>> -> memref<1x640xf32, #tpu.memory_space<vmem_shared>>
      %dma_start3A_190 = tpu.memref_squeeze %dma_start3A : memref<1x640xf32, #tpu.memory_space<vmem_shared>> -> memref<640xf32, #tpu.memory_space<vmem_shared>>
      %dma_start3A_191 = tpu.memref_slice %arg8[%run_scoped3A_79, %mul3A_78] : memref<16x10240xf32, #tpu.memory_space<vmem_shared>> -> memref<1x640xf32, #tpu.memory_space<vmem_shared>>
      %dma_start3A_192 = tpu.memref_squeeze %dma_start3A_191 : memref<1x640xf32, #tpu.memory_space<vmem_shared>> -> memref<640xf32, #tpu.memory_space<vmem_shared>>
      tpu.enqueue_dma source(%dma_start3A_192 : memref<640xf32, #tpu.memory_space<vmem_shared>>) target(%arg6 : memref<640xf32, #tpu.memory_space<vmem>>) target_semaphore(%run_scoped3A_189 : memref<!tpu.dma_semaphore, #tpu.memory_space<semaphore_mem>>)
      %dma_wait3A = tpu.memref_slice %arg8[%run_scoped3A_79, %mul3A_78] : memref<16x10240xf32, #tpu.memory_space<vmem_shared>> -> memref<1x640xf32, #tpu.memory_space<vmem_shared>>
      %dma_wait3A_193 = tpu.memref_squeeze %dma_wait3A : memref<1x640xf32, #tpu.memory_space<vmem_shared>> -> memref<640xf32, #tpu.memory_space<vmem_shared>>
      %dma_wait3A_194 = tpu.memref_slice %arg8[%run_scoped3A_79, %mul3A_78] : memref<16x10240xf32, #tpu.memory_space<vmem_shared>> -> memref<1x640xf32, #tpu.memory_space<vmem_shared>>
      %dma_wait3A_195 = tpu.memref_squeeze %dma_wait3A_194 : memref<1x640xf32, #tpu.memory_space<vmem_shared>> -> memref<640xf32, #tpu.memory_space<vmem_shared>>
      tpu.wait_dma2 semaphore(%run_scoped3A_189 : memref<!tpu.dma_semaphore, #tpu.memory_space<semaphore_mem>>) src(%dma_wait3A_195 : memref<640xf32, #tpu.memory_space<vmem_shared>>) dst(%arg6 : memref<640xf32, #tpu.memory_space<vmem>>)
      tpu.yield
    }) : () -> ()
    %scan3A_80 = arith.constant 0 : i32
    %scan3A_81 = arith.constant 0 : i32
    %scan3A_82 = arith.constant 40 : i32
    %scan3A_83 = arith.addi %scan3A_81, %scan3A_82 : i32
    %scan3A_84 = arith.constant 1 : i32
    %scan3A_85 = scf.for %scan3A_189 = %scan3A_81 to %scan3A_83 step %scan3A_84 iter_args(%scan3A_190 = %scan3A_80) -> (i32)  : i32 {
      %mul3A_191 = arith.constant 16 : i32
      %mul3A_192 = arith.muli %scan3A_189, %mul3A_191 : i32
      %get3A = arith.index_cast %mul3A_192 : i32 to index
      %get3A_193 = tpu.vector_load %arg7[%get3A] {strides = array<i32>} : memref<640xf32, #tpu.memory_space<vmem>>, vector<16xf32>,
      %mul3A_194 = arith.constant 16 : i32
      %mul3A_195 = arith.muli %scan3A_189, %mul3A_194 : i32
      %get3A_196 = arith.index_cast %mul3A_195 : i32 to index
      %get3A_197 = tpu.vector_load %arg6[%get3A_196] {strides = array<i32>} : memref<640xf32, #tpu.memory_space<vmem>>, vector<16xf32>,
      %add3A_198 = arith.addf %get3A_193, %get3A_197 : vector<16xf32>
      %mul3A_199 = arith.constant 16 : i32
      %mul3A_200 = arith.muli %scan3A_189, %mul3A_199 : i32
      %swap3A = arith.index_cast %mul3A_200 : i32 to index
      %swap3A_201 = tpu.vector_load %arg7[%swap3A] {strides = array<i32>} : memref<640xf32, #tpu.memory_space<vmem>>, vector<16xf32>,
      tpu.vector_store %arg7[%swap3A], %add3A_198 {strides = array<i32>} : memref<640xf32, #tpu.memory_space<vmem>>, vector<16xf32>,
      %scan3A_202 = arith.constant 0 : i32
      scf.yield %scan3A_202 : i32
    }
    %scan3A_86 = arith.constant 40 : i32
    %mul3A_87 = arith.constant 640 : i32
    %mul3A_88 = arith.muli %arg1, %mul3A_87 : i32
    %run_scoped3A_89 = arith.constant 6 : i32
    "tpu.region"() ({
      %run_scoped3A_189 = tpu.sem_alloc : memref<!tpu.dma_semaphore, #tpu.memory_space<semaphore_mem>>
      %dma_start3A = tpu.memref_slice %arg8[%run_scoped3A_89, %mul3A_88] : memref<16x10240xf32, #tpu.memory_space<vmem_shared>> -> memref<1x640xf32, #tpu.memory_space<vmem_shared>>
      %dma_start3A_190 = tpu.memref_squeeze %dma_start3A : memref<1x640xf32, #tpu.memory_space<vmem_shared>> -> memref<640xf32, #tpu.memory_space<vmem_shared>>
      %dma_start3A_191 = tpu.memref_slice %arg8[%run_scoped3A_89, %mul3A_88] : memref<16x10240xf32, #tpu.memory_space<vmem_shared>> -> memref<1x640xf32, #tpu.memory_space<vmem_shared>>
      %dma_start3A_192 = tpu.memref_squeeze %dma_start3A_191 : memref<1x640xf32, #tpu.memory_space<vmem_shared>> -> memref<640xf32, #tpu.memory_space<vmem_shared>>
      tpu.enqueue_dma source(%dma_start3A_192 : memref<640xf32, #tpu.memory_space<vmem_shared>>) target(%arg6 : memref<640xf32, #tpu.memory_space<vmem>>) target_semaphore(%run_scoped3A_189 : memref<!tpu.dma_semaphore, #tpu.memory_space<semaphore_mem>>)
      %dma_wait3A = tpu.memref_slice %arg8[%run_scoped3A_89, %mul3A_88] : memref<16x10240xf32, #tpu.memory_space<vmem_shared>> -> memref<1x640xf32, #tpu.memory_space<vmem_shared>>
      %dma_wait3A_193 = tpu.memref_squeeze %dma_wait3A : memref<1x640xf32, #tpu.memory_space<vmem_shared>> -> memref<640xf32, #tpu.memory_space<vmem_shared>>
      %dma_wait3A_194 = tpu.memref_slice %arg8[%run_scoped3A_89, %mul3A_88] : memref<16x10240xf32, #tpu.memory_space<vmem_shared>> -> memref<1x640xf32, #tpu.memory_space<vmem_shared>>
      %dma_wait3A_195 = tpu.memref_squeeze %dma_wait3A_194 : memref<1x640xf32, #tpu.memory_space<vmem_shared>> -> memref<640xf32, #tpu.memory_space<vmem_shared>>
      tpu.wait_dma2 semaphore(%run_scoped3A_189 : memref<!tpu.dma_semaphore, #tpu.memory_space<semaphore_mem>>) src(%dma_wait3A_195 : memref<640xf32, #tpu.memory_space<vmem_shared>>) dst(%arg6 : memref<640xf32, #tpu.memory_space<vmem>>)
      tpu.yield
    }) : () -> ()
    %scan3A_90 = arith.constant 0 : i32
    %scan3A_91 = arith.constant 0 : i32
    %scan3A_92 = arith.constant 40 : i32
    %scan3A_93 = arith.addi %scan3A_91, %scan3A_92 : i32
    %scan3A_94 = arith.constant 1 : i32
    %scan3A_95 = scf.for %scan3A_189 = %scan3A_91 to %scan3A_93 step %scan3A_94 iter_args(%scan3A_190 = %scan3A_90) -> (i32)  : i32 {
      %mul3A_191 = arith.constant 16 : i32
      %mul3A_192 = arith.muli %scan3A_189, %mul3A_191 : i32
      %get3A = arith.index_cast %mul3A_192 : i32 to index
      %get3A_193 = tpu.vector_load %arg7[%get3A] {strides = array<i32>} : memref<640xf32, #tpu.memory_space<vmem>>, vector<16xf32>,
      %mul3A_194 = arith.constant 16 : i32
      %mul3A_195 = arith.muli %scan3A_189, %mul3A_194 : i32
      %get3A_196 = arith.index_cast %mul3A_195 : i32 to index
      %get3A_197 = tpu.vector_load %arg6[%get3A_196] {strides = array<i32>} : memref<640xf32, #tpu.memory_space<vmem>>, vector<16xf32>,
      %add3A_198 = arith.addf %get3A_193, %get3A_197 : vector<16xf32>
      %mul3A_199 = arith.constant 16 : i32
      %mul3A_200 = arith.muli %scan3A_189, %mul3A_199 : i32
      %swap3A = arith.index_cast %mul3A_200 : i32 to index
      %swap3A_201 = tpu.vector_load %arg7[%swap3A] {strides = array<i32>} : memref<640xf32, #tpu.memory_space<vmem>>, vector<16xf32>,
      tpu.vector_store %arg7[%swap3A], %add3A_198 {strides = array<i32>} : memref<640xf32, #tpu.memory_space<vmem>>, vector<16xf32>,
      %scan3A_202 = arith.constant 0 : i32
      scf.yield %scan3A_202 : i32
    }
    %scan3A_96 = arith.constant 40 : i32
    %mul3A_97 = arith.constant 640 : i32
    %mul3A_98 = arith.muli %arg1, %mul3A_97 : i32
    %run_scoped3A_99 = arith.constant 7 : i32
    "tpu.region"() ({
      %run_scoped3A_189 = tpu.sem_alloc : memref<!tpu.dma_semaphore, #tpu.memory_space<semaphore_mem>>
      %dma_start3A = tpu.memref_slice %arg8[%run_scoped3A_99, %mul3A_98] : memref<16x10240xf32, #tpu.memory_space<vmem_shared>> -> memref<1x640xf32, #tpu.memory_space<vmem_shared>>
      %dma_start3A_190 = tpu.memref_squeeze %dma_start3A : memref<1x640xf32, #tpu.memory_space<vmem_shared>> -> memref<640xf32, #tpu.memory_space<vmem_shared>>
      %dma_start3A_191 = tpu.memref_slice %arg8[%run_scoped3A_99, %mul3A_98] : memref<16x10240xf32, #tpu.memory_space<vmem_shared>> -> memref<1x640xf32, #tpu.memory_space<vmem_shared>>
      %dma_start3A_192 = tpu.memref_squeeze %dma_start3A_191 : memref<1x640xf32, #tpu.memory_space<vmem_shared>> -> memref<640xf32, #tpu.memory_space<vmem_shared>>
      tpu.enqueue_dma source(%dma_start3A_192 : memref<640xf32, #tpu.memory_space<vmem_shared>>) target(%arg6 : memref<640xf32, #tpu.memory_space<vmem>>) target_semaphore(%run_scoped3A_189 : memref<!tpu.dma_semaphore, #tpu.memory_space<semaphore_mem>>)
      %dma_wait3A = tpu.memref_slice %arg8[%run_scoped3A_99, %mul3A_98] : memref<16x10240xf32, #tpu.memory_space<vmem_shared>> -> memref<1x640xf32, #tpu.memory_space<vmem_shared>>
      %dma_wait3A_193 = tpu.memref_squeeze %dma_wait3A : memref<1x640xf32, #tpu.memory_space<vmem_shared>> -> memref<640xf32, #tpu.memory_space<vmem_shared>>
      %dma_wait3A_194 = tpu.memref_slice %arg8[%run_scoped3A_99, %mul3A_98] : memref<16x10240xf32, #tpu.memory_space<vmem_shared>> -> memref<1x640xf32, #tpu.memory_space<vmem_shared>>
      %dma_wait3A_195 = tpu.memref_squeeze %dma_wait3A_194 : memref<1x640xf32, #tpu.memory_space<vmem_shared>> -> memref<640xf32, #tpu.memory_space<vmem_shared>>
      tpu.wait_dma2 semaphore(%run_scoped3A_189 : memref<!tpu.dma_semaphore, #tpu.memory_space<semaphore_mem>>) src(%dma_wait3A_195 : memref<640xf32, #tpu.memory_space<vmem_shared>>) dst(%arg6 : memref<640xf32, #tpu.memory_space<vmem>>)
      tpu.yield
    }) : () -> ()
    %scan3A_100 = arith.constant 0 : i32
    %scan3A_101 = arith.constant 0 : i32
    %scan3A_102 = arith.constant 40 : i32
    %scan3A_103 = arith.addi %scan3A_101, %scan3A_102 : i32
    %scan3A_104 = arith.constant 1 : i32
    %scan3A_105 = scf.for %scan3A_189 = %scan3A_101 to %scan3A_103 step %scan3A_104 iter_args(%scan3A_190 = %scan3A_100) -> (i32)  : i32 {
      %mul3A_191 = arith.constant 16 : i32
      %mul3A_192 = arith.muli %scan3A_189, %mul3A_191 : i32
      %get3A = arith.index_cast %mul3A_192 : i32 to index
      %get3A_193 = tpu.vector_load %arg7[%get3A] {strides = array<i32>} : memref<640xf32, #tpu.memory_space<vmem>>, vector<16xf32>,
      %mul3A_194 = arith.constant 16 : i32
      %mul3A_195 = arith.muli %scan3A_189, %mul3A_194 : i32
      %get3A_196 = arith.index_cast %mul3A_195 : i32 to index
      %get3A_197 = tpu.vector_load %arg6[%get3A_196] {strides = array<i32>} : memref<640xf32, #tpu.memory_space<vmem>>, vector<16xf32>,
      %add3A_198 = arith.addf %get3A_193, %get3A_197 : vector<16xf32>
      %mul3A_199 = arith.constant 16 : i32
      %mul3A_200 = arith.muli %scan3A_189, %mul3A_199 : i32
      %swap3A = arith.index_cast %mul3A_200 : i32 to index
      %swap3A_201 = tpu.vector_load %arg7[%swap3A] {strides = array<i32>} : memref<640xf32, #tpu.memory_space<vmem>>, vector<16xf32>,
      tpu.vector_store %arg7[%swap3A], %add3A_198 {strides = array<i32>} : memref<640xf32, #tpu.memory_space<vmem>>, vector<16xf32>,
      %scan3A_202 = arith.constant 0 : i32
      scf.yield %scan3A_202 : i32
    }
    %scan3A_106 = arith.constant 40 : i32
    %mul3A_107 = arith.constant 640 : i32
    %mul3A_108 = arith.muli %arg1, %mul3A_107 : i32
    %run_scoped3A_109 = arith.constant 8 : i32
    "tpu.region"() ({
      %run_scoped3A_189 = tpu.sem_alloc : memref<!tpu.dma_semaphore, #tpu.memory_space<semaphore_mem>>
      %dma_start3A = tpu.memref_slice %arg8[%run_scoped3A_109, %mul3A_108] : memref<16x10240xf32, #tpu.memory_space<vmem_shared>> -> memref<1x640xf32, #tpu.memory_space<vmem_shared>>
      %dma_start3A_190 = tpu.memref_squeeze %dma_start3A : memref<1x640xf32, #tpu.memory_space<vmem_shared>> -> memref<640xf32, #tpu.memory_space<vmem_shared>>
      %dma_start3A_191 = tpu.memref_slice %arg8[%run_scoped3A_109, %mul3A_108] : memref<16x10240xf32, #tpu.memory_space<vmem_shared>> -> memref<1x640xf32, #tpu.memory_space<vmem_shared>>
      %dma_start3A_192 = tpu.memref_squeeze %dma_start3A_191 : memref<1x640xf32, #tpu.memory_space<vmem_shared>> -> memref<640xf32, #tpu.memory_space<vmem_shared>>
      tpu.enqueue_dma source(%dma_start3A_192 : memref<640xf32, #tpu.memory_space<vmem_shared>>) target(%arg6 : memref<640xf32, #tpu.memory_space<vmem>>) target_semaphore(%run_scoped3A_189 : memref<!tpu.dma_semaphore, #tpu.memory_space<semaphore_mem>>)
      %dma_wait3A = tpu.memref_slice %arg8[%run_scoped3A_109, %mul3A_108] : memref<16x10240xf32, #tpu.memory_space<vmem_shared>> -> memref<1x640xf32, #tpu.memory_space<vmem_shared>>
      %dma_wait3A_193 = tpu.memref_squeeze %dma_wait3A : memref<1x640xf32, #tpu.memory_space<vmem_shared>> -> memref<640xf32, #tpu.memory_space<vmem_shared>>
      %dma_wait3A_194 = tpu.memref_slice %arg8[%run_scoped3A_109, %mul3A_108] : memref<16x10240xf32, #tpu.memory_space<vmem_shared>> -> memref<1x640xf32, #tpu.memory_space<vmem_shared>>
      %dma_wait3A_195 = tpu.memref_squeeze %dma_wait3A_194 : memref<1x640xf32, #tpu.memory_space<vmem_shared>> -> memref<640xf32, #tpu.memory_space<vmem_shared>>
      tpu.wait_dma2 semaphore(%run_scoped3A_189 : memref<!tpu.dma_semaphore, #tpu.memory_space<semaphore_mem>>) src(%dma_wait3A_195 : memref<640xf32, #tpu.memory_space<vmem_shared>>) dst(%arg6 : memref<640xf32, #tpu.memory_space<vmem>>)
      tpu.yield
    }) : () -> ()
    %scan3A_110 = arith.constant 0 : i32
    %scan3A_111 = arith.constant 0 : i32
    %scan3A_112 = arith.constant 40 : i32
    %scan3A_113 = arith.addi %scan3A_111, %scan3A_112 : i32
    %scan3A_114 = arith.constant 1 : i32
    %scan3A_115 = scf.for %scan3A_189 = %scan3A_111 to %scan3A_113 step %scan3A_114 iter_args(%scan3A_190 = %scan3A_110) -> (i32)  : i32 {
      %mul3A_191 = arith.constant 16 : i32
      %mul3A_192 = arith.muli %scan3A_189, %mul3A_191 : i32
      %get3A = arith.index_cast %mul3A_192 : i32 to index
      %get3A_193 = tpu.vector_load %arg7[%get3A] {strides = array<i32>} : memref<640xf32, #tpu.memory_space<vmem>>, vector<16xf32>,
      %mul3A_194 = arith.constant 16 : i32
      %mul3A_195 = arith.muli %scan3A_189, %mul3A_194 : i32
      %get3A_196 = arith.index_cast %mul3A_195 : i32 to index
      %get3A_197 = tpu.vector_load %arg6[%get3A_196] {strides = array<i32>} : memref<640xf32, #tpu.memory_space<vmem>>, vector<16xf32>,
      %add3A_198 = arith.addf %get3A_193, %get3A_197 : vector<16xf32>
      %mul3A_199 = arith.constant 16 : i32
      %mul3A_200 = arith.muli %scan3A_189, %mul3A_199 : i32
      %swap3A = arith.index_cast %mul3A_200 : i32 to index
      %swap3A_201 = tpu.vector_load %arg7[%swap3A] {strides = array<i32>} : memref<640xf32, #tpu.memory_space<vmem>>, vector<16xf32>,
      tpu.vector_store %arg7[%swap3A], %add3A_198 {strides = array<i32>} : memref<640xf32, #tpu.memory_space<vmem>>, vector<16xf32>,
      %scan3A_202 = arith.constant 0 : i32
      scf.yield %scan3A_202 : i32
    }
    %scan3A_116 = arith.constant 40 : i32
    %mul3A_117 = arith.constant 640 : i32
    %mul3A_118 = arith.muli %arg1, %mul3A_117 : i32
    %run_scoped3A_119 = arith.constant 9 : i32
    "tpu.region"() ({
      %run_scoped3A_189 = tpu.sem_alloc : memref<!tpu.dma_semaphore, #tpu.memory_space<semaphore_mem>>
      %dma_start3A = tpu.memref_slice %arg8[%run_scoped3A_119, %mul3A_118] : memref<16x10240xf32, #tpu.memory_space<vmem_shared>> -> memref<1x640xf32, #tpu.memory_space<vmem_shared>>
      %dma_start3A_190 = tpu.memref_squeeze %dma_start3A : memref<1x640xf32, #tpu.memory_space<vmem_shared>> -> memref<640xf32, #tpu.memory_space<vmem_shared>>
      %dma_start3A_191 = tpu.memref_slice %arg8[%run_scoped3A_119, %mul3A_118] : memref<16x10240xf32, #tpu.memory_space<vmem_shared>> -> memref<1x640xf32, #tpu.memory_space<vmem_shared>>
      %dma_start3A_192 = tpu.memref_squeeze %dma_start3A_191 : memref<1x640xf32, #tpu.memory_space<vmem_shared>> -> memref<640xf32, #tpu.memory_space<vmem_shared>>
      tpu.enqueue_dma source(%dma_start3A_192 : memref<640xf32, #tpu.memory_space<vmem_shared>>) target(%arg6 : memref<640xf32, #tpu.memory_space<vmem>>) target_semaphore(%run_scoped3A_189 : memref<!tpu.dma_semaphore, #tpu.memory_space<semaphore_mem>>)
      %dma_wait3A = tpu.memref_slice %arg8[%run_scoped3A_119, %mul3A_118] : memref<16x10240xf32, #tpu.memory_space<vmem_shared>> -> memref<1x640xf32, #tpu.memory_space<vmem_shared>>
      %dma_wait3A_193 = tpu.memref_squeeze %dma_wait3A : memref<1x640xf32, #tpu.memory_space<vmem_shared>> -> memref<640xf32, #tpu.memory_space<vmem_shared>>
      %dma_wait3A_194 = tpu.memref_slice %arg8[%run_scoped3A_119, %mul3A_118] : memref<16x10240xf32, #tpu.memory_space<vmem_shared>> -> memref<1x640xf32, #tpu.memory_space<vmem_shared>>
      %dma_wait3A_195 = tpu.memref_squeeze %dma_wait3A_194 : memref<1x640xf32, #tpu.memory_space<vmem_shared>> -> memref<640xf32, #tpu.memory_space<vmem_shared>>
      tpu.wait_dma2 semaphore(%run_scoped3A_189 : memref<!tpu.dma_semaphore, #tpu.memory_space<semaphore_mem>>) src(%dma_wait3A_195 : memref<640xf32, #tpu.memory_space<vmem_shared>>) dst(%arg6 : memref<640xf32, #tpu.memory_space<vmem>>)
      tpu.yield
    }) : () -> ()
    %scan3A_120 = arith.constant 0 : i32
    %scan3A_121 = arith.constant 0 : i32
    %scan3A_122 = arith.constant 40 : i32
    %scan3A_123 = arith.addi %scan3A_121, %scan3A_122 : i32
    %scan3A_124 = arith.constant 1 : i32
    %scan3A_125 = scf.for %scan3A_189 = %scan3A_121 to %scan3A_123 step %scan3A_124 iter_args(%scan3A_190 = %scan3A_120) -> (i32)  : i32 {
      %mul3A_191 = arith.constant 16 : i32
      %mul3A_192 = arith.muli %scan3A_189, %mul3A_191 : i32
      %get3A = arith.index_cast %mul3A_192 : i32 to index
      %get3A_193 = tpu.vector_load %arg7[%get3A] {strides = array<i32>} : memref<640xf32, #tpu.memory_space<vmem>>, vector<16xf32>,
      %mul3A_194 = arith.constant 16 : i32
      %mul3A_195 = arith.muli %scan3A_189, %mul3A_194 : i32
      %get3A_196 = arith.index_cast %mul3A_195 : i32 to index
      %get3A_197 = tpu.vector_load %arg6[%get3A_196] {strides = array<i32>} : memref<640xf32, #tpu.memory_space<vmem>>, vector<16xf32>,
      %add3A_198 = arith.addf %get3A_193, %get3A_197 : vector<16xf32>
      %mul3A_199 = arith.constant 16 : i32
      %mul3A_200 = arith.muli %scan3A_189, %mul3A_199 : i32
      %swap3A = arith.index_cast %mul3A_200 : i32 to index
      %swap3A_201 = tpu.vector_load %arg7[%swap3A] {strides = array<i32>} : memref<640xf32, #tpu.memory_space<vmem>>, vector<16xf32>,
      tpu.vector_store %arg7[%swap3A], %add3A_198 {strides = array<i32>} : memref<640xf32, #tpu.memory_space<vmem>>, vector<16xf32>,
      %scan3A_202 = arith.constant 0 : i32
      scf.yield %scan3A_202 : i32
    }
    %scan3A_126 = arith.constant 40 : i32
    %mul3A_127 = arith.constant 640 : i32
    %mul3A_128 = arith.muli %arg1, %mul3A_127 : i32
    %run_scoped3A_129 = arith.constant 10 : i32
    "tpu.region"() ({
      %run_scoped3A_189 = tpu.sem_alloc : memref<!tpu.dma_semaphore, #tpu.memory_space<semaphore_mem>>
      %dma_start3A = tpu.memref_slice %arg8[%run_scoped3A_129, %mul3A_128] : memref<16x10240xf32, #tpu.memory_space<vmem_shared>> -> memref<1x640xf32, #tpu.memory_space<vmem_shared>>
      %dma_start3A_190 = tpu.memref_squeeze %dma_start3A : memref<1x640xf32, #tpu.memory_space<vmem_shared>> -> memref<640xf32, #tpu.memory_space<vmem_shared>>
      %dma_start3A_191 = tpu.memref_slice %arg8[%run_scoped3A_129, %mul3A_128] : memref<16x10240xf32, #tpu.memory_space<vmem_shared>> -> memref<1x640xf32, #tpu.memory_space<vmem_shared>>
      %dma_start3A_192 = tpu.memref_squeeze %dma_start3A_191 : memref<1x640xf32, #tpu.memory_space<vmem_shared>> -> memref<640xf32, #tpu.memory_space<vmem_shared>>
      tpu.enqueue_dma source(%dma_start3A_192 : memref<640xf32, #tpu.memory_space<vmem_shared>>) target(%arg6 : memref<640xf32, #tpu.memory_space<vmem>>) target_semaphore(%run_scoped3A_189 : memref<!tpu.dma_semaphore, #tpu.memory_space<semaphore_mem>>)
      %dma_wait3A = tpu.memref_slice %arg8[%run_scoped3A_129, %mul3A_128] : memref<16x10240xf32, #tpu.memory_space<vmem_shared>> -> memref<1x640xf32, #tpu.memory_space<vmem_shared>>
      %dma_wait3A_193 = tpu.memref_squeeze %dma_wait3A : memref<1x640xf32, #tpu.memory_space<vmem_shared>> -> memref<640xf32, #tpu.memory_space<vmem_shared>>
      %dma_wait3A_194 = tpu.memref_slice %arg8[%run_scoped3A_129, %mul3A_128] : memref<16x10240xf32, #tpu.memory_space<vmem_shared>> -> memref<1x640xf32, #tpu.memory_space<vmem_shared>>
      %dma_wait3A_195 = tpu.memref_squeeze %dma_wait3A_194 : memref<1x640xf32, #tpu.memory_space<vmem_shared>> -> memref<640xf32, #tpu.memory_space<vmem_shared>>
      tpu.wait_dma2 semaphore(%run_scoped3A_189 : memref<!tpu.dma_semaphore, #tpu.memory_space<semaphore_mem>>) src(%dma_wait3A_195 : memref<640xf32, #tpu.memory_space<vmem_shared>>) dst(%arg6 : memref<640xf32, #tpu.memory_space<vmem>>)
      tpu.yield
    }) : () -> ()
    %scan3A_130 = arith.constant 0 : i32
    %scan3A_131 = arith.constant 0 : i32
    %scan3A_132 = arith.constant 40 : i32
    %scan3A_133 = arith.addi %scan3A_131, %scan3A_132 : i32
    %scan3A_134 = arith.constant 1 : i32
    %scan3A_135 = scf.for %scan3A_189 = %scan3A_131 to %scan3A_133 step %scan3A_134 iter_args(%scan3A_190 = %scan3A_130) -> (i32)  : i32 {
      %mul3A_191 = arith.constant 16 : i32
      %mul3A_192 = arith.muli %scan3A_189, %mul3A_191 : i32
      %get3A = arith.index_cast %mul3A_192 : i32 to index
      %get3A_193 = tpu.vector_load %arg7[%get3A] {strides = array<i32>} : memref<640xf32, #tpu.memory_space<vmem>>, vector<16xf32>,
      %mul3A_194 = arith.constant 16 : i32
      %mul3A_195 = arith.muli %scan3A_189, %mul3A_194 : i32
      %get3A_196 = arith.index_cast %mul3A_195 : i32 to index
      %get3A_197 = tpu.vector_load %arg6[%get3A_196] {strides = array<i32>} : memref<640xf32, #tpu.memory_space<vmem>>, vector<16xf32>,
      %add3A_198 = arith.addf %get3A_193, %get3A_197 : vector<16xf32>
      %mul3A_199 = arith.constant 16 : i32
      %mul3A_200 = arith.muli %scan3A_189, %mul3A_199 : i32
      %swap3A = arith.index_cast %mul3A_200 : i32 to index
      %swap3A_201 = tpu.vector_load %arg7[%swap3A] {strides = array<i32>} : memref<640xf32, #tpu.memory_space<vmem>>, vector<16xf32>,
      tpu.vector_store %arg7[%swap3A], %add3A_198 {strides = array<i32>} : memref<640xf32, #tpu.memory_space<vmem>>, vector<16xf32>,
      %scan3A_202 = arith.constant 0 : i32
      scf.yield %scan3A_202 : i32
    }
    %scan3A_136 = arith.constant 40 : i32
    %mul3A_137 = arith.constant 640 : i32
    %mul3A_138 = arith.muli %arg1, %mul3A_137 : i32
    %run_scoped3A_139 = arith.constant 11 : i32
    "tpu.region"() ({
      %run_scoped3A_189 = tpu.sem_alloc : memref<!tpu.dma_semaphore, #tpu.memory_space<semaphore_mem>>
      %dma_start3A = tpu.memref_slice %arg8[%run_scoped3A_139, %mul3A_138] : memref<16x10240xf32, #tpu.memory_space<vmem_shared>> -> memref<1x640xf32, #tpu.memory_space<vmem_shared>>
      %dma_start3A_190 = tpu.memref_squeeze %dma_start3A : memref<1x640xf32, #tpu.memory_space<vmem_shared>> -> memref<640xf32, #tpu.memory_space<vmem_shared>>
      %dma_start3A_191 = tpu.memref_slice %arg8[%run_scoped3A_139, %mul3A_138] : memref<16x10240xf32, #tpu.memory_space<vmem_shared>> -> memref<1x640xf32, #tpu.memory_space<vmem_shared>>
      %dma_start3A_192 = tpu.memref_squeeze %dma_start3A_191 : memref<1x640xf32, #tpu.memory_space<vmem_shared>> -> memref<640xf32, #tpu.memory_space<vmem_shared>>
      tpu.enqueue_dma source(%dma_start3A_192 : memref<640xf32, #tpu.memory_space<vmem_shared>>) target(%arg6 : memref<640xf32, #tpu.memory_space<vmem>>) target_semaphore(%run_scoped3A_189 : memref<!tpu.dma_semaphore, #tpu.memory_space<semaphore_mem>>)
      %dma_wait3A = tpu.memref_slice %arg8[%run_scoped3A_139, %mul3A_138] : memref<16x10240xf32, #tpu.memory_space<vmem_shared>> -> memref<1x640xf32, #tpu.memory_space<vmem_shared>>
      %dma_wait3A_193 = tpu.memref_squeeze %dma_wait3A : memref<1x640xf32, #tpu.memory_space<vmem_shared>> -> memref<640xf32, #tpu.memory_space<vmem_shared>>
      %dma_wait3A_194 = tpu.memref_slice %arg8[%run_scoped3A_139, %mul3A_138] : memref<16x10240xf32, #tpu.memory_space<vmem_shared>> -> memref<1x640xf32, #tpu.memory_space<vmem_shared>>
      %dma_wait3A_195 = tpu.memref_squeeze %dma_wait3A_194 : memref<1x640xf32, #tpu.memory_space<vmem_shared>> -> memref<640xf32, #tpu.memory_space<vmem_shared>>
      tpu.wait_dma2 semaphore(%run_scoped3A_189 : memref<!tpu.dma_semaphore, #tpu.memory_space<semaphore_mem>>) src(%dma_wait3A_195 : memref<640xf32, #tpu.memory_space<vmem_shared>>) dst(%arg6 : memref<640xf32, #tpu.memory_space<vmem>>)
      tpu.yield
    }) : () -> ()
    %scan3A_140 = arith.constant 0 : i32
    %scan3A_141 = arith.constant 0 : i32
    %scan3A_142 = arith.constant 40 : i32
    %scan3A_143 = arith.addi %scan3A_141, %scan3A_142 : i32
    %scan3A_144 = arith.constant 1 : i32
    %scan3A_145 = scf.for %scan3A_189 = %scan3A_141 to %scan3A_143 step %scan3A_144 iter_args(%scan3A_190 = %scan3A_140) -> (i32)  : i32 {
      %mul3A_191 = arith.constant 16 : i32
      %mul3A_192 = arith.muli %scan3A_189, %mul3A_191 : i32
      %get3A = arith.index_cast %mul3A_192 : i32 to index
      %get3A_193 = tpu.vector_load %arg7[%get3A] {strides = array<i32>} : memref<640xf32, #tpu.memory_space<vmem>>, vector<16xf32>,
      %mul3A_194 = arith.constant 16 : i32
      %mul3A_195 = arith.muli %scan3A_189, %mul3A_194 : i32
      %get3A_196 = arith.index_cast %mul3A_195 : i32 to index
      %get3A_197 = tpu.vector_load %arg6[%get3A_196] {strides = array<i32>} : memref<640xf32, #tpu.memory_space<vmem>>, vector<16xf32>,
      %add3A_198 = arith.addf %get3A_193, %get3A_197 : vector<16xf32>
      %mul3A_199 = arith.constant 16 : i32
      %mul3A_200 = arith.muli %scan3A_189, %mul3A_199 : i32
      %swap3A = arith.index_cast %mul3A_200 : i32 to index
      %swap3A_201 = tpu.vector_load %arg7[%swap3A] {strides = array<i32>} : memref<640xf32, #tpu.memory_space<vmem>>, vector<16xf32>,
      tpu.vector_store %arg7[%swap3A], %add3A_198 {strides = array<i32>} : memref<640xf32, #tpu.memory_space<vmem>>, vector<16xf32>,
      %scan3A_202 = arith.constant 0 : i32
      scf.yield %scan3A_202 : i32
    }
    %scan3A_146 = arith.constant 40 : i32
    %mul3A_147 = arith.constant 640 : i32
    %mul3A_148 = arith.muli %arg1, %mul3A_147 : i32
    %run_scoped3A_149 = arith.constant 12 : i32
    "tpu.region"() ({
      %run_scoped3A_189 = tpu.sem_alloc : memref<!tpu.dma_semaphore, #tpu.memory_space<semaphore_mem>>
      %dma_start3A = tpu.memref_slice %arg8[%run_scoped3A_149, %mul3A_148] : memref<16x10240xf32, #tpu.memory_space<vmem_shared>> -> memref<1x640xf32, #tpu.memory_space<vmem_shared>>
      %dma_start3A_190 = tpu.memref_squeeze %dma_start3A : memref<1x640xf32, #tpu.memory_space<vmem_shared>> -> memref<640xf32, #tpu.memory_space<vmem_shared>>
      %dma_start3A_191 = tpu.memref_slice %arg8[%run_scoped3A_149, %mul3A_148] : memref<16x10240xf32, #tpu.memory_space<vmem_shared>> -> memref<1x640xf32, #tpu.memory_space<vmem_shared>>
      %dma_start3A_192 = tpu.memref_squeeze %dma_start3A_191 : memref<1x640xf32, #tpu.memory_space<vmem_shared>> -> memref<640xf32, #tpu.memory_space<vmem_shared>>
      tpu.enqueue_dma source(%dma_start3A_192 : memref<640xf32, #tpu.memory_space<vmem_shared>>) target(%arg6 : memref<640xf32, #tpu.memory_space<vmem>>) target_semaphore(%run_scoped3A_189 : memref<!tpu.dma_semaphore, #tpu.memory_space<semaphore_mem>>)
      %dma_wait3A = tpu.memref_slice %arg8[%run_scoped3A_149, %mul3A_148] : memref<16x10240xf32, #tpu.memory_space<vmem_shared>> -> memref<1x640xf32, #tpu.memory_space<vmem_shared>>
      %dma_wait3A_193 = tpu.memref_squeeze %dma_wait3A : memref<1x640xf32, #tpu.memory_space<vmem_shared>> -> memref<640xf32, #tpu.memory_space<vmem_shared>>
      %dma_wait3A_194 = tpu.memref_slice %arg8[%run_scoped3A_149, %mul3A_148] : memref<16x10240xf32, #tpu.memory_space<vmem_shared>> -> memref<1x640xf32, #tpu.memory_space<vmem_shared>>
      %dma_wait3A_195 = tpu.memref_squeeze %dma_wait3A_194 : memref<1x640xf32, #tpu.memory_space<vmem_shared>> -> memref<640xf32, #tpu.memory_space<vmem_shared>>
      tpu.wait_dma2 semaphore(%run_scoped3A_189 : memref<!tpu.dma_semaphore, #tpu.memory_space<semaphore_mem>>) src(%dma_wait3A_195 : memref<640xf32, #tpu.memory_space<vmem_shared>>) dst(%arg6 : memref<640xf32, #tpu.memory_space<vmem>>)
      tpu.yield
    }) : () -> ()
    %scan3A_150 = arith.constant 0 : i32
    %scan3A_151 = arith.constant 0 : i32
    %scan3A_152 = arith.constant 40 : i32
    %scan3A_153 = arith.addi %scan3A_151, %scan3A_152 : i32
    %scan3A_154 = arith.constant 1 : i32
    %scan3A_155 = scf.for %scan3A_189 = %scan3A_151 to %scan3A_153 step %scan3A_154 iter_args(%scan3A_190 = %scan3A_150) -> (i32)  : i32 {
      %mul3A_191 = arith.constant 16 : i32
      %mul3A_192 = arith.muli %scan3A_189, %mul3A_191 : i32
      %get3A = arith.index_cast %mul3A_192 : i32 to index
      %get3A_193 = tpu.vector_load %arg7[%get3A] {strides = array<i32>} : memref<640xf32, #tpu.memory_space<vmem>>, vector<16xf32>,
      %mul3A_194 = arith.constant 16 : i32
      %mul3A_195 = arith.muli %scan3A_189, %mul3A_194 : i32
      %get3A_196 = arith.index_cast %mul3A_195 : i32 to index
      %get3A_197 = tpu.vector_load %arg6[%get3A_196] {strides = array<i32>} : memref<640xf32, #tpu.memory_space<vmem>>, vector<16xf32>,
      %add3A_198 = arith.addf %get3A_193, %get3A_197 : vector<16xf32>
      %mul3A_199 = arith.constant 16 : i32
      %mul3A_200 = arith.muli %scan3A_189, %mul3A_199 : i32
      %swap3A = arith.index_cast %mul3A_200 : i32 to index
      %swap3A_201 = tpu.vector_load %arg7[%swap3A] {strides = array<i32>} : memref<640xf32, #tpu.memory_space<vmem>>, vector<16xf32>,
      tpu.vector_store %arg7[%swap3A], %add3A_198 {strides = array<i32>} : memref<640xf32, #tpu.memory_space<vmem>>, vector<16xf32>,
      %scan3A_202 = arith.constant 0 : i32
      scf.yield %scan3A_202 : i32
    }
    %scan3A_156 = arith.constant 40 : i32
    %mul3A_157 = arith.constant 640 : i32
    %mul3A_158 = arith.muli %arg1, %mul3A_157 : i32
    %run_scoped3A_159 = arith.constant 13 : i32
    "tpu.region"() ({
      %run_scoped3A_189 = tpu.sem_alloc : memref<!tpu.dma_semaphore, #tpu.memory_space<semaphore_mem>>
      %dma_start3A = tpu.memref_slice %arg8[%run_scoped3A_159, %mul3A_158] : memref<16x10240xf32, #tpu.memory_space<vmem_shared>> -> memref<1x640xf32, #tpu.memory_space<vmem_shared>>
      %dma_start3A_190 = tpu.memref_squeeze %dma_start3A : memref<1x640xf32, #tpu.memory_space<vmem_shared>> -> memref<640xf32, #tpu.memory_space<vmem_shared>>
      %dma_start3A_191 = tpu.memref_slice %arg8[%run_scoped3A_159, %mul3A_158] : memref<16x10240xf32, #tpu.memory_space<vmem_shared>> -> memref<1x640xf32, #tpu.memory_space<vmem_shared>>
      %dma_start3A_192 = tpu.memref_squeeze %dma_start3A_191 : memref<1x640xf32, #tpu.memory_space<vmem_shared>> -> memref<640xf32, #tpu.memory_space<vmem_shared>>
      tpu.enqueue_dma source(%dma_start3A_192 : memref<640xf32, #tpu.memory_space<vmem_shared>>) target(%arg6 : memref<640xf32, #tpu.memory_space<vmem>>) target_semaphore(%run_scoped3A_189 : memref<!tpu.dma_semaphore, #tpu.memory_space<semaphore_mem>>)
      %dma_wait3A = tpu.memref_slice %arg8[%run_scoped3A_159, %mul3A_158] : memref<16x10240xf32, #tpu.memory_space<vmem_shared>> -> memref<1x640xf32, #tpu.memory_space<vmem_shared>>
      %dma_wait3A_193 = tpu.memref_squeeze %dma_wait3A : memref<1x640xf32, #tpu.memory_space<vmem_shared>> -> memref<640xf32, #tpu.memory_space<vmem_shared>>
      %dma_wait3A_194 = tpu.memref_slice %arg8[%run_scoped3A_159, %mul3A_158] : memref<16x10240xf32, #tpu.memory_space<vmem_shared>> -> memref<1x640xf32, #tpu.memory_space<vmem_shared>>
      %dma_wait3A_195 = tpu.memref_squeeze %dma_wait3A_194 : memref<1x640xf32, #tpu.memory_space<vmem_shared>> -> memref<640xf32, #tpu.memory_space<vmem_shared>>
      tpu.wait_dma2 semaphore(%run_scoped3A_189 : memref<!tpu.dma_semaphore, #tpu.memory_space<semaphore_mem>>) src(%dma_wait3A_195 : memref<640xf32, #tpu.memory_space<vmem_shared>>) dst(%arg6 : memref<640xf32, #tpu.memory_space<vmem>>)
      tpu.yield
    }) : () -> ()
    %scan3A_160 = arith.constant 0 : i32
    %scan3A_161 = arith.constant 0 : i32
    %scan3A_162 = arith.constant 40 : i32
    %scan3A_163 = arith.addi %scan3A_161, %scan3A_162 : i32
    %scan3A_164 = arith.constant 1 : i32
    %scan3A_165 = scf.for %scan3A_189 = %scan3A_161 to %scan3A_163 step %scan3A_164 iter_args(%scan3A_190 = %scan3A_160) -> (i32)  : i32 {
      %mul3A_191 = arith.constant 16 : i32
      %mul3A_192 = arith.muli %scan3A_189, %mul3A_191 : i32
      %get3A = arith.index_cast %mul3A_192 : i32 to index
      %get3A_193 = tpu.vector_load %arg7[%get3A] {strides = array<i32>} : memref<640xf32, #tpu.memory_space<vmem>>, vector<16xf32>,
      %mul3A_194 = arith.constant 16 : i32
      %mul3A_195 = arith.muli %scan3A_189, %mul3A_194 : i32
      %get3A_196 = arith.index_cast %mul3A_195 : i32 to index
      %get3A_197 = tpu.vector_load %arg6[%get3A_196] {strides = array<i32>} : memref<640xf32, #tpu.memory_space<vmem>>, vector<16xf32>,
      %add3A_198 = arith.addf %get3A_193, %get3A_197 : vector<16xf32>
      %mul3A_199 = arith.constant 16 : i32
      %mul3A_200 = arith.muli %scan3A_189, %mul3A_199 : i32
      %swap3A = arith.index_cast %mul3A_200 : i32 to index
      %swap3A_201 = tpu.vector_load %arg7[%swap3A] {strides = array<i32>} : memref<640xf32, #tpu.memory_space<vmem>>, vector<16xf32>,
      tpu.vector_store %arg7[%swap3A], %add3A_198 {strides = array<i32>} : memref<640xf32, #tpu.memory_space<vmem>>, vector<16xf32>,
      %scan3A_202 = arith.constant 0 : i32
      scf.yield %scan3A_202 : i32
    }
    %scan3A_166 = arith.constant 40 : i32
    %mul3A_167 = arith.constant 640 : i32
    %mul3A_168 = arith.muli %arg1, %mul3A_167 : i32
    %run_scoped3A_169 = arith.constant 14 : i32
    "tpu.region"() ({
      %run_scoped3A_189 = tpu.sem_alloc : memref<!tpu.dma_semaphore, #tpu.memory_space<semaphore_mem>>
      %dma_start3A = tpu.memref_slice %arg8[%run_scoped3A_169, %mul3A_168] : memref<16x10240xf32, #tpu.memory_space<vmem_shared>> -> memref<1x640xf32, #tpu.memory_space<vmem_shared>>
      %dma_start3A_190 = tpu.memref_squeeze %dma_start3A : memref<1x640xf32, #tpu.memory_space<vmem_shared>> -> memref<640xf32, #tpu.memory_space<vmem_shared>>
      %dma_start3A_191 = tpu.memref_slice %arg8[%run_scoped3A_169, %mul3A_168] : memref<16x10240xf32, #tpu.memory_space<vmem_shared>> -> memref<1x640xf32, #tpu.memory_space<vmem_shared>>
      %dma_start3A_192 = tpu.memref_squeeze %dma_start3A_191 : memref<1x640xf32, #tpu.memory_space<vmem_shared>> -> memref<640xf32, #tpu.memory_space<vmem_shared>>
      tpu.enqueue_dma source(%dma_start3A_192 : memref<640xf32, #tpu.memory_space<vmem_shared>>) target(%arg6 : memref<640xf32, #tpu.memory_space<vmem>>) target_semaphore(%run_scoped3A_189 : memref<!tpu.dma_semaphore, #tpu.memory_space<semaphore_mem>>)
      %dma_wait3A = tpu.memref_slice %arg8[%run_scoped3A_169, %mul3A_168] : memref<16x10240xf32, #tpu.memory_space<vmem_shared>> -> memref<1x640xf32, #tpu.memory_space<vmem_shared>>
      %dma_wait3A_193 = tpu.memref_squeeze %dma_wait3A : memref<1x640xf32, #tpu.memory_space<vmem_shared>> -> memref<640xf32, #tpu.memory_space<vmem_shared>>
      %dma_wait3A_194 = tpu.memref_slice %arg8[%run_scoped3A_169, %mul3A_168] : memref<16x10240xf32, #tpu.memory_space<vmem_shared>> -> memref<1x640xf32, #tpu.memory_space<vmem_shared>>
      %dma_wait3A_195 = tpu.memref_squeeze %dma_wait3A_194 : memref<1x640xf32, #tpu.memory_space<vmem_shared>> -> memref<640xf32, #tpu.memory_space<vmem_shared>>
      tpu.wait_dma2 semaphore(%run_scoped3A_189 : memref<!tpu.dma_semaphore, #tpu.memory_space<semaphore_mem>>) src(%dma_wait3A_195 : memref<640xf32, #tpu.memory_space<vmem_shared>>) dst(%arg6 : memref<640xf32, #tpu.memory_space<vmem>>)
      tpu.yield
    }) : () -> ()
    %scan3A_170 = arith.constant 0 : i32
    %scan3A_171 = arith.constant 0 : i32
    %scan3A_172 = arith.constant 40 : i32
    %scan3A_173 = arith.addi %scan3A_171, %scan3A_172 : i32
    %scan3A_174 = arith.constant 1 : i32
    %scan3A_175 = scf.for %scan3A_189 = %scan3A_171 to %scan3A_173 step %scan3A_174 iter_args(%scan3A_190 = %scan3A_170) -> (i32)  : i32 {
      %mul3A_191 = arith.constant 16 : i32
      %mul3A_192 = arith.muli %scan3A_189, %mul3A_191 : i32
      %get3A = arith.index_cast %mul3A_192 : i32 to index
      %get3A_193 = tpu.vector_load %arg7[%get3A] {strides = array<i32>} : memref<640xf32, #tpu.memory_space<vmem>>, vector<16xf32>,
      %mul3A_194 = arith.constant 16 : i32
      %mul3A_195 = arith.muli %scan3A_189, %mul3A_194 : i32
      %get3A_196 = arith.index_cast %mul3A_195 : i32 to index
      %get3A_197 = tpu.vector_load %arg6[%get3A_196] {strides = array<i32>} : memref<640xf32, #tpu.memory_space<vmem>>, vector<16xf32>,
      %add3A_198 = arith.addf %get3A_193, %get3A_197 : vector<16xf32>
      %mul3A_199 = arith.constant 16 : i32
      %mul3A_200 = arith.muli %scan3A_189, %mul3A_199 : i32
      %swap3A = arith.index_cast %mul3A_200 : i32 to index
      %swap3A_201 = tpu.vector_load %arg7[%swap3A] {strides = array<i32>} : memref<640xf32, #tpu.memory_space<vmem>>, vector<16xf32>,
      tpu.vector_store %arg7[%swap3A], %add3A_198 {strides = array<i32>} : memref<640xf32, #tpu.memory_space<vmem>>, vector<16xf32>,
      %scan3A_202 = arith.constant 0 : i32
      scf.yield %scan3A_202 : i32
    }
    %scan3A_176 = arith.constant 40 : i32
    %mul3A_177 = arith.constant 640 : i32
    %mul3A_178 = arith.muli %arg1, %mul3A_177 : i32
    %run_scoped3A_179 = arith.constant 15 : i32
    "tpu.region"() ({
      %run_scoped3A_189 = tpu.sem_alloc : memref<!tpu.dma_semaphore, #tpu.memory_space<semaphore_mem>>
      %dma_start3A = tpu.memref_slice %arg8[%run_scoped3A_179, %mul3A_178] : memref<16x10240xf32, #tpu.memory_space<vmem_shared>> -> memref<1x640xf32, #tpu.memory_space<vmem_shared>>
      %dma_start3A_190 = tpu.memref_squeeze %dma_start3A : memref<1x640xf32, #tpu.memory_space<vmem_shared>> -> memref<640xf32, #tpu.memory_space<vmem_shared>>
      %dma_start3A_191 = tpu.memref_slice %arg8[%run_scoped3A_179, %mul3A_178] : memref<16x10240xf32, #tpu.memory_space<vmem_shared>> -> memref<1x640xf32, #tpu.memory_space<vmem_shared>>
      %dma_start3A_192 = tpu.memref_squeeze %dma_start3A_191 : memref<1x640xf32, #tpu.memory_space<vmem_shared>> -> memref<640xf32, #tpu.memory_space<vmem_shared>>
      tpu.enqueue_dma source(%dma_start3A_192 : memref<640xf32, #tpu.memory_space<vmem_shared>>) target(%arg6 : memref<640xf32, #tpu.memory_space<vmem>>) target_semaphore(%run_scoped3A_189 : memref<!tpu.dma_semaphore, #tpu.memory_space<semaphore_mem>>)
      %dma_wait3A = tpu.memref_slice %arg8[%run_scoped3A_179, %mul3A_178] : memref<16x10240xf32, #tpu.memory_space<vmem_shared>> -> memref<1x640xf32, #tpu.memory_space<vmem_shared>>
      %dma_wait3A_193 = tpu.memref_squeeze %dma_wait3A : memref<1x640xf32, #tpu.memory_space<vmem_shared>> -> memref<640xf32, #tpu.memory_space<vmem_shared>>
      %dma_wait3A_194 = tpu.memref_slice %arg8[%run_scoped3A_179, %mul3A_178] : memref<16x10240xf32, #tpu.memory_space<vmem_shared>> -> memref<1x640xf32, #tpu.memory_space<vmem_shared>>
      %dma_wait3A_195 = tpu.memref_squeeze %dma_wait3A_194 : memref<1x640xf32, #tpu.memory_space<vmem_shared>> -> memref<640xf32, #tpu.memory_space<vmem_shared>>
      tpu.wait_dma2 semaphore(%run_scoped3A_189 : memref<!tpu.dma_semaphore, #tpu.memory_space<semaphore_mem>>) src(%dma_wait3A_195 : memref<640xf32, #tpu.memory_space<vmem_shared>>) dst(%arg6 : memref<640xf32, #tpu.memory_space<vmem>>)
      tpu.yield
    }) : () -> ()
    %scan3A_180 = arith.constant 0 : i32
    %scan3A_181 = arith.constant 0 : i32
    %scan3A_182 = arith.constant 40 : i32
    %scan3A_183 = arith.addi %scan3A_181, %scan3A_182 : i32
    %scan3A_184 = arith.constant 1 : i32
    %scan3A_185 = scf.for %scan3A_189 = %scan3A_181 to %scan3A_183 step %scan3A_184 iter_args(%scan3A_190 = %scan3A_180) -> (i32)  : i32 {
      %mul3A_191 = arith.constant 16 : i32
      %mul3A_192 = arith.muli %scan3A_189, %mul3A_191 : i32
      %get3A = arith.index_cast %mul3A_192 : i32 to index
      %get3A_193 = tpu.vector_load %arg7[%get3A] {strides = array<i32>} : memref<640xf32, #tpu.memory_space<vmem>>, vector<16xf32>,
      %mul3A_194 = arith.constant 16 : i32
      %mul3A_195 = arith.muli %scan3A_189, %mul3A_194 : i32
      %get3A_196 = arith.index_cast %mul3A_195 : i32 to index
      %get3A_197 = tpu.vector_load %arg6[%get3A_196] {strides = array<i32>} : memref<640xf32, #tpu.memory_space<vmem>>, vector<16xf32>,
      %add3A_198 = arith.addf %get3A_193, %get3A_197 : vector<16xf32>
      %mul3A_199 = arith.constant 16 : i32
      %mul3A_200 = arith.muli %scan3A_189, %mul3A_199 : i32
      %swap3A = arith.index_cast %mul3A_200 : i32 to index
      %swap3A_201 = tpu.vector_load %arg7[%swap3A] {strides = array<i32>} : memref<640xf32, #tpu.memory_space<vmem>>, vector<16xf32>,
      tpu.vector_store %arg7[%swap3A], %add3A_198 {strides = array<i32>} : memref<640xf32, #tpu.memory_space<vmem>>, vector<16xf32>,
      %scan3A_202 = arith.constant 0 : i32
      scf.yield %scan3A_202 : i32
    }
    %scan3A_186 = arith.constant 40 : i32
    %mul3A_187 = arith.constant 640 : i32
    %mul3A_188 = arith.muli %arg1, %mul3A_187 : i32
    "tpu.region"() ({
      %run_scoped3A_189 = tpu.sem_alloc : memref<!tpu.dma_semaphore, #tpu.memory_space<semaphore_mem>>
      %dma_start3A = tpu.memref_slice %arg3[%arg0, %mul3A_188] : memref<2x10240xf32, #tpu.memory_space<hbm>> -> memref<1x640xf32, #tpu.memory_space<hbm>>
      %dma_start3A_190 = tpu.memref_squeeze %dma_start3A : memref<1x640xf32, #tpu.memory_space<hbm>> -> memref<640xf32, #tpu.memory_space<hbm>>
      %dma_start3A_191 = tpu.memref_slice %arg3[%arg0, %mul3A_188] : memref<2x10240xf32, #tpu.memory_space<hbm>> -> memref<1x640xf32, #tpu.memory_space<hbm>>
      %dma_start3A_192 = tpu.memref_squeeze %dma_start3A_191 : memref<1x640xf32, #tpu.memory_space<hbm>> -> memref<640xf32, #tpu.memory_space<hbm>>
      tpu.enqueue_dma source(%arg7 : memref<640xf32, #tpu.memory_space<vmem>>) target(%dma_start3A_192 : memref<640xf32, #tpu.memory_space<hbm>>) target_semaphore(%run_scoped3A_189 : memref<!tpu.dma_semaphore, #tpu.memory_space<semaphore_mem>>)
      %dma_wait3A = tpu.memref_slice %arg3[%arg0, %mul3A_188] : memref<2x10240xf32, #tpu.memory_space<hbm>> -> memref<1x640xf32, #tpu.memory_space<hbm>>
      %dma_wait3A_193 = tpu.memref_squeeze %dma_wait3A : memref<1x640xf32, #tpu.memory_space<hbm>> -> memref<640xf32, #tpu.memory_space<hbm>>
      %dma_wait3A_194 = tpu.memref_slice %arg3[%arg0, %mul3A_188] : memref<2x10240xf32, #tpu.memory_space<hbm>> -> memref<1x640xf32, #tpu.memory_space<hbm>>
      %dma_wait3A_195 = tpu.memref_squeeze %dma_wait3A_194 : memref<1x640xf32, #tpu.memory_space<hbm>> -> memref<640xf32, #tpu.memory_space<hbm>>
      tpu.wait_dma2 semaphore(%run_scoped3A_189 : memref<!tpu.dma_semaphore, #tpu.memory_space<semaphore_mem>>) src(%arg7 : memref<640xf32, #tpu.memory_space<vmem>>) dst(%dma_wait3A_195 : memref<640xf32, #tpu.memory_space<hbm>>)
      tpu.yield
    }) : () -> ()
    return
  }
}

module attributes {stable_mosaic.version = 14 : i64} {
  func.func @_mm_body(%arg0: i32, %arg1: memref<16000x16xf32, #tpu.memory_space<vmem>>, %arg2: memref<16x128xf32, #tpu.memory_space<vmem>>, %arg3: memref<1x128xf32, #tpu.memory_space<vmem>>, %arg4: memref<16000x128xf32, #tpu.memory_space<vmem>>) attributes {dimension_semantics = [#tpu.dimension_semantics<arbitrary>], iteration_bounds = array<i64: 20>, scalar_prefetch = 0 : i64, scratch_operands = 0 : i64, tpu.core_type = #tpu.core_type<tc>, window_params = [{transform_indices = @transform_0, window_bounds = array<i64: 16000, 16>}, {pipeline_mode = #tpu.pipeline_mode<synchronous>, transform_indices = @transform_1, window_bounds = array<i64: 16, 128>}, {pipeline_mode = #tpu.pipeline_mode<synchronous>, transform_indices = @transform_2, window_bounds = array<i64: 1, 128>}, {transform_indices = @transform_3, window_bounds = array<i64: 16000, 128>}]} {
    %get3A = arith.constant 0 : index
    %get3A_0 = arith.constant 0 : index
    %get3A_1 = vector.load %arg1[%get3A, %get3A_0] : memref<16000x16xf32, #tpu.memory_space<vmem>>, vector<16000x16xf32>
    %get3A_2 = arith.constant 0 : index
    %get3A_3 = arith.constant 0 : index
    %get3A_4 = vector.load %arg2[%get3A_2, %get3A_3] : memref<16x128xf32, #tpu.memory_space<vmem>>, vector<16x128xf32>
    %dot_general3A = arith.constant dense<0.000000e+00> : vector<16000x128xf32>
    %dot_general3A_5 = tpu.matmul %get3A_1, %get3A_4, %dot_general3A {dimension_numbers = #tpu.dot_dimension_numbers<[1], [0], [0], [1], [0, 0, 1, 1], [], []>, transpose_lhs_hint = false} : vector<16000x16xf32>, vector<16x128xf32>, vector<16000x128xf32> -> vector<16000x128xf32>
    %get3A_6 = arith.constant 0 : index
    %get3A_7 = arith.constant 0 : index
    %get3A_8 = vector.load %arg3[%get3A_6, %get3A_7] : memref<1x128xf32, #tpu.memory_space<vmem>>, vector<1x128xf32>
    %add3A = vector.broadcast %get3A_8 : vector<1x128xf32> to vector<16000x128xf32>
    %add3A_9 = arith.addf %dot_general3A_5, %add3A : vector<16000x128xf32>
    %swap3A = arith.constant 0 : index
    %swap3A_10 = arith.constant 0 : index
    %swap3A_11 = vector.load %arg4[%swap3A, %swap3A_10] : memref<16000x128xf32, #tpu.memory_space<vmem>>, vector<16000x128xf32>
    tpu.vector_store %arg4[%swap3A, %swap3A_10], %add3A_9 {strides = array<i32>} : memref<16000x128xf32, #tpu.memory_space<vmem>>, vector<16000x128xf32>,
    return
  }
  func.func @transform_0(%arg0: i32) -> (i32, i32) {
    %c0_i32 = arith.constant 0 : i32
    %c0_i32_0 = arith.constant 0 : i32
    return %arg0, %c0_i32 : i32, i32
  }
  func.func @transform_1(%arg0: i32) -> (i32, i32) {
    %c0_i32 = arith.constant 0 : i32
    %c0_i32_0 = arith.constant 0 : i32
    %c0_i32_1 = arith.constant 0 : i32
    return %c0_i32, %c0_i32_0 : i32, i32
  }
  func.func @transform_2(%arg0: i32) -> (i32, i32) {
    %c0_i32 = arith.constant 0 : i32
    %c0_i32_0 = arith.constant 0 : i32
    %c0_i32_1 = arith.constant 0 : i32
    return %c0_i32, %c0_i32_0 : i32, i32
  }
  func.func @transform_3(%arg0: i32) -> (i32, i32) {
    %c0_i32 = arith.constant 0 : i32
    %c0_i32_0 = arith.constant 0 : i32
    return %arg0, %c0_i32 : i32, i32
  }
}

module attributes {stable_mosaic.version = 14 : i64} {
  func.func @_mm_scaled_body(%arg0: i32, %arg1: memref<1000x128xf32, #tpu.memory_space<vmem>>, %arg2: memref<128x128xf32, #tpu.memory_space<vmem>>, %arg3: memref<1x128xf32, #tpu.memory_space<vmem>>, %arg4: memref<1000x1xf32, #tpu.memory_space<vmem>>, %arg5: memref<1000x128xf32, #tpu.memory_space<vmem>>) attributes {dimension_semantics = [#tpu.dimension_semantics<arbitrary>], iteration_bounds = array<i64: 10>, scalar_prefetch = 0 : i64, scratch_operands = 0 : i64, tpu.core_type = #tpu.core_type<tc>, window_params = [{transform_indices = @transform_0, window_bounds = array<i64: 1000, 128>}, {pipeline_mode = #tpu.pipeline_mode<synchronous>, transform_indices = @transform_1, window_bounds = array<i64: 128, 128>}, {pipeline_mode = #tpu.pipeline_mode<synchronous>, transform_indices = @transform_2, window_bounds = array<i64: 1, 128>}, {transform_indices = @transform_3, window_bounds = array<i64: 1000, 1>}, {transform_indices = @transform_4, window_bounds = array<i64: 1000, 128>}]} {
    %get3A = arith.constant 0 : index
    %get3A_0 = arith.constant 0 : index
    %get3A_1 = vector.load %arg1[%get3A, %get3A_0] : memref<1000x128xf32, #tpu.memory_space<vmem>>, vector<1000x128xf32>
    %get3A_2 = arith.constant 0 : index
    %get3A_3 = arith.constant 0 : index
    %get3A_4 = vector.load %arg2[%get3A_2, %get3A_3] : memref<128x128xf32, #tpu.memory_space<vmem>>, vector<128x128xf32>
    %dot_general3A = arith.constant dense<0.000000e+00> : vector<1000x128xf32>
    %dot_general3A_5 = tpu.matmul %get3A_1, %get3A_4, %dot_general3A {dimension_numbers = #tpu.dot_dimension_numbers<[1], [0], [0], [1], [0, 0, 1, 1], [], []>, transpose_lhs_hint = false} : vector<1000x128xf32>, vector<128x128xf32>, vector<1000x128xf32> -> vector<1000x128xf32>
    %get3A_6 = arith.constant 0 : index
    %get3A_7 = arith.constant 0 : index
    %get3A_8 = vector.load %arg3[%get3A_6, %get3A_7] : memref<1x128xf32, #tpu.memory_space<vmem>>, vector<1x128xf32>
    %add3A = vector.broadcast %get3A_8 : vector<1x128xf32> to vector<1000x128xf32>
    %add3A_9 = arith.addf %dot_general3A_5, %add3A : vector<1000x128xf32>
    %get3A_10 = arith.constant 0 : index
    %get3A_11 = arith.constant 0 : index
    %get3A_12 = vector.load %arg4[%get3A_10, %get3A_11] : memref<1000x1xf32, #tpu.memory_space<vmem>>, vector<1000x1xf32>
    %mul3A = vector.broadcast %get3A_12 : vector<1000x1xf32> to vector<1000x128xf32>
    %mul3A_13 = arith.mulf %add3A_9, %mul3A : vector<1000x128xf32>
    %swap3A = arith.constant 0 : index
    %swap3A_14 = arith.constant 0 : index
    %swap3A_15 = vector.load %arg5[%swap3A, %swap3A_14] : memref<1000x128xf32, #tpu.memory_space<vmem>>, vector<1000x128xf32>
    tpu.vector_store %arg5[%swap3A, %swap3A_14], %mul3A_13 {strides = array<i32>} : memref<1000x128xf32, #tpu.memory_space<vmem>>, vector<1000x128xf32>,
    return
  }
  func.func @transform_0(%arg0: i32) -> (i32, i32) {
    %c0_i32 = arith.constant 0 : i32
    %c0_i32_0 = arith.constant 0 : i32
    return %arg0, %c0_i32 : i32, i32
  }
  func.func @transform_1(%arg0: i32) -> (i32, i32) {
    %c0_i32 = arith.constant 0 : i32
    %c0_i32_0 = arith.constant 0 : i32
    %c0_i32_1 = arith.constant 0 : i32
    return %c0_i32, %c0_i32_0 : i32, i32
  }
  func.func @transform_2(%arg0: i32) -> (i32, i32) {
    %c0_i32 = arith.constant 0 : i32
    %c0_i32_0 = arith.constant 0 : i32
    %c0_i32_1 = arith.constant 0 : i32
    return %c0_i32, %c0_i32_0 : i32, i32
  }
  func.func @transform_3(%arg0: i32) -> (i32, i32) {
    %c0_i32 = arith.constant 0 : i32
    %c0_i32_0 = arith.constant 0 : i32
    return %arg0, %c0_i32 : i32, i32
  }
  func.func @transform_4(%arg0: i32) -> (i32, i32) {
    %c0_i32 = arith.constant 0 : i32
    %c0_i32_0 = arith.constant 0 : i32
    return %arg0, %c0_i32 : i32, i32
  }
}

module attributes {stable_mosaic.version = 14 : i64} {
  func.func @_combine_body(%arg0: i32, %arg1: memref<2x1024x128xf32, #tpu.memory_space<vmem>>, %arg2: memref<1024x1xf32, #tpu.memory_space<vmem>>, %arg3: memref<1024x128xf32, #tpu.memory_space<vmem>>) attributes {dimension_semantics = [#tpu.dimension_semantics<arbitrary>], iteration_bounds = array<i64: 10>, scalar_prefetch = 0 : i64, scratch_operands = 0 : i64, tpu.core_type = #tpu.core_type<tc>, window_params = [{transform_indices = @transform_0, window_bounds = array<i64: 2, 1024, 128>}, {transform_indices = @transform_1, window_bounds = array<i64: 1024, 1>}, {transform_indices = @transform_2, window_bounds = array<i64: 1024, 128>}]} {
    %get3A = arith.constant 0 : index
    %get3A_0 = arith.constant 0 : index
    %get3A_1 = arith.constant 0 : index
    %get3A_2 = vector.load %arg1[%get3A, %get3A_0, %get3A_1] : memref<2x1024x128xf32, #tpu.memory_space<vmem>>, vector<1x1024x128xf32>
    %get3A_3 = vector.shape_cast %get3A_2 : vector<1x1024x128xf32> to vector<1024x128xf32>
    %get3A_4 = arith.constant 1 : index
    %get3A_5 = arith.constant 0 : index
    %get3A_6 = arith.constant 0 : index
    %get3A_7 = vector.load %arg1[%get3A_4, %get3A_5, %get3A_6] : memref<2x1024x128xf32, #tpu.memory_space<vmem>>, vector<1x1024x128xf32>
    %get3A_8 = vector.shape_cast %get3A_7 : vector<1x1024x128xf32> to vector<1024x128xf32>
    %add3A = arith.addf %get3A_3, %get3A_8 : vector<1024x128xf32>
    %get3A_9 = arith.constant 0 : index
    %get3A_10 = arith.constant 0 : index
    %get3A_11 = vector.load %arg2[%get3A_9, %get3A_10] : memref<1024x1xf32, #tpu.memory_space<vmem>>, vector<1024x1xf32>
    %mul3A = vector.broadcast %get3A_11 : vector<1024x1xf32> to vector<1024x128xf32>
    %mul3A_12 = arith.mulf %add3A, %mul3A : vector<1024x128xf32>
    %swap3A = arith.constant 0 : index
    %swap3A_13 = arith.constant 0 : index
    %swap3A_14 = vector.load %arg3[%swap3A, %swap3A_13] : memref<1024x128xf32, #tpu.memory_space<vmem>>, vector<1024x128xf32>
    tpu.vector_store %arg3[%swap3A, %swap3A_13], %mul3A_12 {strides = array<i32>} : memref<1024x128xf32, #tpu.memory_space<vmem>>, vector<1024x128xf32>,
    return
  }
  func.func @transform_0(%arg0: i32) -> (i32, i32, i32) {
    %c0_i32 = arith.constant 0 : i32
    %c0_i32_0 = arith.constant 0 : i32
    %c0_i32_1 = arith.constant 0 : i32
    return %c0_i32, %arg0, %c0_i32_0 : i32, i32, i32
  }
  func.func @transform_1(%arg0: i32) -> (i32, i32) {
    %c0_i32 = arith.constant 0 : i32
    %c0_i32_0 = arith.constant 0 : i32
    return %arg0, %c0_i32 : i32, i32
  }
  func.func @transform_2(%arg0: i32) -> (i32, i32) {
    %c0_i32 = arith.constant 0 : i32
    %c0_i32_0 = arith.constant 0 : i32
    return %arg0, %c0_i32 : i32, i32
  }
}

</mosaic_0001>

<sc_bundles>
// kernel: kernel.10.cloned.1.call-start
scs
__scs_entry_jumppad:
0x0: {  	(pc) =	sbr.rel $0x88, $3  }
0x1: {  	(tag) =	ssettag $0x0;
	lr =	simm.s32 $0x1  }
0x2: {  	[smem:$0x3F9A] =	sst lr;
	_ =	strace $0xD0000000  }
0x3: {  	_ = 	snop  }
0x4: {  	_ = 	snop  }
0x5: {  	_ = 	snop  }
0x6: {  	_ = 	snop  }
0x7: {  	_ = 	snop  }
__scs_overlays_trampoline_lowered:
0x8: {  	[smem:$0x3FA9] =	sst s0  }
0x9: {  	[smem:$0x3FAA] =	sst s1  }
0xa: {  	[smem:$0x3FAB] =	sst s2  }
0xb: {  	[smem:$0x3FAC] =	sst s3  }
0xc: {  	[smem:$0x3FAD] =	sst s4  }
0xd: {  	[smem:$0x3FAE] =	sst s5  }
0xe: {  	[smem:$0x3FAF] =	sst s6  }
0xf: {  	[smem:$0x3FB0] =	sst s7  }
0x10: {  	[smem:$0x3FB1] =	sst s8  }
0x11: {  	[smem:$0x3FB2] =	sst s9;
	s0 =	simm.s32 @!p0 $0x0  }
0x12: {  	s1 =	sld [smem:$0x3F98];
	s0 =	simm.s32 @p0 $0x1  }
0x13: {  	[smem:$0x3FB3] =	sst s0;
	s0 =	simm.s32 @!p1 $0x0  }
0x14: {  	s2 =	sld [smem:$0x3F97];
	s0 =	simm.s32 @p1 $0x1  }
0x15: {  	[smem:$0x3FB4] =	sst s0;
	s0 =	simm.s32 @!p2 $0x0  }
0x16: {  	s3 =	sld [smem:$0x3FDB];
	s0 =	simm.s32 @p2 $0x1  }
0x17: {  	s4 =	simm.s32 $0x1BF5;
	[smem:$0x3FB6] =	sst s0  }
0x18: {  	s0 =	sld [smem:$0x3F99];
	_ =	swait.ge [sflag:s4], $0x0  }
0x19: {  	s7 =	sld [smem:$0x3F9A]  }
0x1a: {  	s8 =	sadd.s32 $0xFFFFE003, lr  }
0x1b: {  	s9 =	sadd.s32 $0xFFFFFEF7, lr;
	s5 =	simm.s32 $0xFFFFFFFF;
	p2 =	slt.u32 s8, $0xFFFFF086  }
0x1c: {  	p1 =	slt.u32 s9, $0xF7A;
	s5 =	simm.s32 @!p2 $0x0  }
0x1d: {  	s5 =	simm.s32 @p1 $0x1;
	p0 =	seq.s32 s7, s2  }
0x1e: {  	s7 =	smul.u32 @!p0 $0xF7A, s2;
	p2 =	seq.s32 @!p0 s5, $0x0  }
0x1f: {  	s9 =	smul.u32 $0xF7A, s1;
	s8 =	simm.s32 @!p0 $0x1BF5;
	p2 =	por !p2, p0  }
0x20: {  	[sflag:s8] =	ssyncset.s32 @!p0 $0xFFFFF086;
	s6 =	sadd.s32 @!p0 s3, s7;
	s7 =	simm.s32 @!p0 $0x108  }
0x21: {  	s3 =	sadd.s32 s3, s9;
	s6 =	sadd.s32 @!p0 $0x88, s6;
	s7 =	simm.s32 @p2 $0x1082  }
0x22: {  	[simem:s7], [sflag:s8] =	dma.local @!p0 [hbm:s6], $0xF7A  }
0x23: {  	s9 =	sor.u32 $0xD0000000, s2;
	s6 =	simm.s32 $0x108;
	_ =	swait.ge @!p0 [sflag:s8], $0x0  }
0x24: {  	s3 =	sadd.s32 $0x88, s3;
	s6 =	simm.s32 @!p1 $0x1082;
	[sflag:s4] =	ssyncset.s32 $0xFFFFF086  }
0x25: {  	[simem:s6], [sflag:s4] =	dma.local [hbm:s3], $0xF7A  }
0x26: {  	[smem:$0x3F9A] =	sst s1;
	(tag) =	ssettag s2;
	_ =	strace s9  }
0x27: {  	s1 =	sld [smem:$0x3FAA]  }
0x28: {  	s2 =	sld [smem:$0x3FAB]  }
0x29: {  	s4 =	sld [smem:$0x3FAD]  }
0x2a: {  	p0 =	seq.s32 s5, $0x0;
	s5 =	sld [smem:$0x3FAE]  }
0x2b: {  	s6 =	sld [smem:$0x3FAF]  }
0x2c: {  	s7 =	sld [smem:$0x3FB0]  }
0x2d: {  	s3 =	simm.s32 $0x108;
	s8 =	sld [smem:$0x3FB1]  }
0x2e: {  	s3 =	simm.s32 @!p0 $0x1082;
	s9 =	sld [smem:$0x3FB2]  }
0x2f: {  	lr =	sadd.s32 s0, s3;
	s0 =	sld [smem:$0x3FA9]  }
0x30: {  	s3 =	sld [smem:$0x3FAC]  }
0x31: {  	[smem:$0x3FB5] =	sst s10  }
0x32: {  	s10 =	sld [smem:$0x3FB3];
	_ =	sdelay $0x3  }
0x33: {  	p0 =	seq.s32 s10, $0x1;
	s10 =	sld [smem:$0x3FB5];
	_ =	sdelay $0x3  }
0x34: {  	[smem:$0x3FB5] =	sst s10  }
0x35: {  	s10 =	sld [smem:$0x3FB4];
	_ =	sdelay $0x3  }
0x36: {  	p1 =	seq.s32 s10, $0x1;
	s10 =	sld [smem:$0x3FB5];
	_ =	sdelay $0x3  }
0x37: {  	[smem:$0x3FB5] =	sst s10  }
0x38: {  	s10 =	sld [smem:$0x3FB6]  }
0x39: {  	_ = 	snop;
	(pc) =	sbr.ind lr, $3  }
0x3a: {  	_ = 	snop  }
0x3b: {  	_ = 	snop  }
0x3c: {  	p2 =	seq.s32 s10, $0x1;
	s10 =	sld [smem:$0x3FB5]  }
0x3d: {  	_ =	shalt  }
0x3e: {  	_ =	shalt  }
0x3f: {  	_ =	shalt  }
0x40: {  	_ =	shalt  }
0x41: {  	_ =	shalt  }
0x42: {  	_ =	shalt  }
0x43: {  	_ =	shalt  }
0x44: {  	_ =	shalt  }
0x45: {  	_ =	shalt  }
0x46: {  	_ =	shalt  }
0x47: {  	_ =	shalt  }
0x48: {  	_ =	shalt  }
0x49: {  	_ =	shalt  }
0x4a: {  	_ =	shalt  }
0x4b: {  	_ =	shalt  }
0x4c: {  	_ =	shalt  }
0x4d: {  	_ =	shalt  }
0x4e: {  	_ =	shalt  }
0x4f: {  	_ =	shalt  }
0x50: {  	_ =	shalt  }
0x51: {  	_ =	shalt  }
0x52: {  	_ =	shalt  }
0x53: {  	_ =	shalt  }
0x54: {  	_ =	shalt  }
0x55: {  	_ =	shalt  }
0x56: {  	_ =	shalt  }
0x57: {  	_ =	shalt  }
0x58: {  	_ =	shalt  }
0x59: {  	_ =	shalt  }
0x5a: {  	_ =	shalt  }
0x5b: {  	_ =	shalt  }
0x5c: {  	_ =	shalt  }
0x5d: {  	_ =	shalt  }
0x5e: {  	_ =	shalt  }
0x5f: {  	_ =	shalt  }
0x60: {  	_ =	shalt  }
0x61: {  	_ =	shalt  }
0x62: {  	_ =	shalt  }
0x63: {  	_ =	shalt  }
0x64: {  	_ =	shalt  }
0x65: {  	_ =	shalt  }
0x66: {  	_ =	shalt  }
0x67: {  	_ =	shalt  }
0x68: {  	_ =	shalt  }
0x69: {  	_ =	shalt  }
0x6a: {  	_ =	shalt  }
0x6b: {  	_ =	shalt  }
0x6c: {  	_ =	shalt  }
0x6d: {  	_ =	shalt  }
0x6e: {  	_ =	shalt  }
0x6f: {  	_ =	shalt  }
0x70: {  	_ =	shalt  }
0x71: {  	_ =	shalt  }
0x72: {  	_ =	shalt  }
0x73: {  	_ =	shalt  }
0x74: {  	_ =	shalt  }
0x75: {  	_ =	shalt  }
0x76: {  	_ =	shalt  }
0x77: {  	_ =	shalt  }
0x78: {  	_ =	shalt  }
0x79: {  	_ =	shalt  }
0x7a: {  	_ =	shalt  }
0x7b: {  	_ =	shalt  }
0x7c: {  	_ =	shalt  }
0x7d: {  	_ =	shalt  }
0x7e: {  	_ =	shalt  }
0x7f: {  	_ =	shalt  }
0x80: {  	_ =	shalt  }
0x81: {  	_ =	shalt  }
0x82: {  	_ =	shalt  }
0x83: {  	_ =	shalt  }
0x84: {  	_ =	shalt  }
0x85: {  	_ =	shalt  }
0x86: {  	_ =	shalt  }
0x87: {  	_ =	shalt  }
.Lfunc_end0:
.L_simem_size_0:
called_computation.1_lowered:
.L_overlay_start_0:
0x88: {  	s2 =	sld [smem:$0x3FD9]  }
0x89: {  	s3 =	sld [smem:$0x3FFE];
	_ =	sdelay $0x1  }
0x8a: {  	s1 =	srdreg.scid  }
0x8b: {  	s0 =	sand.u32 $0x1, s1  }
0x8c: {  	s17 =	sshll.u32 s0, $0xA;
	s2 =	sadd.s32 s3, s2  }
0x8d: {  	s2 =	sadd.s32 s2, s17  }
0x8e: {  	[smem:$0x3FC1] =	sst s2  }
0x8f: {  	_ = 	snop  }
0x90: {  	s2 =	sld [smem:$0x3FD0];
	(tm) =	ssettm $0x1  }
0x91: {  	s18 =	sld [smem:$0x3FFB];
	_ =	sdelay $0x3  }
0x92: {  	_ =	strace s18  }
0x93: {  	s3 =	sld [smem:$0x3FFC];
	_ =	sdelay $0x3  }
0x94: {  	_ =	strace s3  }
0x95: {  	s3 =	sld [smem:$0x3FFD];
	_ =	sdelay $0x3  }
0x96: {  	_ =	strace s3  }
0x97: {  	_ =	strace $0x8FFFFFFF  }
0x98: {  	s19 =	sld [smem:$0x3FDB];
	_ =	sdelay $0x1  }
0x99: {  	s4 =	simm.s32 $_scs_section_size  }
0x9a: {  	s5 =	simm.s32 $_size__tile_overlayer_lowered;
	s6 =	simm.s32 $_tile_overlayer_lowered  }
0x9b: {  	s22 =	simm.s32 $0x1BFF;
	s21 =	sshll.u32 s6, $0x1;
	s3 =	sadd.s32 s4, s19  }
0x9c: {  	s7 =	simm.s32 $0x0;
	s20 =	sshll.u32 s5, $0x1;
	s5 =	sadd.s32 s21, s3  }
0x9d: {  	[timem:s7], [sflag:s22] =	dma.local [hbm:s5], s20  }
0x9e: {  	_ =	swait.ge [sflag:s22], s20  }
0x9f: {  	s4 =	ssub.s32 $0x0, s20;
	[sflag:s22] =	ssyncset.done $0x0  }
0xa0: {  	[sflag:s22] =	ssyncadd.s32 s4;
	_ =	sdelay $0x1  }
0xa1: {  	s23 =	simm.s32 $0x1B8B  }
0xa2: {  	_ =	swait.ge [sflag:s23], $0x1  }
0xa3: {  	[sflag:s23] =	ssyncset.done $0x0  }
0xa4: {  	s25 =	simm.s32 $0x1B8E;
	s24 =	sld [smem:$0x3FFE];
	[sflag:s23] =	ssyncadd.s32 $0xFFFFFFFF  }
0xa5: {  	s26 =	simm.s32 $execute0_lowered;
	[smem:$0x3FD2] =	sst s25  }
0xa6: {  	s5 =	sshll.u32 s26, $0x1;
	_ =	strace $0x80000049;
	[dreg:$0x1] =	wrdreg $0xFFFFFFFF  }
0xa7: {  	s28 =	simm.s32 $_size_execute0_lowered;
	s3 =	sadd.s32 s3, s5;
	[dreg:$0x0] =	wrdreg $0x0  }
0xa8: {  	s5 =	sshll.u32 s28, $0x1;
	[dreg:$0x2] =	wrdreg s3  }
0xa9: {  	[dreg:$0x3] =	wrdreg s5  }
0xaa: {  	[dreg:$0x4] =	wrdreg $0xC0  }
0xab: {  	_ =	task [dreg:s7], $0x5FFFF  }
0xac: {  	[dreg:$0x1] =	wrdreg $0xFFFFFFFF  }
0xad: {  	[dreg:$0x0] =	wrdreg $0x60  }
0xae: {  	[dreg:$0x2] =	wrdreg s2  }
0xaf: {  	[dreg:$0x3] =	wrdreg s24  }
0xb0: {  	[dreg:$0x4] =	wrdreg $0xA3000  }
0xb1: {  	[dreg:$0x5] =	wrdreg $0x9  }
0xb2: {  	_ =	task.clear_ibuf [dreg:s7], $0x6FFFF;
	_ =	strace $0x90000049  }
0xb3: {  	s29 =	simm.s32 $0x9;
	_ =	strace $0x8000004B  }
0xb4: {  	_ =	swait.ge [sflag:s29], $0x1  }
0xb5: {  	[sflag:s29] =	ssyncadd.s32 $0xFFFFFFFF  }
0xb6: {  	_ =	strace $0x9000004B  }
0xb7: {  	_ =	sfence  }
0xb8: {  	s30 =	sld [smem:$0x0];
	_ =	sdelay $0x2  }
0xb9: {  	s31 =	sshll.u32 s1, $0xD;
	s1 =	sshrl.u32 s1, $0x2  }
0xba: {  	s3 =	sand.u32 $0x4000, s31;
	s1 =	sadd.s32 s1, s30  }
0xbb: {  	s0 =	sor.u32 s3, s0;
	s1 =	sshll.u32 s1, $0x11  }
0xbc: {  	s0 =	sor.u32 s1, s0  }
0xbd: {  	s0 =	sadd.s32 $0x8F2B, s0  }
0xbe: {  	[sflag:s0] =	ssyncadd.remote.s32 $0x1  }
0xbf: {  	_ =	sfence.sel $0xFFFF  }
0xc0: {  	[dreg:$0x0] =	wrdreg $0xFFFFFFFF;
	(pc) =	sbr.abs _section_cstart, $3  }
0xc1: {  	[dreg:$0x1] =	wrdreg $0xFFFFFFFF  }
0xc2: {  	_ =	task.clear_ibuf [dreg:s7], $0x2FFFF;
	_ =	strace $0x9FFFFFFF  }
0xc3: {  	(tm) =	ssettm $0x7FFFFFFF  }
tec
execute0_lowered:
.L_overlay_start_1:
0x0: {  	(tag) =	ssettag $0x1  }
0x1: {  	s1 =	rddreg [dreg:$0x0]  }
0x2: {  	s0 =	rddreg [dreg:$0x1]  }
0x3: {  	s3 =	rddreg [dreg:$0x2]  }
0x4: {  	s5 =	simm.s32 $0x0;
	s2 =	srdreg.scid;
	s13 =	stileid.u32  }
0x5: {  	s4 =	simm.s32 $0x0;
	s28 =	simm.s32 $0x1;
	s29 =	simm.s32 $0x5300  }
0x6: {  	s30 =	simm.s32 $0x2B00;
	s31 =	simm.s32 $0x3;
	[dreg:$0x4] =	wrdreg s4  }
0x7: {  	[smem:$0x7FF] =	sst s5;
	s2 =	sand.u32 $0x1, s2;
	s17 =	sshll.u32 s13, $0x1  }
0x8: {  	s5 =	sadd.s32 $0x4F6E00, s0;
	s6 =	sadd.s32 $0x1200, s0;
	s10 =	smul.u32 $0x50000, s13  }
0x9: {  	s7 =	sadd.s32 $0xB000, s0;
	s0 =	sadd.s32 $0x15400, s0;
	s13 =	smul.u32 $0x14000, s13  }
0xa: {  	s4 =	sor.u32 s2, s17;
	s9 =	ssub.s32 $0x2, s2;
	s2 =	smul.u32 $0x140000, s2  }
0xb: {  	_ =	strace $0x8000004A;
	s8 =	smul.u32 $0x2710, s4;
	s11 =	sshrl.u32 s9, $0x1  }
0xc: {  	s10 =	sshrl.u32 s10, $0x2;
	s20 =	sadd.s32 $0x4000, s13;
	s22 =	sadd.s32 $0x8000, s13  }
0xd: {  	s23 =	sadd.s32 $0xC000, s13;
	s9 =	ssub.s32 s9, s11;
	s17 =	sadd.s32 s10, s3  }
0xe: {  	s19 =	sadd.s32 s13, s2;
	s15 =	sadd.s32 s2, s20;
	s25 =	sadd.s32 s2, s22  }
0xf: {  	s16 =	sadd.s32 s2, s23;
	s14 =	sadd.s32 $0x50, s8;
	[dreg:$0x5] =	wrdreg s17  }
0x10: {  	s13 =	sadd.s32 $0x10000, s13;
	s9 =	smax.u32 s9, $0x1;
	[dreg:$0x7] =	wrdreg s14  }
0x11: {  	s12 =	sshrl.u32 s8, $0x3;
	s11 =	sadd.s32 $0x190, s8;
	[dreg:$0x12] =	wrdreg s9  }
0x12: {  	s10 =	sshrl.u32 s19, $0x3;
	s18 =	sadd.s32 s6, s12;
	[dreg:$0x13] =	wrdreg s11  }
0x13: {  	s21 =	sshrl.u32 s15, $0x3;
	s12 =	sadd.s32 s7, s12;
	[dreg:$0x6] =	wrdreg s18  }
0x14: {  	s15 =	sshrl.u32 s25, $0x3;
	s10 =	sadd.s32 s0, s10;
	[dreg:$0x8] =	wrdreg s12  }
0x15: {  	s16 =	sshrl.u32 s16, $0x3;
	s15 =	sadd.s32 s0, s15;
	[dreg:$0x9] =	wrdreg s10  }
0x16: {  	s2 =	sadd.s32 s2, s13;
	s26 =	sadd.s32 s0, s16;
	[dreg:$0xb] =	wrdreg s15  }
0x17: {  	s2 =	sshrl.u32 s2, $0x3;
	s10 =	sadd.s32 s0, s21;
	[dreg:$0xc] =	wrdreg s26  }
0x18: {  	s14 =	sshrl.u32 s14, $0x3;
	s0 =	sadd.s32 s0, s2;
	[dreg:$0xa] =	wrdreg s10  }
0x19: {  	s16 =	smul.u32 $0x27100, s4;
	s18 =	sadd.s32 s6, s14;
	[dreg:$0xd] =	wrdreg s0  }
0x1a: {  	s15 =	sadd.s32 $0xA0, s8;
	s19 =	sadd.s32 s7, s14;
	[dreg:$0xe] =	wrdreg s18  }
0x1b: {  	s21 =	sadd.s32 s22, s3;
	s12 =	sadd.s32 $0x1E0, s8;
	[dreg:$0xf] =	wrdreg s19  }
0x1c: {  	s22 =	sadd.s32 s23, s3;
	s0 =	sadd.s32 s5, s16;
	[dreg:$0x14] =	wrdreg s12  }
0x1d: {  	s23 =	sadd.s32 s13, s3;
	s13 =	sshrl.u32 s21, $0x3;
	[dreg:$0x11] =	wrdreg s0  }
0x1e: {  	s24 =	smov.u32 s15;
	s14 =	sshrl.u32 s22, $0x3;
	[dreg:$0x16] =	wrdreg s13  }
0x1f: {  	s2 =	sshrl.u32 s15, $0x3;
	s15 =	sshrl.u32 s23, $0x3;
	[dreg:$0x17] =	wrdreg s14  }
0x20: {  	s20 =	sadd.s32 s20, s3;
	s16 =	sadd.s32 $0x2800, s17;
	[dreg:$0x18] =	wrdreg s15  }
0x21: {  	s25 =	sadd.s32 $0xF0, s8;
	s18 =	sadd.s32 $0x5000, s17;
	[dreg:$0x19] =	wrdreg s16  }
0x22: {  	s9 =	simm.s32 $0x2;
	s19 =	sadd.s32 $0x7800, s17;
	[dreg:$0x1a] =	wrdreg s18  }
0x23: {  	s11 =	simm.s32 $0x0;
	s21 =	sadd.s32 $0xC800, s17;
	[dreg:$0x1b] =	wrdreg s19  }
0x24: {  	s26 =	sadd.s32 $0x140, s8;
	s22 =	sadd.s32 $0xF000, s17;
	[dreg:$0x1d] =	wrdreg s21  }
0x25: {  	s23 =	sadd.s32 $0x11800, s17;
	s12 =	simm.s32 $0x4;
	[dreg:$0x1e] =	wrdreg s22  }
0x26: {  	s2 =	sadd.s32 s7, s2;
	s0 =	sshrl.u32 s20, $0x3;
	[dreg:$0x1f] =	wrdreg s23  }
0x27: {  	s20 =	sadd.s32 $0xA000, s17;
	s15 =	simm.s32 $0x300;
	[dreg:$0x10] =	wrdreg s2  }
0x28: {  	s18 =	simm.s32 $0x80;
	s19 =	simm.s32 $0x100;
	[dreg:$0x15] =	wrdreg s0  }
0x29: {  	s21 =	simm.s32 $0x200;
	s22 =	simm.s32 $0x50;
	[dreg:$0x1c] =	wrdreg s20  }
0x2a: {  	v0 =	vimm.f32 $0.0e+00;
	s20 =	simm.s32 $0x180;
	s0 =	simm.s32 $0x7B00;
	s2 =	simm.s32 $0x280  }
.LBB2_1:
0x2b: {  	s4 =	simm.s32 $0x0;
	s8 =	simm.s32 $0x200  }
.LBB2_2:
0x2c: {  	p0 =	sne.s32 s8, $0x9E00;
	[tilespmem:s4+$0x370] =	vst v0  }
0x2d: {  	[tilespmem:s4+$0x300] =	vst v0  }
0x2e: {  	[tilespmem:s4+$0x310] =	vst v0  }
.Ltmp0:
0x2f: {  	[tilespmem:s4+$0x320] =	vst v0;
	(pc) =	sbr.rel @p0 .LBB2_2-.Ltmp0, $4  }
0x30: {  	[tilespmem:s4+$0x330] =	vst v0  }
0x31: {  	[tilespmem:s4+$0x340] =	vst v0  }
0x32: {  	[tilespmem:s4+$0x350] =	vst v0  }
0x33: {  	[tilespmem:s4+$0x360] =	vst v0;
	s4 =	sshra.s32 s8, $0x2;
	s8 =	sadd.s32 $0x200, s8  }
0x34: {  	[tilespmem:s4+$0x370] =	vst v0  }
0x35: {  	[tilespmem:s4+$0x300] =	vst v0  }
0x36: {  	[tilespmem:s4+$0x310] =	vst v0  }
0x37: {  	[tilespmem:s4+$0x320] =	vst v0  }
0x38: {  	[tilespmem:s4+$0x330] =	vst v0  }
0x39: {  	[tilespmem:s4+$0x340] =	vst v0  }
0x3a: {  	[tilespmem:s4+$0x350] =	vst v0  }
0x3b: {  	[tilespmem:s4+$0x360] =	vst v0;
	s4 =	simm.s32 $0x0;
	s8 =	simm.s32 $0x200  }
.LBB2_4:
0x3c: {  	p0 =	sne.s32 s8, $0x9E00;
	[tilespmem:s4+$0x2B70] =	vst v0  }
0x3d: {  	[tilespmem:s4+$0x2B00] =	vst v0  }
0x3e: {  	[tilespmem:s4+$0x2B10] =	vst v0  }
.Ltmp1:
0x3f: {  	[tilespmem:s4+$0x2B20] =	vst v0;
	(pc) =	sbr.rel @p0 .LBB2_4-.Ltmp1, $4  }
0x40: {  	[tilespmem:s4+$0x2B30] =	vst v0  }
0x41: {  	[tilespmem:s4+$0x2B40] =	vst v0  }
0x42: {  	[tilespmem:s4+$0x2B50] =	vst v0  }
0x43: {  	[tilespmem:s4+$0x2B60] =	vst v0;
	s4 =	sshra.s32 s8, $0x2;
	s8 =	sadd.s32 $0x200, s8  }
0x44: {  	[tilespmem:s4+$0x2B70] =	vst v0  }
0x45: {  	[tilespmem:s4+$0x2B00] =	vst v0  }
0x46: {  	[tilespmem:s4+$0x2B10] =	vst v0  }
0x47: {  	[tilespmem:s4+$0x2B20] =	vst v0  }
0x48: {  	[tilespmem:s4+$0x2B30] =	vst v0  }
0x49: {  	[tilespmem:s4+$0x2B40] =	vst v0  }
0x4a: {  	[tilespmem:s4+$0x2B50] =	vst v0  }
0x4b: {  	[tilespmem:s4+$0x2B60] =	vst v0;
	s8 =	rddreg [dreg:$0x5]  }
0x4c: {  	[spmem:s8] =	stream.linear.scatter [tilespmem:s15], [sflag:$0x4], $0x2800, $0x38;
	[tilespmem:$0x1E300] =	vst v63  }
0x4d: {  	_ =	swait.ge [sflag:s12], $0x2800  }
0x4e: {  	[sflag:s12] =	ssyncset.done $0x0  }
0x4f: {  	s10 =	rddreg [dreg:$0x19];
	[sflag:s12] =	ssyncadd.s32 $0xFFFFD800  }
0x50: {  	[spmem:s10] =	stream.linear.scatter [tilespmem:s15], [sflag:$0x4], $0x2800, $0x38;
	[tilespmem:$0x1E300] =	vst v63  }
0x51: {  	_ =	swait.ge [sflag:s12], $0x2800  }
0x52: {  	[sflag:s12] =	ssyncset.done $0x0  }
0x53: {  	s13 =	rddreg [dreg:$0x1a];
	[sflag:s12] =	ssyncadd.s32 $0xFFFFD800  }
0x54: {  	[spmem:s13] =	stream.linear.scatter [tilespmem:s15], [sflag:$0x4], $0x2800, $0x38;
	[tilespmem:$0x1E300] =	vst v63  }
0x55: {  	_ =	swait.ge [sflag:s12], $0x2800  }
0x56: {  	[sflag:s12] =	ssyncset.done $0x0  }
0x57: {  	s14 =	rddreg [dreg:$0x1b];
	[sflag:s12] =	ssyncadd.s32 $0xFFFFD800  }
0x58: {  	[spmem:s14] =	stream.linear.scatter [tilespmem:s15], [sflag:$0x4], $0x2800, $0x38;
	[tilespmem:$0x1E300] =	vst v63  }
0x59: {  	_ =	swait.ge [sflag:s12], $0x2800  }
0x5a: {  	[sflag:s12] =	ssyncset.done $0x0  }
0x5b: {  	s16 =	rddreg [dreg:$0x1c];
	[sflag:s12] =	ssyncadd.s32 $0xFFFFD800  }
0x5c: {  	[spmem:s16] =	stream.linear.scatter [tilespmem:s15], [sflag:$0x4], $0x2800, $0x38;
	[tilespmem:$0x1E300] =	vst v63  }
0x5d: {  	_ =	swait.ge [sflag:s12], $0x2800  }
0x5e: {  	[sflag:s12] =	ssyncset.done $0x0  }
0x5f: {  	s17 =	rddreg [dreg:$0x1d];
	[sflag:s12] =	ssyncadd.s32 $0xFFFFD800  }
0x60: {  	[spmem:s17] =	stream.linear.scatter [tilespmem:s15], [sflag:$0x4], $0x2800, $0x38;
	[tilespmem:$0x1E300] =	vst v63  }
0x61: {  	_ =	swait.ge [sflag:s12], $0x2800  }
0x62: {  	[sflag:s12] =	ssyncset.done $0x0  }
0x63: {  	s23 =	rddreg [dreg:$0x1e];
	[sflag:s12] =	ssyncadd.s32 $0xFFFFD800  }
0x64: {  	[spmem:s23] =	stream.linear.scatter [tilespmem:s15], [sflag:$0x4], $0x2800, $0x38;
	[tilespmem:$0x1E300] =	vst v63  }
0x65: {  	_ =	swait.ge [sflag:s12], $0x2800  }
0x66: {  	[sflag:s12] =	ssyncset.done $0x0  }
0x67: {  	s8 =	rddreg [dreg:$0x1f];
	[sflag:s12] =	ssyncadd.s32 $0xFFFFD800  }
0x68: {  	[spmem:s8] =	stream.linear.scatter [tilespmem:s15], [sflag:$0x4], $0x2800, $0x38;
	[tilespmem:$0x1E300] =	vst v63  }
0x69: {  	_ =	swait.ge [sflag:s12], $0x2800  }
0x6a: {  	[sflag:s12] =	ssyncset.done $0x0  }
0x6b: {  	[sflag:s12] =	ssyncadd.s32 $0xFFFFD800  }
0x6c: {  	[bflag:$0x0] =	sbarrier.arrive $0xFFFF  }
0x6d: {  	s10 =	rddreg [dreg:$0x6]  }
0x6e: {  	[tilespmem:s11], [sflag:$0x4] =	stream.linear.gather [hbm4b:s10+s11], $0x50, $0x38;
	[tilespmem:$0x1E300] =	vst v63  }
0x6f: {  	_ =	swait.ge [sflag:s12], $0x50  }
0x70: {  	[sflag:s12] =	ssyncset.done $0x0  }
0x71: {  	s13 =	rddreg [dreg:$0xe];
	[sflag:s12] =	ssyncadd.s32 $0xFFFFFFB0  }
0x72: {  	[tilespmem:s18], [sflag:$0x4] =	stream.linear.gather [hbm4b:s13+s11], $0x50, $0x38;
	[tilespmem:$0x1E300] =	vst v63  }
0x73: {  	_ =	swait.ge [sflag:s12], $0x50  }
0x74: {  	[sflag:s12] =	ssyncset.done $0x0  }
0x75: {  	s14 =	rddreg [dreg:$0x8];
	[sflag:s12] =	ssyncadd.s32 $0xFFFFFFB0  }
0x76: {  	[tilespmem:s19], [sflag:$0x4] =	stream.linear.gather [hbm4b:s14+s11], $0x50, $0x38;
	[tilespmem:$0x1E300] =	vst v63  }
0x77: {  	_ =	swait.ge [sflag:s12], $0x50  }
0x78: {  	[sflag:s12] =	ssyncset.done $0x0  }
0x79: {  	s16 =	rddreg [dreg:$0xf];
	[sflag:s12] =	ssyncadd.s32 $0xFFFFFFB0  }
0x7a: {  	[tilespmem:s20], [sflag:$0x4] =	stream.linear.gather [hbm4b:s16+s11], $0x50, $0x38;
	[tilespmem:$0x1E300] =	vst v63  }
0x7b: {  	_ =	swait.ge [sflag:s12], $0x50  }
0x7c: {  	[sflag:s12] =	ssyncset.done $0x0  }
0x7d: {  	s17 =	rddreg [dreg:$0x10];
	[sflag:s12] =	ssyncadd.s32 $0xFFFFFFB0  }
0x7e: {  	[tilespmem:s21], [sflag:$0x4] =	stream.linear.gather [hbm4b:s17+s11], $0x50, $0x38;
	[tilespmem:$0x1E300] =	vst v63  }
0x7f: {  	_ =	swait.ge [sflag:s12], $0x50  }
0x80: {  	[sflag:s12] =	ssyncset.done $0x0  }
0x81: {  	[sflag:s12] =	ssyncadd.s32 $0xFFFFFFB0  }
0x82: {  	[tilespmem:s15], [sflag:$0x1] =	stream.indirect.gather [hbm4b:s1+s22], $0x80, s11, s22, $0xb8;
	[tilespmem:$0x1E300] =	vst v63  }
0x83: {  	_ =	swait.ge [sflag:s28], $0x2800  }
0x84: {  	[sflag:s28] =	ssyncset.done $0x0  }
0x85: {  	s23 =	rddreg [dreg:$0x11];
	[sflag:s28] =	ssyncadd.s32 $0xFFFFD800  }
0x86: {  	[tilespmem:s29], [sflag:$0x4] =	stream.linear.gather [hbm4b:s23+s11], $0x2800, $0x38;
	[tilespmem:$0x1E300] =	vst v63  }
0x87: {  	_ =	swait.ge [sflag:s12], $0x2800  }
0x88: {  	[sflag:s12] =	ssyncset.done $0x0  }
0x89: {  	[sflag:s12] =	ssyncadd.s32 $0xFFFFD800;
	s12 =	simm.s32 $0x0  }
0x8a: {  	[spmem:s3] =	stream.indirect.scatter.add.f32 [tilespmem:s30], [sflag:$0x3], $0x80, s19, s22, $0xb8;
	[tilespmem:$0x1E300] =	vst v63  }
.LBB2_6:
0x8b: {  	_ =	swait.ge [sflag:s31], $0x2800;
	s14 =	smul.u32 $0x140, s12  }
0x8c: {  	[sflag:s31] =	ssyncset.done $0x0;
	s4 =	rddreg [dreg:$0x7]  }
0x8d: {  	[sflag:s31] =	ssyncadd.s32 $0xFFFFD800;
	s4 =	sadd.s32 s14, s4  }
0x8e: {  	[tilespmem:s30], [sflag:$0x1] =	stream.indirect.gather [hbm4b:s1+s22], $0x80, s18, s22, $0xb8;
	[tilespmem:$0x1E300] =	vst v63  }
0x8f: {  	s4 =	sshll.u32 s4, $0x4  }
0x90: {  	s4 =	sadd.s32 s5, s4  }
0x91: {  	[tilespmem:s0], [sflag:$0x1] =	stream.linear.gather [hbm4b:s4+s11], $0x2800, $0x38;
	[tilespmem:$0x1E300] =	vst v63  }
0x92: {  	s4 =	sadd.s32 s24, s14  }
0x93: {  	s8 =	sshrl.u32 s4, $0x3  }
0x94: {  	s8 =	sadd.s32 s6, s8  }
0x95: {  	[tilespmem:s11], [sflag:$0x2] =	stream.linear.gather [hbm4b:s8+s11], $0x50, $0x38;
	[tilespmem:$0x1E300] =	vst v63  }
0x96: {  	s8 =	sadd.s32 s25, s14  }
0x97: {  	s16 =	sshrl.u32 s8, $0x3  }
0x98: {  	s10 =	sadd.s32 s7, s16  }
0x99: {  	[tilespmem:s2], [sflag:$0x2] =	stream.linear.gather [hbm4b:s10+s11], $0x50, $0x38;
	[tilespmem:$0x1E300] =	vst v63  }
0x9a: {  	s10 =	simm.s32 $0x0  }
0x9b: {  	v7 =	vld [tilespmem:s10+$0x5300]  }
0x9c: {  	v8 =	vld [tilespmem:s10+$0x5310]  }
0x9d: {  	v9 =	vld [tilespmem:s10+$0x5320]  }
0x9e: {  	v10 =	vld [tilespmem:s10+$0x5330]  }
0x9f: {  	v11 =	vld [tilespmem:s10+$0x5340]  }
0xa0: {  	v12 =	vld [tilespmem:s10+$0x5350]  }
0xa1: {  	v13 =	vld [tilespmem:s10+$0x5360]  }
0xa2: {  	v14 =	vld [tilespmem:s10+$0x5370]  }
0xa3: {  	v15 =	vld [tilespmem:s10+$0x5380]  }
0xa4: {  	v16 =	vld [tilespmem:s10+$0x5390]  }
0xa5: {  	v17 =	vld [tilespmem:s10+$0x53A0]  }
0xa6: {  	v18 =	vld [tilespmem:s10+$0x53B0]  }
0xa7: {  	v19 =	vld [tilespmem:s10+$0x53C0]  }
0xa8: {  	v20 =	vld [tilespmem:s10+$0x53D0]  }
0xa9: {  	v21 =	vld [tilespmem:s10+$0x53E0]  }
0xaa: {  	v22 =	vld [tilespmem:s10+$0x53F0]  }
0xab: {  	v23 =	vld [tilespmem:s10+$0x5400]  }
0xac: {  	v24 =	vld [tilespmem:s10+$0x5410]  }
0xad: {  	v25 =	vld [tilespmem:s10+$0x5420]  }
0xae: {  	v26 =	vld [tilespmem:s10+$0x5430]  }
0xaf: {  	v27 =	vld [tilespmem:s10+$0x5440]  }
0xb0: {  	v28 =	vld [tilespmem:s10+$0x5450]  }
0xb1: {  	v29 =	vld [tilespmem:s10+$0x5460]  }
0xb2: {  	v30 =	vld [tilespmem:s10+$0x5470]  }
0xb3: {  	v31 =	vld [tilespmem:s10+$0x5480]  }
0xb4: {  	v32 =	vld [tilespmem:s10+$0x5490]  }
0xb5: {  	v6 =	vld [tilespmem:s10+$0x54A0]  }
0xb6: {  	v5 =	vld [tilespmem:s10+$0x54B0]  }
0xb7: {  	v4 =	vld [tilespmem:s10+$0x54C0]  }
0xb8: {  	v3 =	vld [tilespmem:s10+$0x54D0]  }
0xb9: {  	v2 =	vld [tilespmem:s10+$0x54E0]  }
0xba: {  	v33 =	vld [tilespmem:s10+$0x300]  }
0xbb: {  	v34 =	vld [tilespmem:s10+$0x310]  }
0xbc: {  	v35 =	vld [tilespmem:s10+$0x320]  }
0xbd: {  	v36 =	vld [tilespmem:s10+$0x330]  }
0xbe: {  	v37 =	vld [tilespmem:s10+$0x340]  }
0xbf: {  	v63 =	vld [tilespmem:s10+$0x350];
	v7 =	vmul.f32 v7, v33  }
0xc0: {  	v38 =	vld [tilespmem:s10+$0x360];
	v8 =	vmul.f32 v8, v34  }
0xc1: {  	v9 =	vmul.f32 v9, v35;
	[tilespmem:s10+$0x300] =	vst v7;
	v7 =	vld [tilespmem:s10+$0x370]  }
0xc2: {  	v10 =	vmul.f32 v10, v36;
	[tilespmem:s10+$0x310] =	vst v8;
	v8 =	vld [tilespmem:s10+$0x380]  }
0xc3: {  	v11 =	vmul.f32 v11, v37;
	[tilespmem:s10+$0x320] =	vst v9;
	v9 =	vld [tilespmem:s10+$0x390]  }
0xc4: {  	v12 =	vmul.f32 v12, v63;
	[tilespmem:s10+$0x330] =	vst v10;
	v10 =	vld [tilespmem:s10+$0x3A0]  }
0xc5: {  	v13 =	vmul.f32 v13, v38;
	[tilespmem:s10+$0x340] =	vst v11;
	v11 =	vld [tilespmem:s10+$0x3B0]  }
0xc6: {  	[tilespmem:s10+$0x350] =	vst v12;
	v12 =	vld [tilespmem:s10+$0x3C0];
	v7 =	vmul.f32 v14, v7  }
0xc7: {  	[tilespmem:s10+$0x360] =	vst v13;
	v13 =	vld [tilespmem:s10+$0x3D0];
	v8 =	vmul.f32 v15, v8  }
0xc8: {  	v9 =	vmul.f32 v16, v9;
	[tilespmem:s10+$0x370] =	vst v7;
	v7 =	vld [tilespmem:s10+$0x3E0]  }
0xc9: {  	v10 =	vmul.f32 v17, v10;
	[tilespmem:s10+$0x380] =	vst v8;
	v8 =	vld [tilespmem:s10+$0x3F0]  }
0xca: {  	v11 =	vmul.f32 v18, v11;
	[tilespmem:s10+$0x390] =	vst v9;
	v9 =	vld [tilespmem:s10+$0x400]  }
0xcb: {  	v12 =	vmul.f32 v19, v12;
	[tilespmem:s10+$0x3A0] =	vst v10;
	v10 =	vld [tilespmem:s10+$0x410]  }
0xcc: {  	v13 =	vmul.f32 v20, v13;
	[tilespmem:s10+$0x3B0] =	vst v11;
	v11 =	vld [tilespmem:s10+$0x420]  }
0xcd: {  	[tilespmem:s10+$0x3C0] =	vst v12;
	v12 =	vld [tilespmem:s10+$0x430];
	v7 =	vmul.f32 v21, v7  }
0xce: {  	[tilespmem:s10+$0x3D0] =	vst v13;
	v13 =	vld [tilespmem:s10+$0x440]  }
0xcf: {  	v8 =	vmul.f32 v22, v8;
	[tilespmem:s10+$0x3E0] =	vst v7;
	v7 =	vld [tilespmem:s10+$0x450]  }
0xd0: {  	v1 =	vld [tilespmem:s10+$0x54F0];
	v9 =	vmul.f32 v23, v9  }
0xd1: {  	[tilespmem:s10+$0x3F0] =	vst v8;
	v8 =	vmul.f32 v24, v10;
	v10 =	vld [tilespmem:s10+$0x470]  }
0xd2: {  	v14 =	vld [tilespmem:s10+$0x460];
	[tilespmem:s10+$0x400] =	vst v9;
	v9 =	vmul.f32 v25, v11  }
0xd3: {  	v11 =	vld [tilespmem:s10+$0x480];
	[tilespmem:s10+$0x410] =	vst v8;
	v8 =	vmul.f32 v26, v12  }
0xd4: {  	[tilespmem:s10+$0x420] =	vst v9;
	v12 =	vld [tilespmem:s10+$0x490];
	v9 =	vmul.f32 v27, v13;
	v13 =	vmul.f32 v28, v7  }
0xd5: {  	[tilespmem:s10+$0x430] =	vst v8;
	v8 =	vld [tilespmem:s10+$0x4A0]  }
0xd6: {  	v7 =	vld [tilespmem:s10+$0x4B0];
	[tilespmem:s10+$0x450] =	vst v13;
	v13 =	vmul.f32 v30, v10  }
0xd7: {  	v14 =	vmul.f32 v29, v14;
	[tilespmem:s10+$0x440] =	vst v9;
	v9 =	vld [tilespmem:s10+$0x4C0]  }
0xd8: {  	v10 =	vld [tilespmem:s10+$0x4D0];
	[tilespmem:s10+$0x470] =	vst v13;
	v13 =	vmul.f32 v31, v11  }
0xd9: {  	s13 =	sshll.u32 s12, $0x2;
	s17 =	simm.s32 $0x800;
	[tilespmem:s10+$0x460] =	vst v14;
	v12 =	vmul.f32 v32, v12;
	v11 =	vld [tilespmem:s10+$0x4E0]  }
.LBB2_7:
0xda: {  	s23 =	sshra.s32 s17, $0x2;
	p0 =	sne.s32 s17, $0x9800;
	[tilespmem:s10+$0x480] =	vst v13;
	v6 =	vmul.f32 v6, v8;
	v8 =	vld [tilespmem:s10+$0x4F0]  }
0xdb: {  	v13 =	vld [tilespmem:s23+$0x5300];
	[tilespmem:s10+$0x490] =	vst v12;
	v5 =	vmul.f32 v5, v7  }
0xdc: {  	v7 =	vld [tilespmem:s23+$0x5310];
	[tilespmem:s10+$0x4A0] =	vst v6;
	v4 =	vmul.f32 v4, v9  }
0xdd: {  	v9 =	vld [tilespmem:s23+$0x5320];
	[tilespmem:s10+$0x4B0] =	vst v5;
	v3 =	vmul.f32 v3, v10  }
0xde: {  	v10 =	vld [tilespmem:s23+$0x5330];
	[tilespmem:s10+$0x4C0] =	vst v4;
	v2 =	vmul.f32 v2, v11  }
0xdf: {  	v11 =	vld [tilespmem:s23+$0x5340];
	[tilespmem:s10+$0x4D0] =	vst v3;
	v1 =	vmul.f32 v1, v8  }
0xe0: {  	v8 =	vld [tilespmem:s23+$0x5350];
	[tilespmem:s10+$0x4E0] =	vst v2  }
0xe1: {  	v12 =	vld [tilespmem:s23+$0x5360];
	[tilespmem:s10+$0x4F0] =	vst v1;
	s10 =	smov.u32 s23  }
0xe2: {  	v14 =	vld [tilespmem:s10+$0x5370]  }
0xe3: {  	v15 =	vld [tilespmem:s10+$0x5380]  }
0xe4: {  	v16 =	vld [tilespmem:s10+$0x5390]  }
0xe5: {  	v17 =	vld [tilespmem:s10+$0x53A0]  }
0xe6: {  	v18 =	vld [tilespmem:s10+$0x53B0]  }
0xe7: {  	v19 =	vld [tilespmem:s10+$0x53C0]  }
0xe8: {  	v20 =	vld [tilespmem:s10+$0x53D0]  }
0xe9: {  	v21 =	vld [tilespmem:s10+$0x53E0]  }
0xea: {  	v22 =	vld [tilespmem:s10+$0x53F0]  }
0xeb: {  	v23 =	vld [tilespmem:s10+$0x5400]  }
0xec: {  	v24 =	vld [tilespmem:s10+$0x5410]  }
0xed: {  	v25 =	vld [tilespmem:s10+$0x5420]  }
0xee: {  	v26 =	vld [tilespmem:s10+$0x5430]  }
0xef: {  	v27 =	vld [tilespmem:s10+$0x5440]  }
0xf0: {  	v28 =	vld [tilespmem:s10+$0x5450]  }
0xf1: {  	v29 =	vld [tilespmem:s10+$0x5460]  }
0xf2: {  	v30 =	vld [tilespmem:s10+$0x5470]  }
0xf3: {  	v31 =	vld [tilespmem:s10+$0x5480]  }
0xf4: {  	v32 =	vld [tilespmem:s10+$0x5490]  }
0xf5: {  	v6 =	vld [tilespmem:s10+$0x54A0]  }
0xf6: {  	v5 =	vld [tilespmem:s10+$0x54B0]  }
0xf7: {  	v4 =	vld [tilespmem:s10+$0x54C0]  }
0xf8: {  	v3 =	vld [tilespmem:s10+$0x54D0]  }
0xf9: {  	v2 =	vld [tilespmem:s10+$0x54E0]  }
0xfa: {  	v1 =	vld [tilespmem:s10+$0x54F0]  }
0xfb: {  	v33 =	vld [tilespmem:s10+$0x300]  }
0xfc: {  	v34 =	vld [tilespmem:s10+$0x310]  }
0xfd: {  	v35 =	vld [tilespmem:s10+$0x320]  }
0xfe: {  	v36 =	vld [tilespmem:s10+$0x330]  }
0xff: {  	v37 =	vld [tilespmem:s10+$0x340]  }
0x100: {  	v13 =	vmul.f32 v13, v33;
	v33 =	vld [tilespmem:s10+$0x350]  }
0x101: {  	v7 =	vmul.f32 v7, v34;
	v34 =	vld [tilespmem:s10+$0x360]  }
0x102: {  	[tilespmem:s10+$0x300] =	vst v13;
	v9 =	vmul.f32 v9, v35;
	v13 =	vld [tilespmem:s10+$0x370]  }
0x103: {  	[tilespmem:s10+$0x310] =	vst v7;
	v7 =	vmul.f32 v10, v36;
	v10 =	vld [tilespmem:s10+$0x380]  }
0x104: {  	[tilespmem:s10+$0x320] =	vst v9;
	v9 =	vmul.f32 v11, v37;
	v11 =	vld [tilespmem:s10+$0x390]  }
0x105: {  	[tilespmem:s10+$0x330] =	vst v7;
	v7 =	vmul.f32 v8, v33;
	v8 =	vld [tilespmem:s10+$0x3A0]  }
0x106: {  	[tilespmem:s10+$0x340] =	vst v9;
	v9 =	vmul.f32 v12, v34;
	v12 =	vld [tilespmem:s10+$0x3B0]  }
0x107: {  	[tilespmem:s10+$0x350] =	vst v7;
	v7 =	vmul.f32 v14, v13;
	v13 =	vld [tilespmem:s10+$0x3C0]  }
0x108: {  	[tilespmem:s10+$0x360] =	vst v9;
	v9 =	vmul.f32 v15, v10;
	v10 =	vld [tilespmem:s10+$0x3D0]  }
0x109: {  	[tilespmem:s10+$0x370] =	vst v7;
	v7 =	vmul.f32 v16, v11;
	v11 =	vld [tilespmem:s10+$0x3E0]  }
0x10a: {  	[tilespmem:s10+$0x380] =	vst v9;
	v8 =	vmul.f32 v17, v8;
	v9 =	vld [tilespmem:s10+$0x3F0]  }
0x10b: {  	[tilespmem:s10+$0x390] =	vst v7;
	v7 =	vmul.f32 v18, v12;
	v12 =	vld [tilespmem:s10+$0x400]  }
0x10c: {  	[tilespmem:s10+$0x3A0] =	vst v8;
	v8 =	vmul.f32 v19, v13;
	v13 =	vld [tilespmem:s10+$0x410]  }
0x10d: {  	[tilespmem:s10+$0x3B0] =	vst v7;
	v7 =	vmul.f32 v20, v10;
	v10 =	vld [tilespmem:s10+$0x420]  }
0x10e: {  	[tilespmem:s10+$0x3C0] =	vst v8;
	v8 =	vmul.f32 v21, v11;
	v11 =	vld [tilespmem:s10+$0x430]  }
0x10f: {  	[tilespmem:s10+$0x3D0] =	vst v7;
	v7 =	vmul.f32 v22, v9;
	v9 =	vld [tilespmem:s10+$0x440]  }
0x110: {  	[tilespmem:s10+$0x3E0] =	vst v8;
	v8 =	vmul.f32 v23, v12;
	v12 =	vld [tilespmem:s10+$0x450]  }
0x111: {  	[tilespmem:s10+$0x3F0] =	vst v7;
	v7 =	vmul.f32 v24, v13;
	v13 =	vld [tilespmem:s10+$0x460]  }
0x112: {  	[tilespmem:s10+$0x400] =	vst v8;
	v8 =	vmul.f32 v25, v10;
	v10 =	vld [tilespmem:s10+$0x470]  }
0x113: {  	[tilespmem:s10+$0x410] =	vst v7;
	v7 =	vmul.f32 v26, v11;
	v11 =	vld [tilespmem:s10+$0x480]  }
0x114: {  	[tilespmem:s10+$0x420] =	vst v8;
	v9 =	vmul.f32 v27, v9;
	v14 =	vld [tilespmem:s10+$0x490]  }
.Ltmp2:
0x115: {  	[tilespmem:s10+$0x430] =	vst v7;
	v12 =	vmul.f32 v28, v12;
	v8 =	vld [tilespmem:s10+$0x4A0];
	(pc) =	sbr.rel @p0 .LBB2_7-.Ltmp2, $4  }
0x116: {  	[tilespmem:s10+$0x440] =	vst v9;
	v13 =	vmul.f32 v29, v13;
	v7 =	vld [tilespmem:s10+$0x4B0]  }
0x117: {  	[tilespmem:s10+$0x450] =	vst v12;
	v12 =	vmul.f32 v30, v10;
	v9 =	vld [tilespmem:s10+$0x4C0]  }
0x118: {  	[tilespmem:s10+$0x460] =	vst v13;
	v13 =	vmul.f32 v31, v11;
	v10 =	vld [tilespmem:s10+$0x4D0]  }
0x119: {  	s17 =	sadd.s32 $0x800, s17;
	[tilespmem:s10+$0x470] =	vst v12;
	v12 =	vmul.f32 v32, v14;
	v11 =	vld [tilespmem:s10+$0x4E0]  }
0x11a: {  	[tilespmem:s10+$0x480] =	vst v13;
	v6 =	vmul.f32 v6, v8;
	v8 =	vld [tilespmem:s10+$0x4F0]  }
0x11b: {  	[tilespmem:s10+$0x490] =	vst v12;
	v5 =	vmul.f32 v5, v7  }
0x11c: {  	[tilespmem:s10+$0x4A0] =	vst v6;
	v4 =	vmul.f32 v4, v9  }
0x11d: {  	[tilespmem:s10+$0x4B0] =	vst v5;
	v3 =	vmul.f32 v3, v10  }
0x11e: {  	[tilespmem:s10+$0x4C0] =	vst v4;
	v2 =	vmul.f32 v2, v11  }
0x11f: {  	[tilespmem:s10+$0x4D0] =	vst v3;
	v1 =	vmul.f32 v1, v8  }
0x120: {  	[tilespmem:s10+$0x4E0] =	vst v2  }
0x121: {  	[tilespmem:s10+$0x4F0] =	vst v1  }
0x122: {  	[spmem:s3] =	stream.indirect.scatter.add.f32 [tilespmem:s15], [sflag:$0x3], $0x80, s19, s22, $0xb8;
	[tilespmem:$0x1E300] =	vst v63  }
0x123: {  	_ =	swait.ge [sflag:s28], $0x2800  }
0x124: {  	[sflag:s28] =	ssyncset.done $0x0  }
0x125: {  	[sflag:s28] =	ssyncadd.s32 $0xFFFFD800  }
0x126: {  	_ =	swait.ge [sflag:s28], $0x2800  }
0x127: {  	[sflag:s28] =	ssyncset.done $0x0  }
0x128: {  	[sflag:s28] =	ssyncadd.s32 $0xFFFFD800  }
0x129: {  	_ =	swait.ge [sflag:s9], $0x50  }
0x12a: {  	[sflag:s9] =	ssyncset.done $0x0  }
0x12b: {  	[sflag:s9] =	ssyncadd.s32 $0xFFFFFFB0  }
0x12c: {  	_ =	swait.ge [sflag:s9], $0x50  }
0x12d: {  	[sflag:s9] =	ssyncset.done $0x0  }
0x12e: {  	[sflag:s9] =	ssyncadd.s32 $0xFFFFFFB0  }
0x12f: {  	_ =	swait.ge [sflag:s31], $0x2800  }
0x130: {  	[sflag:s31] =	ssyncset.done $0x0  }
0x131: {  	s4 =	sshll.u32 s4, $0x4;
	s10 =	simm.s32 $0x0;
	[sflag:s31] =	ssyncadd.s32 $0xFFFFD800  }
0x132: {  	[tilespmem:s15], [sflag:$0x1] =	stream.indirect.gather [hbm4b:s1+s22], $0x80, s10, s22, $0xb8;
	[tilespmem:$0x1E300] =	vst v63  }
0x133: {  	s14 =	sadd.s32 s26, s14;
	s4 =	sadd.s32 s5, s4  }
0x134: {  	[tilespmem:s29], [sflag:$0x1] =	stream.linear.gather [hbm4b:s4+s10], $0x2800, $0x38;
	[tilespmem:$0x1E300] =	vst v63  }
0x135: {  	s17 =	sadd.s32 s6, s16;
	s4 =	sshrl.u32 s14, $0x3  }
0x136: {  	[tilespmem:s18], [sflag:$0x2] =	stream.linear.gather [hbm4b:s17+s10], $0x50, $0x38;
	[tilespmem:$0x1E300] =	vst v63  }
0x137: {  	s23 =	sadd.s32 s7, s4  }
0x138: {  	[tilespmem:s19], [sflag:$0x2] =	stream.linear.gather [hbm4b:s23+s10], $0x50, $0x38;
	[tilespmem:$0x1E300] =	vst v63  }
0x139: {  	s10 =	simm.s32 $0x0  }
0x13a: {  	v7 =	vld [tilespmem:s10+$0x7B00]  }
0x13b: {  	v8 =	vld [tilespmem:s10+$0x7B10]  }
0x13c: {  	v9 =	vld [tilespmem:s10+$0x7B20]  }
0x13d: {  	v10 =	vld [tilespmem:s10+$0x7B30]  }
0x13e: {  	v11 =	vld [tilespmem:s10+$0x7B40]  }
0x13f: {  	v12 =	vld [tilespmem:s10+$0x7B50]  }
0x140: {  	v13 =	vld [tilespmem:s10+$0x7B60]  }
0x141: {  	v14 =	vld [tilespmem:s10+$0x7B70]  }
0x142: {  	v15 =	vld [tilespmem:s10+$0x7B80]  }
0x143: {  	v16 =	vld [tilespmem:s10+$0x7B90]  }
0x144: {  	v17 =	vld [tilespmem:s10+$0x7BA0]  }
0x145: {  	v18 =	vld [tilespmem:s10+$0x7BB0]  }
0x146: {  	v19 =	vld [tilespmem:s10+$0x7BC0]  }
0x147: {  	v20 =	vld [tilespmem:s10+$0x7BD0]  }
0x148: {  	v21 =	vld [tilespmem:s10+$0x7BE0]  }
0x149: {  	v22 =	vld [tilespmem:s10+$0x7BF0]  }
0x14a: {  	v23 =	vld [tilespmem:s10+$0x7C00]  }
0x14b: {  	v24 =	vld [tilespmem:s10+$0x7C10]  }
0x14c: {  	v25 =	vld [tilespmem:s10+$0x7C20]  }
0x14d: {  	v26 =	vld [tilespmem:s10+$0x7C30]  }
0x14e: {  	v27 =	vld [tilespmem:s10+$0x7C40]  }
0x14f: {  	v28 =	vld [tilespmem:s10+$0x7C50]  }
0x150: {  	v29 =	vld [tilespmem:s10+$0x7C60]  }
0x151: {  	v30 =	vld [tilespmem:s10+$0x7C70]  }
0x152: {  	v31 =	vld [tilespmem:s10+$0x7C80]  }
0x153: {  	v32 =	vld [tilespmem:s10+$0x7C90]  }
0x154: {  	v6 =	vld [tilespmem:s10+$0x7CA0]  }
0x155: {  	v5 =	vld [tilespmem:s10+$0x7CB0]  }
0x156: {  	v4 =	vld [tilespmem:s10+$0x7CC0]  }
0x157: {  	v3 =	vld [tilespmem:s10+$0x7CD0]  }
0x158: {  	v2 =	vld [tilespmem:s10+$0x7CE0]  }
0x159: {  	v33 =	vld [tilespmem:s10+$0x2B00]  }
0x15a: {  	v34 =	vld [tilespmem:s10+$0x2B10]  }
0x15b: {  	v35 =	vld [tilespmem:s10+$0x2B20]  }
0x15c: {  	v36 =	vld [tilespmem:s10+$0x2B30]  }
0x15d: {  	v37 =	vld [tilespmem:s10+$0x2B40]  }
0x15e: {  	v63 =	vld [tilespmem:s10+$0x2B50];
	v7 =	vmul.f32 v7, v33  }
0x15f: {  	v38 =	vld [tilespmem:s10+$0x2B60];
	v8 =	vmul.f32 v8, v34  }
0x160: {  	v9 =	vmul.f32 v9, v35;
	[tilespmem:s10+$0x2B00] =	vst v7;
	v7 =	vld [tilespmem:s10+$0x2B70]  }
0x161: {  	v10 =	vmul.f32 v10, v36;
	[tilespmem:s10+$0x2B10] =	vst v8;
	v8 =	vld [tilespmem:s10+$0x2B80]  }
0x162: {  	v11 =	vmul.f32 v11, v37;
	[tilespmem:s10+$0x2B20] =	vst v9;
	v9 =	vld [tilespmem:s10+$0x2B90]  }
0x163: {  	v12 =	vmul.f32 v12, v63;
	[tilespmem:s10+$0x2B30] =	vst v10;
	v10 =	vld [tilespmem:s10+$0x2BA0]  }
0x164: {  	v13 =	vmul.f32 v13, v38;
	[tilespmem:s10+$0x2B40] =	vst v11;
	v11 =	vld [tilespmem:s10+$0x2BB0]  }
0x165: {  	[tilespmem:s10+$0x2B50] =	vst v12;
	v12 =	vld [tilespmem:s10+$0x2BC0];
	v7 =	vmul.f32 v14, v7  }
0x166: {  	[tilespmem:s10+$0x2B60] =	vst v13;
	v13 =	vld [tilespmem:s10+$0x2BD0];
	v8 =	vmul.f32 v15, v8  }
0x167: {  	v9 =	vmul.f32 v16, v9;
	[tilespmem:s10+$0x2B70] =	vst v7;
	v7 =	vld [tilespmem:s10+$0x2BE0]  }
0x168: {  	v10 =	vmul.f32 v17, v10;
	[tilespmem:s10+$0x2B80] =	vst v8;
	v8 =	vld [tilespmem:s10+$0x2BF0]  }
0x169: {  	v11 =	vmul.f32 v18, v11;
	[tilespmem:s10+$0x2B90] =	vst v9;
	v9 =	vld [tilespmem:s10+$0x2C00]  }
0x16a: {  	v12 =	vmul.f32 v19, v12;
	[tilespmem:s10+$0x2BA0] =	vst v10;
	v10 =	vld [tilespmem:s10+$0x2C10]  }
0x16b: {  	v13 =	vmul.f32 v20, v13;
	[tilespmem:s10+$0x2BB0] =	vst v11;
	v11 =	vld [tilespmem:s10+$0x2C20]  }
0x16c: {  	[tilespmem:s10+$0x2BC0] =	vst v12;
	v12 =	vld [tilespmem:s10+$0x2C30];
	v7 =	vmul.f32 v21, v7  }
0x16d: {  	[tilespmem:s10+$0x2BD0] =	vst v13;
	v13 =	vld [tilespmem:s10+$0x2C40]  }
0x16e: {  	v8 =	vmul.f32 v22, v8;
	[tilespmem:s10+$0x2BE0] =	vst v7;
	v7 =	vld [tilespmem:s10+$0x2C50]  }
0x16f: {  	v1 =	vld [tilespmem:s10+$0x7CF0];
	v9 =	vmul.f32 v23, v9  }
0x170: {  	[tilespmem:s10+$0x2BF0] =	vst v8;
	v8 =	vmul.f32 v24, v10;
	v10 =	vld [tilespmem:s10+$0x2C70]  }
0x171: {  	v14 =	vld [tilespmem:s10+$0x2C60];
	[tilespmem:s10+$0x2C00] =	vst v9;
	v9 =	vmul.f32 v25, v11  }
0x172: {  	v11 =	vld [tilespmem:s10+$0x2C80];
	[tilespmem:s10+$0x2C10] =	vst v8;
	v8 =	vmul.f32 v26, v12  }
0x173: {  	[tilespmem:s10+$0x2C20] =	vst v9;
	v12 =	vld [tilespmem:s10+$0x2C90];
	v9 =	vmul.f32 v27, v13;
	v13 =	vmul.f32 v28, v7  }
0x174: {  	[tilespmem:s10+$0x2C30] =	vst v8;
	v8 =	vld [tilespmem:s10+$0x2CA0]  }
0x175: {  	v7 =	vld [tilespmem:s10+$0x2CB0];
	[tilespmem:s10+$0x2C50] =	vst v13;
	v13 =	vmul.f32 v30, v10  }
0x176: {  	v14 =	vmul.f32 v29, v14;
	[tilespmem:s10+$0x2C40] =	vst v9;
	v9 =	vld [tilespmem:s10+$0x2CC0]  }
0x177: {  	v10 =	vld [tilespmem:s10+$0x2CD0];
	[tilespmem:s10+$0x2C70] =	vst v13;
	v13 =	vmul.f32 v31, v11  }
0x178: {  	s16 =	simm.s32 $0x800;
	[tilespmem:s10+$0x2C60] =	vst v14;
	v12 =	vmul.f32 v32, v12;
	v11 =	vld [tilespmem:s10+$0x2CE0]  }
.LBB2_9:
0x179: {  	s17 =	sshra.s32 s16, $0x2;
	p0 =	sne.s32 s16, $0x9800;
	[tilespmem:s10+$0x2C80] =	vst v13;
	v6 =	vmul.f32 v6, v8;
	v8 =	vld [tilespmem:s10+$0x2CF0]  }
0x17a: {  	v13 =	vld [tilespmem:s17+$0x7B00];
	[tilespmem:s10+$0x2C90] =	vst v12;
	v5 =	vmul.f32 v5, v7  }
0x17b: {  	v7 =	vld [tilespmem:s17+$0x7B10];
	[tilespmem:s10+$0x2CA0] =	vst v6;
	v4 =	vmul.f32 v4, v9  }
0x17c: {  	v9 =	vld [tilespmem:s17+$0x7B20];
	[tilespmem:s10+$0x2CB0] =	vst v5;
	v3 =	vmul.f32 v3, v10  }
0x17d: {  	v10 =	vld [tilespmem:s17+$0x7B30];
	[tilespmem:s10+$0x2CC0] =	vst v4;
	v2 =	vmul.f32 v2, v11  }
0x17e: {  	v11 =	vld [tilespmem:s17+$0x7B40];
	[tilespmem:s10+$0x2CD0] =	vst v3;
	v1 =	vmul.f32 v1, v8  }
0x17f: {  	v8 =	vld [tilespmem:s17+$0x7B50];
	[tilespmem:s10+$0x2CE0] =	vst v2  }
0x180: {  	v12 =	vld [tilespmem:s17+$0x7B60];
	[tilespmem:s10+$0x2CF0] =	vst v1;
	s10 =	smov.u32 s17  }
0x181: {  	v14 =	vld [tilespmem:s10+$0x7B70]  }
0x182: {  	v15 =	vld [tilespmem:s10+$0x7B80]  }
0x183: {  	v16 =	vld [tilespmem:s10+$0x7B90]  }
0x184: {  	v17 =	vld [tilespmem:s10+$0x7BA0]  }
0x185: {  	v18 =	vld [tilespmem:s10+$0x7BB0]  }
0x186: {  	v19 =	vld [tilespmem:s10+$0x7BC0]  }
0x187: {  	v20 =	vld [tilespmem:s10+$0x7BD0]  }
0x188: {  	v21 =	vld [tilespmem:s10+$0x7BE0]  }
0x189: {  	v22 =	vld [tilespmem:s10+$0x7BF0]  }
0x18a: {  	v23 =	vld [tilespmem:s10+$0x7C00]  }
0x18b: {  	v24 =	vld [tilespmem:s10+$0x7C10]  }
0x18c: {  	v25 =	vld [tilespmem:s10+$0x7C20]  }
0x18d: {  	v26 =	vld [tilespmem:s10+$0x7C30]  }
0x18e: {  	v27 =	vld [tilespmem:s10+$0x7C40]  }
0x18f: {  	v28 =	vld [tilespmem:s10+$0x7C50]  }
0x190: {  	v29 =	vld [tilespmem:s10+$0x7C60]  }
0x191: {  	v30 =	vld [tilespmem:s10+$0x7C70]  }
0x192: {  	v31 =	vld [tilespmem:s10+$0x7C80]  }
0x193: {  	v32 =	vld [tilespmem:s10+$0x7C90]  }
0x194: {  	v6 =	vld [tilespmem:s10+$0x7CA0]  }
0x195: {  	v5 =	vld [tilespmem:s10+$0x7CB0]  }
0x196: {  	v4 =	vld [tilespmem:s10+$0x7CC0]  }
0x197: {  	v3 =	vld [tilespmem:s10+$0x7CD0]  }
0x198: {  	v2 =	vld [tilespmem:s10+$0x7CE0]  }
0x199: {  	v1 =	vld [tilespmem:s10+$0x7CF0]  }
0x19a: {  	v33 =	vld [tilespmem:s10+$0x2B00]  }
0x19b: {  	v34 =	vld [tilespmem:s10+$0x2B10]  }
0x19c: {  	v35 =	vld [tilespmem:s10+$0x2B20]  }
0x19d: {  	v36 =	vld [tilespmem:s10+$0x2B30]  }
0x19e: {  	v37 =	vld [tilespmem:s10+$0x2B40]  }
0x19f: {  	v13 =	vmul.f32 v13, v33;
	v33 =	vld [tilespmem:s10+$0x2B50]  }
0x1a0: {  	v7 =	vmul.f32 v7, v34;
	v34 =	vld [tilespmem:s10+$0x2B60]  }
0x1a1: {  	[tilespmem:s10+$0x2B00] =	vst v13;
	v9 =	vmul.f32 v9, v35;
	v13 =	vld [tilespmem:s10+$0x2B70]  }
0x1a2: {  	[tilespmem:s10+$0x2B10] =	vst v7;
	v7 =	vmul.f32 v10, v36;
	v10 =	vld [tilespmem:s10+$0x2B80]  }
0x1a3: {  	[tilespmem:s10+$0x2B20] =	vst v9;
	v9 =	vmul.f32 v11, v37;
	v11 =	vld [tilespmem:s10+$0x2B90]  }
0x1a4: {  	[tilespmem:s10+$0x2B30] =	vst v7;
	v7 =	vmul.f32 v8, v33;
	v8 =	vld [tilespmem:s10+$0x2BA0]  }
0x1a5: {  	[tilespmem:s10+$0x2B40] =	vst v9;
	v9 =	vmul.f32 v12, v34;
	v12 =	vld [tilespmem:s10+$0x2BB0]  }
0x1a6: {  	[tilespmem:s10+$0x2B50] =	vst v7;
	v7 =	vmul.f32 v14, v13;
	v13 =	vld [tilespmem:s10+$0x2BC0]  }
0x1a7: {  	[tilespmem:s10+$0x2B60] =	vst v9;
	v9 =	vmul.f32 v15, v10;
	v10 =	vld [tilespmem:s10+$0x2BD0]  }
0x1a8: {  	[tilespmem:s10+$0x2B70] =	vst v7;
	v7 =	vmul.f32 v16, v11;
	v11 =	vld [tilespmem:s10+$0x2BE0]  }
0x1a9: {  	[tilespmem:s10+$0x2B80] =	vst v9;
	v8 =	vmul.f32 v17, v8;
	v9 =	vld [tilespmem:s10+$0x2BF0]  }
0x1aa: {  	[tilespmem:s10+$0x2B90] =	vst v7;
	v7 =	vmul.f32 v18, v12;
	v12 =	vld [tilespmem:s10+$0x2C00]  }
0x1ab: {  	[tilespmem:s10+$0x2BA0] =	vst v8;
	v8 =	vmul.f32 v19, v13;
	v13 =	vld [tilespmem:s10+$0x2C10]  }
0x1ac: {  	[tilespmem:s10+$0x2BB0] =	vst v7;
	v7 =	vmul.f32 v20, v10;
	v10 =	vld [tilespmem:s10+$0x2C20]  }
0x1ad: {  	[tilespmem:s10+$0x2BC0] =	vst v8;
	v8 =	vmul.f32 v21, v11;
	v11 =	vld [tilespmem:s10+$0x2C30]  }
0x1ae: {  	[tilespmem:s10+$0x2BD0] =	vst v7;
	v7 =	vmul.f32 v22, v9;
	v9 =	vld [tilespmem:s10+$0x2C40]  }
0x1af: {  	[tilespmem:s10+$0x2BE0] =	vst v8;
	v8 =	vmul.f32 v23, v12;
	v12 =	vld [tilespmem:s10+$0x2C50]  }
0x1b0: {  	[tilespmem:s10+$0x2BF0] =	vst v7;
	v7 =	vmul.f32 v24, v13;
	v13 =	vld [tilespmem:s10+$0x2C60]  }
0x1b1: {  	[tilespmem:s10+$0x2C00] =	vst v8;
	v8 =	vmul.f32 v25, v10;
	v10 =	vld [tilespmem:s10+$0x2C70]  }
0x1b2: {  	[tilespmem:s10+$0x2C10] =	vst v7;
	v7 =	vmul.f32 v26, v11;
	v11 =	vld [tilespmem:s10+$0x2C80]  }
0x1b3: {  	[tilespmem:s10+$0x2C20] =	vst v8;
	v9 =	vmul.f32 v27, v9;
	v14 =	vld [tilespmem:s10+$0x2C90]  }
.Ltmp3:
0x1b4: {  	[tilespmem:s10+$0x2C30] =	vst v7;
	v12 =	vmul.f32 v28, v12;
	v8 =	vld [tilespmem:s10+$0x2CA0];
	(pc) =	sbr.rel @p0 .LBB2_9-.Ltmp3, $4  }
0x1b5: {  	[tilespmem:s10+$0x2C40] =	vst v9;
	v13 =	vmul.f32 v29, v13;
	v7 =	vld [tilespmem:s10+$0x2CB0]  }
0x1b6: {  	[tilespmem:s10+$0x2C50] =	vst v12;
	v12 =	vmul.f32 v30, v10;
	v9 =	vld [tilespmem:s10+$0x2CC0]  }
0x1b7: {  	[tilespmem:s10+$0x2C60] =	vst v13;
	v13 =	vmul.f32 v31, v11;
	v10 =	vld [tilespmem:s10+$0x2CD0]  }
0x1b8: {  	s16 =	sadd.s32 $0x800, s16;
	[tilespmem:s10+$0x2C70] =	vst v12;
	v12 =	vmul.f32 v32, v14;
	v11 =	vld [tilespmem:s10+$0x2CE0]  }
0x1b9: {  	[tilespmem:s10+$0x2C80] =	vst v13;
	v6 =	vmul.f32 v6, v8;
	v8 =	vld [tilespmem:s10+$0x2CF0]  }
0x1ba: {  	[tilespmem:s10+$0x2C90] =	vst v12;
	v5 =	vmul.f32 v5, v7  }
0x1bb: {  	[tilespmem:s10+$0x2CA0] =	vst v6;
	v4 =	vmul.f32 v4, v9  }
0x1bc: {  	[tilespmem:s10+$0x2CB0] =	vst v5;
	v3 =	vmul.f32 v3, v10  }
0x1bd: {  	[tilespmem:s10+$0x2CC0] =	vst v4;
	v2 =	vmul.f32 v2, v11  }
0x1be: {  	[tilespmem:s10+$0x2CD0] =	vst v3;
	v1 =	vmul.f32 v1, v8  }
0x1bf: {  	[tilespmem:s10+$0x2CE0] =	vst v2  }
0x1c0: {  	[tilespmem:s10+$0x2CF0] =	vst v1  }
0x1c1: {  	[spmem:s3] =	stream.indirect.scatter.add.f32 [tilespmem:s30], [sflag:$0x3], $0x80, s20, s22, $0xb8;
	[tilespmem:$0x1E300] =	vst v63  }
0x1c2: {  	_ =	swait.ge [sflag:s28], $0x2800  }
0x1c3: {  	[sflag:s28] =	ssyncset.done $0x0  }
0x1c4: {  	[sflag:s28] =	ssyncadd.s32 $0xFFFFD800  }
0x1c5: {  	_ =	swait.ge [sflag:s28], $0x2800  }
0x1c6: {  	[sflag:s28] =	ssyncset.done $0x0  }
0x1c7: {  	[sflag:s28] =	ssyncadd.s32 $0xFFFFD800  }
0x1c8: {  	_ =	swait.ge [sflag:s9], $0x50  }
0x1c9: {  	[sflag:s9] =	ssyncset.done $0x0  }
0x1ca: {  	[sflag:s9] =	ssyncadd.s32 $0xFFFFFFB0  }
0x1cb: {  	_ =	swait.ge [sflag:s9], $0x50  }
0x1cc: {  	[sflag:s9] =	ssyncset.done $0x0  }
0x1cd: {  	[sflag:s9] =	ssyncadd.s32 $0xFFFFFFB0  }
0x1ce: {  	_ =	swait.ge [sflag:s31], $0x2800  }
0x1cf: {  	[sflag:s31] =	ssyncset.done $0x0  }
0x1d0: {  	s8 =	sshll.u32 s8, $0x4;
	[sflag:s31] =	ssyncadd.s32 $0xFFFFD800  }
0x1d1: {  	[tilespmem:s30], [sflag:$0x1] =	stream.indirect.gather [hbm4b:s1+s22], $0x80, s18, s22, $0xb8;
	[tilespmem:$0x1E300] =	vst v63  }
0x1d2: {  	s16 =	smin.u32 s13, $0x77;
	s8 =	sadd.s32 s5, s8;
	s10 =	simm.s32 $0x0  }
0x1d3: {  	[tilespmem:s0], [sflag:$0x1] =	stream.linear.gather [hbm4b:s8+s10], $0x2800, $0x38;
	[tilespmem:$0x1E300] =	vst v63  }
0x1d4: {  	s4 =	sadd.s32 s6, s4;
	s17 =	rddreg [dreg:$0x13];
	s8 =	smul.u32 $0x50, s16  }
0x1d5: {  	[tilespmem:s10], [sflag:$0x2] =	stream.linear.gather [hbm4b:s4+s10], $0x50, $0x38;
	[tilespmem:$0x1E300] =	vst v63  }
0x1d6: {  	s4 =	sadd.s32 s8, s17  }
0x1d7: {  	s4 =	sshrl.u32 s4, $0x3  }
0x1d8: {  	s8 =	simm.s32 $0x0;
	s23 =	sadd.s32 s7, s4  }
0x1d9: {  	[tilespmem:s20], [sflag:$0x2] =	stream.linear.gather [hbm4b:s23+s10], $0x50, $0x38;
	[tilespmem:$0x1E300] =	vst v63  }
0x1da: {  	v7 =	vld [tilespmem:s8+$0x5300]  }
0x1db: {  	v8 =	vld [tilespmem:s8+$0x5310]  }
0x1dc: {  	v9 =	vld [tilespmem:s8+$0x5320]  }
0x1dd: {  	v10 =	vld [tilespmem:s8+$0x5330]  }
0x1de: {  	v11 =	vld [tilespmem:s8+$0x5340]  }
0x1df: {  	v12 =	vld [tilespmem:s8+$0x5350]  }
0x1e0: {  	v13 =	vld [tilespmem:s8+$0x5360]  }
0x1e1: {  	v14 =	vld [tilespmem:s8+$0x5370]  }
0x1e2: {  	v15 =	vld [tilespmem:s8+$0x5380]  }
0x1e3: {  	v16 =	vld [tilespmem:s8+$0x5390]  }
0x1e4: {  	v17 =	vld [tilespmem:s8+$0x53A0]  }
0x1e5: {  	v18 =	vld [tilespmem:s8+$0x53B0]  }
0x1e6: {  	v19 =	vld [tilespmem:s8+$0x53C0]  }
0x1e7: {  	v20 =	vld [tilespmem:s8+$0x53D0]  }
0x1e8: {  	v21 =	vld [tilespmem:s8+$0x53E0]  }
0x1e9: {  	v22 =	vld [tilespmem:s8+$0x53F0]  }
0x1ea: {  	v23 =	vld [tilespmem:s8+$0x5400]  }
0x1eb: {  	v24 =	vld [tilespmem:s8+$0x5410]  }
0x1ec: {  	v25 =	vld [tilespmem:s8+$0x5420]  }
0x1ed: {  	v26 =	vld [tilespmem:s8+$0x5430]  }
0x1ee: {  	v27 =	vld [tilespmem:s8+$0x5440]  }
0x1ef: {  	v28 =	vld [tilespmem:s8+$0x5450]  }
0x1f0: {  	v29 =	vld [tilespmem:s8+$0x5460]  }
0x1f1: {  	v30 =	vld [tilespmem:s8+$0x5470]  }
0x1f2: {  	v31 =	vld [tilespmem:s8+$0x5480]  }
0x1f3: {  	v32 =	vld [tilespmem:s8+$0x5490]  }
0x1f4: {  	v6 =	vld [tilespmem:s8+$0x54A0]  }
0x1f5: {  	v5 =	vld [tilespmem:s8+$0x54B0]  }
0x1f6: {  	v4 =	vld [tilespmem:s8+$0x54C0]  }
0x1f7: {  	v3 =	vld [tilespmem:s8+$0x54D0]  }
0x1f8: {  	v2 =	vld [tilespmem:s8+$0x54E0]  }
0x1f9: {  	v33 =	vld [tilespmem:s8+$0x300]  }
0x1fa: {  	v34 =	vld [tilespmem:s8+$0x310]  }
0x1fb: {  	v35 =	vld [tilespmem:s8+$0x320]  }
0x1fc: {  	v36 =	vld [tilespmem:s8+$0x330]  }
0x1fd: {  	v37 =	vld [tilespmem:s8+$0x340]  }
0x1fe: {  	v63 =	vld [tilespmem:s8+$0x350];
	v7 =	vmul.f32 v7, v33  }
0x1ff: {  	v38 =	vld [tilespmem:s8+$0x360];
	v8 =	vmul.f32 v8, v34  }
0x200: {  	v9 =	vmul.f32 v9, v35;
	[tilespmem:s8+$0x300] =	vst v7;
	v7 =	vld [tilespmem:s8+$0x370]  }
0x201: {  	v10 =	vmul.f32 v10, v36;
	[tilespmem:s8+$0x310] =	vst v8;
	v8 =	vld [tilespmem:s8+$0x380]  }
0x202: {  	v11 =	vmul.f32 v11, v37;
	[tilespmem:s8+$0x320] =	vst v9;
	v9 =	vld [tilespmem:s8+$0x390]  }
0x203: {  	v12 =	vmul.f32 v12, v63;
	[tilespmem:s8+$0x330] =	vst v10;
	v10 =	vld [tilespmem:s8+$0x3A0]  }
0x204: {  	v13 =	vmul.f32 v13, v38;
	[tilespmem:s8+$0x340] =	vst v11;
	v11 =	vld [tilespmem:s8+$0x3B0]  }
0x205: {  	[tilespmem:s8+$0x350] =	vst v12;
	v12 =	vld [tilespmem:s8+$0x3C0];
	v7 =	vmul.f32 v14, v7  }
0x206: {  	[tilespmem:s8+$0x360] =	vst v13;
	v13 =	vld [tilespmem:s8+$0x3D0];
	v8 =	vmul.f32 v15, v8  }
0x207: {  	v9 =	vmul.f32 v16, v9;
	[tilespmem:s8+$0x370] =	vst v7;
	v7 =	vld [tilespmem:s8+$0x3E0]  }
0x208: {  	v10 =	vmul.f32 v17, v10;
	[tilespmem:s8+$0x380] =	vst v8;
	v8 =	vld [tilespmem:s8+$0x3F0]  }
0x209: {  	v11 =	vmul.f32 v18, v11;
	[tilespmem:s8+$0x390] =	vst v9;
	v9 =	vld [tilespmem:s8+$0x400]  }
0x20a: {  	v12 =	vmul.f32 v19, v12;
	[tilespmem:s8+$0x3A0] =	vst v10;
	v10 =	vld [tilespmem:s8+$0x410]  }
0x20b: {  	v13 =	vmul.f32 v20, v13;
	[tilespmem:s8+$0x3B0] =	vst v11;
	v11 =	vld [tilespmem:s8+$0x420]  }
0x20c: {  	[tilespmem:s8+$0x3C0] =	vst v12;
	v12 =	vld [tilespmem:s8+$0x430];
	v7 =	vmul.f32 v21, v7  }
0x20d: {  	[tilespmem:s8+$0x3D0] =	vst v13;
	v13 =	vld [tilespmem:s8+$0x440]  }
0x20e: {  	v8 =	vmul.f32 v22, v8;
	[tilespmem:s8+$0x3E0] =	vst v7;
	v7 =	vld [tilespmem:s8+$0x450]  }
0x20f: {  	v1 =	vld [tilespmem:s8+$0x54F0];
	v9 =	vmul.f32 v23, v9  }
0x210: {  	[tilespmem:s8+$0x3F0] =	vst v8;
	v8 =	vmul.f32 v24, v10;
	v10 =	vld [tilespmem:s8+$0x470]  }
0x211: {  	v14 =	vld [tilespmem:s8+$0x460];
	[tilespmem:s8+$0x400] =	vst v9;
	v9 =	vmul.f32 v25, v11  }
0x212: {  	v11 =	vld [tilespmem:s8+$0x480];
	[tilespmem:s8+$0x410] =	vst v8;
	v8 =	vmul.f32 v26, v12  }
0x213: {  	[tilespmem:s8+$0x420] =	vst v9;
	v12 =	vld [tilespmem:s8+$0x490];
	v9 =	vmul.f32 v27, v13;
	v13 =	vmul.f32 v28, v7  }
0x214: {  	[tilespmem:s8+$0x430] =	vst v8;
	v8 =	vld [tilespmem:s8+$0x4A0]  }
0x215: {  	v7 =	vld [tilespmem:s8+$0x4B0];
	[tilespmem:s8+$0x450] =	vst v13;
	v13 =	vmul.f32 v30, v10  }
0x216: {  	v14 =	vmul.f32 v29, v14;
	[tilespmem:s8+$0x440] =	vst v9;
	v9 =	vld [tilespmem:s8+$0x4C0]  }
0x217: {  	v10 =	vld [tilespmem:s8+$0x4D0];
	[tilespmem:s8+$0x470] =	vst v13;
	v13 =	vmul.f32 v31, v11  }
0x218: {  	s10 =	simm.s32 $0x800;
	[tilespmem:s8+$0x460] =	vst v14;
	v12 =	vmul.f32 v32, v12;
	v11 =	vld [tilespmem:s8+$0x4E0]  }
.LBB2_11:
0x219: {  	s16 =	sshra.s32 s10, $0x2;
	p0 =	sne.s32 s10, $0x9800;
	[tilespmem:s8+$0x480] =	vst v13;
	v6 =	vmul.f32 v6, v8;
	v8 =	vld [tilespmem:s8+$0x4F0]  }
0x21a: {  	v13 =	vld [tilespmem:s16+$0x5300];
	[tilespmem:s8+$0x490] =	vst v12;
	v5 =	vmul.f32 v5, v7  }
0x21b: {  	v7 =	vld [tilespmem:s16+$0x5310];
	[tilespmem:s8+$0x4A0] =	vst v6;
	v4 =	vmul.f32 v4, v9  }
0x21c: {  	v9 =	vld [tilespmem:s16+$0x5320];
	[tilespmem:s8+$0x4B0] =	vst v5;
	v3 =	vmul.f32 v3, v10  }
0x21d: {  	v10 =	vld [tilespmem:s16+$0x5330];
	[tilespmem:s8+$0x4C0] =	vst v4;
	v2 =	vmul.f32 v2, v11  }
0x21e: {  	v11 =	vld [tilespmem:s16+$0x5340];
	[tilespmem:s8+$0x4D0] =	vst v3;
	v1 =	vmul.f32 v1, v8  }
0x21f: {  	v8 =	vld [tilespmem:s16+$0x5350];
	[tilespmem:s8+$0x4E0] =	vst v2  }
0x220: {  	v12 =	vld [tilespmem:s16+$0x5360];
	[tilespmem:s8+$0x4F0] =	vst v1;
	s8 =	smov.u32 s16  }
0x221: {  	v14 =	vld [tilespmem:s8+$0x5370]  }
0x222: {  	v15 =	vld [tilespmem:s8+$0x5380]  }
0x223: {  	v16 =	vld [tilespmem:s8+$0x5390]  }
0x224: {  	v17 =	vld [tilespmem:s8+$0x53A0]  }
0x225: {  	v18 =	vld [tilespmem:s8+$0x53B0]  }
0x226: {  	v19 =	vld [tilespmem:s8+$0x53C0]  }
0x227: {  	v20 =	vld [tilespmem:s8+$0x53D0]  }
0x228: {  	v21 =	vld [tilespmem:s8+$0x53E0]  }
0x229: {  	v22 =	vld [tilespmem:s8+$0x53F0]  }
0x22a: {  	v23 =	vld [tilespmem:s8+$0x5400]  }
0x22b: {  	v24 =	vld [tilespmem:s8+$0x5410]  }
0x22c: {  	v25 =	vld [tilespmem:s8+$0x5420]  }
0x22d: {  	v26 =	vld [tilespmem:s8+$0x5430]  }
0x22e: {  	v27 =	vld [tilespmem:s8+$0x5440]  }
0x22f: {  	v28 =	vld [tilespmem:s8+$0x5450]  }
0x230: {  	v29 =	vld [tilespmem:s8+$0x5460]  }
0x231: {  	v30 =	vld [tilespmem:s8+$0x5470]  }
0x232: {  	v31 =	vld [tilespmem:s8+$0x5480]  }
0x233: {  	v32 =	vld [tilespmem:s8+$0x5490]  }
0x234: {  	v6 =	vld [tilespmem:s8+$0x54A0]  }
0x235: {  	v5 =	vld [tilespmem:s8+$0x54B0]  }
0x236: {  	v4 =	vld [tilespmem:s8+$0x54C0]  }
0x237: {  	v3 =	vld [tilespmem:s8+$0x54D0]  }
0x238: {  	v2 =	vld [tilespmem:s8+$0x54E0]  }
0x239: {  	v1 =	vld [tilespmem:s8+$0x54F0]  }
0x23a: {  	v33 =	vld [tilespmem:s8+$0x300]  }
0x23b: {  	v34 =	vld [tilespmem:s8+$0x310]  }
0x23c: {  	v35 =	vld [tilespmem:s8+$0x320]  }
0x23d: {  	v36 =	vld [tilespmem:s8+$0x330]  }
0x23e: {  	v37 =	vld [tilespmem:s8+$0x340]  }
0x23f: {  	v13 =	vmul.f32 v13, v33;
	v33 =	vld [tilespmem:s8+$0x350]  }
0x240: {  	v7 =	vmul.f32 v7, v34;
	v34 =	vld [tilespmem:s8+$0x360]  }
0x241: {  	[tilespmem:s8+$0x300] =	vst v13;
	v9 =	vmul.f32 v9, v35;
	v13 =	vld [tilespmem:s8+$0x370]  }
0x242: {  	[tilespmem:s8+$0x310] =	vst v7;
	v7 =	vmul.f32 v10, v36;
	v10 =	vld [tilespmem:s8+$0x380]  }
0x243: {  	[tilespmem:s8+$0x320] =	vst v9;
	v9 =	vmul.f32 v11, v37;
	v11 =	vld [tilespmem:s8+$0x390]  }
0x244: {  	[tilespmem:s8+$0x330] =	vst v7;
	v7 =	vmul.f32 v8, v33;
	v8 =	vld [tilespmem:s8+$0x3A0]  }
0x245: {  	[tilespmem:s8+$0x340] =	vst v9;
	v9 =	vmul.f32 v12, v34;
	v12 =	vld [tilespmem:s8+$0x3B0]  }
0x246: {  	[tilespmem:s8+$0x350] =	vst v7;
	v7 =	vmul.f32 v14, v13;
	v13 =	vld [tilespmem:s8+$0x3C0]  }
0x247: {  	[tilespmem:s8+$0x360] =	vst v9;
	v9 =	vmul.f32 v15, v10;
	v10 =	vld [tilespmem:s8+$0x3D0]  }
0x248: {  	[tilespmem:s8+$0x370] =	vst v7;
	v7 =	vmul.f32 v16, v11;
	v11 =	vld [tilespmem:s8+$0x3E0]  }
0x249: {  	[tilespmem:s8+$0x380] =	vst v9;
	v8 =	vmul.f32 v17, v8;
	v9 =	vld [tilespmem:s8+$0x3F0]  }
0x24a: {  	[tilespmem:s8+$0x390] =	vst v7;
	v7 =	vmul.f32 v18, v12;
	v12 =	vld [tilespmem:s8+$0x400]  }
0x24b: {  	[tilespmem:s8+$0x3A0] =	vst v8;
	v8 =	vmul.f32 v19, v13;
	v13 =	vld [tilespmem:s8+$0x410]  }
0x24c: {  	[tilespmem:s8+$0x3B0] =	vst v7;
	v7 =	vmul.f32 v20, v10;
	v10 =	vld [tilespmem:s8+$0x420]  }
0x24d: {  	[tilespmem:s8+$0x3C0] =	vst v8;
	v8 =	vmul.f32 v21, v11;
	v11 =	vld [tilespmem:s8+$0x430]  }
0x24e: {  	[tilespmem:s8+$0x3D0] =	vst v7;
	v7 =	vmul.f32 v22, v9;
	v9 =	vld [tilespmem:s8+$0x440]  }
0x24f: {  	[tilespmem:s8+$0x3E0] =	vst v8;
	v8 =	vmul.f32 v23, v12;
	v12 =	vld [tilespmem:s8+$0x450]  }
0x250: {  	[tilespmem:s8+$0x3F0] =	vst v7;
	v7 =	vmul.f32 v24, v13;
	v13 =	vld [tilespmem:s8+$0x460]  }
0x251: {  	[tilespmem:s8+$0x400] =	vst v8;
	v8 =	vmul.f32 v25, v10;
	v10 =	vld [tilespmem:s8+$0x470]  }
0x252: {  	[tilespmem:s8+$0x410] =	vst v7;
	v7 =	vmul.f32 v26, v11;
	v11 =	vld [tilespmem:s8+$0x480]  }
0x253: {  	[tilespmem:s8+$0x420] =	vst v8;
	v9 =	vmul.f32 v27, v9;
	v14 =	vld [tilespmem:s8+$0x490]  }
.Ltmp4:
0x254: {  	[tilespmem:s8+$0x430] =	vst v7;
	v12 =	vmul.f32 v28, v12;
	v8 =	vld [tilespmem:s8+$0x4A0];
	(pc) =	sbr.rel @p0 .LBB2_11-.Ltmp4, $4  }
0x255: {  	[tilespmem:s8+$0x440] =	vst v9;
	v13 =	vmul.f32 v29, v13;
	v7 =	vld [tilespmem:s8+$0x4B0]  }
0x256: {  	[tilespmem:s8+$0x450] =	vst v12;
	v12 =	vmul.f32 v30, v10;
	v9 =	vld [tilespmem:s8+$0x4C0]  }
0x257: {  	[tilespmem:s8+$0x460] =	vst v13;
	v13 =	vmul.f32 v31, v11;
	v10 =	vld [tilespmem:s8+$0x4D0]  }
0x258: {  	s10 =	sadd.s32 $0x800, s10;
	[tilespmem:s8+$0x470] =	vst v12;
	v12 =	vmul.f32 v32, v14;
	v11 =	vld [tilespmem:s8+$0x4E0]  }
0x259: {  	[tilespmem:s8+$0x480] =	vst v13;
	v6 =	vmul.f32 v6, v8;
	v8 =	vld [tilespmem:s8+$0x4F0]  }
0x25a: {  	[tilespmem:s8+$0x490] =	vst v12;
	v5 =	vmul.f32 v5, v7  }
0x25b: {  	[tilespmem:s8+$0x4A0] =	vst v6;
	v4 =	vmul.f32 v4, v9  }
0x25c: {  	[tilespmem:s8+$0x4B0] =	vst v5;
	v3 =	vmul.f32 v3, v10  }
0x25d: {  	[tilespmem:s8+$0x4C0] =	vst v4;
	v2 =	vmul.f32 v2, v11  }
0x25e: {  	[tilespmem:s8+$0x4D0] =	vst v3;
	v1 =	vmul.f32 v1, v8  }
0x25f: {  	[tilespmem:s8+$0x4E0] =	vst v2  }
0x260: {  	[tilespmem:s8+$0x4F0] =	vst v1  }
0x261: {  	[spmem:s3] =	stream.indirect.scatter.add.f32 [tilespmem:s15], [sflag:$0x3], $0x80, s21, s22, $0xb8;
	[tilespmem:$0x1E300] =	vst v63  }
0x262: {  	_ =	swait.ge [sflag:s28], $0x2800  }
0x263: {  	[sflag:s28] =	ssyncset.done $0x0  }
0x264: {  	[sflag:s28] =	ssyncadd.s32 $0xFFFFD800  }
0x265: {  	_ =	swait.ge [sflag:s28], $0x2800  }
0x266: {  	[sflag:s28] =	ssyncset.done $0x0  }
0x267: {  	[sflag:s28] =	ssyncadd.s32 $0xFFFFD800  }
0x268: {  	_ =	swait.ge [sflag:s9], $0x50  }
0x269: {  	[sflag:s9] =	ssyncset.done $0x0  }
0x26a: {  	[sflag:s9] =	ssyncadd.s32 $0xFFFFFFB0  }
0x26b: {  	_ =	swait.ge [sflag:s9], $0x50  }
0x26c: {  	[sflag:s9] =	ssyncset.done $0x0  }
0x26d: {  	[sflag:s9] =	ssyncadd.s32 $0xFFFFFFB0  }
0x26e: {  	_ =	swait.ge [sflag:s31], $0x2800  }
0x26f: {  	[sflag:s31] =	ssyncset.done $0x0  }
0x270: {  	s16 =	simm.s32 $0x0;
	s10 =	sshll.u32 s14, $0x4;
	[sflag:s31] =	ssyncadd.s32 $0xFFFFD800  }
0x271: {  	[tilespmem:s15], [sflag:$0x1] =	stream.indirect.gather [hbm4b:s1+s22], $0x80, s16, s22, $0xb8;
	[tilespmem:$0x1E300] =	vst v63  }
0x272: {  	s17 =	smin.u32 s13, $0x76;
	s10 =	sadd.s32 s5, s10  }
0x273: {  	[tilespmem:s29], [sflag:$0x1] =	stream.linear.gather [hbm4b:s10+s16], $0x2800, $0x38;
	[tilespmem:$0x1E300] =	vst v63  }
0x274: {  	s4 =	sadd.s32 s6, s4;
	s23 =	rddreg [dreg:$0x14];
	s10 =	smul.u32 $0x50, s17  }
0x275: {  	[tilespmem:s18], [sflag:$0x2] =	stream.linear.gather [hbm4b:s4+s16], $0x50, $0x38;
	[tilespmem:$0x1E300] =	vst v63  }
0x276: {  	s4 =	sadd.s32 s10, s23  }
0x277: {  	s4 =	sshrl.u32 s4, $0x3  }
0x278: {  	s4 =	sadd.s32 s7, s4  }
0x279: {  	[tilespmem:s21], [sflag:$0x2] =	stream.linear.gather [hbm4b:s4+s16], $0x50, $0x38;
	[tilespmem:$0x1E300] =	vst v63  }
0x27a: {  	s4 =	simm.s32 $0x0  }
0x27b: {  	v7 =	vld [tilespmem:s4+$0x7B00]  }
0x27c: {  	v8 =	vld [tilespmem:s4+$0x7B10]  }
0x27d: {  	v9 =	vld [tilespmem:s4+$0x7B20]  }
0x27e: {  	v10 =	vld [tilespmem:s4+$0x7B30]  }
0x27f: {  	v11 =	vld [tilespmem:s4+$0x7B40]  }
0x280: {  	v12 =	vld [tilespmem:s4+$0x7B50]  }
0x281: {  	v13 =	vld [tilespmem:s4+$0x7B60]  }
0x282: {  	v14 =	vld [tilespmem:s4+$0x7B70]  }
0x283: {  	v15 =	vld [tilespmem:s4+$0x7B80]  }
0x284: {  	v16 =	vld [tilespmem:s4+$0x7B90]  }
0x285: {  	v17 =	vld [tilespmem:s4+$0x7BA0]  }
0x286: {  	v18 =	vld [tilespmem:s4+$0x7BB0]  }
0x287: {  	v19 =	vld [tilespmem:s4+$0x7BC0]  }
0x288: {  	v20 =	vld [tilespmem:s4+$0x7BD0]  }
0x289: {  	v21 =	vld [tilespmem:s4+$0x7BE0]  }
0x28a: {  	v22 =	vld [tilespmem:s4+$0x7BF0]  }
0x28b: {  	v23 =	vld [tilespmem:s4+$0x7C00]  }
0x28c: {  	v24 =	vld [tilespmem:s4+$0x7C10]  }
0x28d: {  	v25 =	vld [tilespmem:s4+$0x7C20]  }
0x28e: {  	v26 =	vld [tilespmem:s4+$0x7C30]  }
0x28f: {  	v27 =	vld [tilespmem:s4+$0x7C40]  }
0x290: {  	v28 =	vld [tilespmem:s4+$0x7C50]  }
0x291: {  	v29 =	vld [tilespmem:s4+$0x7C60]  }
0x292: {  	v30 =	vld [tilespmem:s4+$0x7C70]  }
0x293: {  	v31 =	vld [tilespmem:s4+$0x7C80]  }
0x294: {  	v32 =	vld [tilespmem:s4+$0x7C90]  }
0x295: {  	v6 =	vld [tilespmem:s4+$0x7CA0]  }
0x296: {  	v5 =	vld [tilespmem:s4+$0x7CB0]  }
0x297: {  	v4 =	vld [tilespmem:s4+$0x7CC0]  }
0x298: {  	v3 =	vld [tilespmem:s4+$0x7CD0]  }
0x299: {  	v2 =	vld [tilespmem:s4+$0x7CE0]  }
0x29a: {  	v33 =	vld [tilespmem:s4+$0x2B00]  }
0x29b: {  	v34 =	vld [tilespmem:s4+$0x2B10]  }
0x29c: {  	v35 =	vld [tilespmem:s4+$0x2B20]  }
0x29d: {  	v36 =	vld [tilespmem:s4+$0x2B30]  }
0x29e: {  	v37 =	vld [tilespmem:s4+$0x2B40]  }
0x29f: {  	v63 =	vld [tilespmem:s4+$0x2B50];
	v7 =	vmul.f32 v7, v33  }
0x2a0: {  	v38 =	vld [tilespmem:s4+$0x2B60];
	v8 =	vmul.f32 v8, v34  }
0x2a1: {  	v9 =	vmul.f32 v9, v35;
	[tilespmem:s4+$0x2B00] =	vst v7;
	v7 =	vld [tilespmem:s4+$0x2B70]  }
0x2a2: {  	v10 =	vmul.f32 v10, v36;
	[tilespmem:s4+$0x2B10] =	vst v8;
	v8 =	vld [tilespmem:s4+$0x2B80]  }
0x2a3: {  	v11 =	vmul.f32 v11, v37;
	[tilespmem:s4+$0x2B20] =	vst v9;
	v9 =	vld [tilespmem:s4+$0x2B90]  }
0x2a4: {  	v12 =	vmul.f32 v12, v63;
	[tilespmem:s4+$0x2B30] =	vst v10;
	v10 =	vld [tilespmem:s4+$0x2BA0]  }
0x2a5: {  	v13 =	vmul.f32 v13, v38;
	[tilespmem:s4+$0x2B40] =	vst v11;
	v11 =	vld [tilespmem:s4+$0x2BB0]  }
0x2a6: {  	[tilespmem:s4+$0x2B50] =	vst v12;
	v12 =	vld [tilespmem:s4+$0x2BC0];
	v7 =	vmul.f32 v14, v7  }
0x2a7: {  	[tilespmem:s4+$0x2B60] =	vst v13;
	v13 =	vld [tilespmem:s4+$0x2BD0];
	v8 =	vmul.f32 v15, v8  }
0x2a8: {  	v9 =	vmul.f32 v16, v9;
	[tilespmem:s4+$0x2B70] =	vst v7;
	v7 =	vld [tilespmem:s4+$0x2BE0]  }
0x2a9: {  	v10 =	vmul.f32 v17, v10;
	[tilespmem:s4+$0x2B80] =	vst v8;
	v8 =	vld [tilespmem:s4+$0x2BF0]  }
0x2aa: {  	v11 =	vmul.f32 v18, v11;
	[tilespmem:s4+$0x2B90] =	vst v9;
	v9 =	vld [tilespmem:s4+$0x2C00]  }
0x2ab: {  	v12 =	vmul.f32 v19, v12;
	[tilespmem:s4+$0x2BA0] =	vst v10;
	v10 =	vld [tilespmem:s4+$0x2C10]  }
0x2ac: {  	v13 =	vmul.f32 v20, v13;
	[tilespmem:s4+$0x2BB0] =	vst v11;
	v11 =	vld [tilespmem:s4+$0x2C20]  }
0x2ad: {  	[tilespmem:s4+$0x2BC0] =	vst v12;
	v12 =	vld [tilespmem:s4+$0x2C30];
	v7 =	vmul.f32 v21, v7  }
0x2ae: {  	[tilespmem:s4+$0x2BD0] =	vst v13;
	v13 =	vld [tilespmem:s4+$0x2C40]  }
0x2af: {  	v8 =	vmul.f32 v22, v8;
	[tilespmem:s4+$0x2BE0] =	vst v7;
	v7 =	vld [tilespmem:s4+$0x2C50]  }
0x2b0: {  	v1 =	vld [tilespmem:s4+$0x7CF0];
	v9 =	vmul.f32 v23, v9  }
0x2b1: {  	[tilespmem:s4+$0x2BF0] =	vst v8;
	v8 =	vmul.f32 v24, v10;
	v10 =	vld [tilespmem:s4+$0x2C70]  }
0x2b2: {  	v14 =	vld [tilespmem:s4+$0x2C60];
	[tilespmem:s4+$0x2C00] =	vst v9;
	v9 =	vmul.f32 v25, v11  }
0x2b3: {  	v11 =	vld [tilespmem:s4+$0x2C80];
	[tilespmem:s4+$0x2C10] =	vst v8;
	v8 =	vmul.f32 v26, v12  }
0x2b4: {  	[tilespmem:s4+$0x2C20] =	vst v9;
	v12 =	vld [tilespmem:s4+$0x2C90];
	v9 =	vmul.f32 v27, v13;
	v13 =	vmul.f32 v28, v7  }
0x2b5: {  	[tilespmem:s4+$0x2C30] =	vst v8;
	v8 =	vld [tilespmem:s4+$0x2CA0]  }
0x2b6: {  	v7 =	vld [tilespmem:s4+$0x2CB0];
	[tilespmem:s4+$0x2C50] =	vst v13;
	v13 =	vmul.f32 v30, v10  }
0x2b7: {  	v14 =	vmul.f32 v29, v14;
	[tilespmem:s4+$0x2C40] =	vst v9;
	v9 =	vld [tilespmem:s4+$0x2CC0]  }
0x2b8: {  	v10 =	vld [tilespmem:s4+$0x2CD0];
	[tilespmem:s4+$0x2C70] =	vst v13;
	v13 =	vmul.f32 v31, v11  }
0x2b9: {  	s8 =	simm.s32 $0x800;
	[tilespmem:s4+$0x2C60] =	vst v14;
	v12 =	vmul.f32 v32, v12;
	v11 =	vld [tilespmem:s4+$0x2CE0]  }
.LBB2_13:
0x2ba: {  	s10 =	sshra.s32 s8, $0x2;
	p0 =	sne.s32 s8, $0x9800;
	[tilespmem:s4+$0x2C80] =	vst v13;
	v6 =	vmul.f32 v6, v8;
	v8 =	vld [tilespmem:s4+$0x2CF0]  }
0x2bb: {  	v13 =	vld [tilespmem:s10+$0x7B00];
	[tilespmem:s4+$0x2C90] =	vst v12;
	v5 =	vmul.f32 v5, v7  }
0x2bc: {  	v7 =	vld [tilespmem:s10+$0x7B10];
	[tilespmem:s4+$0x2CA0] =	vst v6;
	v4 =	vmul.f32 v4, v9  }
0x2bd: {  	v9 =	vld [tilespmem:s10+$0x7B20];
	[tilespmem:s4+$0x2CB0] =	vst v5;
	v3 =	vmul.f32 v3, v10  }
0x2be: {  	v10 =	vld [tilespmem:s10+$0x7B30];
	[tilespmem:s4+$0x2CC0] =	vst v4;
	v2 =	vmul.f32 v2, v11  }
0x2bf: {  	v11 =	vld [tilespmem:s10+$0x7B40];
	[tilespmem:s4+$0x2CD0] =	vst v3;
	v1 =	vmul.f32 v1, v8  }
0x2c0: {  	v8 =	vld [tilespmem:s10+$0x7B50];
	[tilespmem:s4+$0x2CE0] =	vst v2  }
0x2c1: {  	v12 =	vld [tilespmem:s10+$0x7B60];
	[tilespmem:s4+$0x2CF0] =	vst v1;
	s4 =	smov.u32 s10  }
0x2c2: {  	v14 =	vld [tilespmem:s4+$0x7B70]  }
0x2c3: {  	v15 =	vld [tilespmem:s4+$0x7B80]  }
0x2c4: {  	v16 =	vld [tilespmem:s4+$0x7B90]  }
0x2c5: {  	v17 =	vld [tilespmem:s4+$0x7BA0]  }
0x2c6: {  	v18 =	vld [tilespmem:s4+$0x7BB0]  }
0x2c7: {  	v19 =	vld [tilespmem:s4+$0x7BC0]  }
0x2c8: {  	v20 =	vld [tilespmem:s4+$0x7BD0]  }
0x2c9: {  	v21 =	vld [tilespmem:s4+$0x7BE0]  }
0x2ca: {  	v22 =	vld [tilespmem:s4+$0x7BF0]  }
0x2cb: {  	v23 =	vld [tilespmem:s4+$0x7C00]  }
0x2cc: {  	v24 =	vld [tilespmem:s4+$0x7C10]  }
0x2cd: {  	v25 =	vld [tilespmem:s4+$0x7C20]  }
0x2ce: {  	v26 =	vld [tilespmem:s4+$0x7C30]  }
0x2cf: {  	v27 =	vld [tilespmem:s4+$0x7C40]  }
0x2d0: {  	v28 =	vld [tilespmem:s4+$0x7C50]  }
0x2d1: {  	v29 =	vld [tilespmem:s4+$0x7C60]  }
0x2d2: {  	v30 =	vld [tilespmem:s4+$0x7C70]  }
0x2d3: {  	v31 =	vld [tilespmem:s4+$0x7C80]  }
0x2d4: {  	v32 =	vld [tilespmem:s4+$0x7C90]  }
0x2d5: {  	v6 =	vld [tilespmem:s4+$0x7CA0]  }
0x2d6: {  	v5 =	vld [tilespmem:s4+$0x7CB0]  }
0x2d7: {  	v4 =	vld [tilespmem:s4+$0x7CC0]  }
0x2d8: {  	v3 =	vld [tilespmem:s4+$0x7CD0]  }
0x2d9: {  	v2 =	vld [tilespmem:s4+$0x7CE0]  }
0x2da: {  	v1 =	vld [tilespmem:s4+$0x7CF0]  }
0x2db: {  	v33 =	vld [tilespmem:s4+$0x2B00]  }
0x2dc: {  	v34 =	vld [tilespmem:s4+$0x2B10]  }
0x2dd: {  	v35 =	vld [tilespmem:s4+$0x2B20]  }
0x2de: {  	v36 =	vld [tilespmem:s4+$0x2B30]  }
0x2df: {  	v37 =	vld [tilespmem:s4+$0x2B40]  }
0x2e0: {  	v13 =	vmul.f32 v13, v33;
	v33 =	vld [tilespmem:s4+$0x2B50]  }
0x2e1: {  	v7 =	vmul.f32 v7, v34;
	v34 =	vld [tilespmem:s4+$0x2B60]  }
0x2e2: {  	[tilespmem:s4+$0x2B00] =	vst v13;
	v9 =	vmul.f32 v9, v35;
	v13 =	vld [tilespmem:s4+$0x2B70]  }
0x2e3: {  	[tilespmem:s4+$0x2B10] =	vst v7;
	v7 =	vmul.f32 v10, v36;
	v10 =	vld [tilespmem:s4+$0x2B80]  }
0x2e4: {  	[tilespmem:s4+$0x2B20] =	vst v9;
	v9 =	vmul.f32 v11, v37;
	v11 =	vld [tilespmem:s4+$0x2B90]  }
0x2e5: {  	[tilespmem:s4+$0x2B30] =	vst v7;
	v7 =	vmul.f32 v8, v33;
	v8 =	vld [tilespmem:s4+$0x2BA0]  }
0x2e6: {  	[tilespmem:s4+$0x2B40] =	vst v9;
	v9 =	vmul.f32 v12, v34;
	v12 =	vld [tilespmem:s4+$0x2BB0]  }
0x2e7: {  	[tilespmem:s4+$0x2B50] =	vst v7;
	v7 =	vmul.f32 v14, v13;
	v13 =	vld [tilespmem:s4+$0x2BC0]  }
0x2e8: {  	[tilespmem:s4+$0x2B60] =	vst v9;
	v9 =	vmul.f32 v15, v10;
	v10 =	vld [tilespmem:s4+$0x2BD0]  }
0x2e9: {  	[tilespmem:s4+$0x2B70] =	vst v7;
	v7 =	vmul.f32 v16, v11;
	v11 =	vld [tilespmem:s4+$0x2BE0]  }
0x2ea: {  	[tilespmem:s4+$0x2B80] =	vst v9;
	v8 =	vmul.f32 v17, v8;
	v9 =	vld [tilespmem:s4+$0x2BF0]  }
0x2eb: {  	[tilespmem:s4+$0x2B90] =	vst v7;
	v7 =	vmul.f32 v18, v12;
	v12 =	vld [tilespmem:s4+$0x2C00]  }
0x2ec: {  	[tilespmem:s4+$0x2BA0] =	vst v8;
	v8 =	vmul.f32 v19, v13;
	v13 =	vld [tilespmem:s4+$0x2C10]  }
0x2ed: {  	[tilespmem:s4+$0x2BB0] =	vst v7;
	v7 =	vmul.f32 v20, v10;
	v10 =	vld [tilespmem:s4+$0x2C20]  }
0x2ee: {  	[tilespmem:s4+$0x2BC0] =	vst v8;
	v8 =	vmul.f32 v21, v11;
	v11 =	vld [tilespmem:s4+$0x2C30]  }
0x2ef: {  	[tilespmem:s4+$0x2BD0] =	vst v7;
	v7 =	vmul.f32 v22, v9;
	v9 =	vld [tilespmem:s4+$0x2C40]  }
0x2f0: {  	[tilespmem:s4+$0x2BE0] =	vst v8;
	v8 =	vmul.f32 v23, v12;
	v12 =	vld [tilespmem:s4+$0x2C50]  }
0x2f1: {  	[tilespmem:s4+$0x2BF0] =	vst v7;
	v7 =	vmul.f32 v24, v13;
	v13 =	vld [tilespmem:s4+$0x2C60]  }
0x2f2: {  	[tilespmem:s4+$0x2C00] =	vst v8;
	v8 =	vmul.f32 v25, v10;
	v10 =	vld [tilespmem:s4+$0x2C70]  }
0x2f3: {  	[tilespmem:s4+$0x2C10] =	vst v7;
	v7 =	vmul.f32 v26, v11;
	v11 =	vld [tilespmem:s4+$0x2C80]  }
0x2f4: {  	[tilespmem:s4+$0x2C20] =	vst v8;
	v9 =	vmul.f32 v27, v9;
	v14 =	vld [tilespmem:s4+$0x2C90]  }
.Ltmp5:
0x2f5: {  	[tilespmem:s4+$0x2C30] =	vst v7;
	v12 =	vmul.f32 v28, v12;
	v8 =	vld [tilespmem:s4+$0x2CA0];
	(pc) =	sbr.rel @p0 .LBB2_13-.Ltmp5, $4  }
0x2f6: {  	[tilespmem:s4+$0x2C40] =	vst v9;
	v13 =	vmul.f32 v29, v13;
	v7 =	vld [tilespmem:s4+$0x2CB0]  }
0x2f7: {  	[tilespmem:s4+$0x2C50] =	vst v12;
	v12 =	vmul.f32 v30, v10;
	v9 =	vld [tilespmem:s4+$0x2CC0]  }
0x2f8: {  	[tilespmem:s4+$0x2C60] =	vst v13;
	v13 =	vmul.f32 v31, v11;
	v10 =	vld [tilespmem:s4+$0x2CD0]  }
0x2f9: {  	s8 =	sadd.s32 $0x800, s8;
	[tilespmem:s4+$0x2C70] =	vst v12;
	v12 =	vmul.f32 v32, v14;
	v11 =	vld [tilespmem:s4+$0x2CE0]  }
0x2fa: {  	[tilespmem:s4+$0x2C80] =	vst v13;
	v6 =	vmul.f32 v6, v8;
	v63 =	vld [tilespmem:s4+$0x2CF0]  }
0x2fb: {  	[tilespmem:s4+$0x2C90] =	vst v12;
	v5 =	vmul.f32 v5, v7  }
0x2fc: {  	[tilespmem:s4+$0x2CA0] =	vst v6;
	v4 =	vmul.f32 v4, v9  }
0x2fd: {  	[tilespmem:s4+$0x2CB0] =	vst v5;
	v3 =	vmul.f32 v3, v10  }
0x2fe: {  	[tilespmem:s4+$0x2CC0] =	vst v4;
	v2 =	vmul.f32 v2, v11  }
0x2ff: {  	[tilespmem:s4+$0x2CD0] =	vst v3;
	v1 =	vmul.f32 v1, v63  }
0x300: {  	[tilespmem:s4+$0x2CE0] =	vst v2  }
0x301: {  	[tilespmem:s4+$0x2CF0] =	vst v1  }
0x302: {  	[spmem:s3] =	stream.indirect.scatter.add.f32 [tilespmem:s30], [sflag:$0x3], $0x80, s2, s22, $0xb8;
	[tilespmem:$0x1E300] =	vst v63  }
0x303: {  	_ =	swait.ge [sflag:s28], $0x2800  }
0x304: {  	[sflag:s28] =	ssyncset.done $0x0  }
0x305: {  	[sflag:s28] =	ssyncadd.s32 $0xFFFFD800  }
0x306: {  	_ =	swait.ge [sflag:s28], $0x2800  }
0x307: {  	[sflag:s28] =	ssyncset.done $0x0  }
0x308: {  	s12 =	sadd.s32 $0x1, s12;
	[sflag:s28] =	ssyncadd.s32 $0xFFFFD800  }
0x309: {  	p0 =	sne.s32 s12, $0x1F;
	_ =	swait.ge [sflag:s9], $0x50  }
.Ltmp6:
0x30a: {  	[sflag:s9] =	ssyncset.done $0x0;
	(pc) =	sbr.rel @p0 .LBB2_6-.Ltmp6, $4  }
0x30b: {  	[sflag:s9] =	ssyncadd.s32 $0xFFFFFFB0  }
0x30c: {  	_ =	swait.ge [sflag:s9], $0x50  }
0x30d: {  	[sflag:s9] =	ssyncset.done $0x0  }
0x30e: {  	[sflag:s9] =	ssyncadd.s32 $0xFFFFFFB0  }
0x30f: {  	_ =	swait.ge [sflag:s31], $0x2800  }
0x310: {  	[sflag:s31] =	ssyncset.done $0x0  }
0x311: {  	s4 =	simm.s32 $0x0;
	[sflag:s31] =	ssyncadd.s32 $0xFFFFD800  }
0x312: {  	v7 =	vld [tilespmem:s4+$0x5300]  }
0x313: {  	v8 =	vld [tilespmem:s4+$0x5310]  }
0x314: {  	v9 =	vld [tilespmem:s4+$0x5320]  }
0x315: {  	v10 =	vld [tilespmem:s4+$0x5330]  }
0x316: {  	v11 =	vld [tilespmem:s4+$0x5340]  }
0x317: {  	v12 =	vld [tilespmem:s4+$0x5350]  }
0x318: {  	v13 =	vld [tilespmem:s4+$0x5360]  }
0x319: {  	v14 =	vld [tilespmem:s4+$0x5370]  }
0x31a: {  	v15 =	vld [tilespmem:s4+$0x5380]  }
0x31b: {  	v16 =	vld [tilespmem:s4+$0x5390]  }
0x31c: {  	v17 =	vld [tilespmem:s4+$0x53A0]  }
0x31d: {  	v18 =	vld [tilespmem:s4+$0x53B0]  }
0x31e: {  	v19 =	vld [tilespmem:s4+$0x53C0]  }
0x31f: {  	v20 =	vld [tilespmem:s4+$0x53D0]  }
0x320: {  	v21 =	vld [tilespmem:s4+$0x53E0]  }
0x321: {  	v22 =	vld [tilespmem:s4+$0x53F0]  }
0x322: {  	v23 =	vld [tilespmem:s4+$0x5400]  }
0x323: {  	v24 =	vld [tilespmem:s4+$0x5410]  }
0x324: {  	v25 =	vld [tilespmem:s4+$0x5420]  }
0x325: {  	v26 =	vld [tilespmem:s4+$0x5430]  }
0x326: {  	v27 =	vld [tilespmem:s4+$0x5440]  }
0x327: {  	v28 =	vld [tilespmem:s4+$0x5450]  }
0x328: {  	v29 =	vld [tilespmem:s4+$0x5460]  }
0x329: {  	v30 =	vld [tilespmem:s4+$0x5470]  }
0x32a: {  	v31 =	vld [tilespmem:s4+$0x5480]  }
0x32b: {  	v32 =	vld [tilespmem:s4+$0x5490]  }
0x32c: {  	v6 =	vld [tilespmem:s4+$0x54A0]  }
0x32d: {  	v5 =	vld [tilespmem:s4+$0x54B0]  }
0x32e: {  	v4 =	vld [tilespmem:s4+$0x54C0]  }
0x32f: {  	v3 =	vld [tilespmem:s4+$0x54D0]  }
0x330: {  	v2 =	vld [tilespmem:s4+$0x54E0]  }
0x331: {  	v33 =	vld [tilespmem:s4+$0x300]  }
0x332: {  	v34 =	vld [tilespmem:s4+$0x310]  }
0x333: {  	v35 =	vld [tilespmem:s4+$0x320]  }
0x334: {  	v36 =	vld [tilespmem:s4+$0x330]  }
0x335: {  	v37 =	vld [tilespmem:s4+$0x340]  }
0x336: {  	v63 =	vld [tilespmem:s4+$0x350];
	v7 =	vmul.f32 v7, v33  }
0x337: {  	v38 =	vld [tilespmem:s4+$0x360];
	v8 =	vmul.f32 v8, v34  }
0x338: {  	v9 =	vmul.f32 v9, v35;
	[tilespmem:s4+$0x300] =	vst v7;
	v7 =	vld [tilespmem:s4+$0x370]  }
0x339: {  	v10 =	vmul.f32 v10, v36;
	[tilespmem:s4+$0x310] =	vst v8;
	v8 =	vld [tilespmem:s4+$0x380]  }
0x33a: {  	v11 =	vmul.f32 v11, v37;
	[tilespmem:s4+$0x320] =	vst v9;
	v9 =	vld [tilespmem:s4+$0x390]  }
0x33b: {  	v12 =	vmul.f32 v12, v63;
	[tilespmem:s4+$0x330] =	vst v10;
	v10 =	vld [tilespmem:s4+$0x3A0]  }
0x33c: {  	v13 =	vmul.f32 v13, v38;
	[tilespmem:s4+$0x340] =	vst v11;
	v11 =	vld [tilespmem:s4+$0x3B0]  }
0x33d: {  	[tilespmem:s4+$0x350] =	vst v12;
	v12 =	vld [tilespmem:s4+$0x3C0];
	v7 =	vmul.f32 v14, v7  }
0x33e: {  	[tilespmem:s4+$0x360] =	vst v13;
	v13 =	vld [tilespmem:s4+$0x3D0];
	v8 =	vmul.f32 v15, v8  }
0x33f: {  	v9 =	vmul.f32 v16, v9;
	[tilespmem:s4+$0x370] =	vst v7;
	v7 =	vld [tilespmem:s4+$0x3E0]  }
0x340: {  	v10 =	vmul.f32 v17, v10;
	[tilespmem:s4+$0x380] =	vst v8;
	v8 =	vld [tilespmem:s4+$0x3F0]  }
0x341: {  	v11 =	vmul.f32 v18, v11;
	[tilespmem:s4+$0x390] =	vst v9;
	v9 =	vld [tilespmem:s4+$0x400]  }
0x342: {  	v12 =	vmul.f32 v19, v12;
	[tilespmem:s4+$0x3A0] =	vst v10;
	v10 =	vld [tilespmem:s4+$0x410]  }
0x343: {  	v13 =	vmul.f32 v20, v13;
	[tilespmem:s4+$0x3B0] =	vst v11;
	v11 =	vld [tilespmem:s4+$0x420]  }
0x344: {  	[tilespmem:s4+$0x3C0] =	vst v12;
	v12 =	vld [tilespmem:s4+$0x430];
	v7 =	vmul.f32 v21, v7  }
0x345: {  	[tilespmem:s4+$0x3D0] =	vst v13;
	v13 =	vld [tilespmem:s4+$0x440]  }
0x346: {  	v8 =	vmul.f32 v22, v8;
	[tilespmem:s4+$0x3E0] =	vst v7;
	v7 =	vld [tilespmem:s4+$0x450]  }
0x347: {  	v1 =	vld [tilespmem:s4+$0x54F0];
	v9 =	vmul.f32 v23, v9  }
0x348: {  	[tilespmem:s4+$0x3F0] =	vst v8;
	v8 =	vmul.f32 v24, v10;
	v10 =	vld [tilespmem:s4+$0x470]  }
0x349: {  	v14 =	vld [tilespmem:s4+$0x460];
	[tilespmem:s4+$0x400] =	vst v9;
	v9 =	vmul.f32 v25, v11  }
0x34a: {  	v11 =	vld [tilespmem:s4+$0x480];
	[tilespmem:s4+$0x410] =	vst v8;
	v8 =	vmul.f32 v26, v12  }
0x34b: {  	[tilespmem:s4+$0x420] =	vst v9;
	v12 =	vld [tilespmem:s4+$0x490];
	v9 =	vmul.f32 v27, v13;
	v13 =	vmul.f32 v28, v7  }
0x34c: {  	[tilespmem:s4+$0x430] =	vst v8;
	v8 =	vld [tilespmem:s4+$0x4A0]  }
0x34d: {  	v7 =	vld [tilespmem:s4+$0x4B0];
	[tilespmem:s4+$0x450] =	vst v13;
	v13 =	vmul.f32 v30, v10  }
0x34e: {  	v14 =	vmul.f32 v29, v14;
	[tilespmem:s4+$0x440] =	vst v9;
	v9 =	vld [tilespmem:s4+$0x4C0]  }
0x34f: {  	v10 =	vld [tilespmem:s4+$0x4D0];
	[tilespmem:s4+$0x470] =	vst v13;
	v13 =	vmul.f32 v31, v11  }
0x350: {  	s8 =	simm.s32 $0x800;
	[tilespmem:s4+$0x460] =	vst v14;
	v12 =	vmul.f32 v32, v12;
	v11 =	vld [tilespmem:s4+$0x4E0]  }
.LBB2_16:
0x351: {  	s10 =	sshra.s32 s8, $0x2;
	p0 =	sne.s32 s8, $0x9800;
	[tilespmem:s4+$0x480] =	vst v13;
	v6 =	vmul.f32 v6, v8;
	v8 =	vld [tilespmem:s4+$0x4F0]  }
0x352: {  	v13 =	vld [tilespmem:s10+$0x5300];
	[tilespmem:s4+$0x490] =	vst v12;
	v5 =	vmul.f32 v5, v7  }
0x353: {  	v7 =	vld [tilespmem:s10+$0x5310];
	[tilespmem:s4+$0x4A0] =	vst v6;
	v4 =	vmul.f32 v4, v9  }
0x354: {  	v9 =	vld [tilespmem:s10+$0x5320];
	[tilespmem:s4+$0x4B0] =	vst v5;
	v3 =	vmul.f32 v3, v10  }
0x355: {  	v10 =	vld [tilespmem:s10+$0x5330];
	[tilespmem:s4+$0x4C0] =	vst v4;
	v2 =	vmul.f32 v2, v11  }
0x356: {  	v11 =	vld [tilespmem:s10+$0x5340];
	[tilespmem:s4+$0x4D0] =	vst v3;
	v1 =	vmul.f32 v1, v8  }
0x357: {  	v8 =	vld [tilespmem:s10+$0x5350];
	[tilespmem:s4+$0x4E0] =	vst v2  }
0x358: {  	v12 =	vld [tilespmem:s10+$0x5360];
	[tilespmem:s4+$0x4F0] =	vst v1;
	s4 =	smov.u32 s10  }
0x359: {  	v14 =	vld [tilespmem:s4+$0x5370]  }
0x35a: {  	v15 =	vld [tilespmem:s4+$0x5380]  }
0x35b: {  	v16 =	vld [tilespmem:s4+$0x5390]  }
0x35c: {  	v17 =	vld [tilespmem:s4+$0x53A0]  }
0x35d: {  	v18 =	vld [tilespmem:s4+$0x53B0]  }
0x35e: {  	v19 =	vld [tilespmem:s4+$0x53C0]  }
0x35f: {  	v20 =	vld [tilespmem:s4+$0x53D0]  }
0x360: {  	v21 =	vld [tilespmem:s4+$0x53E0]  }
0x361: {  	v22 =	vld [tilespmem:s4+$0x53F0]  }
0x362: {  	v23 =	vld [tilespmem:s4+$0x5400]  }
0x363: {  	v24 =	vld [tilespmem:s4+$0x5410]  }
0x364: {  	v25 =	vld [tilespmem:s4+$0x5420]  }
0x365: {  	v26 =	vld [tilespmem:s4+$0x5430]  }
0x366: {  	v27 =	vld [tilespmem:s4+$0x5440]  }
0x367: {  	v28 =	vld [tilespmem:s4+$0x5450]  }
0x368: {  	v29 =	vld [tilespmem:s4+$0x5460]  }
0x369: {  	v30 =	vld [tilespmem:s4+$0x5470]  }
0x36a: {  	v31 =	vld [tilespmem:s4+$0x5480]  }
0x36b: {  	v32 =	vld [tilespmem:s4+$0x5490]  }
0x36c: {  	v6 =	vld [tilespmem:s4+$0x54A0]  }
0x36d: {  	v5 =	vld [tilespmem:s4+$0x54B0]  }
0x36e: {  	v4 =	vld [tilespmem:s4+$0x54C0]  }
0x36f: {  	v3 =	vld [tilespmem:s4+$0x54D0]  }
0x370: {  	v2 =	vld [tilespmem:s4+$0x54E0]  }
0x371: {  	v1 =	vld [tilespmem:s4+$0x54F0]  }
0x372: {  	v33 =	vld [tilespmem:s4+$0x300]  }
0x373: {  	v34 =	vld [tilespmem:s4+$0x310]  }
0x374: {  	v35 =	vld [tilespmem:s4+$0x320]  }
0x375: {  	v36 =	vld [tilespmem:s4+$0x330]  }
0x376: {  	v37 =	vld [tilespmem:s4+$0x340]  }
0x377: {  	v13 =	vmul.f32 v13, v33;
	v33 =	vld [tilespmem:s4+$0x350]  }
0x378: {  	v7 =	vmul.f32 v7, v34;
	v34 =	vld [tilespmem:s4+$0x360]  }
0x379: {  	[tilespmem:s4+$0x300] =	vst v13;
	v9 =	vmul.f32 v9, v35;
	v13 =	vld [tilespmem:s4+$0x370]  }
0x37a: {  	[tilespmem:s4+$0x310] =	vst v7;
	v7 =	vmul.f32 v10, v36;
	v10 =	vld [tilespmem:s4+$0x380]  }
0x37b: {  	[tilespmem:s4+$0x320] =	vst v9;
	v9 =	vmul.f32 v11, v37;
	v11 =	vld [tilespmem:s4+$0x390]  }
0x37c: {  	[tilespmem:s4+$0x330] =	vst v7;
	v7 =	vmul.f32 v8, v33;
	v8 =	vld [tilespmem:s4+$0x3A0]  }
0x37d: {  	[tilespmem:s4+$0x340] =	vst v9;
	v9 =	vmul.f32 v12, v34;
	v12 =	vld [tilespmem:s4+$0x3B0]  }
0x37e: {  	[tilespmem:s4+$0x350] =	vst v7;
	v7 =	vmul.f32 v14, v13;
	v13 =	vld [tilespmem:s4+$0x3C0]  }
0x37f: {  	[tilespmem:s4+$0x360] =	vst v9;
	v9 =	vmul.f32 v15, v10;
	v10 =	vld [tilespmem:s4+$0x3D0]  }
0x380: {  	[tilespmem:s4+$0x370] =	vst v7;
	v7 =	vmul.f32 v16, v11;
	v11 =	vld [tilespmem:s4+$0x3E0]  }
0x381: {  	[tilespmem:s4+$0x380] =	vst v9;
	v8 =	vmul.f32 v17, v8;
	v9 =	vld [tilespmem:s4+$0x3F0]  }
0x382: {  	[tilespmem:s4+$0x390] =	vst v7;
	v7 =	vmul.f32 v18, v12;
	v12 =	vld [tilespmem:s4+$0x400]  }
0x383: {  	[tilespmem:s4+$0x3A0] =	vst v8;
	v8 =	vmul.f32 v19, v13;
	v13 =	vld [tilespmem:s4+$0x410]  }
0x384: {  	[tilespmem:s4+$0x3B0] =	vst v7;
	v7 =	vmul.f32 v20, v10;
	v10 =	vld [tilespmem:s4+$0x420]  }
0x385: {  	[tilespmem:s4+$0x3C0] =	vst v8;
	v8 =	vmul.f32 v21, v11;
	v11 =	vld [tilespmem:s4+$0x430]  }
0x386: {  	[tilespmem:s4+$0x3D0] =	vst v7;
	v7 =	vmul.f32 v22, v9;
	v9 =	vld [tilespmem:s4+$0x440]  }
0x387: {  	[tilespmem:s4+$0x3E0] =	vst v8;
	v8 =	vmul.f32 v23, v12;
	v12 =	vld [tilespmem:s4+$0x450]  }
0x388: {  	[tilespmem:s4+$0x3F0] =	vst v7;
	v7 =	vmul.f32 v24, v13;
	v13 =	vld [tilespmem:s4+$0x460]  }
0x389: {  	[tilespmem:s4+$0x400] =	vst v8;
	v8 =	vmul.f32 v25, v10;
	v10 =	vld [tilespmem:s4+$0x470]  }
0x38a: {  	[tilespmem:s4+$0x410] =	vst v7;
	v7 =	vmul.f32 v26, v11;
	v11 =	vld [tilespmem:s4+$0x480]  }
0x38b: {  	[tilespmem:s4+$0x420] =	vst v8;
	v9 =	vmul.f32 v27, v9;
	v14 =	vld [tilespmem:s4+$0x490]  }
.Ltmp7:
0x38c: {  	[tilespmem:s4+$0x430] =	vst v7;
	v12 =	vmul.f32 v28, v12;
	v8 =	vld [tilespmem:s4+$0x4A0];
	(pc) =	sbr.rel @p0 .LBB2_16-.Ltmp7, $4  }
0x38d: {  	[tilespmem:s4+$0x440] =	vst v9;
	v13 =	vmul.f32 v29, v13;
	v7 =	vld [tilespmem:s4+$0x4B0]  }
0x38e: {  	[tilespmem:s4+$0x450] =	vst v12;
	v12 =	vmul.f32 v30, v10;
	v9 =	vld [tilespmem:s4+$0x4C0]  }
0x38f: {  	[tilespmem:s4+$0x460] =	vst v13;
	v13 =	vmul.f32 v31, v11;
	v10 =	vld [tilespmem:s4+$0x4D0]  }
0x390: {  	s8 =	sadd.s32 $0x800, s8;
	[tilespmem:s4+$0x470] =	vst v12;
	v12 =	vmul.f32 v32, v14;
	v11 =	vld [tilespmem:s4+$0x4E0]  }
0x391: {  	[tilespmem:s4+$0x480] =	vst v13;
	v6 =	vmul.f32 v6, v8;
	v63 =	vld [tilespmem:s4+$0x4F0]  }
0x392: {  	[tilespmem:s4+$0x490] =	vst v12;
	v5 =	vmul.f32 v5, v7  }
0x393: {  	[tilespmem:s4+$0x4A0] =	vst v6;
	v4 =	vmul.f32 v4, v9  }
0x394: {  	[tilespmem:s4+$0x4B0] =	vst v5;
	v3 =	vmul.f32 v3, v10  }
0x395: {  	[tilespmem:s4+$0x4C0] =	vst v4;
	v2 =	vmul.f32 v2, v11  }
0x396: {  	[tilespmem:s4+$0x4D0] =	vst v3;
	v1 =	vmul.f32 v1, v63  }
0x397: {  	[tilespmem:s4+$0x4E0] =	vst v2  }
0x398: {  	[tilespmem:s4+$0x4F0] =	vst v1  }
0x399: {  	[spmem:s3] =	stream.indirect.scatter.add.f32 [tilespmem:s15], [sflag:$0x3], $0x80, s19, s22, $0xb8;
	[tilespmem:$0x1E300] =	vst v63  }
0x39a: {  	_ =	swait.ge [sflag:s31], $0x2800  }
0x39b: {  	[sflag:s31] =	ssyncset.done $0x0  }
0x39c: {  	[sflag:s31] =	ssyncadd.s32 $0xFFFFD800  }
0x39d: {  	s13 =	stileid.u32;
	[bflag:$0x0] =	sbarrier.arrive $0xFFFF  }
0x39e: {  	s12 =	simm.s32 $0x4;
	s4 =	sshll.u32 s13, $0x6;
	s8 =	rddreg [dreg:$0x5]  }
0x39f: {  	s4 =	sor.u32 $0x1C04, s4;
	s10 =	rddreg [dreg:$0x9];
	s8 =	sshrl.u32 s8, $0x3  }
0x3a0: {  	[hbm:s10], [sflag:s4] =	dma.local [spmem:s8], $0x800  }
0x3a1: {  	_ =	swait.ge [sflag:s12], $0x800  }
0x3a2: {  	[sflag:s12] =	ssyncset.done $0x0;
	s14 =	rddreg [dreg:$0xa]  }
0x3a3: {  	s16 =	rddreg [dreg:$0x15];
	[sflag:s12] =	ssyncadd.s32 $0xFFFFF800  }
0x3a4: {  	[hbm:s14], [sflag:s4] =	dma.local [spmem:s16], $0x800  }
0x3a5: {  	_ =	swait.ge [sflag:s12], $0x800  }
0x3a6: {  	[sflag:s12] =	ssyncset.done $0x0;
	s17 =	rddreg [dreg:$0xb]  }
0x3a7: {  	s23 =	rddreg [dreg:$0x16];
	[sflag:s12] =	ssyncadd.s32 $0xFFFFF800  }
0x3a8: {  	[hbm:s17], [sflag:s4] =	dma.local [spmem:s23], $0x800  }
0x3a9: {  	_ =	swait.ge [sflag:s12], $0x800  }
0x3aa: {  	[sflag:s12] =	ssyncset.done $0x0;
	s10 =	rddreg [dreg:$0xc]  }
0x3ab: {  	s13 =	rddreg [dreg:$0x17];
	[sflag:s12] =	ssyncadd.s32 $0xFFFFF800  }
0x3ac: {  	[hbm:s10], [sflag:s4] =	dma.local [spmem:s13], $0x800  }
0x3ad: {  	_ =	swait.ge [sflag:s12], $0x800  }
0x3ae: {  	[sflag:s12] =	ssyncset.done $0x0;
	s14 =	rddreg [dreg:$0xd]  }
0x3af: {  	s16 =	rddreg [dreg:$0x18];
	[sflag:s12] =	ssyncadd.s32 $0xFFFFF800  }
0x3b0: {  	[hbm:s14], [sflag:s4] =	dma.local [spmem:s16], $0x800  }
0x3b1: {  	_ =	swait.ge [sflag:s12], $0x800  }
0x3b2: {  	s17 =	rddreg [dreg:$0x4]  }
0x3b3: {  	s23 =	rddreg [dreg:$0x12];
	s4 =	sadd.s32 $0x1, s17  }
0x3b4: {  	p0 =	sne.s32 s4, s23  }
.Ltmp8:
0x3b5: {  	_ = 	snop;
	(pc) =	sbr.rel @p0 .LBB2_1-.Ltmp8, $3  }
0x3b6: {  	_ =	sdelay $0x1  }
0x3b7: {  	[sflag:s12] =	ssyncset.done $0x0  }
0x3b8: {  	[sflag:s12] =	ssyncadd.s32 $0xFFFFF800;
	[dreg:$0x4] =	wrdreg s4  }
0x3b9: {  	_ =	sfence.sel $0x180000  }
0x3ba: {  	[bflag:$0x0] =	sbarrier.arrive $0xFFFF  }
0x3bb: {  	_ =	strace $0x9000004A  }
0x3bc: {  	s0 =	stileid.u32;
	[bflag:$0x2] =	sbarrier.arrive $0xFFFF  }
0x3bd: {  	p0 =	sne.s32 s0, $0x0;
	s0 =	rddreg [dreg:$0x3]  }
0x3be: {  	s0 =	sadd.s32 @!p0 $0x100000, s0  }
0x3bf: {  	[sflag:s0] =	ssyncadd.tile.s32 @!p0 $0x1;
	_ =	shalt  }
.Lfunc_end2:
_tile_overlayer_lowered:
.L_overlay_start_2:
0x3c0: {  	(tag) =	ssettag $0x2  }
0x3c1: {  	s0 =	rddreg [dreg:$0x0];
	s2 =	stileid.u32  }
0x3c2: {  	s1 =	rddreg [dreg:$0x1];
	p0 =	sne.s32 s2, $0x0  }
0x3c3: {  	s3 =	rddreg [dreg:$0x2];
	[bflag:$0x3] =	sbarrier.arrive $0xFFFF;
	s2 =	simm.s32 @!p0 $0x1C04  }
0x3c4: {  	[timem:s3], [sflag:s2] =	dma.local @!p0 [hbm:s0], s1  }
0x3c5: {  	s0 =	simm.s32 @!p0 $0x4  }
0x3c6: {  	_ =	swait.ge @!p0 [sflag:s0], s1  }
0x3c7: {  	s1 =	ssub.s32 @!p0 $0x0, s1;
	[sflag:s0] =	ssyncset.done @!p0 $0x0  }
0x3c8: {  	[sflag:s0] =	ssyncadd.s32 @!p0 s1  }
0x3c9: {  	[bflag:$0x3] =	sbarrier.arrive $0xFFFF  }
0x3ca: {  	_ =	shalt  }

// kernel: kernel.7.cloned.1.call-start
scs
__scs_entry_jumppad:
0x0: {  	(pc) =	sbr.rel $0x88, $3  }
0x1: {  	(tag) =	ssettag $0x0;
	lr =	simm.s32 $0x1  }
0x2: {  	[smem:$0x3F9A] =	sst lr;
	_ =	strace $0xD0000000  }
0x3: {  	_ = 	snop  }
0x4: {  	_ = 	snop  }
0x5: {  	_ = 	snop  }
0x6: {  	_ = 	snop  }
0x7: {  	_ = 	snop  }
__scs_overlays_trampoline_lowered:
0x8: {  	[smem:$0x3FA9] =	sst s0  }
0x9: {  	[smem:$0x3FAA] =	sst s1  }
0xa: {  	[smem:$0x3FAB] =	sst s2  }
0xb: {  	[smem:$0x3FAC] =	sst s3  }
0xc: {  	[smem:$0x3FAD] =	sst s4  }
0xd: {  	[smem:$0x3FAE] =	sst s5  }
0xe: {  	[smem:$0x3FAF] =	sst s6  }
0xf: {  	[smem:$0x3FB0] =	sst s7  }
0x10: {  	[smem:$0x3FB1] =	sst s8  }
0x11: {  	[smem:$0x3FB2] =	sst s9;
	s0 =	simm.s32 @!p0 $0x0  }
0x12: {  	s1 =	sld [smem:$0x3F98];
	s0 =	simm.s32 @p0 $0x1  }
0x13: {  	[smem:$0x3FB3] =	sst s0;
	s0 =	simm.s32 @!p1 $0x0  }
0x14: {  	s2 =	sld [smem:$0x3F97];
	s0 =	simm.s32 @p1 $0x1  }
0x15: {  	[smem:$0x3FB4] =	sst s0;
	s0 =	simm.s32 @!p2 $0x0  }
0x16: {  	s3 =	sld [smem:$0x3FDB];
	s0 =	simm.s32 @p2 $0x1  }
0x17: {  	s4 =	simm.s32 $0x1BF5;
	[smem:$0x3FB6] =	sst s0  }
0x18: {  	s0 =	sld [smem:$0x3F99];
	_ =	swait.ge [sflag:s4], $0x0  }
0x19: {  	s7 =	sld [smem:$0x3F9A]  }
0x1a: {  	s8 =	sadd.s32 $0xFFFFE003, lr  }
0x1b: {  	s9 =	sadd.s32 $0xFFFFFEF7, lr;
	s5 =	simm.s32 $0xFFFFFFFF;
	p2 =	slt.u32 s8, $0xFFFFF086  }
0x1c: {  	p1 =	slt.u32 s9, $0xF7A;
	s5 =	simm.s32 @!p2 $0x0  }
0x1d: {  	s5 =	simm.s32 @p1 $0x1;
	p0 =	seq.s32 s7, s2  }
0x1e: {  	s7 =	smul.u32 @!p0 $0xF7A, s2;
	p2 =	seq.s32 @!p0 s5, $0x0  }
0x1f: {  	s9 =	smul.u32 $0xF7A, s1;
	s8 =	simm.s32 @!p0 $0x1BF5;
	p2 =	por !p2, p0  }
0x20: {  	[sflag:s8] =	ssyncset.s32 @!p0 $0xFFFFF086;
	s6 =	sadd.s32 @!p0 s3, s7;
	s7 =	simm.s32 @!p0 $0x108  }
0x21: {  	s3 =	sadd.s32 s3, s9;
	s6 =	sadd.s32 @!p0 $0x88, s6;
	s7 =	simm.s32 @p2 $0x1082  }
0x22: {  	[simem:s7], [sflag:s8] =	dma.local @!p0 [hbm:s6], $0xF7A  }
0x23: {  	s9 =	sor.u32 $0xD0000000, s2;
	s6 =	simm.s32 $0x108;
	_ =	swait.ge @!p0 [sflag:s8], $0x0  }
0x24: {  	s3 =	sadd.s32 $0x88, s3;
	s6 =	simm.s32 @!p1 $0x1082;
	[sflag:s4] =	ssyncset.s32 $0xFFFFF086  }
0x25: {  	[simem:s6], [sflag:s4] =	dma.local [hbm:s3], $0xF7A  }
0x26: {  	[smem:$0x3F9A] =	sst s1;
	(tag) =	ssettag s2;
	_ =	strace s9  }
0x27: {  	s1 =	sld [smem:$0x3FAA]  }
0x28: {  	s2 =	sld [smem:$0x3FAB]  }
0x29: {  	s4 =	sld [smem:$0x3FAD]  }
0x2a: {  	p0 =	seq.s32 s5, $0x0;
	s5 =	sld [smem:$0x3FAE]  }
0x2b: {  	s6 =	sld [smem:$0x3FAF]  }
0x2c: {  	s7 =	sld [smem:$0x3FB0]  }
0x2d: {  	s3 =	simm.s32 $0x108;
	s8 =	sld [smem:$0x3FB1]  }
0x2e: {  	s3 =	simm.s32 @!p0 $0x1082;
	s9 =	sld [smem:$0x3FB2]  }
0x2f: {  	lr =	sadd.s32 s0, s3;
	s0 =	sld [smem:$0x3FA9]  }
0x30: {  	s3 =	sld [smem:$0x3FAC]  }
0x31: {  	[smem:$0x3FB5] =	sst s10  }
0x32: {  	s10 =	sld [smem:$0x3FB3];
	_ =	sdelay $0x3  }
0x33: {  	p0 =	seq.s32 s10, $0x1;
	s10 =	sld [smem:$0x3FB5];
	_ =	sdelay $0x3  }
0x34: {  	[smem:$0x3FB5] =	sst s10  }
0x35: {  	s10 =	sld [smem:$0x3FB4];
	_ =	sdelay $0x3  }
0x36: {  	p1 =	seq.s32 s10, $0x1;
	s10 =	sld [smem:$0x3FB5];
	_ =	sdelay $0x3  }
0x37: {  	[smem:$0x3FB5] =	sst s10  }
0x38: {  	s10 =	sld [smem:$0x3FB6]  }
0x39: {  	_ = 	snop;
	(pc) =	sbr.ind lr, $3  }
0x3a: {  	_ = 	snop  }
0x3b: {  	_ = 	snop  }
0x3c: {  	p2 =	seq.s32 s10, $0x1;
	s10 =	sld [smem:$0x3FB5]  }
0x3d: {  	_ =	shalt  }
0x3e: {  	_ =	shalt  }
0x3f: {  	_ =	shalt  }
0x40: {  	_ =	shalt  }
0x41: {  	_ =	shalt  }
0x42: {  	_ =	shalt  }
0x43: {  	_ =	shalt  }
0x44: {  	_ =	shalt  }
0x45: {  	_ =	shalt  }
0x46: {  	_ =	shalt  }
0x47: {  	_ =	shalt  }
0x48: {  	_ =	shalt  }
0x49: {  	_ =	shalt  }
0x4a: {  	_ =	shalt  }
0x4b: {  	_ =	shalt  }
0x4c: {  	_ =	shalt  }
0x4d: {  	_ =	shalt  }
0x4e: {  	_ =	shalt  }
0x4f: {  	_ =	shalt  }
0x50: {  	_ =	shalt  }
0x51: {  	_ =	shalt  }
0x52: {  	_ =	shalt  }
0x53: {  	_ =	shalt  }
0x54: {  	_ =	shalt  }
0x55: {  	_ =	shalt  }
0x56: {  	_ =	shalt  }
0x57: {  	_ =	shalt  }
0x58: {  	_ =	shalt  }
0x59: {  	_ =	shalt  }
0x5a: {  	_ =	shalt  }
0x5b: {  	_ =	shalt  }
0x5c: {  	_ =	shalt  }
0x5d: {  	_ =	shalt  }
0x5e: {  	_ =	shalt  }
0x5f: {  	_ =	shalt  }
0x60: {  	_ =	shalt  }
0x61: {  	_ =	shalt  }
0x62: {  	_ =	shalt  }
0x63: {  	_ =	shalt  }
0x64: {  	_ =	shalt  }
0x65: {  	_ =	shalt  }
0x66: {  	_ =	shalt  }
0x67: {  	_ =	shalt  }
0x68: {  	_ =	shalt  }
0x69: {  	_ =	shalt  }
0x6a: {  	_ =	shalt  }
0x6b: {  	_ =	shalt  }
0x6c: {  	_ =	shalt  }
0x6d: {  	_ =	shalt  }
0x6e: {  	_ =	shalt  }
0x6f: {  	_ =	shalt  }
0x70: {  	_ =	shalt  }
0x71: {  	_ =	shalt  }
0x72: {  	_ =	shalt  }
0x73: {  	_ =	shalt  }
0x74: {  	_ =	shalt  }
0x75: {  	_ =	shalt  }
0x76: {  	_ =	shalt  }
0x77: {  	_ =	shalt  }
0x78: {  	_ =	shalt  }
0x79: {  	_ =	shalt  }
0x7a: {  	_ =	shalt  }
0x7b: {  	_ =	shalt  }
0x7c: {  	_ =	shalt  }
0x7d: {  	_ =	shalt  }
0x7e: {  	_ =	shalt  }
0x7f: {  	_ =	shalt  }
0x80: {  	_ =	shalt  }
0x81: {  	_ =	shalt  }
0x82: {  	_ =	shalt  }
0x83: {  	_ =	shalt  }
0x84: {  	_ =	shalt  }
0x85: {  	_ =	shalt  }
0x86: {  	_ =	shalt  }
0x87: {  	_ =	shalt  }
.Lfunc_end0:
.L_simem_size_0:
called_computation_lowered:
.L_overlay_start_0:
0x88: {  	s2 =	sld [smem:$0x3FD9]  }
0x89: {  	s3 =	sld [smem:$0x3FFE];
	_ =	sdelay $0x1  }
0x8a: {  	s1 =	srdreg.scid  }
0x8b: {  	s0 =	sand.u32 $0x1, s1  }
0x8c: {  	s17 =	sshll.u32 s0, $0xA;
	s2 =	sadd.s32 s3, s2  }
0x8d: {  	s2 =	sadd.s32 s2, s17  }
0x8e: {  	[smem:$0x3FC1] =	sst s2  }
0x8f: {  	_ = 	snop  }
0x90: {  	s2 =	sld [smem:$0x3FD0];
	(tm) =	ssettm $0x1  }
0x91: {  	s18 =	sld [smem:$0x3FFB];
	_ =	sdelay $0x3  }
0x92: {  	_ =	strace s18  }
0x93: {  	s3 =	sld [smem:$0x3FFC];
	_ =	sdelay $0x3  }
0x94: {  	_ =	strace s3  }
0x95: {  	s3 =	sld [smem:$0x3FFD];
	_ =	sdelay $0x3  }
0x96: {  	_ =	strace s3  }
0x97: {  	_ =	strace $0x8FFFFFFF  }
0x98: {  	s19 =	sld [smem:$0x3FDB];
	_ =	sdelay $0x1  }
0x99: {  	s4 =	simm.s32 $_scs_section_size  }
0x9a: {  	s5 =	simm.s32 $_size__tile_overlayer_lowered;
	s6 =	simm.s32 $_tile_overlayer_lowered  }
0x9b: {  	s22 =	simm.s32 $0x1BFF;
	s21 =	sshll.u32 s6, $0x1;
	s3 =	sadd.s32 s4, s19  }
0x9c: {  	s7 =	simm.s32 $0x0;
	s20 =	sshll.u32 s5, $0x1;
	s5 =	sadd.s32 s21, s3  }
0x9d: {  	[timem:s7], [sflag:s22] =	dma.local [hbm:s5], s20  }
0x9e: {  	_ =	swait.ge [sflag:s22], s20  }
0x9f: {  	s4 =	ssub.s32 $0x0, s20;
	[sflag:s22] =	ssyncset.done $0x0  }
0xa0: {  	[sflag:s22] =	ssyncadd.s32 s4;
	_ =	sdelay $0x1  }
0xa1: {  	s23 =	simm.s32 $0x1B8B  }
0xa2: {  	_ =	swait.ge [sflag:s23], $0x1  }
0xa3: {  	[sflag:s23] =	ssyncset.done $0x0  }
0xa4: {  	s25 =	simm.s32 $0x1B8E;
	s24 =	sld [smem:$0x3FFE];
	[sflag:s23] =	ssyncadd.s32 $0xFFFFFFFF  }
0xa5: {  	s26 =	simm.s32 $execute0_lowered;
	[smem:$0x3FD2] =	sst s25  }
0xa6: {  	s5 =	sshll.u32 s26, $0x1;
	_ =	strace $0x80000046;
	[dreg:$0x1] =	wrdreg $0xFFFFFFFF  }
0xa7: {  	s28 =	simm.s32 $_size_execute0_lowered;
	s3 =	sadd.s32 s3, s5;
	[dreg:$0x0] =	wrdreg $0x0  }
0xa8: {  	s5 =	sshll.u32 s28, $0x1;
	[dreg:$0x2] =	wrdreg s3  }
0xa9: {  	[dreg:$0x3] =	wrdreg s5  }
0xaa: {  	[dreg:$0x4] =	wrdreg $0xC0  }
0xab: {  	_ =	task [dreg:s7], $0x5FFFF  }
0xac: {  	[dreg:$0x1] =	wrdreg $0xFFFFFFFF  }
0xad: {  	[dreg:$0x0] =	wrdreg $0x60  }
0xae: {  	[dreg:$0x2] =	wrdreg s24  }
0xaf: {  	[dreg:$0x3] =	wrdreg s2  }
0xb0: {  	[dreg:$0x4] =	wrdreg $0x54800  }
0xb1: {  	[dreg:$0x5] =	wrdreg $0x9  }
0xb2: {  	_ =	task.clear_ibuf [dreg:s7], $0x6FFFF;
	_ =	strace $0x90000046  }
0xb3: {  	s29 =	simm.s32 $0x9;
	_ =	strace $0x80000048  }
0xb4: {  	_ =	swait.ge [sflag:s29], $0x1  }
0xb5: {  	[sflag:s29] =	ssyncadd.s32 $0xFFFFFFFF  }
0xb6: {  	_ =	strace $0x90000048  }
0xb7: {  	_ =	sfence  }
0xb8: {  	s30 =	sld [smem:$0x0];
	_ =	sdelay $0x2  }
0xb9: {  	s31 =	sshll.u32 s1, $0xD;
	s1 =	sshrl.u32 s1, $0x2  }
0xba: {  	s3 =	sand.u32 $0x4000, s31;
	s1 =	sadd.s32 s1, s30  }
0xbb: {  	s0 =	sor.u32 s3, s0;
	s1 =	sshll.u32 s1, $0x11  }
0xbc: {  	s0 =	sor.u32 s1, s0  }
0xbd: {  	s0 =	sadd.s32 $0x8F2B, s0  }
0xbe: {  	[sflag:s0] =	ssyncadd.remote.s32 $0x1  }
0xbf: {  	_ =	sfence.sel $0xFFFF  }
0xc0: {  	[dreg:$0x0] =	wrdreg $0xFFFFFFFF;
	(pc) =	sbr.abs _section_cstart, $3  }
0xc1: {  	[dreg:$0x1] =	wrdreg $0xFFFFFFFF  }
0xc2: {  	_ =	task.clear_ibuf [dreg:s7], $0x2FFFF;
	_ =	strace $0x9FFFFFFF  }
0xc3: {  	(tm) =	ssettm $0x7FFFFFFF  }
tec
execute0_lowered:
.L_overlay_start_1:
0x0: {  	(tag) =	ssettag $0x1  }
0x1: {  	s0 =	rddreg [dreg:$0x0]  }
0x2: {  	s1 =	rddreg [dreg:$0x1];
	s2 =	srdreg.scid  }
0x3: {  	s13 =	stileid.u32;
	s4 =	rddreg [dreg:$0x2]  }
0x4: {  	s22 =	simm.s32 $0x0;
	s28 =	simm.s32 $0x4F80;
	s29 =	simm.s32 $0x100  }
0x5: {  	s30 =	simm.s32 $0x5200;
	s31 =	simm.s32 $0x0;
	s15 =	sand.u32 $0x1, s2  }
0x6: {  	s21 =	sshll.u32 s13, $0x1;
	s5 =	sshrl.u32 s13, $0x3;
	s7 =	smul.u32 $0x5000, s13  }
0x7: {  	[smem:$0x7FF] =	sst s22;
	s24 =	sshll.u32 s13, $0x7;
	s26 =	smul.u32 $0x500, s13  }
0x8: {  	s3 =	sor.u32 s15, s21;
	s6 =	ssub.s32 $0x2, s15;
	s5 =	smul.u32 $0x50000, s5  }
0x9: {  	_ =	strace $0x80000047;
	s3 =	smul.u32 $0x4E2, s3;
	s23 =	sshrl.u32 s6, $0x1  }
0xa: {  	s17 =	sshll.u32 s15, $0x7;
	s25 =	sshrl.u32 s7, $0x2;
	s22 =	ssub.s32 s6, s23  }
0xb: {  	s5 =	sshrl.u32 s5, $0x2;
	s23 =	simm.s32 $0x1;
	s0 =	sadd.s32 s3, s0  }
0xc: {  	s5 =	sadd.s32 s5, s4;
	s4 =	sadd.s32 s25, s4;
	s22 =	smax.u32 s22, $0x1  }
0xd: {  	s25 =	simm.s32 $0x80;
	s3 =	sadd.s32 $0xB000, s0;
	s0 =	sand.u32 $0x380, s24  }
0xe: {  	s6 =	sadd.s32 $0x80, s4;
	s7 =	sadd.s32 $0x100, s4;
	s8 =	sadd.s32 $0x180, s4  }
0xf: {  	s9 =	sadd.s32 $0x200, s4;
	s10 =	sadd.s32 $0x280, s4;
	s11 =	sadd.s32 $0x300, s4  }
0x10: {  	s12 =	sadd.s32 $0x380, s4;
	s13 =	sadd.s32 $0x14000, s4;
	s14 =	sadd.s32 $0x14080, s4  }
0x11: {  	s15 =	sadd.s32 $0x14100, s4;
	s16 =	sadd.s32 $0x14180, s4;
	s18 =	sadd.s32 $0x14280, s4  }
0x12: {  	s19 =	sadd.s32 $0x14300, s4;
	s5 =	sadd.s32 s0, s5;
	s0 =	sor.u32 s17, s26  }
0x13: {  	s20 =	sadd.s32 $0x14380, s4;
	s24 =	simm.s32 $0x2780;
	s0 =	sshrl.u32 s0, $0x3  }
0x14: {  	v0 =	vimm.f32 $0.0e+00;
	v1 =	vimm.f32 $1.000000000e+00;
	s17 =	sadd.s32 $0x14200, s4;
	s26 =	simm.s32 $0x400;
	s21 =	sadd.s32 s1, s0  }
.LBB2_1:
0x15: {  	s0 =	simm.s32 $0x0  }
0x16: {  	[tilespmem:s0], [sflag:$0x1] =	stream.linear.gather [hbm4b:s3+s0], $0x2710, $0x38;
	[tilespmem:$0x7C80] =	vst v63  }
0x17: {  	_ =	swait.ge [sflag:s23], $0x2710  }
0x18: {  	[sflag:s23] =	ssyncset.done $0x0  }
0x19: {  	s0 =	simm.s32 $0x0;
	[sflag:s23] =	ssyncadd.s32 $0xFFFFD8F0  }
.LBB2_2:
0x1a: {  	p0 =	sne.s32 s0, $0x9FC0  }
.Ltmp0:
0x1b: {  	_ = 	snop;
	(pc) =	sbr.rel @p0 .LBB2_2-.Ltmp0, $3  }
0x1c: {  	_ =	sdelay $0x1  }
0x1d: {  	s1 =	sshra.s32 s0, $0x2  }
0x1e: {  	s0 =	sadd.s32 $0x40, s0;
	[tilespmem:s1+$0x2780] =	vst v0  }
0x1f: {  	s1 =	simm.s32 $0x0;
	s0 =	simm.s32 $0x40  }
.LBB2_4:
0x20: {  	p0 =	sne.s32 s0, $0x9C00;
	v2 =	vld [tilespmem:s1+$0x0];
	_ =	sdelay $0x3  }
.Ltmp1:
0x21: {  	(pc) =	sbr.rel @p0 .LBB2_4-.Ltmp1, $2  }
0x22: {  	_ =	sdelay $0x2  }
0x23: {  	s1 =	sshra.s32 s0, $0x2;
	s0 =	sadd.s32 $0x40, s0;
	[tilespmem:v2+s24+$0x0] =	vst.idx.add.f32.msk $0xffff, v1  }
0x24: {  	v2 =	vld [tilespmem:s1+$0x0];
	_ =	sdelay $0x7  }
0x25: {  	[tilespmem:v2+s24+$0x0] =	vst.idx.add.f32.msk $0xffff, v1  }
0x26: {  	[spmem:s5] =	stream.strided.scatter [tilespmem:s24], [sflag:$0x1], $0x2800, s26, s25, $0x38;
	[tilespmem:$0x7C80] =	vst v63  }
0x27: {  	_ =	swait.ge [sflag:s23], $0x2800  }
0x28: {  	[sflag:s23] =	ssyncset.done $0x0  }
0x29: {  	[sflag:s23] =	ssyncadd.s32 $0xFFFFD800  }
0x2a: {  	[bflag:$0x0] =	sbarrier.arrive $0xFFFF  }
0x2b: {  	[tilespmem:$0x5200] =	vst v0  }
0x2c: {  	[tilespmem:$0x5210] =	vst v0  }
0x2d: {  	[tilespmem:$0x5220] =	vst v0  }
0x2e: {  	[tilespmem:$0x5230] =	vst v0  }
0x2f: {  	[tilespmem:$0x5240] =	vst v0  }
0x30: {  	[tilespmem:$0x5250] =	vst v0  }
0x31: {  	[tilespmem:$0x5260] =	vst v0  }
0x32: {  	[tilespmem:$0x5270] =	vst v0  }
0x33: {  	[tilespmem:$0x5280] =	vst v0  }
0x34: {  	[tilespmem:$0x5290] =	vst v0  }
0x35: {  	[tilespmem:$0x52A0] =	vst v0  }
0x36: {  	[tilespmem:$0x52B0] =	vst v0  }
0x37: {  	[tilespmem:$0x52C0] =	vst v0  }
0x38: {  	[tilespmem:$0x52D0] =	vst v0  }
0x39: {  	[tilespmem:$0x52E0] =	vst v0  }
0x3a: {  	[tilespmem:$0x52F0] =	vst v0  }
0x3b: {  	[tilespmem:$0x5300] =	vst v0  }
0x3c: {  	[tilespmem:$0x5310] =	vst v0  }
0x3d: {  	[tilespmem:$0x5320] =	vst v0  }
0x3e: {  	[tilespmem:$0x5330] =	vst v0  }
0x3f: {  	[tilespmem:$0x5340] =	vst v0  }
0x40: {  	[tilespmem:$0x5350] =	vst v0  }
0x41: {  	[tilespmem:$0x5360] =	vst v0  }
0x42: {  	[tilespmem:$0x5370] =	vst v0  }
0x43: {  	[tilespmem:$0x5380] =	vst v0  }
0x44: {  	[tilespmem:$0x5390] =	vst v0  }
0x45: {  	[tilespmem:$0x53A0] =	vst v0  }
0x46: {  	[tilespmem:$0x53B0] =	vst v0  }
0x47: {  	[tilespmem:$0x53C0] =	vst v0  }
0x48: {  	[tilespmem:$0x53D0] =	vst v0  }
0x49: {  	[tilespmem:$0x53E0] =	vst v0  }
0x4a: {  	[tilespmem:$0x53F0] =	vst v0  }
0x4b: {  	[tilespmem:$0x5400] =	vst v0  }
0x4c: {  	[tilespmem:$0x5410] =	vst v0  }
0x4d: {  	[tilespmem:$0x5420] =	vst v0  }
0x4e: {  	[tilespmem:$0x5430] =	vst v0  }
0x4f: {  	[tilespmem:$0x5440] =	vst v0  }
0x50: {  	[tilespmem:$0x5450] =	vst v0  }
0x51: {  	[tilespmem:$0x5460] =	vst v0  }
0x52: {  	[tilespmem:$0x5470] =	vst v0  }
0x53: {  	[tilespmem:s28], [sflag:$0x1] =	stream.strided.gather [spmem:s4], $0x280, s26, s25, $0x38;
	[tilespmem:$0x7C80] =	vst v63  }
0x54: {  	_ =	swait.ge [sflag:s23], $0x280  }
0x55: {  	[sflag:s23] =	ssyncset.done $0x0  }
0x56: {  	s1 =	simm.s32 $0x0;
	[sflag:s23] =	ssyncadd.s32 $0xFFFFFD80  }
0x57: {  	s0 =	simm.s32 $0x40;
	v2 =	vld [tilespmem:s1+$0x4F80]  }
.LBB2_6:
0x58: {  	p0 =	sne.s32 s0, $0x9C0;
	v3 =	vld [tilespmem:s1+$0x5200];
	_ =	sdelay $0x2  }
.Ltmp2:
0x59: {  	(pc) =	sbr.rel @p0 .LBB2_6-.Ltmp2, $4  }
0x5a: {  	_ = 	snop  }
0x5b: {  	v3 =	vadd.f32 v2, v3  }
0x5c: {  	s2 =	sshra.s32 s0, $0x2  }
0x5d: {  	s0 =	sadd.s32 $0x40, s0;
	v2 =	vld [tilespmem:s2+$0x4F80];
	[tilespmem:s1+$0x5200] =	vst v3;
	s1 =	smov.u32 s2  }
0x5e: {  	v3 =	vld [tilespmem:s1+$0x5200];
	_ =	sdelay $0x4  }
0x5f: {  	v2 =	vadd.f32 v2, v3;
	_ =	sdelay $0x1  }
0x60: {  	[tilespmem:s1+$0x5200] =	vst v2  }
0x61: {  	[tilespmem:s28], [sflag:$0x1] =	stream.strided.gather [spmem:s6], $0x280, s26, s25, $0x38;
	[tilespmem:$0x7C80] =	vst v63  }
0x62: {  	_ =	swait.ge [sflag:s23], $0x280  }
0x63: {  	[sflag:s23] =	ssyncset.done $0x0  }
0x64: {  	s1 =	simm.s32 $0x0;
	[sflag:s23] =	ssyncadd.s32 $0xFFFFFD80  }
0x65: {  	s0 =	simm.s32 $0x40;
	v2 =	vld [tilespmem:s1+$0x4F80]  }
.LBB2_8:
0x66: {  	p0 =	sne.s32 s0, $0x9C0;
	v3 =	vld [tilespmem:s1+$0x5200];
	_ =	sdelay $0x2  }
.Ltmp3:
0x67: {  	(pc) =	sbr.rel @p0 .LBB2_8-.Ltmp3, $4  }
0x68: {  	_ = 	snop  }
0x69: {  	v3 =	vadd.f32 v2, v3  }
0x6a: {  	s2 =	sshra.s32 s0, $0x2  }
0x6b: {  	s0 =	sadd.s32 $0x40, s0;
	v2 =	vld [tilespmem:s2+$0x4F80];
	[tilespmem:s1+$0x5200] =	vst v3;
	s1 =	smov.u32 s2  }
0x6c: {  	v3 =	vld [tilespmem:s1+$0x5200];
	_ =	sdelay $0x4  }
0x6d: {  	v2 =	vadd.f32 v2, v3;
	_ =	sdelay $0x1  }
0x6e: {  	[tilespmem:s1+$0x5200] =	vst v2  }
0x6f: {  	[tilespmem:s28], [sflag:$0x1] =	stream.strided.gather [spmem:s7], $0x280, s26, s25, $0x38;
	[tilespmem:$0x7C80] =	vst v63  }
0x70: {  	_ =	swait.ge [sflag:s23], $0x280  }
0x71: {  	[sflag:s23] =	ssyncset.done $0x0  }
0x72: {  	s1 =	simm.s32 $0x0;
	[sflag:s23] =	ssyncadd.s32 $0xFFFFFD80  }
0x73: {  	s0 =	simm.s32 $0x40;
	v2 =	vld [tilespmem:s1+$0x4F80]  }
.LBB2_10:
0x74: {  	p0 =	sne.s32 s0, $0x9C0;
	v3 =	vld [tilespmem:s1+$0x5200];
	_ =	sdelay $0x2  }
.Ltmp4:
0x75: {  	(pc) =	sbr.rel @p0 .LBB2_10-.Ltmp4, $4  }
0x76: {  	_ = 	snop  }
0x77: {  	v3 =	vadd.f32 v2, v3  }
0x78: {  	s2 =	sshra.s32 s0, $0x2  }
0x79: {  	s0 =	sadd.s32 $0x40, s0;
	v2 =	vld [tilespmem:s2+$0x4F80];
	[tilespmem:s1+$0x5200] =	vst v3;
	s1 =	smov.u32 s2  }
0x7a: {  	v3 =	vld [tilespmem:s1+$0x5200];
	_ =	sdelay $0x4  }
0x7b: {  	v2 =	vadd.f32 v2, v3;
	_ =	sdelay $0x1  }
0x7c: {  	[tilespmem:s1+$0x5200] =	vst v2  }
0x7d: {  	[tilespmem:s28], [sflag:$0x1] =	stream.strided.gather [spmem:s8], $0x280, s26, s25, $0x38;
	[tilespmem:$0x7C80] =	vst v63  }
0x7e: {  	_ =	swait.ge [sflag:s23], $0x280  }
0x7f: {  	[sflag:s23] =	ssyncset.done $0x0  }
0x80: {  	s1 =	simm.s32 $0x0;
	[sflag:s23] =	ssyncadd.s32 $0xFFFFFD80  }
0x81: {  	s0 =	simm.s32 $0x40;
	v2 =	vld [tilespmem:s1+$0x4F80]  }
.LBB2_12:
0x82: {  	p0 =	sne.s32 s0, $0x9C0;
	v3 =	vld [tilespmem:s1+$0x5200];
	_ =	sdelay $0x2  }
.Ltmp5:
0x83: {  	(pc) =	sbr.rel @p0 .LBB2_12-.Ltmp5, $4  }
0x84: {  	_ = 	snop  }
0x85: {  	v3 =	vadd.f32 v2, v3  }
0x86: {  	s2 =	sshra.s32 s0, $0x2  }
0x87: {  	s0 =	sadd.s32 $0x40, s0;
	v2 =	vld [tilespmem:s2+$0x4F80];
	[tilespmem:s1+$0x5200] =	vst v3;
	s1 =	smov.u32 s2  }
0x88: {  	v3 =	vld [tilespmem:s1+$0x5200];
	_ =	sdelay $0x4  }
0x89: {  	v2 =	vadd.f32 v2, v3;
	_ =	sdelay $0x1  }
0x8a: {  	[tilespmem:s1+$0x5200] =	vst v2  }
0x8b: {  	[tilespmem:s28], [sflag:$0x1] =	stream.strided.gather [spmem:s9], $0x280, s26, s25, $0x38;
	[tilespmem:$0x7C80] =	vst v63  }
0x8c: {  	_ =	swait.ge [sflag:s23], $0x280  }
0x8d: {  	[sflag:s23] =	ssyncset.done $0x0  }
0x8e: {  	s1 =	simm.s32 $0x0;
	[sflag:s23] =	ssyncadd.s32 $0xFFFFFD80  }
0x8f: {  	s0 =	simm.s32 $0x40;
	v2 =	vld [tilespmem:s1+$0x4F80]  }
.LBB2_14:
0x90: {  	p0 =	sne.s32 s0, $0x9C0;
	v3 =	vld [tilespmem:s1+$0x5200];
	_ =	sdelay $0x2  }
.Ltmp6:
0x91: {  	(pc) =	sbr.rel @p0 .LBB2_14-.Ltmp6, $4  }
0x92: {  	_ = 	snop  }
0x93: {  	v3 =	vadd.f32 v2, v3  }
0x94: {  	s2 =	sshra.s32 s0, $0x2  }
0x95: {  	s0 =	sadd.s32 $0x40, s0;
	v2 =	vld [tilespmem:s2+$0x4F80];
	[tilespmem:s1+$0x5200] =	vst v3;
	s1 =	smov.u32 s2  }
0x96: {  	v3 =	vld [tilespmem:s1+$0x5200];
	_ =	sdelay $0x4  }
0x97: {  	v2 =	vadd.f32 v2, v3;
	_ =	sdelay $0x1  }
0x98: {  	[tilespmem:s1+$0x5200] =	vst v2  }
0x99: {  	[tilespmem:s28], [sflag:$0x1] =	stream.strided.gather [spmem:s10], $0x280, s26, s25, $0x38;
	[tilespmem:$0x7C80] =	vst v63  }
0x9a: {  	_ =	swait.ge [sflag:s23], $0x280  }
0x9b: {  	[sflag:s23] =	ssyncset.done $0x0  }
0x9c: {  	s1 =	simm.s32 $0x0;
	[sflag:s23] =	ssyncadd.s32 $0xFFFFFD80  }
0x9d: {  	s0 =	simm.s32 $0x40;
	v2 =	vld [tilespmem:s1+$0x4F80]  }
.LBB2_16:
0x9e: {  	p0 =	sne.s32 s0, $0x9C0;
	v3 =	vld [tilespmem:s1+$0x5200];
	_ =	sdelay $0x2  }
.Ltmp7:
0x9f: {  	(pc) =	sbr.rel @p0 .LBB2_16-.Ltmp7, $4  }
0xa0: {  	_ = 	snop  }
0xa1: {  	v3 =	vadd.f32 v2, v3  }
0xa2: {  	s2 =	sshra.s32 s0, $0x2  }
0xa3: {  	s0 =	sadd.s32 $0x40, s0;
	v2 =	vld [tilespmem:s2+$0x4F80];
	[tilespmem:s1+$0x5200] =	vst v3;
	s1 =	smov.u32 s2  }
0xa4: {  	v3 =	vld [tilespmem:s1+$0x5200];
	_ =	sdelay $0x4  }
0xa5: {  	v2 =	vadd.f32 v2, v3;
	_ =	sdelay $0x1  }
0xa6: {  	[tilespmem:s1+$0x5200] =	vst v2  }
0xa7: {  	[tilespmem:s28], [sflag:$0x1] =	stream.strided.gather [spmem:s11], $0x280, s26, s25, $0x38;
	[tilespmem:$0x7C80] =	vst v63  }
0xa8: {  	_ =	swait.ge [sflag:s23], $0x280  }
0xa9: {  	[sflag:s23] =	ssyncset.done $0x0  }
0xaa: {  	s1 =	simm.s32 $0x0;
	[sflag:s23] =	ssyncadd.s32 $0xFFFFFD80  }
0xab: {  	s0 =	simm.s32 $0x40;
	v2 =	vld [tilespmem:s1+$0x4F80]  }
.LBB2_18:
0xac: {  	p0 =	sne.s32 s0, $0x9C0;
	v3 =	vld [tilespmem:s1+$0x5200];
	_ =	sdelay $0x2  }
.Ltmp8:
0xad: {  	(pc) =	sbr.rel @p0 .LBB2_18-.Ltmp8, $4  }
0xae: {  	_ = 	snop  }
0xaf: {  	v3 =	vadd.f32 v2, v3  }
0xb0: {  	s2 =	sshra.s32 s0, $0x2  }
0xb1: {  	s0 =	sadd.s32 $0x40, s0;
	v2 =	vld [tilespmem:s2+$0x4F80];
	[tilespmem:s1+$0x5200] =	vst v3;
	s1 =	smov.u32 s2  }
0xb2: {  	v3 =	vld [tilespmem:s1+$0x5200];
	_ =	sdelay $0x4  }
0xb3: {  	v2 =	vadd.f32 v2, v3;
	_ =	sdelay $0x1  }
0xb4: {  	[tilespmem:s1+$0x5200] =	vst v2  }
0xb5: {  	[tilespmem:s28], [sflag:$0x1] =	stream.strided.gather [spmem:s12], $0x280, s26, s25, $0x38;
	[tilespmem:$0x7C80] =	vst v63  }
0xb6: {  	_ =	swait.ge [sflag:s23], $0x280  }
0xb7: {  	[sflag:s23] =	ssyncset.done $0x0  }
0xb8: {  	s1 =	simm.s32 $0x0;
	[sflag:s23] =	ssyncadd.s32 $0xFFFFFD80  }
0xb9: {  	s0 =	simm.s32 $0x40;
	v2 =	vld [tilespmem:s1+$0x4F80]  }
.LBB2_20:
0xba: {  	p0 =	sne.s32 s0, $0x9C0;
	v3 =	vld [tilespmem:s1+$0x5200];
	_ =	sdelay $0x2  }
.Ltmp9:
0xbb: {  	(pc) =	sbr.rel @p0 .LBB2_20-.Ltmp9, $4  }
0xbc: {  	_ = 	snop  }
0xbd: {  	v3 =	vadd.f32 v2, v3  }
0xbe: {  	s2 =	sshra.s32 s0, $0x2  }
0xbf: {  	s0 =	sadd.s32 $0x40, s0;
	v2 =	vld [tilespmem:s2+$0x4F80];
	[tilespmem:s1+$0x5200] =	vst v3;
	s1 =	smov.u32 s2  }
0xc0: {  	v3 =	vld [tilespmem:s1+$0x5200];
	_ =	sdelay $0x4  }
0xc1: {  	v2 =	vadd.f32 v2, v3;
	_ =	sdelay $0x1  }
0xc2: {  	[tilespmem:s1+$0x5200] =	vst v2  }
0xc3: {  	[tilespmem:s28], [sflag:$0x1] =	stream.strided.gather [spmem:s13], $0x280, s26, s25, $0x38;
	[tilespmem:$0x7C80] =	vst v63  }
0xc4: {  	_ =	swait.ge [sflag:s23], $0x280  }
0xc5: {  	[sflag:s23] =	ssyncset.done $0x0  }
0xc6: {  	s1 =	simm.s32 $0x0;
	[sflag:s23] =	ssyncadd.s32 $0xFFFFFD80  }
0xc7: {  	s0 =	simm.s32 $0x40;
	v2 =	vld [tilespmem:s1+$0x4F80]  }
.LBB2_22:
0xc8: {  	p0 =	sne.s32 s0, $0x9C0;
	v3 =	vld [tilespmem:s1+$0x5200];
	_ =	sdelay $0x2  }
.Ltmp10:
0xc9: {  	(pc) =	sbr.rel @p0 .LBB2_22-.Ltmp10, $4  }
0xca: {  	_ = 	snop  }
0xcb: {  	v3 =	vadd.f32 v2, v3  }
0xcc: {  	s2 =	sshra.s32 s0, $0x2  }
0xcd: {  	s0 =	sadd.s32 $0x40, s0;
	v2 =	vld [tilespmem:s2+$0x4F80];
	[tilespmem:s1+$0x5200] =	vst v3;
	s1 =	smov.u32 s2  }
0xce: {  	v3 =	vld [tilespmem:s1+$0x5200];
	_ =	sdelay $0x4  }
0xcf: {  	v2 =	vadd.f32 v2, v3;
	_ =	sdelay $0x1  }
0xd0: {  	[tilespmem:s1+$0x5200] =	vst v2  }
0xd1: {  	[tilespmem:s28], [sflag:$0x1] =	stream.strided.gather [spmem:s14], $0x280, s26, s25, $0x38;
	[tilespmem:$0x7C80] =	vst v63  }
0xd2: {  	_ =	swait.ge [sflag:s23], $0x280  }
0xd3: {  	[sflag:s23] =	ssyncset.done $0x0  }
0xd4: {  	s1 =	simm.s32 $0x0;
	[sflag:s23] =	ssyncadd.s32 $0xFFFFFD80  }
0xd5: {  	s0 =	simm.s32 $0x40;
	v2 =	vld [tilespmem:s1+$0x4F80]  }
.LBB2_24:
0xd6: {  	p0 =	sne.s32 s0, $0x9C0;
	v3 =	vld [tilespmem:s1+$0x5200];
	_ =	sdelay $0x2  }
.Ltmp11:
0xd7: {  	(pc) =	sbr.rel @p0 .LBB2_24-.Ltmp11, $4  }
0xd8: {  	_ = 	snop  }
0xd9: {  	v3 =	vadd.f32 v2, v3  }
0xda: {  	s2 =	sshra.s32 s0, $0x2  }
0xdb: {  	s0 =	sadd.s32 $0x40, s0;
	v2 =	vld [tilespmem:s2+$0x4F80];
	[tilespmem:s1+$0x5200] =	vst v3;
	s1 =	smov.u32 s2  }
0xdc: {  	v3 =	vld [tilespmem:s1+$0x5200];
	_ =	sdelay $0x4  }
0xdd: {  	v2 =	vadd.f32 v2, v3;
	_ =	sdelay $0x1  }
0xde: {  	[tilespmem:s1+$0x5200] =	vst v2  }
0xdf: {  	[tilespmem:s28], [sflag:$0x1] =	stream.strided.gather [spmem:s15], $0x280, s26, s25, $0x38;
	[tilespmem:$0x7C80] =	vst v63  }
0xe0: {  	_ =	swait.ge [sflag:s23], $0x280  }
0xe1: {  	[sflag:s23] =	ssyncset.done $0x0  }
0xe2: {  	s1 =	simm.s32 $0x0;
	[sflag:s23] =	ssyncadd.s32 $0xFFFFFD80  }
0xe3: {  	s0 =	simm.s32 $0x40;
	v2 =	vld [tilespmem:s1+$0x4F80]  }
.LBB2_26:
0xe4: {  	p0 =	sne.s32 s0, $0x9C0;
	v3 =	vld [tilespmem:s1+$0x5200];
	_ =	sdelay $0x2  }
.Ltmp12:
0xe5: {  	(pc) =	sbr.rel @p0 .LBB2_26-.Ltmp12, $4  }
0xe6: {  	_ = 	snop  }
0xe7: {  	v3 =	vadd.f32 v2, v3  }
0xe8: {  	s2 =	sshra.s32 s0, $0x2  }
0xe9: {  	s0 =	sadd.s32 $0x40, s0;
	v2 =	vld [tilespmem:s2+$0x4F80];
	[tilespmem:s1+$0x5200] =	vst v3;
	s1 =	smov.u32 s2  }
0xea: {  	v3 =	vld [tilespmem:s1+$0x5200];
	_ =	sdelay $0x4  }
0xeb: {  	v2 =	vadd.f32 v2, v3;
	_ =	sdelay $0x1  }
0xec: {  	[tilespmem:s1+$0x5200] =	vst v2  }
0xed: {  	[tilespmem:s28], [sflag:$0x1] =	stream.strided.gather [spmem:s16], $0x280, s26, s25, $0x38;
	[tilespmem:$0x7C80] =	vst v63  }
0xee: {  	_ =	swait.ge [sflag:s23], $0x280  }
0xef: {  	[sflag:s23] =	ssyncset.done $0x0  }
0xf0: {  	s1 =	simm.s32 $0x0;
	[sflag:s23] =	ssyncadd.s32 $0xFFFFFD80  }
0xf1: {  	s0 =	simm.s32 $0x40;
	v2 =	vld [tilespmem:s1+$0x4F80]  }
.LBB2_28:
0xf2: {  	p0 =	sne.s32 s0, $0x9C0;
	v3 =	vld [tilespmem:s1+$0x5200];
	_ =	sdelay $0x2  }
.Ltmp13:
0xf3: {  	(pc) =	sbr.rel @p0 .LBB2_28-.Ltmp13, $4  }
0xf4: {  	_ = 	snop  }
0xf5: {  	v3 =	vadd.f32 v2, v3  }
0xf6: {  	s2 =	sshra.s32 s0, $0x2  }
0xf7: {  	s0 =	sadd.s32 $0x40, s0;
	v2 =	vld [tilespmem:s2+$0x4F80];
	[tilespmem:s1+$0x5200] =	vst v3;
	s1 =	smov.u32 s2  }
0xf8: {  	v3 =	vld [tilespmem:s1+$0x5200];
	_ =	sdelay $0x4  }
0xf9: {  	v2 =	vadd.f32 v2, v3;
	_ =	sdelay $0x1  }
0xfa: {  	[tilespmem:s1+$0x5200] =	vst v2  }
0xfb: {  	[tilespmem:s28], [sflag:$0x1] =	stream.strided.gather [spmem:s17], $0x280, s26, s25, $0x38;
	[tilespmem:$0x7C80] =	vst v63  }
0xfc: {  	_ =	swait.ge [sflag:s23], $0x280  }
0xfd: {  	[sflag:s23] =	ssyncset.done $0x0  }
0xfe: {  	s1 =	simm.s32 $0x0;
	[sflag:s23] =	ssyncadd.s32 $0xFFFFFD80  }
0xff: {  	s0 =	simm.s32 $0x40;
	v2 =	vld [tilespmem:s1+$0x4F80]  }
.LBB2_30:
0x100: {  	p0 =	sne.s32 s0, $0x9C0;
	v3 =	vld [tilespmem:s1+$0x5200];
	_ =	sdelay $0x2  }
.Ltmp14:
0x101: {  	(pc) =	sbr.rel @p0 .LBB2_30-.Ltmp14, $4  }
0x102: {  	_ = 	snop  }
0x103: {  	v3 =	vadd.f32 v2, v3  }
0x104: {  	s2 =	sshra.s32 s0, $0x2  }
0x105: {  	s0 =	sadd.s32 $0x40, s0;
	v2 =	vld [tilespmem:s2+$0x4F80];
	[tilespmem:s1+$0x5200] =	vst v3;
	s1 =	smov.u32 s2  }
0x106: {  	v3 =	vld [tilespmem:s1+$0x5200];
	_ =	sdelay $0x4  }
0x107: {  	v2 =	vadd.f32 v2, v3;
	_ =	sdelay $0x1  }
0x108: {  	[tilespmem:s1+$0x5200] =	vst v2  }
0x109: {  	[tilespmem:s28], [sflag:$0x1] =	stream.strided.gather [spmem:s18], $0x280, s26, s25, $0x38;
	[tilespmem:$0x7C80] =	vst v63  }
0x10a: {  	_ =	swait.ge [sflag:s23], $0x280  }
0x10b: {  	[sflag:s23] =	ssyncset.done $0x0  }
0x10c: {  	s1 =	simm.s32 $0x0;
	[sflag:s23] =	ssyncadd.s32 $0xFFFFFD80  }
0x10d: {  	s0 =	simm.s32 $0x40;
	v2 =	vld [tilespmem:s1+$0x4F80]  }
.LBB2_32:
0x10e: {  	p0 =	sne.s32 s0, $0x9C0;
	v3 =	vld [tilespmem:s1+$0x5200];
	_ =	sdelay $0x2  }
.Ltmp15:
0x10f: {  	(pc) =	sbr.rel @p0 .LBB2_32-.Ltmp15, $4  }
0x110: {  	_ = 	snop  }
0x111: {  	v3 =	vadd.f32 v2, v3  }
0x112: {  	s2 =	sshra.s32 s0, $0x2  }
0x113: {  	s0 =	sadd.s32 $0x40, s0;
	v2 =	vld [tilespmem:s2+$0x4F80];
	[tilespmem:s1+$0x5200] =	vst v3;
	s1 =	smov.u32 s2  }
0x114: {  	v3 =	vld [tilespmem:s1+$0x5200];
	_ =	sdelay $0x4  }
0x115: {  	v2 =	vadd.f32 v2, v3;
	_ =	sdelay $0x1  }
0x116: {  	[tilespmem:s1+$0x5200] =	vst v2  }
0x117: {  	[tilespmem:s28], [sflag:$0x1] =	stream.strided.gather [spmem:s19], $0x280, s26, s25, $0x38;
	[tilespmem:$0x7C80] =	vst v63  }
0x118: {  	_ =	swait.ge [sflag:s23], $0x280  }
0x119: {  	[sflag:s23] =	ssyncset.done $0x0  }
0x11a: {  	s1 =	simm.s32 $0x0;
	[sflag:s23] =	ssyncadd.s32 $0xFFFFFD80  }
0x11b: {  	s0 =	simm.s32 $0x40;
	v2 =	vld [tilespmem:s1+$0x4F80]  }
.LBB2_34:
0x11c: {  	p0 =	sne.s32 s0, $0x9C0;
	v3 =	vld [tilespmem:s1+$0x5200];
	_ =	sdelay $0x2  }
.Ltmp16:
0x11d: {  	(pc) =	sbr.rel @p0 .LBB2_34-.Ltmp16, $4  }
0x11e: {  	_ = 	snop  }
0x11f: {  	v3 =	vadd.f32 v2, v3  }
0x120: {  	s2 =	sshra.s32 s0, $0x2  }
0x121: {  	s0 =	sadd.s32 $0x40, s0;
	v2 =	vld [tilespmem:s2+$0x4F80];
	[tilespmem:s1+$0x5200] =	vst v3;
	s1 =	smov.u32 s2  }
0x122: {  	v3 =	vld [tilespmem:s1+$0x5200];
	_ =	sdelay $0x4  }
0x123: {  	v2 =	vadd.f32 v2, v3;
	_ =	sdelay $0x1  }
0x124: {  	[tilespmem:s1+$0x5200] =	vst v2  }
0x125: {  	[tilespmem:s28], [sflag:$0x1] =	stream.strided.gather [spmem:s20], $0x280, s26, s25, $0x38;
	[tilespmem:$0x7C80] =	vst v63  }
0x126: {  	_ =	swait.ge [sflag:s23], $0x280  }
0x127: {  	[sflag:s23] =	ssyncset.done $0x0  }
0x128: {  	s1 =	simm.s32 $0x0;
	[sflag:s23] =	ssyncadd.s32 $0xFFFFFD80  }
0x129: {  	s0 =	simm.s32 $0x40;
	v2 =	vld [tilespmem:s1+$0x4F80]  }
.LBB2_36:
0x12a: {  	p0 =	sne.s32 s0, $0x9C0;
	v3 =	vld [tilespmem:s1+$0x5200];
	_ =	sdelay $0x2  }
.Ltmp17:
0x12b: {  	(pc) =	sbr.rel @p0 .LBB2_36-.Ltmp17, $4  }
0x12c: {  	_ = 	snop  }
0x12d: {  	v3 =	vadd.f32 v2, v3  }
0x12e: {  	s2 =	sshra.s32 s0, $0x2  }
0x12f: {  	s0 =	sadd.s32 $0x40, s0;
	v2 =	vld [tilespmem:s2+$0x4F80];
	[tilespmem:s1+$0x5200] =	vst v3;
	s1 =	smov.u32 s2  }
0x130: {  	v3 =	vld [tilespmem:s1+$0x5200];
	_ =	sdelay $0x4  }
0x131: {  	s31 =	sadd.s32 $0x1, s31;
	v2 =	vadd.f32 v2, v3  }
0x132: {  	p0 =	sne.s32 s31, s22  }
.Ltmp18:
0x133: {  	[tilespmem:s1+$0x5200] =	vst v2;
	(pc) =	sbr.rel @p0 .LBB2_1-.Ltmp18, $4  }
0x134: {  	[hbm4b:s21+s25] =	stream.strided.scatter [tilespmem:s30], [sflag:$0x1], $0x280, s29, s25, $0x38;
	[tilespmem:$0x7C80] =	vst v63  }
0x135: {  	_ =	swait.ge [sflag:s23], $0x280  }
0x136: {  	[sflag:s23] =	ssyncset.done $0x0  }
0x137: {  	[sflag:s23] =	ssyncadd.s32 $0xFFFFFD80  }
0x138: {  	_ =	sfence.sel $0x180000  }
0x139: {  	[bflag:$0x0] =	sbarrier.arrive $0xFFFF  }
0x13a: {  	_ =	strace $0x90000047  }
0x13b: {  	s0 =	stileid.u32;
	[bflag:$0x2] =	sbarrier.arrive $0xFFFF  }
0x13c: {  	p0 =	sne.s32 s0, $0x0;
	s0 =	rddreg [dreg:$0x3]  }
0x13d: {  	s0 =	sadd.s32 @!p0 $0x100000, s0  }
0x13e: {  	[sflag:s0] =	ssyncadd.tile.s32 @!p0 $0x1;
	_ =	shalt  }
.Lfunc_end2:
_tile_overlayer_lowered:
.L_overlay_start_2:
0x13f: {  	(tag) =	ssettag $0x2  }
0x140: {  	s0 =	rddreg [dreg:$0x0];
	s2 =	stileid.u32  }
0x141: {  	s1 =	rddreg [dreg:$0x1];
	p0 =	sne.s32 s2, $0x0  }
0x142: {  	s3 =	rddreg [dreg:$0x2];
	[bflag:$0x3] =	sbarrier.arrive $0xFFFF;
	s2 =	simm.s32 @!p0 $0x1C01  }
0x143: {  	[timem:s3], [sflag:s2] =	dma.local @!p0 [hbm:s0], s1  }
0x144: {  	s0 =	simm.s32 @!p0 $0x1  }
0x145: {  	_ =	swait.ge @!p0 [sflag:s0], s1  }
0x146: {  	s1 =	ssub.s32 @!p0 $0x0, s1;
	[sflag:s0] =	ssyncset.done @!p0 $0x0  }
0x147: {  	[sflag:s0] =	ssyncadd.s32 @!p0 s1  }
0x148: {  	[bflag:$0x3] =	sbarrier.arrive $0xFFFF  }
0x149: {  	_ =	shalt  }

</sc_bundles>
